<compile_context>
chip_gen: v7x
topology: tpu7x:2x2x1
jax: 0.10.2.dev20260603
libtpu: 0.0.44.dev20260713+nightly
codegen_flags: <defaults>
</compile_context>

<pallas_src>
import functools

import jax
import jax.numpy as jnp
from jax import lax
from jax.experimental import pallas as pl
from jax.experimental.pallas import tpu as pltpu
from jax.experimental.pallas import tpu_sc as plsc

NC = 2
NS = 16
LANES = 16

CH = 2560
NCHUNK_PER_SC = 2
NPAD = CH * NC * NCHUNK_PER_SC
ZR = 4
SECT = 2000
B = 32


def _sc_agg(x, src, dst):
    n, d = x.shape
    e = src.shape[0]
    e_per_sub = e // NS
    n_sect = e_per_sub // SECT
    sel = SECT + 2 * B
    rows_per_sub = CH // NS

    mesh = plsc.VectorSubcoreMesh(core_axis_name="c", subcore_axis_name="s")

    @functools.partial(
        pl.kernel,
        mesh=mesh,
        out_type=jax.ShapeDtypeStruct((NPAD, d), jnp.float32),
        compiler_params=pltpu.CompilerParams(
            needs_layout_passes=False, use_tc_tiling_on_sc=False),
        scratch_types=[
            pltpu.VMEM((SECT,), jnp.int32),
            pltpu.VMEM((SECT,), jnp.int32),
            pltpu.VMEM((SECT,), jnp.int32),
            pltpu.VMEM((SECT,), jnp.int32),
            pltpu.VMEM((sel,), jnp.int32),
            pltpu.VMEM((sel,), jnp.int32),
            pltpu.VMEM((B,), jnp.int32),
            pltpu.VMEM((B,), jnp.int32),
            pltpu.VMEM((B, d), jnp.float32),
            pltpu.VMEM((B, d), jnp.float32),
            pltpu.VMEM_SHARED((CH + 8, d), jnp.float32),
            pltpu.SemaphoreType.DMA,
            pltpu.SemaphoreType.DMA,
            pltpu.SemaphoreType.DMA,
            pltpu.SemaphoreType.DMA,
        ],
    )
    def k(x_hbm, src_hbm, dst_hbm, agg_hbm,
          src_v0, dst_v0, src_v1, dst_v1, sel_s, sel_d, stage_a, stage_b,
          rows_a, rows_b, acc, sem_a, sem_b, sem_l0, sem_l1):
        c = lax.axis_index("c")
        s = lax.axis_index("s")
        e0 = s * e_per_sub
        zv = jnp.zeros((LANES,), jnp.float32)
        lane = lax.iota(jnp.int32, LANES)

        def start_load(si, sb, db, sm):
            pltpu.make_async_copy(
                src_hbm.at[pl.ds(e0 + si * SECT, SECT)], sb, sm).start()
            pltpu.make_async_copy(
                dst_hbm.at[pl.ds(e0 + si * SECT, SECT)], db, sm).start()

        def wait_load(sb, db, sm):
            pltpu.make_async_copy(src_hbm.at[pl.ds(e0, SECT)], sb, sm).wait()
            pltpu.make_async_copy(dst_hbm.at[pl.ds(e0, SECT)], db, sm).wait()

        def start_gather(j, rbuf, sm):
            pltpu.make_async_copy(
                x_hbm.at[sel_s.at[pl.ds(j * B, B)]], rbuf, sm).start()

        def drain_gather(rbuf, sm):
            pltpu.make_async_copy(x_hbm.at[sel_s.at[pl.ds(0, B)]], rbuf, sm).wait()

        def stage_scatter(j, stg):
            for kk in range(B // LANES):
                stg[pl.ds(kk * LANES, LANES)] = sel_d[pl.ds(j * B + kk * LANES, LANES)]

        def flush_pipelined(nb):
            @pl.when(nb > 0)
            def _():
                start_gather(0, rows_a, sem_a)

            def pair(i, _):
                j = 2 * i

                @pl.when(j + 1 < nb)
                def _():
                    start_gather(j + 1, rows_b, sem_b)
                stage_scatter(j, stage_a)
                drain_gather(rows_a, sem_a)
                pltpu.sync_copy(rows_a, acc.at[stage_a], add=True)

                @pl.when(j + 1 < nb)
                def _():
                    @pl.when(j + 2 < nb)
                    def _():
                        start_gather(j + 2, rows_a, sem_a)
                    stage_scatter(j + 1, stage_b)
                    drain_gather(rows_b, sem_b)
                    pltpu.sync_copy(rows_b, acc.at[stage_b], add=True)
                return 0
            lax.fori_loop(0, (nb + 1) // 2, pair, 0)

        def do_chunk(cc, _):
            chunk = c * NCHUNK_PER_SC + cc
            lo = chunk * CH

            def zr(r, _):
                def zc(j, _):
                    rows_a[r, pl.ds(j * LANES, LANES)] = zv
                    return 0
                return lax.fori_loop(0, d // LANES, zc, 0)
            lax.fori_loop(0, B, zr, 0)
            for zi in range(rows_per_sub // B):
                pltpu.sync_copy(rows_a, acc.at[pl.ds(s * rows_per_sub + zi * B, B)])
            plsc.subcore_barrier()

            start_load(0, src_v0, dst_v0, sem_l0)
            cnt = jnp.int32(0)
            for si in range(n_sect):
                if si % 2 == 0:
                    sv_buf, dv_buf, sm = src_v0, dst_v0, sem_l0
                    nxt = (src_v1, dst_v1, sem_l1)
                else:
                    sv_buf, dv_buf, sm = src_v1, dst_v1, sem_l1
                    nxt = (src_v0, dst_v0, sem_l0)
                if si + 1 < n_sect:
                    start_load(si + 1, *nxt)
                wait_load(sv_buf, dv_buf, sm)

                def scan_body(g, cnt, sv_buf=sv_buf, dv_buf=dv_buf):
                    sv = sv_buf[pl.ds(g * LANES, LANES)]
                    dv = dv_buf[pl.ds(g * LANES, LANES)]
                    dl = dv - lo
                    m = (dl >= 0) & (dl < CH)
                    plsc.store_compressed(sel_s.at[pl.ds(cnt, LANES)], sv, mask=m)
                    plsc.store_compressed(sel_d.at[pl.ds(cnt, LANES)], dl, mask=m)
                    return cnt + plsc.all_reduce_population_count(m)[0]

                cnt = lax.fori_loop(0, SECT // LANES, scan_body, cnt)

                nfull = cnt // B
                flush_pipelined(nfull)
                base = nfull * B
                for kk in range(B // LANES):
                    tv = sel_s[pl.ds(base + kk * LANES, LANES)]
                    uv = sel_d[pl.ds(base + kk * LANES, LANES)]
                    sel_s[pl.ds(kk * LANES, LANES)] = tv
                    sel_d[pl.ds(kk * LANES, LANES)] = uv
                cnt = cnt - base

            nb = (cnt + (B - 1)) // B
            limit = nb * B
            for kk in range(B // LANES + 1):
                idx = cnt + kk * LANES + lane
                pm = idx < limit
                plsc.store_scatter(sel_s, [idx], jnp.zeros((LANES,), jnp.int32), mask=pm)
                plsc.store_scatter(sel_d, [idx], jnp.full((LANES,), CH, jnp.int32), mask=pm)
            flush_pipelined(nb)
            plsc.subcore_barrier()

            r0 = s * rows_per_sub
            pltpu.sync_copy(acc.at[pl.ds(r0, rows_per_sub)],
                            agg_hbm.at[pl.ds(lo + r0, rows_per_sub)])
            plsc.subcore_barrier()
            return 0

        lax.fori_loop(0, NCHUNK_PER_SC, do_chunk, 0)

    return k(x, src, dst)


def _tc_stats(scale, x, agg, w, b2):
    n, d = x.shape
    tm = 1000

    def body(scale_ref, x_ref, agg_ref, w_ref, b_ref, st_ref):
        i = pl.program_id(0)
        z = scale_ref[0, 0] * x_ref[...] + agg_ref[...]
        h = lax.dot_general(z, w_ref[...], (((1,), (1,)), ((), ())),
                            preferred_element_type=jnp.float32) + b_ref[...]

        @pl.when(i == 0)
        def _():
            st_ref[...] = jnp.zeros_like(st_ref)

        st_ref[0:1, :] += jnp.sum(h, axis=0, keepdims=True)
        st_ref[1:2, :] += jnp.sum(h * h, axis=0, keepdims=True)

    return pl.pallas_call(
        body,
        grid=(n // tm,),
        in_specs=[
            pl.BlockSpec(memory_space=pltpu.SMEM),
            pl.BlockSpec((tm, d), lambda i: (i, 0)),
            pl.BlockSpec((tm, d), lambda i: (i, 0)),
            pl.BlockSpec((d, d), lambda i: (0, 0)),
            pl.BlockSpec((1, d), lambda i: (0, 0)),
        ],
        out_specs=pl.BlockSpec((8, d), lambda i: (0, 0)),
        out_shape=jax.ShapeDtypeStruct((8, d), jnp.float32),
    )(scale, x, agg, w, b2)


def _tc_out(scale, x, agg, w, b2, stats, g2, bt2):
    n, d = x.shape
    tm = 1000
    inv_n = 1.0 / n

    def body(scale_ref, x_ref, agg_ref, w_ref, b_ref, st_ref, g_ref, bt_ref,
             o_ref):
        z = scale_ref[0, 0] * x_ref[...] + agg_ref[...]
        h = lax.dot_general(z, w_ref[...], (((1,), (1,)), ((), ())),
                            preferred_element_type=jnp.float32) + b_ref[...]
        mean = st_ref[0:1, :] * inv_n
        var = st_ref[1:2, :] * inv_n - mean * mean
        inv = g_ref[...] * lax.rsqrt(var + 1e-5)
        shift = bt_ref[...] - mean * inv
        o_ref[...] = jnp.maximum(h * inv + shift, 0.0) + x_ref[...]

    return pl.pallas_call(
        body,
        grid=(n // tm,),
        in_specs=[
            pl.BlockSpec(memory_space=pltpu.SMEM),
            pl.BlockSpec((tm, d), lambda i: (i, 0)),
            pl.BlockSpec((tm, d), lambda i: (i, 0)),
            pl.BlockSpec((d, d), lambda i: (0, 0)),
            pl.BlockSpec((1, d), lambda i: (0, 0)),
            pl.BlockSpec((8, d), lambda i: (0, 0)),
            pl.BlockSpec((1, d), lambda i: (0, 0)),
            pl.BlockSpec((1, d), lambda i: (0, 0)),
        ],
        out_specs=pl.BlockSpec((tm, d), lambda i: (i, 0)),
        out_shape=jax.ShapeDtypeStruct((n, d), jnp.float32),
    )(scale, x, agg, w, b2, stats, g2, bt2)


def kernel(x, edge_index, batch, W, b, eps, gamma, beta):
    n, d = x.shape
    src = edge_index[0]
    dst = edge_index[1]
    agg = _sc_agg(x, src, dst)
    scale = (1.0 + eps).astype(jnp.float32).reshape(1, 1)
    b2 = b.reshape(1, d)
    stats = _tc_stats(scale, x, agg, W, b2)
    return _tc_out(scale, x, agg, W, b2, stats, gamma.reshape(1, d),
                   beta.reshape(1, d))

# --- scband reference (transcript-rebuilt; emitter-appended) ---
"""Pipeline reference for scband-gnn-60533269069968 (READ-ONLY COPY).

The authoritative reference and input builder live on the scoring server;
editing this copy changes nothing except your own understanding.
"""

import jax, jax.numpy as jnp
import numpy as np

N = 10000
E = 160000
D = 528

def setup_inputs(seed: int = 0) -> dict:
    key = jax.random.key(seed)
    ks = jax.random.split(key, 6)
    x = jax.random.normal(ks[0], (N, D), dtype=jnp.float32)
    edge_index = jax.random.randint(ks[1], (2, E), 0, N, dtype=jnp.int32)
    batch = jnp.zeros((N,), dtype=jnp.int32)
    # Learned parameters
    W = jax.random.normal(ks[2], (D, D), dtype=jnp.float32) * 0.05  # Linear(528 -> nin=528)
    b = jnp.zeros((D,), dtype=jnp.float32)
    eps = jnp.zeros((), dtype=jnp.float32)  # GINConv train_eps, init 0
    gamma = jnp.ones((D,), dtype=jnp.float32)  # BatchNorm1d weight
    beta = jnp.zeros((D,), dtype=jnp.float32)  # BatchNorm1d bias
    return {"x": x, "edge_index": edge_index, "batch": batch,
            "W": W, "b": b, "eps": eps, "gamma": gamma, "beta": beta}


def reference(x, edge_index, batch, W, b, eps, gamma, beta):
    previous_x = x
    src = edge_index[0]
    dst = edge_index[1]
    # GINConv: nn((1 + eps) * x + sum_{j in N(i)} x_j)
    agg = jnp.zeros_like(x).at[dst].add(x[src])
    h = (1.0 + eps) * x + agg
    h = h @ W.T + b
    # BatchNorm1d (training mode: batch statistics)
    mean = jnp.mean(h, axis=0)
    var = jnp.var(h, axis=0)
    h = (h - mean) / jnp.sqrt(var + 1e-5) * gamma + beta
    # ReLU
    h = jax.nn.relu(h)
    # dropout p=0 -> identity
    # residual
    h = h + previous_x
    # output_encoder: nin == nout -> Identity
    return h


if False:  # reference __main__ guard neutralized (emitter)
    inp = setup_inputs()
    out = reference(**inp)
    print(out.shape, out.dtype)

if __name__ == "__main__":
    import jax
    _d = setup_inputs()
    print(jax.jit(kernel)(*tuple(_d.values())))

</pallas_src>

<mosaic_0001>
#map = affine_map<(d0, d1) -> (0, 0)>
#map1 = affine_map<(d0, d1) -> (0)>
module attributes {stable_mosaic.version = 14 : i64} {
  func.func @k(%arg0: i32, %arg1: i32, %arg2: memref<10000x528xf32, #tpu.memory_space<hbm>>, %arg3: memref<160000xi32, #tpu.memory_space<hbm>>, %arg4: memref<160000xi32, #tpu.memory_space<hbm>>, %arg5: memref<10240x528xf32, #tpu.memory_space<hbm>>, %arg6: memref<2000xi32, #tpu.memory_space<vmem>>, %arg7: memref<2000xi32, #tpu.memory_space<vmem>>, %arg8: memref<2000xi32, #tpu.memory_space<vmem>>, %arg9: memref<2000xi32, #tpu.memory_space<vmem>>, %arg10: memref<2064xi32, #tpu.memory_space<vmem>>, %arg11: memref<2064xi32, #tpu.memory_space<vmem>>, %arg12: memref<32xi32, #tpu.memory_space<vmem>>, %arg13: memref<32xi32, #tpu.memory_space<vmem>>, %arg14: memref<32x528xf32, #tpu.memory_space<vmem>>, %arg15: memref<32x528xf32, #tpu.memory_space<vmem>>, %arg16: memref<2568x528xf32, #tpu.memory_space<vmem_shared>>, %arg17: memref<!tpu.dma_semaphore, #tpu.memory_space<semaphore_mem>>, %arg18: memref<!tpu.dma_semaphore, #tpu.memory_space<semaphore_mem>>, %arg19: memref<!tpu.dma_semaphore, #tpu.memory_space<semaphore_mem>>, %arg20: memref<!tpu.dma_semaphore, #tpu.memory_space<semaphore_mem>>) attributes {dimension_semantics = [#tpu.dimension_semantics<core_parallel>, #tpu.dimension_semantics<subcore_parallel>], iteration_bounds = array<i64: 2, 16>, scalar_prefetch = 0 : i64, scratch_operands = 15 : i64, tpu.core_type = #tpu.core_type<sc_vector_subcore>, window_params = [{transform_indices = #map}, {transform_indices = #map1}, {transform_indices = #map1}, {transform_indices = #map}]} {
    %mul3A = arith.constant 10000 : i32
    %mul3A_0 = arith.muli %arg1, %mul3A : i32
    %broadcast_in_dim3A = arith.constant 0.000000e+00 : f32
    %broadcast_in_dim3A_1 = vector.broadcast %broadcast_in_dim3A : f32 to vector<16xf32>
    %iota3A = tpu.iota {dimensions = array<i32: 0>} : vector<16xi32>
    %scan3A = arith.constant 0 : i32
    %scan3A_2 = arith.constant 0 : i32
    %scan3A_3 = arith.constant 2 : i32
    %scan3A_4 = arith.addi %scan3A_2, %scan3A_3 : i32
    %scan3A_5 = arith.constant 1 : i32
    %scan3A_6 = scf.for %scan3A_8 = %scan3A_2 to %scan3A_4 step %scan3A_5 iter_args(%scan3A_9 = %scan3A) -> (i32)  : i32 {
      %mul3A_10 = arith.constant 2 : i32
      %mul3A_11 = arith.muli %arg0, %mul3A_10 : i32
      %add3A = arith.addi %mul3A_11, %scan3A_8 : i32
      %mul3A_12 = arith.constant 2560 : i32
      %mul3A_13 = arith.muli %add3A, %mul3A_12 : i32
      %scan3A_14 = arith.constant 0 : i32
      %scan3A_15 = arith.constant 0 : i32
      %scan3A_16 = arith.constant 32 : i32
      %scan3A_17 = arith.addi %scan3A_15, %scan3A_16 : i32
      %scan3A_18 = arith.constant 1 : i32
      %scan3A_19 = scf.for %scan3A_692 = %scan3A_15 to %scan3A_17 step %scan3A_18 iter_args(%scan3A_693 = %scan3A_14) -> (i32)  : i32 {
        %scan3A_694 = arith.constant 0 : i32
        %scan3A_695 = arith.constant 0 : i32
        %scan3A_696 = arith.constant 33 : i32
        %scan3A_697 = arith.addi %scan3A_695, %scan3A_696 : i32
        %scan3A_698 = arith.constant 1 : i32
        %scan3A_699 = scf.for %scan3A_701 = %scan3A_695 to %scan3A_697 step %scan3A_698 iter_args(%scan3A_702 = %scan3A_694) -> (i32)  : i32 {
          %mul3A_703 = arith.constant 16 : i32
          %mul3A_704 = arith.muli %scan3A_701, %mul3A_703 : i32
          %swap3A_705 = arith.index_cast %scan3A_692 : i32 to index
          %swap3A_706 = arith.index_cast %mul3A_704 : i32 to index
          %swap3A_707 = tpu.vector_load %arg14[%swap3A_705, %swap3A_706] {strides = array<i32>} : memref<32x528xf32, #tpu.memory_space<vmem>>, vector<16xf32>,
          tpu.vector_store %arg14[%swap3A_705, %swap3A_706], %broadcast_in_dim3A_1 {strides = array<i32>} : memref<32x528xf32, #tpu.memory_space<vmem>>, vector<16xf32>,
          %scan3A_708 = arith.constant 0 : i32
          scf.yield %scan3A_708 : i32
        }
        %scan3A_700 = arith.constant 33 : i32
        scf.yield %scan3A_699 : i32
      }
      %scan3A_20 = arith.constant 32 : i32
      %mul3A_21 = arith.constant 160 : i32
      %mul3A_22 = arith.muli %arg1, %mul3A_21 : i32
      %add3A_23 = arith.constant 0 : i32
      %add3A_24 = arith.addi %mul3A_22, %add3A_23 : i32
      "tpu.region"() ({
        %run_scoped3A = tpu.sem_alloc : memref<!tpu.dma_semaphore, #tpu.memory_space<semaphore_mem>>
        %dma_start3A_692 = arith.constant 0 : i32
        %dma_start3A_693 = tpu.memref_slice %arg16[%add3A_24, %dma_start3A_692] : memref<2568x528xf32, #tpu.memory_space<vmem_shared>> -> memref<32x528xf32, #tpu.memory_space<vmem_shared>>
        %dma_start3A_694 = arith.constant 0 : i32
        %dma_start3A_695 = tpu.memref_slice %arg16[%add3A_24, %dma_start3A_694] : memref<2568x528xf32, #tpu.memory_space<vmem_shared>> -> memref<32x528xf32, #tpu.memory_space<vmem_shared>>
        tpu.enqueue_dma source(%arg14 : memref<32x528xf32, #tpu.memory_space<vmem>>) target(%dma_start3A_695 : memref<32x528xf32, #tpu.memory_space<vmem_shared>>) target_semaphore(%run_scoped3A : memref<!tpu.dma_semaphore, #tpu.memory_space<semaphore_mem>>)
        %dma_wait3A_696 = arith.constant 0 : i32
        %dma_wait3A_697 = tpu.memref_slice %arg16[%add3A_24, %dma_wait3A_696] : memref<2568x528xf32, #tpu.memory_space<vmem_shared>> -> memref<32x528xf32, #tpu.memory_space<vmem_shared>>
        %dma_wait3A_698 = arith.constant 0 : i32
        %dma_wait3A_699 = tpu.memref_slice %arg16[%add3A_24, %dma_wait3A_698] : memref<2568x528xf32, #tpu.memory_space<vmem_shared>> -> memref<32x528xf32, #tpu.memory_space<vmem_shared>>
        tpu.wait_dma2 semaphore(%run_scoped3A : memref<!tpu.dma_semaphore, #tpu.memory_space<semaphore_mem>>) src(%arg14 : memref<32x528xf32, #tpu.memory_space<vmem>>) dst(%dma_wait3A_699 : memref<32x528xf32, #tpu.memory_space<vmem_shared>>)
        tpu.yield
      }) : () -> ()
      %mul3A_25 = arith.constant 160 : i32
      %mul3A_26 = arith.muli %arg1, %mul3A_25 : i32
      %add3A_27 = arith.constant 32 : i32
      %add3A_28 = arith.addi %mul3A_26, %add3A_27 : i32
      "tpu.region"() ({
        %run_scoped3A = tpu.sem_alloc : memref<!tpu.dma_semaphore, #tpu.memory_space<semaphore_mem>>
        %dma_start3A_692 = arith.constant 0 : i32
        %dma_start3A_693 = tpu.memref_slice %arg16[%add3A_28, %dma_start3A_692] : memref<2568x528xf32, #tpu.memory_space<vmem_shared>> -> memref<32x528xf32, #tpu.memory_space<vmem_shared>>
        %dma_start3A_694 = arith.constant 0 : i32
        %dma_start3A_695 = tpu.memref_slice %arg16[%add3A_28, %dma_start3A_694] : memref<2568x528xf32, #tpu.memory_space<vmem_shared>> -> memref<32x528xf32, #tpu.memory_space<vmem_shared>>
        tpu.enqueue_dma source(%arg14 : memref<32x528xf32, #tpu.memory_space<vmem>>) target(%dma_start3A_695 : memref<32x528xf32, #tpu.memory_space<vmem_shared>>) target_semaphore(%run_scoped3A : memref<!tpu.dma_semaphore, #tpu.memory_space<semaphore_mem>>)
        %dma_wait3A_696 = arith.constant 0 : i32
        %dma_wait3A_697 = tpu.memref_slice %arg16[%add3A_28, %dma_wait3A_696] : memref<2568x528xf32, #tpu.memory_space<vmem_shared>> -> memref<32x528xf32, #tpu.memory_space<vmem_shared>>
        %dma_wait3A_698 = arith.constant 0 : i32
        %dma_wait3A_699 = tpu.memref_slice %arg16[%add3A_28, %dma_wait3A_698] : memref<2568x528xf32, #tpu.memory_space<vmem_shared>> -> memref<32x528xf32, #tpu.memory_space<vmem_shared>>
        tpu.wait_dma2 semaphore(%run_scoped3A : memref<!tpu.dma_semaphore, #tpu.memory_space<semaphore_mem>>) src(%arg14 : memref<32x528xf32, #tpu.memory_space<vmem>>) dst(%dma_wait3A_699 : memref<32x528xf32, #tpu.memory_space<vmem_shared>>)
        tpu.yield
      }) : () -> ()
      %mul3A_29 = arith.constant 160 : i32
      %mul3A_30 = arith.muli %arg1, %mul3A_29 : i32
      %add3A_31 = arith.constant 64 : i32
      %add3A_32 = arith.addi %mul3A_30, %add3A_31 : i32
      "tpu.region"() ({
        %run_scoped3A = tpu.sem_alloc : memref<!tpu.dma_semaphore, #tpu.memory_space<semaphore_mem>>
        %dma_start3A_692 = arith.constant 0 : i32
        %dma_start3A_693 = tpu.memref_slice %arg16[%add3A_32, %dma_start3A_692] : memref<2568x528xf32, #tpu.memory_space<vmem_shared>> -> memref<32x528xf32, #tpu.memory_space<vmem_shared>>
        %dma_start3A_694 = arith.constant 0 : i32
        %dma_start3A_695 = tpu.memref_slice %arg16[%add3A_32, %dma_start3A_694] : memref<2568x528xf32, #tpu.memory_space<vmem_shared>> -> memref<32x528xf32, #tpu.memory_space<vmem_shared>>
        tpu.enqueue_dma source(%arg14 : memref<32x528xf32, #tpu.memory_space<vmem>>) target(%dma_start3A_695 : memref<32x528xf32, #tpu.memory_space<vmem_shared>>) target_semaphore(%run_scoped3A : memref<!tpu.dma_semaphore, #tpu.memory_space<semaphore_mem>>)
        %dma_wait3A_696 = arith.constant 0 : i32
        %dma_wait3A_697 = tpu.memref_slice %arg16[%add3A_32, %dma_wait3A_696] : memref<2568x528xf32, #tpu.memory_space<vmem_shared>> -> memref<32x528xf32, #tpu.memory_space<vmem_shared>>
        %dma_wait3A_698 = arith.constant 0 : i32
        %dma_wait3A_699 = tpu.memref_slice %arg16[%add3A_32, %dma_wait3A_698] : memref<2568x528xf32, #tpu.memory_space<vmem_shared>> -> memref<32x528xf32, #tpu.memory_space<vmem_shared>>
        tpu.wait_dma2 semaphore(%run_scoped3A : memref<!tpu.dma_semaphore, #tpu.memory_space<semaphore_mem>>) src(%arg14 : memref<32x528xf32, #tpu.memory_space<vmem>>) dst(%dma_wait3A_699 : memref<32x528xf32, #tpu.memory_space<vmem_shared>>)
        tpu.yield
      }) : () -> ()
      %mul3A_33 = arith.constant 160 : i32
      %mul3A_34 = arith.muli %arg1, %mul3A_33 : i32
      %add3A_35 = arith.constant 96 : i32
      %add3A_36 = arith.addi %mul3A_34, %add3A_35 : i32
      "tpu.region"() ({
        %run_scoped3A = tpu.sem_alloc : memref<!tpu.dma_semaphore, #tpu.memory_space<semaphore_mem>>
        %dma_start3A_692 = arith.constant 0 : i32
        %dma_start3A_693 = tpu.memref_slice %arg16[%add3A_36, %dma_start3A_692] : memref<2568x528xf32, #tpu.memory_space<vmem_shared>> -> memref<32x528xf32, #tpu.memory_space<vmem_shared>>
        %dma_start3A_694 = arith.constant 0 : i32
        %dma_start3A_695 = tpu.memref_slice %arg16[%add3A_36, %dma_start3A_694] : memref<2568x528xf32, #tpu.memory_space<vmem_shared>> -> memref<32x528xf32, #tpu.memory_space<vmem_shared>>
        tpu.enqueue_dma source(%arg14 : memref<32x528xf32, #tpu.memory_space<vmem>>) target(%dma_start3A_695 : memref<32x528xf32, #tpu.memory_space<vmem_shared>>) target_semaphore(%run_scoped3A : memref<!tpu.dma_semaphore, #tpu.memory_space<semaphore_mem>>)
        %dma_wait3A_696 = arith.constant 0 : i32
        %dma_wait3A_697 = tpu.memref_slice %arg16[%add3A_36, %dma_wait3A_696] : memref<2568x528xf32, #tpu.memory_space<vmem_shared>> -> memref<32x528xf32, #tpu.memory_space<vmem_shared>>
        %dma_wait3A_698 = arith.constant 0 : i32
        %dma_wait3A_699 = tpu.memref_slice %arg16[%add3A_36, %dma_wait3A_698] : memref<2568x528xf32, #tpu.memory_space<vmem_shared>> -> memref<32x528xf32, #tpu.memory_space<vmem_shared>>
        tpu.wait_dma2 semaphore(%run_scoped3A : memref<!tpu.dma_semaphore, #tpu.memory_space<semaphore_mem>>) src(%arg14 : memref<32x528xf32, #tpu.memory_space<vmem>>) dst(%dma_wait3A_699 : memref<32x528xf32, #tpu.memory_space<vmem_shared>>)
        tpu.yield
      }) : () -> ()
      %mul3A_37 = arith.constant 160 : i32
      %mul3A_38 = arith.muli %arg1, %mul3A_37 : i32
      %add3A_39 = arith.constant 128 : i32
      %add3A_40 = arith.addi %mul3A_38, %add3A_39 : i32
      "tpu.region"() ({
        %run_scoped3A = tpu.sem_alloc : memref<!tpu.dma_semaphore, #tpu.memory_space<semaphore_mem>>
        %dma_start3A_692 = arith.constant 0 : i32
        %dma_start3A_693 = tpu.memref_slice %arg16[%add3A_40, %dma_start3A_692] : memref<2568x528xf32, #tpu.memory_space<vmem_shared>> -> memref<32x528xf32, #tpu.memory_space<vmem_shared>>
        %dma_start3A_694 = arith.constant 0 : i32
        %dma_start3A_695 = tpu.memref_slice %arg16[%add3A_40, %dma_start3A_694] : memref<2568x528xf32, #tpu.memory_space<vmem_shared>> -> memref<32x528xf32, #tpu.memory_space<vmem_shared>>
        tpu.enqueue_dma source(%arg14 : memref<32x528xf32, #tpu.memory_space<vmem>>) target(%dma_start3A_695 : memref<32x528xf32, #tpu.memory_space<vmem_shared>>) target_semaphore(%run_scoped3A : memref<!tpu.dma_semaphore, #tpu.memory_space<semaphore_mem>>)
        %dma_wait3A_696 = arith.constant 0 : i32
        %dma_wait3A_697 = tpu.memref_slice %arg16[%add3A_40, %dma_wait3A_696] : memref<2568x528xf32, #tpu.memory_space<vmem_shared>> -> memref<32x528xf32, #tpu.memory_space<vmem_shared>>
        %dma_wait3A_698 = arith.constant 0 : i32
        %dma_wait3A_699 = tpu.memref_slice %arg16[%add3A_40, %dma_wait3A_698] : memref<2568x528xf32, #tpu.memory_space<vmem_shared>> -> memref<32x528xf32, #tpu.memory_space<vmem_shared>>
        tpu.wait_dma2 semaphore(%run_scoped3A : memref<!tpu.dma_semaphore, #tpu.memory_space<semaphore_mem>>) src(%arg14 : memref<32x528xf32, #tpu.memory_space<vmem>>) dst(%dma_wait3A_699 : memref<32x528xf32, #tpu.memory_space<vmem_shared>>)
        tpu.yield
      }) : () -> ()
      %barrier3A = arith.constant 0 : index
      tpu.barrier barrier_id(%barrier3A)
      %add3A_41 = arith.constant 0 : i32
      %add3A_42 = arith.addi %mul3A_0, %add3A_41 : i32
      %dma_start3A = tpu.memref_slice %arg3[%add3A_42] : memref<160000xi32, #tpu.memory_space<hbm>> -> memref<2000xi32, #tpu.memory_space<hbm>>
      %dma_start3A_43 = tpu.memref_slice %arg3[%add3A_42] : memref<160000xi32, #tpu.memory_space<hbm>> -> memref<2000xi32, #tpu.memory_space<hbm>>
      tpu.enqueue_dma source(%dma_start3A_43 : memref<2000xi32, #tpu.memory_space<hbm>>) target(%arg6 : memref<2000xi32, #tpu.memory_space<vmem>>) target_semaphore(%arg19 : memref<!tpu.dma_semaphore, #tpu.memory_space<semaphore_mem>>)
      %add3A_44 = arith.constant 0 : i32
      %add3A_45 = arith.addi %mul3A_0, %add3A_44 : i32
      %dma_start3A_46 = tpu.memref_slice %arg4[%add3A_45] : memref<160000xi32, #tpu.memory_space<hbm>> -> memref<2000xi32, #tpu.memory_space<hbm>>
      %dma_start3A_47 = tpu.memref_slice %arg4[%add3A_45] : memref<160000xi32, #tpu.memory_space<hbm>> -> memref<2000xi32, #tpu.memory_space<hbm>>
      tpu.enqueue_dma source(%dma_start3A_47 : memref<2000xi32, #tpu.memory_space<hbm>>) target(%arg7 : memref<2000xi32, #tpu.memory_space<vmem>>) target_semaphore(%arg19 : memref<!tpu.dma_semaphore, #tpu.memory_space<semaphore_mem>>)
      %add3A_48 = arith.constant 2000 : i32
      %add3A_49 = arith.addi %mul3A_0, %add3A_48 : i32
      %dma_start3A_50 = tpu.memref_slice %arg3[%add3A_49] : memref<160000xi32, #tpu.memory_space<hbm>> -> memref<2000xi32, #tpu.memory_space<hbm>>
      %dma_start3A_51 = tpu.memref_slice %arg3[%add3A_49] : memref<160000xi32, #tpu.memory_space<hbm>> -> memref<2000xi32, #tpu.memory_space<hbm>>
      tpu.enqueue_dma source(%dma_start3A_51 : memref<2000xi32, #tpu.memory_space<hbm>>) target(%arg8 : memref<2000xi32, #tpu.memory_space<vmem>>) target_semaphore(%arg20 : memref<!tpu.dma_semaphore, #tpu.memory_space<semaphore_mem>>)
      %add3A_52 = arith.constant 2000 : i32
      %add3A_53 = arith.addi %mul3A_0, %add3A_52 : i32
      %dma_start3A_54 = tpu.memref_slice %arg4[%add3A_53] : memref<160000xi32, #tpu.memory_space<hbm>> -> memref<2000xi32, #tpu.memory_space<hbm>>
      %dma_start3A_55 = tpu.memref_slice %arg4[%add3A_53] : memref<160000xi32, #tpu.memory_space<hbm>> -> memref<2000xi32, #tpu.memory_space<hbm>>
      tpu.enqueue_dma source(%dma_start3A_55 : memref<2000xi32, #tpu.memory_space<hbm>>) target(%arg9 : memref<2000xi32, #tpu.memory_space<vmem>>) target_semaphore(%arg20 : memref<!tpu.dma_semaphore, #tpu.memory_space<semaphore_mem>>)
      %dma_wait3A = tpu.memref_slice %arg3[%mul3A_0] : memref<160000xi32, #tpu.memory_space<hbm>> -> memref<2000xi32, #tpu.memory_space<hbm>>
      %dma_wait3A_56 = tpu.memref_slice %arg3[%mul3A_0] : memref<160000xi32, #tpu.memory_space<hbm>> -> memref<2000xi32, #tpu.memory_space<hbm>>
      tpu.wait_dma2 semaphore(%arg19 : memref<!tpu.dma_semaphore, #tpu.memory_space<semaphore_mem>>) src(%dma_wait3A_56 : memref<2000xi32, #tpu.memory_space<hbm>>) dst(%arg6 : memref<2000xi32, #tpu.memory_space<vmem>>)
      %dma_wait3A_57 = tpu.memref_slice %arg4[%mul3A_0] : memref<160000xi32, #tpu.memory_space<hbm>> -> memref<2000xi32, #tpu.memory_space<hbm>>
      %dma_wait3A_58 = tpu.memref_slice %arg4[%mul3A_0] : memref<160000xi32, #tpu.memory_space<hbm>> -> memref<2000xi32, #tpu.memory_space<hbm>>
      tpu.wait_dma2 semaphore(%arg19 : memref<!tpu.dma_semaphore, #tpu.memory_space<semaphore_mem>>) src(%dma_wait3A_58 : memref<2000xi32, #tpu.memory_space<hbm>>) dst(%arg7 : memref<2000xi32, #tpu.memory_space<vmem>>)
      %scan3A_59 = arith.constant 0 : i32
      %scan3A_60 = arith.constant 0 : i32
      %scan3A_61 = arith.constant 125 : i32
      %scan3A_62 = arith.addi %scan3A_60, %scan3A_61 : i32
      %scan3A_63 = arith.constant 1 : i32
      %scan3A_64 = scf.for %scan3A_692 = %scan3A_60 to %scan3A_62 step %scan3A_63 iter_args(%scan3A_693 = %scan3A_59) -> (i32)  : i32 {
        %mul3A_694 = arith.constant 16 : i32
        %mul3A_695 = arith.muli %scan3A_692, %mul3A_694 : i32
        %get3A_696 = arith.index_cast %mul3A_695 : i32 to index
        %get3A_697 = tpu.vector_load %arg6[%get3A_696] {strides = array<i32>} : memref<2000xi32, #tpu.memory_space<vmem>>, vector<16xi32>,
        %mul3A_698 = arith.constant 16 : i32
        %mul3A_699 = arith.muli %scan3A_692, %mul3A_698 : i32
        %get3A_700 = arith.index_cast %mul3A_699 : i32 to index
        %get3A_701 = tpu.vector_load %arg7[%get3A_700] {strides = array<i32>} : memref<2000xi32, #tpu.memory_space<vmem>>, vector<16xi32>,
        %sub3A_702 = vector.broadcast %mul3A_13 : i32 to vector<16xi32>
        %sub3A_703 = arith.subi %get3A_701, %sub3A_702 : vector<16xi32>
        %ge3A = arith.constant 0 : i32
        %ge3A_704 = vector.broadcast %ge3A : i32 to vector<16xi32>
        %ge3A_705 = arith.cmpi sge, %sub3A_703, %ge3A_704 : vector<16xi32>
        %lt3A_706 = arith.constant 2560 : i32
        %lt3A_707 = vector.broadcast %lt3A_706 : i32 to vector<16xi32>
        %lt3A_708 = arith.cmpi slt, %sub3A_703, %lt3A_707 : vector<16xi32>
        %and3A_709 = arith.andi %ge3A_705, %lt3A_708 : vector<16xi1>
        %swap3A_710 = arith.index_cast %scan3A_693 : i32 to index
        %swap3A_711 = tpu.vector_load %arg10[%swap3A_710] masked %and3A_709 {strides = array<i32>} : memref<2064xi32, #tpu.memory_space<vmem>>, vector<16xi32>, vector<16xi1>
        tpu.vector_store %arg10[%swap3A_710], %get3A_697 masked %and3A_709 {strides = array<i32>} : memref<2064xi32, #tpu.memory_space<vmem>>, vector<16xi32>, vector<16xi1>
        %swap3A_712 = arith.index_cast %scan3A_693 : i32 to index
        %swap3A_713 = tpu.vector_load %arg11[%swap3A_712] masked %and3A_709 {strides = array<i32>} : memref<2064xi32, #tpu.memory_space<vmem>>, vector<16xi32>, vector<16xi1>
        tpu.vector_store %arg11[%swap3A_712], %sub3A_703 masked %and3A_709 {strides = array<i32>} : memref<2064xi32, #tpu.memory_space<vmem>>, vector<16xi32>, vector<16xi1>
        %all_reduce_population_count3A = tpu.all_reduce %and3A_709 {dim = 0 : i64, kind = #tpu.reduction_kind<sum>} : vector<16xi1> -> vector<16xi32>
        %slice3A = vector.extract_strided_slice %all_reduce_population_count3A {offsets = [0], sizes = [1], strides = [1]} : vector<16xi32> to vector<1xi32>
        %squeeze3A = vector.extract %slice3A[0] : i32 from vector<1xi32>
        %add3A_714 = arith.addi %scan3A_693, %squeeze3A : i32
        scf.yield %add3A_714 : i32
      }
      %scan3A_65 = arith.constant 125 : i32
      %jit3A = arith.constant 32 : i32
      %div3A = arith.divsi %scan3A_64, %jit3A : i32
      %sign3A = arith.constant 0 : i32
      %sign3A_66 = arith.cmpi sgt, %scan3A_64, %sign3A : i32
      %sign3A_67 = arith.extui %sign3A_66 : i1 to i32
      %sign3A_68 = arith.constant 0 : i32
      %sign3A_69 = arith.cmpi slt, %scan3A_64, %sign3A_68 : i32
      %sign3A_70 = arith.extui %sign3A_69 : i1 to i32
      %sign3A_71 = arith.subi %sign3A_67, %sign3A_70 : i32
      %sign3A_72 = arith.constant 0 : i32
      %sign3A_73 = arith.cmpi sgt, %jit3A, %sign3A_72 : i32
      %sign3A_74 = arith.extui %sign3A_73 : i1 to i32
      %sign3A_75 = arith.constant 0 : i32
      %sign3A_76 = arith.cmpi slt, %jit3A, %sign3A_75 : i32
      %sign3A_77 = arith.extui %sign3A_76 : i1 to i32
      %sign3A_78 = arith.subi %sign3A_74, %sign3A_77 : i32
      %ne3A = arith.cmpi ne, %sign3A_71, %sign3A_78 : i32
      %rem3A = arith.remsi %scan3A_64, %jit3A : i32
      %ne3A_79 = arith.constant 0 : i32
      %ne3A_80 = arith.cmpi ne, %rem3A, %ne3A_79 : i32
      %and3A = arith.andi %ne3A, %ne3A_80 : i1
      %sub3A = arith.constant 1 : i32
      %sub3A_81 = arith.subi %div3A, %sub3A : i32
      %select_n3A = arith.select %and3A, %sub3A_81, %div3A : i32
      %gt3A = arith.constant 0 : i32
      %gt3A_82 = arith.cmpi sgt, %select_n3A, %gt3A : i32
      %convert_element_type3A = arith.extui %gt3A_82 : i1 to i32
      %cond3A = arith.constant 0 : i32
      %cond3A_83 = arith.cmpi ne, %convert_element_type3A, %cond3A : i32
      scf.if %cond3A_83 {
        %dma_start3A_692 = arith.constant 0 : i32
        %dma_start3A_693 = tpu.memref_slice %arg10[%dma_start3A_692] : memref<2064xi32, #tpu.memory_space<vmem>> -> memref<32xi32, #tpu.memory_space<vmem>>
        %dma_start3A_694 = arith.constant 0 : i32
        %dma_start3A_695 = arith.constant 0 : i32
        %dma_start3A_696 = tpu.memref_slice %arg2[%dma_start3A_694, %dma_start3A_695] : memref<10000x528xf32, #tpu.memory_space<hbm>> -> memref<10000x528xf32, #tpu.memory_space<hbm>>
        tpu.enqueue_indirect_dma source(%dma_start3A_696 : memref<10000x528xf32, #tpu.memory_space<hbm>>) target(%arg14 : memref<32x528xf32, #tpu.memory_space<vmem>>) offsets(%dma_start3A_693 : memref<32xi32, #tpu.memory_space<vmem>>) semaphore(%arg17 : memref<!tpu.dma_semaphore, #tpu.memory_space<semaphore_mem>>)
      } else {
      }
      %add3A_84 = arith.constant 1 : i32
      %add3A_85 = arith.addi %select_n3A, %add3A_84 : i32
      %jit3A_86 = arith.constant 2 : i32
      %div3A_87 = arith.divsi %add3A_85, %jit3A_86 : i32
      %sign3A_88 = arith.constant 0 : i32
      %sign3A_89 = arith.cmpi sgt, %add3A_85, %sign3A_88 : i32
      %sign3A_90 = arith.extui %sign3A_89 : i1 to i32
      %sign3A_91 = arith.constant 0 : i32
      %sign3A_92 = arith.cmpi slt, %add3A_85, %sign3A_91 : i32
      %sign3A_93 = arith.extui %sign3A_92 : i1 to i32
      %sign3A_94 = arith.subi %sign3A_90, %sign3A_93 : i32
      %sign3A_95 = arith.constant 0 : i32
      %sign3A_96 = arith.cmpi sgt, %jit3A_86, %sign3A_95 : i32
      %sign3A_97 = arith.extui %sign3A_96 : i1 to i32
      %sign3A_98 = arith.constant 0 : i32
      %sign3A_99 = arith.cmpi slt, %jit3A_86, %sign3A_98 : i32
      %sign3A_100 = arith.extui %sign3A_99 : i1 to i32
      %sign3A_101 = arith.subi %sign3A_97, %sign3A_100 : i32
      %ne3A_102 = arith.cmpi ne, %sign3A_94, %sign3A_101 : i32
      %rem3A_103 = arith.remsi %add3A_85, %jit3A_86 : i32
      %ne3A_104 = arith.constant 0 : i32
      %ne3A_105 = arith.cmpi ne, %rem3A_103, %ne3A_104 : i32
      %and3A_106 = arith.andi %ne3A_102, %ne3A_105 : i1
      %sub3A_107 = arith.constant 1 : i32
      %sub3A_108 = arith.subi %div3A_87, %sub3A_107 : i32
      %select_n3A_109 = arith.select %and3A_106, %sub3A_108, %div3A_87 : i32
      %while3A = arith.constant 0 : i32
      %while3A_110 = arith.constant 0 : i32
      %while3A_111 = arith.subi %select_n3A_109, %while3A : i32
      %while3A_112 = arith.addi %while3A, %while3A_111 : i32
      %while3A_113 = arith.constant 1 : i32
      %while3A_114 = arith.divsi %while3A_111, %while3A_113 : i32
      %while3A_115 = arith.muli %while3A_114, %while3A_113 : i32
      %while3A_116 = arith.addi %while3A, %while3A_115 : i32
      %while3A_117 = arith.constant 1 : i32
      %while3A_118 = scf.for %while3A_692 = %while3A to %while3A_116 step %while3A_117 iter_args(%while3A_693 = %while3A_110) -> (i32)  : i32 {
        %mul3A_694 = arith.constant 2 : i32
        %mul3A_695 = arith.muli %mul3A_694, %while3A_692 : i32
        %add3A_696 = arith.constant 1 : i32
        %add3A_697 = arith.addi %mul3A_695, %add3A_696 : i32
        %lt3A_698 = arith.cmpi slt, %add3A_697, %select_n3A : i32
        %convert_element_type3A_699 = arith.extui %lt3A_698 : i1 to i32
        %cond3A_700 = arith.constant 0 : i32
        %cond3A_701 = arith.cmpi ne, %convert_element_type3A_699, %cond3A_700 : i32
        scf.if %cond3A_701 {
          %add3A_730 = arith.constant 1 : i32
          %add3A_731 = arith.addi %mul3A_695, %add3A_730 : i32
          %mul3A_732 = arith.constant 32 : i32
          %mul3A_733 = arith.muli %add3A_731, %mul3A_732 : i32
          %dma_start3A_734 = tpu.memref_slice %arg10[%mul3A_733] : memref<2064xi32, #tpu.memory_space<vmem>> -> memref<32xi32, #tpu.memory_space<vmem>>
          %dma_start3A_735 = arith.constant 0 : i32
          %dma_start3A_736 = arith.constant 0 : i32
          %dma_start3A_737 = tpu.memref_slice %arg2[%dma_start3A_735, %dma_start3A_736] : memref<10000x528xf32, #tpu.memory_space<hbm>> -> memref<10000x528xf32, #tpu.memory_space<hbm>>
          tpu.enqueue_indirect_dma source(%dma_start3A_737 : memref<10000x528xf32, #tpu.memory_space<hbm>>) target(%arg15 : memref<32x528xf32, #tpu.memory_space<vmem>>) offsets(%dma_start3A_734 : memref<32xi32, #tpu.memory_space<vmem>>) semaphore(%arg18 : memref<!tpu.dma_semaphore, #tpu.memory_space<semaphore_mem>>)
        } else {
        }
        %mul3A_702 = arith.constant 32 : i32
        %mul3A_703 = arith.muli %mul3A_695, %mul3A_702 : i32
        %add3A_704 = arith.constant 0 : i32
        %add3A_705 = arith.addi %mul3A_703, %add3A_704 : i32
        %get3A_706 = arith.index_cast %add3A_705 : i32 to index
        %get3A_707 = tpu.vector_load %arg11[%get3A_706] {strides = array<i32>} : memref<2064xi32, #tpu.memory_space<vmem>>, vector<16xi32>,
        %swap3A_708 = arith.constant 0 : index
        %swap3A_709 = tpu.vector_load %arg12[%swap3A_708] {strides = array<i32>} : memref<32xi32, #tpu.memory_space<vmem>>, vector<16xi32>,
        tpu.vector_store %arg12[%swap3A_708], %get3A_707 {strides = array<i32>} : memref<32xi32, #tpu.memory_space<vmem>>, vector<16xi32>,
        %mul3A_710 = arith.constant 32 : i32
        %mul3A_711 = arith.muli %mul3A_695, %mul3A_710 : i32
        %add3A_712 = arith.constant 16 : i32
        %add3A_713 = arith.addi %mul3A_711, %add3A_712 : i32
        %get3A_714 = arith.index_cast %add3A_713 : i32 to index
        %get3A_715 = tpu.vector_load %arg11[%get3A_714] {strides = array<i32>} : memref<2064xi32, #tpu.memory_space<vmem>>, vector<16xi32>,
        %swap3A_716 = arith.constant 16 : index
        %swap3A_717 = tpu.vector_load %arg12[%swap3A_716] {strides = array<i32>} : memref<32xi32, #tpu.memory_space<vmem>>, vector<16xi32>,
        tpu.vector_store %arg12[%swap3A_716], %get3A_715 {strides = array<i32>} : memref<32xi32, #tpu.memory_space<vmem>>, vector<16xi32>,
        %dma_wait3A_718 = arith.constant 0 : i32
        %dma_wait3A_719 = tpu.memref_slice %arg10[%dma_wait3A_718] : memref<2064xi32, #tpu.memory_space<vmem>> -> memref<32xi32, #tpu.memory_space<vmem>>
        %dma_wait3A_720 = arith.constant 0 : i32
        %dma_wait3A_721 = arith.constant 0 : i32
        %dma_wait3A_722 = tpu.memref_slice %arg2[%dma_wait3A_720, %dma_wait3A_721] : memref<10000x528xf32, #tpu.memory_space<hbm>> -> memref<10000x528xf32, #tpu.memory_space<hbm>>
        tpu.wait_indirect_dma semaphore(%arg17 : memref<!tpu.dma_semaphore, #tpu.memory_space<semaphore_mem>>) src(%dma_wait3A_722 : memref<10000x528xf32, #tpu.memory_space<hbm>>) dst(%arg14 : memref<32x528xf32, #tpu.memory_space<vmem>>)
        "tpu.region"() ({
          %run_scoped3A = tpu.sem_alloc : memref<!tpu.dma_semaphore, #tpu.memory_space<semaphore_mem>>
          %dma_start3A_730 = arith.constant 0 : i32
          %dma_start3A_731 = arith.constant 0 : i32
          %dma_start3A_732 = tpu.memref_slice %arg16[%dma_start3A_730, %dma_start3A_731] : memref<2568x528xf32, #tpu.memory_space<vmem_shared>> -> memref<2568x528xf32, #tpu.memory_space<vmem_shared>>
          tpu.enqueue_indirect_dma source(%arg14 : memref<32x528xf32, #tpu.memory_space<vmem>>) target(%dma_start3A_732 : memref<2568x528xf32, #tpu.memory_space<vmem_shared>>) offsets(%arg12 : memref<32xi32, #tpu.memory_space<vmem>>) semaphore(%run_scoped3A : memref<!tpu.dma_semaphore, #tpu.memory_space<semaphore_mem>>) {add = true}
          %dma_wait3A_733 = arith.constant 0 : i32
          %dma_wait3A_734 = arith.constant 0 : i32
          %dma_wait3A_735 = tpu.memref_slice %arg16[%dma_wait3A_733, %dma_wait3A_734] : memref<2568x528xf32, #tpu.memory_space<vmem_shared>> -> memref<2568x528xf32, #tpu.memory_space<vmem_shared>>
          tpu.wait_indirect_dma semaphore(%run_scoped3A : memref<!tpu.dma_semaphore, #tpu.memory_space<semaphore_mem>>) src(%arg14 : memref<32x528xf32, #tpu.memory_space<vmem>>) dst(%dma_wait3A_735 : memref<2568x528xf32, #tpu.memory_space<vmem_shared>>)
          tpu.yield
        }) : () -> ()
        %add3A_723 = arith.constant 1 : i32
        %add3A_724 = arith.addi %mul3A_695, %add3A_723 : i32
        %lt3A_725 = arith.cmpi slt, %add3A_724, %select_n3A : i32
        %convert_element_type3A_726 = arith.extui %lt3A_725 : i1 to i32
        %cond3A_727 = arith.constant 0 : i32
        %cond3A_728 = arith.cmpi ne, %convert_element_type3A_726, %cond3A_727 : i32
        scf.if %cond3A_728 {
          %add3A_730 = arith.constant 2 : i32
          %add3A_731 = arith.addi %mul3A_695, %add3A_730 : i32
          %lt3A_732 = arith.cmpi slt, %add3A_731, %select_n3A : i32
          %convert_element_type3A_733 = arith.extui %lt3A_732 : i1 to i32
          %cond3A_734 = arith.constant 0 : i32
          %cond3A_735 = arith.cmpi ne, %convert_element_type3A_733, %cond3A_734 : i32
          scf.if %cond3A_735 {
            %add3A_759 = arith.constant 2 : i32
            %add3A_760 = arith.addi %mul3A_695, %add3A_759 : i32
            %mul3A_761 = arith.constant 32 : i32
            %mul3A_762 = arith.muli %add3A_760, %mul3A_761 : i32
            %dma_start3A_763 = tpu.memref_slice %arg10[%mul3A_762] : memref<2064xi32, #tpu.memory_space<vmem>> -> memref<32xi32, #tpu.memory_space<vmem>>
            %dma_start3A_764 = arith.constant 0 : i32
            %dma_start3A_765 = arith.constant 0 : i32
            %dma_start3A_766 = tpu.memref_slice %arg2[%dma_start3A_764, %dma_start3A_765] : memref<10000x528xf32, #tpu.memory_space<hbm>> -> memref<10000x528xf32, #tpu.memory_space<hbm>>
            tpu.enqueue_indirect_dma source(%dma_start3A_766 : memref<10000x528xf32, #tpu.memory_space<hbm>>) target(%arg14 : memref<32x528xf32, #tpu.memory_space<vmem>>) offsets(%dma_start3A_763 : memref<32xi32, #tpu.memory_space<vmem>>) semaphore(%arg17 : memref<!tpu.dma_semaphore, #tpu.memory_space<semaphore_mem>>)
          } else {
          }
          %add3A_736 = arith.constant 1 : i32
          %add3A_737 = arith.addi %mul3A_695, %add3A_736 : i32
          %mul3A_738 = arith.constant 32 : i32
          %mul3A_739 = arith.muli %add3A_737, %mul3A_738 : i32
          %add3A_740 = arith.constant 0 : i32
          %add3A_741 = arith.addi %mul3A_739, %add3A_740 : i32
          %get3A_742 = arith.index_cast %add3A_741 : i32 to index
          %get3A_743 = tpu.vector_load %arg11[%get3A_742] {strides = array<i32>} : memref<2064xi32, #tpu.memory_space<vmem>>, vector<16xi32>,
          %swap3A_744 = arith.constant 0 : index
          %swap3A_745 = tpu.vector_load %arg13[%swap3A_744] {strides = array<i32>} : memref<32xi32, #tpu.memory_space<vmem>>, vector<16xi32>,
          tpu.vector_store %arg13[%swap3A_744], %get3A_743 {strides = array<i32>} : memref<32xi32, #tpu.memory_space<vmem>>, vector<16xi32>,
          %mul3A_746 = arith.constant 32 : i32
          %mul3A_747 = arith.muli %add3A_737, %mul3A_746 : i32
          %add3A_748 = arith.constant 16 : i32
          %add3A_749 = arith.addi %mul3A_747, %add3A_748 : i32
          %get3A_750 = arith.index_cast %add3A_749 : i32 to index
          %get3A_751 = tpu.vector_load %arg11[%get3A_750] {strides = array<i32>} : memref<2064xi32, #tpu.memory_space<vmem>>, vector<16xi32>,
          %swap3A_752 = arith.constant 16 : index
          %swap3A_753 = tpu.vector_load %arg13[%swap3A_752] {strides = array<i32>} : memref<32xi32, #tpu.memory_space<vmem>>, vector<16xi32>,
          tpu.vector_store %arg13[%swap3A_752], %get3A_751 {strides = array<i32>} : memref<32xi32, #tpu.memory_space<vmem>>, vector<16xi32>,
          %dma_wait3A_754 = arith.constant 0 : i32
          %dma_wait3A_755 = tpu.memref_slice %arg10[%dma_wait3A_754] : memref<2064xi32, #tpu.memory_space<vmem>> -> memref<32xi32, #tpu.memory_space<vmem>>
          %dma_wait3A_756 = arith.constant 0 : i32
          %dma_wait3A_757 = arith.constant 0 : i32
          %dma_wait3A_758 = tpu.memref_slice %arg2[%dma_wait3A_756, %dma_wait3A_757] : memref<10000x528xf32, #tpu.memory_space<hbm>> -> memref<10000x528xf32, #tpu.memory_space<hbm>>
          tpu.wait_indirect_dma semaphore(%arg18 : memref<!tpu.dma_semaphore, #tpu.memory_space<semaphore_mem>>) src(%dma_wait3A_758 : memref<10000x528xf32, #tpu.memory_space<hbm>>) dst(%arg15 : memref<32x528xf32, #tpu.memory_space<vmem>>)
          "tpu.region"() ({
            %run_scoped3A = tpu.sem_alloc : memref<!tpu.dma_semaphore, #tpu.memory_space<semaphore_mem>>
            %dma_start3A_759 = arith.constant 0 : i32
            %dma_start3A_760 = arith.constant 0 : i32
            %dma_start3A_761 = tpu.memref_slice %arg16[%dma_start3A_759, %dma_start3A_760] : memref<2568x528xf32, #tpu.memory_space<vmem_shared>> -> memref<2568x528xf32, #tpu.memory_space<vmem_shared>>
            tpu.enqueue_indirect_dma source(%arg15 : memref<32x528xf32, #tpu.memory_space<vmem>>) target(%dma_start3A_761 : memref<2568x528xf32, #tpu.memory_space<vmem_shared>>) offsets(%arg13 : memref<32xi32, #tpu.memory_space<vmem>>) semaphore(%run_scoped3A : memref<!tpu.dma_semaphore, #tpu.memory_space<semaphore_mem>>) {add = true}
            %dma_wait3A_762 = arith.constant 0 : i32
            %dma_wait3A_763 = arith.constant 0 : i32
            %dma_wait3A_764 = tpu.memref_slice %arg16[%dma_wait3A_762, %dma_wait3A_763] : memref<2568x528xf32, #tpu.memory_space<vmem_shared>> -> memref<2568x528xf32, #tpu.memory_space<vmem_shared>>
            tpu.wait_indirect_dma semaphore(%run_scoped3A : memref<!tpu.dma_semaphore, #tpu.memory_space<semaphore_mem>>) src(%arg15 : memref<32x528xf32, #tpu.memory_space<vmem>>) dst(%dma_wait3A_764 : memref<2568x528xf32, #tpu.memory_space<vmem_shared>>)
            tpu.yield
          }) : () -> ()
        } else {
        }
        %while3A_729 = arith.constant 0 : i32
        scf.yield %while3A_729 : i32
      }
      %while3A_119 = arith.constant 1 : i32
      %while3A_120 = scf.for %while3A_692 = %while3A_116 to %while3A_112 step %while3A_119 iter_args(%while3A_693 = %while3A_118) -> (i32)  : i32 {
        %mul3A_694 = arith.constant 2 : i32
        %mul3A_695 = arith.muli %mul3A_694, %while3A_692 : i32
        %add3A_696 = arith.constant 1 : i32
        %add3A_697 = arith.addi %mul3A_695, %add3A_696 : i32
        %lt3A_698 = arith.cmpi slt, %add3A_697, %select_n3A : i32
        %convert_element_type3A_699 = arith.extui %lt3A_698 : i1 to i32
        %cond3A_700 = arith.constant 0 : i32
        %cond3A_701 = arith.cmpi ne, %convert_element_type3A_699, %cond3A_700 : i32
        scf.if %cond3A_701 {
          %add3A_730 = arith.constant 1 : i32
          %add3A_731 = arith.addi %mul3A_695, %add3A_730 : i32
          %mul3A_732 = arith.constant 32 : i32
          %mul3A_733 = arith.muli %add3A_731, %mul3A_732 : i32
          %dma_start3A_734 = tpu.memref_slice %arg10[%mul3A_733] : memref<2064xi32, #tpu.memory_space<vmem>> -> memref<32xi32, #tpu.memory_space<vmem>>
          %dma_start3A_735 = arith.constant 0 : i32
          %dma_start3A_736 = arith.constant 0 : i32
          %dma_start3A_737 = tpu.memref_slice %arg2[%dma_start3A_735, %dma_start3A_736] : memref<10000x528xf32, #tpu.memory_space<hbm>> -> memref<10000x528xf32, #tpu.memory_space<hbm>>
          tpu.enqueue_indirect_dma source(%dma_start3A_737 : memref<10000x528xf32, #tpu.memory_space<hbm>>) target(%arg15 : memref<32x528xf32, #tpu.memory_space<vmem>>) offsets(%dma_start3A_734 : memref<32xi32, #tpu.memory_space<vmem>>) semaphore(%arg18 : memref<!tpu.dma_semaphore, #tpu.memory_space<semaphore_mem>>)
        } else {
        }
        %mul3A_702 = arith.constant 32 : i32
        %mul3A_703 = arith.muli %mul3A_695, %mul3A_702 : i32
        %add3A_704 = arith.constant 0 : i32
        %add3A_705 = arith.addi %mul3A_703, %add3A_704 : i32
        %get3A_706 = arith.index_cast %add3A_705 : i32 to index
        %get3A_707 = tpu.vector_load %arg11[%get3A_706] {strides = array<i32>} : memref<2064xi32, #tpu.memory_space<vmem>>, vector<16xi32>,
        %swap3A_708 = arith.constant 0 : index
        %swap3A_709 = tpu.vector_load %arg12[%swap3A_708] {strides = array<i32>} : memref<32xi32, #tpu.memory_space<vmem>>, vector<16xi32>,
        tpu.vector_store %arg12[%swap3A_708], %get3A_707 {strides = array<i32>} : memref<32xi32, #tpu.memory_space<vmem>>, vector<16xi32>,
        %mul3A_710 = arith.constant 32 : i32
        %mul3A_711 = arith.muli %mul3A_695, %mul3A_710 : i32
        %add3A_712 = arith.constant 16 : i32
        %add3A_713 = arith.addi %mul3A_711, %add3A_712 : i32
        %get3A_714 = arith.index_cast %add3A_713 : i32 to index
        %get3A_715 = tpu.vector_load %arg11[%get3A_714] {strides = array<i32>} : memref<2064xi32, #tpu.memory_space<vmem>>, vector<16xi32>,
        %swap3A_716 = arith.constant 16 : index
        %swap3A_717 = tpu.vector_load %arg12[%swap3A_716] {strides = array<i32>} : memref<32xi32, #tpu.memory_space<vmem>>, vector<16xi32>,
        tpu.vector_store %arg12[%swap3A_716], %get3A_715 {strides = array<i32>} : memref<32xi32, #tpu.memory_space<vmem>>, vector<16xi32>,
        %dma_wait3A_718 = arith.constant 0 : i32
        %dma_wait3A_719 = tpu.memref_slice %arg10[%dma_wait3A_718] : memref<2064xi32, #tpu.memory_space<vmem>> -> memref<32xi32, #tpu.memory_space<vmem>>
        %dma_wait3A_720 = arith.constant 0 : i32
        %dma_wait3A_721 = arith.constant 0 : i32
        %dma_wait3A_722 = tpu.memref_slice %arg2[%dma_wait3A_720, %dma_wait3A_721] : memref<10000x528xf32, #tpu.memory_space<hbm>> -> memref<10000x528xf32, #tpu.memory_space<hbm>>
        tpu.wait_indirect_dma semaphore(%arg17 : memref<!tpu.dma_semaphore, #tpu.memory_space<semaphore_mem>>) src(%dma_wait3A_722 : memref<10000x528xf32, #tpu.memory_space<hbm>>) dst(%arg14 : memref<32x528xf32, #tpu.memory_space<vmem>>)
        "tpu.region"() ({
          %run_scoped3A = tpu.sem_alloc : memref<!tpu.dma_semaphore, #tpu.memory_space<semaphore_mem>>
          %dma_start3A_730 = arith.constant 0 : i32
          %dma_start3A_731 = arith.constant 0 : i32
          %dma_start3A_732 = tpu.memref_slice %arg16[%dma_start3A_730, %dma_start3A_731] : memref<2568x528xf32, #tpu.memory_space<vmem_shared>> -> memref<2568x528xf32, #tpu.memory_space<vmem_shared>>
          tpu.enqueue_indirect_dma source(%arg14 : memref<32x528xf32, #tpu.memory_space<vmem>>) target(%dma_start3A_732 : memref<2568x528xf32, #tpu.memory_space<vmem_shared>>) offsets(%arg12 : memref<32xi32, #tpu.memory_space<vmem>>) semaphore(%run_scoped3A : memref<!tpu.dma_semaphore, #tpu.memory_space<semaphore_mem>>) {add = true}
          %dma_wait3A_733 = arith.constant 0 : i32
          %dma_wait3A_734 = arith.constant 0 : i32
          %dma_wait3A_735 = tpu.memref_slice %arg16[%dma_wait3A_733, %dma_wait3A_734] : memref<2568x528xf32, #tpu.memory_space<vmem_shared>> -> memref<2568x528xf32, #tpu.memory_space<vmem_shared>>
          tpu.wait_indirect_dma semaphore(%run_scoped3A : memref<!tpu.dma_semaphore, #tpu.memory_space<semaphore_mem>>) src(%arg14 : memref<32x528xf32, #tpu.memory_space<vmem>>) dst(%dma_wait3A_735 : memref<2568x528xf32, #tpu.memory_space<vmem_shared>>)
          tpu.yield
        }) : () -> ()
        %add3A_723 = arith.constant 1 : i32
        %add3A_724 = arith.addi %mul3A_695, %add3A_723 : i32
        %lt3A_725 = arith.cmpi slt, %add3A_724, %select_n3A : i32
        %convert_element_type3A_726 = arith.extui %lt3A_725 : i1 to i32
        %cond3A_727 = arith.constant 0 : i32
        %cond3A_728 = arith.cmpi ne, %convert_element_type3A_726, %cond3A_727 : i32
        scf.if %cond3A_728 {
          %add3A_730 = arith.constant 2 : i32
          %add3A_731 = arith.addi %mul3A_695, %add3A_730 : i32
          %lt3A_732 = arith.cmpi slt, %add3A_731, %select_n3A : i32
          %convert_element_type3A_733 = arith.extui %lt3A_732 : i1 to i32
          %cond3A_734 = arith.constant 0 : i32
          %cond3A_735 = arith.cmpi ne, %convert_element_type3A_733, %cond3A_734 : i32
          scf.if %cond3A_735 {
            %add3A_759 = arith.constant 2 : i32
            %add3A_760 = arith.addi %mul3A_695, %add3A_759 : i32
            %mul3A_761 = arith.constant 32 : i32
            %mul3A_762 = arith.muli %add3A_760, %mul3A_761 : i32
            %dma_start3A_763 = tpu.memref_slice %arg10[%mul3A_762] : memref<2064xi32, #tpu.memory_space<vmem>> -> memref<32xi32, #tpu.memory_space<vmem>>
            %dma_start3A_764 = arith.constant 0 : i32
            %dma_start3A_765 = arith.constant 0 : i32
            %dma_start3A_766 = tpu.memref_slice %arg2[%dma_start3A_764, %dma_start3A_765] : memref<10000x528xf32, #tpu.memory_space<hbm>> -> memref<10000x528xf32, #tpu.memory_space<hbm>>
            tpu.enqueue_indirect_dma source(%dma_start3A_766 : memref<10000x528xf32, #tpu.memory_space<hbm>>) target(%arg14 : memref<32x528xf32, #tpu.memory_space<vmem>>) offsets(%dma_start3A_763 : memref<32xi32, #tpu.memory_space<vmem>>) semaphore(%arg17 : memref<!tpu.dma_semaphore, #tpu.memory_space<semaphore_mem>>)
          } else {
          }
          %add3A_736 = arith.constant 1 : i32
          %add3A_737 = arith.addi %mul3A_695, %add3A_736 : i32
          %mul3A_738 = arith.constant 32 : i32
          %mul3A_739 = arith.muli %add3A_737, %mul3A_738 : i32
          %add3A_740 = arith.constant 0 : i32
          %add3A_741 = arith.addi %mul3A_739, %add3A_740 : i32
          %get3A_742 = arith.index_cast %add3A_741 : i32 to index
          %get3A_743 = tpu.vector_load %arg11[%get3A_742] {strides = array<i32>} : memref<2064xi32, #tpu.memory_space<vmem>>, vector<16xi32>,
          %swap3A_744 = arith.constant 0 : index
          %swap3A_745 = tpu.vector_load %arg13[%swap3A_744] {strides = array<i32>} : memref<32xi32, #tpu.memory_space<vmem>>, vector<16xi32>,
          tpu.vector_store %arg13[%swap3A_744], %get3A_743 {strides = array<i32>} : memref<32xi32, #tpu.memory_space<vmem>>, vector<16xi32>,
          %mul3A_746 = arith.constant 32 : i32
          %mul3A_747 = arith.muli %add3A_737, %mul3A_746 : i32
          %add3A_748 = arith.constant 16 : i32
          %add3A_749 = arith.addi %mul3A_747, %add3A_748 : i32
          %get3A_750 = arith.index_cast %add3A_749 : i32 to index
          %get3A_751 = tpu.vector_load %arg11[%get3A_750] {strides = array<i32>} : memref<2064xi32, #tpu.memory_space<vmem>>, vector<16xi32>,
          %swap3A_752 = arith.constant 16 : index
          %swap3A_753 = tpu.vector_load %arg13[%swap3A_752] {strides = array<i32>} : memref<32xi32, #tpu.memory_space<vmem>>, vector<16xi32>,
          tpu.vector_store %arg13[%swap3A_752], %get3A_751 {strides = array<i32>} : memref<32xi32, #tpu.memory_space<vmem>>, vector<16xi32>,
          %dma_wait3A_754 = arith.constant 0 : i32
          %dma_wait3A_755 = tpu.memref_slice %arg10[%dma_wait3A_754] : memref<2064xi32, #tpu.memory_space<vmem>> -> memref<32xi32, #tpu.memory_space<vmem>>
          %dma_wait3A_756 = arith.constant 0 : i32
          %dma_wait3A_757 = arith.constant 0 : i32
          %dma_wait3A_758 = tpu.memref_slice %arg2[%dma_wait3A_756, %dma_wait3A_757] : memref<10000x528xf32, #tpu.memory_space<hbm>> -> memref<10000x528xf32, #tpu.memory_space<hbm>>
          tpu.wait_indirect_dma semaphore(%arg18 : memref<!tpu.dma_semaphore, #tpu.memory_space<semaphore_mem>>) src(%dma_wait3A_758 : memref<10000x528xf32, #tpu.memory_space<hbm>>) dst(%arg15 : memref<32x528xf32, #tpu.memory_space<vmem>>)
          "tpu.region"() ({
            %run_scoped3A = tpu.sem_alloc : memref<!tpu.dma_semaphore, #tpu.memory_space<semaphore_mem>>
            %dma_start3A_759 = arith.constant 0 : i32
            %dma_start3A_760 = arith.constant 0 : i32
            %dma_start3A_761 = tpu.memref_slice %arg16[%dma_start3A_759, %dma_start3A_760] : memref<2568x528xf32, #tpu.memory_space<vmem_shared>> -> memref<2568x528xf32, #tpu.memory_space<vmem_shared>>
            tpu.enqueue_indirect_dma source(%arg15 : memref<32x528xf32, #tpu.memory_space<vmem>>) target(%dma_start3A_761 : memref<2568x528xf32, #tpu.memory_space<vmem_shared>>) offsets(%arg13 : memref<32xi32, #tpu.memory_space<vmem>>) semaphore(%run_scoped3A : memref<!tpu.dma_semaphore, #tpu.memory_space<semaphore_mem>>) {add = true}
            %dma_wait3A_762 = arith.constant 0 : i32
            %dma_wait3A_763 = arith.constant 0 : i32
            %dma_wait3A_764 = tpu.memref_slice %arg16[%dma_wait3A_762, %dma_wait3A_763] : memref<2568x528xf32, #tpu.memory_space<vmem_shared>> -> memref<2568x528xf32, #tpu.memory_space<vmem_shared>>
            tpu.wait_indirect_dma semaphore(%run_scoped3A : memref<!tpu.dma_semaphore, #tpu.memory_space<semaphore_mem>>) src(%arg15 : memref<32x528xf32, #tpu.memory_space<vmem>>) dst(%dma_wait3A_764 : memref<2568x528xf32, #tpu.memory_space<vmem_shared>>)
            tpu.yield
          }) : () -> ()
        } else {
        }
        %while3A_729 = arith.constant 0 : i32
        scf.yield %while3A_729 : i32
      }
      %mul3A_121 = arith.constant 32 : i32
      %mul3A_122 = arith.muli %select_n3A, %mul3A_121 : i32
      %add3A_123 = arith.constant 0 : i32
      %add3A_124 = arith.addi %mul3A_122, %add3A_123 : i32
      %get3A = arith.index_cast %add3A_124 : i32 to index
      %get3A_125 = tpu.vector_load %arg10[%get3A] {strides = array<i32>} : memref<2064xi32, #tpu.memory_space<vmem>>, vector<16xi32>,
      %add3A_126 = arith.constant 0 : i32
      %add3A_127 = arith.addi %mul3A_122, %add3A_126 : i32
      %get3A_128 = arith.index_cast %add3A_127 : i32 to index
      %get3A_129 = tpu.vector_load %arg11[%get3A_128] {strides = array<i32>} : memref<2064xi32, #tpu.memory_space<vmem>>, vector<16xi32>,
      %swap3A = arith.constant 0 : index
      %swap3A_130 = tpu.vector_load %arg10[%swap3A] {strides = array<i32>} : memref<2064xi32, #tpu.memory_space<vmem>>, vector<16xi32>,
      tpu.vector_store %arg10[%swap3A], %get3A_125 {strides = array<i32>} : memref<2064xi32, #tpu.memory_space<vmem>>, vector<16xi32>,
      %swap3A_131 = arith.constant 0 : index
      %swap3A_132 = tpu.vector_load %arg11[%swap3A_131] {strides = array<i32>} : memref<2064xi32, #tpu.memory_space<vmem>>, vector<16xi32>,
      tpu.vector_store %arg11[%swap3A_131], %get3A_129 {strides = array<i32>} : memref<2064xi32, #tpu.memory_space<vmem>>, vector<16xi32>,
      %add3A_133 = arith.constant 16 : i32
      %add3A_134 = arith.addi %mul3A_122, %add3A_133 : i32
      %get3A_135 = arith.index_cast %add3A_134 : i32 to index
      %get3A_136 = tpu.vector_load %arg10[%get3A_135] {strides = array<i32>} : memref<2064xi32, #tpu.memory_space<vmem>>, vector<16xi32>,
      %add3A_137 = arith.constant 16 : i32
      %add3A_138 = arith.addi %mul3A_122, %add3A_137 : i32
      %get3A_139 = arith.index_cast %add3A_138 : i32 to index
      %get3A_140 = tpu.vector_load %arg11[%get3A_139] {strides = array<i32>} : memref<2064xi32, #tpu.memory_space<vmem>>, vector<16xi32>,
      %swap3A_141 = arith.constant 16 : index
      %swap3A_142 = tpu.vector_load %arg10[%swap3A_141] {strides = array<i32>} : memref<2064xi32, #tpu.memory_space<vmem>>, vector<16xi32>,
      tpu.vector_store %arg10[%swap3A_141], %get3A_136 {strides = array<i32>} : memref<2064xi32, #tpu.memory_space<vmem>>, vector<16xi32>,
      %swap3A_143 = arith.constant 16 : index
      %swap3A_144 = tpu.vector_load %arg11[%swap3A_143] {strides = array<i32>} : memref<2064xi32, #tpu.memory_space<vmem>>, vector<16xi32>,
      tpu.vector_store %arg11[%swap3A_143], %get3A_140 {strides = array<i32>} : memref<2064xi32, #tpu.memory_space<vmem>>, vector<16xi32>,
      %sub3A_145 = arith.subi %scan3A_64, %mul3A_122 : i32
      %add3A_146 = arith.constant 4000 : i32
      %add3A_147 = arith.addi %mul3A_0, %add3A_146 : i32
      %dma_start3A_148 = tpu.memref_slice %arg3[%add3A_147] : memref<160000xi32, #tpu.memory_space<hbm>> -> memref<2000xi32, #tpu.memory_space<hbm>>
      %dma_start3A_149 = tpu.memref_slice %arg3[%add3A_147] : memref<160000xi32, #tpu.memory_space<hbm>> -> memref<2000xi32, #tpu.memory_space<hbm>>
      tpu.enqueue_dma source(%dma_start3A_149 : memref<2000xi32, #tpu.memory_space<hbm>>) target(%arg6 : memref<2000xi32, #tpu.memory_space<vmem>>) target_semaphore(%arg19 : memref<!tpu.dma_semaphore, #tpu.memory_space<semaphore_mem>>)
      %add3A_150 = arith.constant 4000 : i32
      %add3A_151 = arith.addi %mul3A_0, %add3A_150 : i32
      %dma_start3A_152 = tpu.memref_slice %arg4[%add3A_151] : memref<160000xi32, #tpu.memory_space<hbm>> -> memref<2000xi32, #tpu.memory_space<hbm>>
      %dma_start3A_153 = tpu.memref_slice %arg4[%add3A_151] : memref<160000xi32, #tpu.memory_space<hbm>> -> memref<2000xi32, #tpu.memory_space<hbm>>
      tpu.enqueue_dma source(%dma_start3A_153 : memref<2000xi32, #tpu.memory_space<hbm>>) target(%arg7 : memref<2000xi32, #tpu.memory_space<vmem>>) target_semaphore(%arg19 : memref<!tpu.dma_semaphore, #tpu.memory_space<semaphore_mem>>)
      %dma_wait3A_154 = tpu.memref_slice %arg3[%mul3A_0] : memref<160000xi32, #tpu.memory_space<hbm>> -> memref<2000xi32, #tpu.memory_space<hbm>>
      %dma_wait3A_155 = tpu.memref_slice %arg3[%mul3A_0] : memref<160000xi32, #tpu.memory_space<hbm>> -> memref<2000xi32, #tpu.memory_space<hbm>>
      tpu.wait_dma2 semaphore(%arg20 : memref<!tpu.dma_semaphore, #tpu.memory_space<semaphore_mem>>) src(%dma_wait3A_155 : memref<2000xi32, #tpu.memory_space<hbm>>) dst(%arg8 : memref<2000xi32, #tpu.memory_space<vmem>>)
      %dma_wait3A_156 = tpu.memref_slice %arg4[%mul3A_0] : memref<160000xi32, #tpu.memory_space<hbm>> -> memref<2000xi32, #tpu.memory_space<hbm>>
      %dma_wait3A_157 = tpu.memref_slice %arg4[%mul3A_0] : memref<160000xi32, #tpu.memory_space<hbm>> -> memref<2000xi32, #tpu.memory_space<hbm>>
      tpu.wait_dma2 semaphore(%arg20 : memref<!tpu.dma_semaphore, #tpu.memory_space<semaphore_mem>>) src(%dma_wait3A_157 : memref<2000xi32, #tpu.memory_space<hbm>>) dst(%arg9 : memref<2000xi32, #tpu.memory_space<vmem>>)
      %scan3A_158 = arith.constant 0 : i32
      %scan3A_159 = arith.constant 125 : i32
      %scan3A_160 = arith.addi %scan3A_158, %scan3A_159 : i32
      %scan3A_161 = arith.constant 1 : i32
      %scan3A_162 = scf.for %scan3A_692 = %scan3A_158 to %scan3A_160 step %scan3A_161 iter_args(%scan3A_693 = %sub3A_145) -> (i32)  : i32 {
        %mul3A_694 = arith.constant 16 : i32
        %mul3A_695 = arith.muli %scan3A_692, %mul3A_694 : i32
        %get3A_696 = arith.index_cast %mul3A_695 : i32 to index
        %get3A_697 = tpu.vector_load %arg8[%get3A_696] {strides = array<i32>} : memref<2000xi32, #tpu.memory_space<vmem>>, vector<16xi32>,
        %mul3A_698 = arith.constant 16 : i32
        %mul3A_699 = arith.muli %scan3A_692, %mul3A_698 : i32
        %get3A_700 = arith.index_cast %mul3A_699 : i32 to index
        %get3A_701 = tpu.vector_load %arg9[%get3A_700] {strides = array<i32>} : memref<2000xi32, #tpu.memory_space<vmem>>, vector<16xi32>,
        %sub3A_702 = vector.broadcast %mul3A_13 : i32 to vector<16xi32>
        %sub3A_703 = arith.subi %get3A_701, %sub3A_702 : vector<16xi32>
        %ge3A = arith.constant 0 : i32
        %ge3A_704 = vector.broadcast %ge3A : i32 to vector<16xi32>
        %ge3A_705 = arith.cmpi sge, %sub3A_703, %ge3A_704 : vector<16xi32>
        %lt3A_706 = arith.constant 2560 : i32
        %lt3A_707 = vector.broadcast %lt3A_706 : i32 to vector<16xi32>
        %lt3A_708 = arith.cmpi slt, %sub3A_703, %lt3A_707 : vector<16xi32>
        %and3A_709 = arith.andi %ge3A_705, %lt3A_708 : vector<16xi1>
        %swap3A_710 = arith.index_cast %scan3A_693 : i32 to index
        %swap3A_711 = tpu.vector_load %arg10[%swap3A_710] masked %and3A_709 {strides = array<i32>} : memref<2064xi32, #tpu.memory_space<vmem>>, vector<16xi32>, vector<16xi1>
        tpu.vector_store %arg10[%swap3A_710], %get3A_697 masked %and3A_709 {strides = array<i32>} : memref<2064xi32, #tpu.memory_space<vmem>>, vector<16xi32>, vector<16xi1>
        %swap3A_712 = arith.index_cast %scan3A_693 : i32 to index
        %swap3A_713 = tpu.vector_load %arg11[%swap3A_712] masked %and3A_709 {strides = array<i32>} : memref<2064xi32, #tpu.memory_space<vmem>>, vector<16xi32>, vector<16xi1>
        tpu.vector_store %arg11[%swap3A_712], %sub3A_703 masked %and3A_709 {strides = array<i32>} : memref<2064xi32, #tpu.memory_space<vmem>>, vector<16xi32>, vector<16xi1>
        %all_reduce_population_count3A = tpu.all_reduce %and3A_709 {dim = 0 : i64, kind = #tpu.reduction_kind<sum>} : vector<16xi1> -> vector<16xi32>
        %slice3A = vector.extract_strided_slice %all_reduce_population_count3A {offsets = [0], sizes = [1], strides = [1]} : vector<16xi32> to vector<1xi32>
        %squeeze3A = vector.extract %slice3A[0] : i32 from vector<1xi32>
        %add3A_714 = arith.addi %scan3A_693, %squeeze3A : i32
        scf.yield %add3A_714 : i32
      }
      %scan3A_163 = arith.constant 125 : i32
      %jit3A_164 = arith.constant 32 : i32
      %div3A_165 = arith.divsi %scan3A_162, %jit3A_164 : i32
      %sign3A_166 = arith.constant 0 : i32
      %sign3A_167 = arith.cmpi sgt, %scan3A_162, %sign3A_166 : i32
      %sign3A_168 = arith.extui %sign3A_167 : i1 to i32
      %sign3A_169 = arith.constant 0 : i32
      %sign3A_170 = arith.cmpi slt, %scan3A_162, %sign3A_169 : i32
      %sign3A_171 = arith.extui %sign3A_170 : i1 to i32
      %sign3A_172 = arith.subi %sign3A_168, %sign3A_171 : i32
      %sign3A_173 = arith.constant 0 : i32
      %sign3A_174 = arith.cmpi sgt, %jit3A_164, %sign3A_173 : i32
      %sign3A_175 = arith.extui %sign3A_174 : i1 to i32
      %sign3A_176 = arith.constant 0 : i32
      %sign3A_177 = arith.cmpi slt, %jit3A_164, %sign3A_176 : i32
      %sign3A_178 = arith.extui %sign3A_177 : i1 to i32
      %sign3A_179 = arith.subi %sign3A_175, %sign3A_178 : i32
      %ne3A_180 = arith.cmpi ne, %sign3A_172, %sign3A_179 : i32
      %rem3A_181 = arith.remsi %scan3A_162, %jit3A_164 : i32
      %ne3A_182 = arith.constant 0 : i32
      %ne3A_183 = arith.cmpi ne, %rem3A_181, %ne3A_182 : i32
      %and3A_184 = arith.andi %ne3A_180, %ne3A_183 : i1
      %sub3A_185 = arith.constant 1 : i32
      %sub3A_186 = arith.subi %div3A_165, %sub3A_185 : i32
      %select_n3A_187 = arith.select %and3A_184, %sub3A_186, %div3A_165 : i32
      %gt3A_188 = arith.constant 0 : i32
      %gt3A_189 = arith.cmpi sgt, %select_n3A_187, %gt3A_188 : i32
      %convert_element_type3A_190 = arith.extui %gt3A_189 : i1 to i32
      %cond3A_191 = arith.constant 0 : i32
      %cond3A_192 = arith.cmpi ne, %convert_element_type3A_190, %cond3A_191 : i32
      scf.if %cond3A_192 {
        %dma_start3A_692 = arith.constant 0 : i32
        %dma_start3A_693 = tpu.memref_slice %arg10[%dma_start3A_692] : memref<2064xi32, #tpu.memory_space<vmem>> -> memref<32xi32, #tpu.memory_space<vmem>>
        %dma_start3A_694 = arith.constant 0 : i32
        %dma_start3A_695 = arith.constant 0 : i32
        %dma_start3A_696 = tpu.memref_slice %arg2[%dma_start3A_694, %dma_start3A_695] : memref<10000x528xf32, #tpu.memory_space<hbm>> -> memref<10000x528xf32, #tpu.memory_space<hbm>>
        tpu.enqueue_indirect_dma source(%dma_start3A_696 : memref<10000x528xf32, #tpu.memory_space<hbm>>) target(%arg14 : memref<32x528xf32, #tpu.memory_space<vmem>>) offsets(%dma_start3A_693 : memref<32xi32, #tpu.memory_space<vmem>>) semaphore(%arg17 : memref<!tpu.dma_semaphore, #tpu.memory_space<semaphore_mem>>)
      } else {
      }
      %add3A_193 = arith.constant 1 : i32
      %add3A_194 = arith.addi %select_n3A_187, %add3A_193 : i32
      %jit3A_195 = arith.constant 2 : i32
      %div3A_196 = arith.divsi %add3A_194, %jit3A_195 : i32
      %sign3A_197 = arith.constant 0 : i32
      %sign3A_198 = arith.cmpi sgt, %add3A_194, %sign3A_197 : i32
      %sign3A_199 = arith.extui %sign3A_198 : i1 to i32
      %sign3A_200 = arith.constant 0 : i32
      %sign3A_201 = arith.cmpi slt, %add3A_194, %sign3A_200 : i32
      %sign3A_202 = arith.extui %sign3A_201 : i1 to i32
      %sign3A_203 = arith.subi %sign3A_199, %sign3A_202 : i32
      %sign3A_204 = arith.constant 0 : i32
      %sign3A_205 = arith.cmpi sgt, %jit3A_195, %sign3A_204 : i32
      %sign3A_206 = arith.extui %sign3A_205 : i1 to i32
      %sign3A_207 = arith.constant 0 : i32
      %sign3A_208 = arith.cmpi slt, %jit3A_195, %sign3A_207 : i32
      %sign3A_209 = arith.extui %sign3A_208 : i1 to i32
      %sign3A_210 = arith.subi %sign3A_206, %sign3A_209 : i32
      %ne3A_211 = arith.cmpi ne, %sign3A_203, %sign3A_210 : i32
      %rem3A_212 = arith.remsi %add3A_194, %jit3A_195 : i32
      %ne3A_213 = arith.constant 0 : i32
      %ne3A_214 = arith.cmpi ne, %rem3A_212, %ne3A_213 : i32
      %and3A_215 = arith.andi %ne3A_211, %ne3A_214 : i1
      %sub3A_216 = arith.constant 1 : i32
      %sub3A_217 = arith.subi %div3A_196, %sub3A_216 : i32
      %select_n3A_218 = arith.select %and3A_215, %sub3A_217, %div3A_196 : i32
      %while3A_219 = arith.constant 0 : i32
      %while3A_220 = arith.constant 0 : i32
      %while3A_221 = arith.subi %select_n3A_218, %while3A_219 : i32
      %while3A_222 = arith.addi %while3A_219, %while3A_221 : i32
      %while3A_223 = arith.constant 1 : i32
      %while3A_224 = arith.divsi %while3A_221, %while3A_223 : i32
      %while3A_225 = arith.muli %while3A_224, %while3A_223 : i32
      %while3A_226 = arith.addi %while3A_219, %while3A_225 : i32
      %while3A_227 = arith.constant 1 : i32
      %while3A_228 = scf.for %while3A_692 = %while3A_219 to %while3A_226 step %while3A_227 iter_args(%while3A_693 = %while3A_220) -> (i32)  : i32 {
        %mul3A_694 = arith.constant 2 : i32
        %mul3A_695 = arith.muli %mul3A_694, %while3A_692 : i32
        %add3A_696 = arith.constant 1 : i32
        %add3A_697 = arith.addi %mul3A_695, %add3A_696 : i32
        %lt3A_698 = arith.cmpi slt, %add3A_697, %select_n3A_187 : i32
        %convert_element_type3A_699 = arith.extui %lt3A_698 : i1 to i32
        %cond3A_700 = arith.constant 0 : i32
        %cond3A_701 = arith.cmpi ne, %convert_element_type3A_699, %cond3A_700 : i32
        scf.if %cond3A_701 {
          %add3A_730 = arith.constant 1 : i32
          %add3A_731 = arith.addi %mul3A_695, %add3A_730 : i32
          %mul3A_732 = arith.constant 32 : i32
          %mul3A_733 = arith.muli %add3A_731, %mul3A_732 : i32
          %dma_start3A_734 = tpu.memref_slice %arg10[%mul3A_733] : memref<2064xi32, #tpu.memory_space<vmem>> -> memref<32xi32, #tpu.memory_space<vmem>>
          %dma_start3A_735 = arith.constant 0 : i32
          %dma_start3A_736 = arith.constant 0 : i32
          %dma_start3A_737 = tpu.memref_slice %arg2[%dma_start3A_735, %dma_start3A_736] : memref<10000x528xf32, #tpu.memory_space<hbm>> -> memref<10000x528xf32, #tpu.memory_space<hbm>>
          tpu.enqueue_indirect_dma source(%dma_start3A_737 : memref<10000x528xf32, #tpu.memory_space<hbm>>) target(%arg15 : memref<32x528xf32, #tpu.memory_space<vmem>>) offsets(%dma_start3A_734 : memref<32xi32, #tpu.memory_space<vmem>>) semaphore(%arg18 : memref<!tpu.dma_semaphore, #tpu.memory_space<semaphore_mem>>)
        } else {
        }
        %mul3A_702 = arith.constant 32 : i32
        %mul3A_703 = arith.muli %mul3A_695, %mul3A_702 : i32
        %add3A_704 = arith.constant 0 : i32
        %add3A_705 = arith.addi %mul3A_703, %add3A_704 : i32
        %get3A_706 = arith.index_cast %add3A_705 : i32 to index
        %get3A_707 = tpu.vector_load %arg11[%get3A_706] {strides = array<i32>} : memref<2064xi32, #tpu.memory_space<vmem>>, vector<16xi32>,
        %swap3A_708 = arith.constant 0 : index
        %swap3A_709 = tpu.vector_load %arg12[%swap3A_708] {strides = array<i32>} : memref<32xi32, #tpu.memory_space<vmem>>, vector<16xi32>,
        tpu.vector_store %arg12[%swap3A_708], %get3A_707 {strides = array<i32>} : memref<32xi32, #tpu.memory_space<vmem>>, vector<16xi32>,
        %mul3A_710 = arith.constant 32 : i32
        %mul3A_711 = arith.muli %mul3A_695, %mul3A_710 : i32
        %add3A_712 = arith.constant 16 : i32
        %add3A_713 = arith.addi %mul3A_711, %add3A_712 : i32
        %get3A_714 = arith.index_cast %add3A_713 : i32 to index
        %get3A_715 = tpu.vector_load %arg11[%get3A_714] {strides = array<i32>} : memref<2064xi32, #tpu.memory_space<vmem>>, vector<16xi32>,
        %swap3A_716 = arith.constant 16 : index
        %swap3A_717 = tpu.vector_load %arg12[%swap3A_716] {strides = array<i32>} : memref<32xi32, #tpu.memory_space<vmem>>, vector<16xi32>,
        tpu.vector_store %arg12[%swap3A_716], %get3A_715 {strides = array<i32>} : memref<32xi32, #tpu.memory_space<vmem>>, vector<16xi32>,
        %dma_wait3A_718 = arith.constant 0 : i32
        %dma_wait3A_719 = tpu.memref_slice %arg10[%dma_wait3A_718] : memref<2064xi32, #tpu.memory_space<vmem>> -> memref<32xi32, #tpu.memory_space<vmem>>
        %dma_wait3A_720 = arith.constant 0 : i32
        %dma_wait3A_721 = arith.constant 0 : i32
        %dma_wait3A_722 = tpu.memref_slice %arg2[%dma_wait3A_720, %dma_wait3A_721] : memref<10000x528xf32, #tpu.memory_space<hbm>> -> memref<10000x528xf32, #tpu.memory_space<hbm>>
        tpu.wait_indirect_dma semaphore(%arg17 : memref<!tpu.dma_semaphore, #tpu.memory_space<semaphore_mem>>) src(%dma_wait3A_722 : memref<10000x528xf32, #tpu.memory_space<hbm>>) dst(%arg14 : memref<32x528xf32, #tpu.memory_space<vmem>>)
        "tpu.region"() ({
          %run_scoped3A = tpu.sem_alloc : memref<!tpu.dma_semaphore, #tpu.memory_space<semaphore_mem>>
          %dma_start3A_730 = arith.constant 0 : i32
          %dma_start3A_731 = arith.constant 0 : i32
          %dma_start3A_732 = tpu.memref_slice %arg16[%dma_start3A_730, %dma_start3A_731] : memref<2568x528xf32, #tpu.memory_space<vmem_shared>> -> memref<2568x528xf32, #tpu.memory_space<vmem_shared>>
          tpu.enqueue_indirect_dma source(%arg14 : memref<32x528xf32, #tpu.memory_space<vmem>>) target(%dma_start3A_732 : memref<2568x528xf32, #tpu.memory_space<vmem_shared>>) offsets(%arg12 : memref<32xi32, #tpu.memory_space<vmem>>) semaphore(%run_scoped3A : memref<!tpu.dma_semaphore, #tpu.memory_space<semaphore_mem>>) {add = true}
          %dma_wait3A_733 = arith.constant 0 : i32
          %dma_wait3A_734 = arith.constant 0 : i32
          %dma_wait3A_735 = tpu.memref_slice %arg16[%dma_wait3A_733, %dma_wait3A_734] : memref<2568x528xf32, #tpu.memory_space<vmem_shared>> -> memref<2568x528xf32, #tpu.memory_space<vmem_shared>>
          tpu.wait_indirect_dma semaphore(%run_scoped3A : memref<!tpu.dma_semaphore, #tpu.memory_space<semaphore_mem>>) src(%arg14 : memref<32x528xf32, #tpu.memory_space<vmem>>) dst(%dma_wait3A_735 : memref<2568x528xf32, #tpu.memory_space<vmem_shared>>)
          tpu.yield
        }) : () -> ()
        %add3A_723 = arith.constant 1 : i32
        %add3A_724 = arith.addi %mul3A_695, %add3A_723 : i32
        %lt3A_725 = arith.cmpi slt, %add3A_724, %select_n3A_187 : i32
        %convert_element_type3A_726 = arith.extui %lt3A_725 : i1 to i32
        %cond3A_727 = arith.constant 0 : i32
        %cond3A_728 = arith.cmpi ne, %convert_element_type3A_726, %cond3A_727 : i32
        scf.if %cond3A_728 {
          %add3A_730 = arith.constant 2 : i32
          %add3A_731 = arith.addi %mul3A_695, %add3A_730 : i32
          %lt3A_732 = arith.cmpi slt, %add3A_731, %select_n3A_187 : i32
          %convert_element_type3A_733 = arith.extui %lt3A_732 : i1 to i32
          %cond3A_734 = arith.constant 0 : i32
          %cond3A_735 = arith.cmpi ne, %convert_element_type3A_733, %cond3A_734 : i32
          scf.if %cond3A_735 {
            %add3A_759 = arith.constant 2 : i32
            %add3A_760 = arith.addi %mul3A_695, %add3A_759 : i32
            %mul3A_761 = arith.constant 32 : i32
            %mul3A_762 = arith.muli %add3A_760, %mul3A_761 : i32
            %dma_start3A_763 = tpu.memref_slice %arg10[%mul3A_762] : memref<2064xi32, #tpu.memory_space<vmem>> -> memref<32xi32, #tpu.memory_space<vmem>>
            %dma_start3A_764 = arith.constant 0 : i32
            %dma_start3A_765 = arith.constant 0 : i32
            %dma_start3A_766 = tpu.memref_slice %arg2[%dma_start3A_764, %dma_start3A_765] : memref<10000x528xf32, #tpu.memory_space<hbm>> -> memref<10000x528xf32, #tpu.memory_space<hbm>>
            tpu.enqueue_indirect_dma source(%dma_start3A_766 : memref<10000x528xf32, #tpu.memory_space<hbm>>) target(%arg14 : memref<32x528xf32, #tpu.memory_space<vmem>>) offsets(%dma_start3A_763 : memref<32xi32, #tpu.memory_space<vmem>>) semaphore(%arg17 : memref<!tpu.dma_semaphore, #tpu.memory_space<semaphore_mem>>)
          } else {
          }
          %add3A_736 = arith.constant 1 : i32
          %add3A_737 = arith.addi %mul3A_695, %add3A_736 : i32
          %mul3A_738 = arith.constant 32 : i32
          %mul3A_739 = arith.muli %add3A_737, %mul3A_738 : i32
          %add3A_740 = arith.constant 0 : i32
          %add3A_741 = arith.addi %mul3A_739, %add3A_740 : i32
          %get3A_742 = arith.index_cast %add3A_741 : i32 to index
          %get3A_743 = tpu.vector_load %arg11[%get3A_742] {strides = array<i32>} : memref<2064xi32, #tpu.memory_space<vmem>>, vector<16xi32>,
          %swap3A_744 = arith.constant 0 : index
          %swap3A_745 = tpu.vector_load %arg13[%swap3A_744] {strides = array<i32>} : memref<32xi32, #tpu.memory_space<vmem>>, vector<16xi32>,
          tpu.vector_store %arg13[%swap3A_744], %get3A_743 {strides = array<i32>} : memref<32xi32, #tpu.memory_space<vmem>>, vector<16xi32>,
          %mul3A_746 = arith.constant 32 : i32
          %mul3A_747 = arith.muli %add3A_737, %mul3A_746 : i32
          %add3A_748 = arith.constant 16 : i32
          %add3A_749 = arith.addi %mul3A_747, %add3A_748 : i32
          %get3A_750 = arith.index_cast %add3A_749 : i32 to index
          %get3A_751 = tpu.vector_load %arg11[%get3A_750] {strides = array<i32>} : memref<2064xi32, #tpu.memory_space<vmem>>, vector<16xi32>,
          %swap3A_752 = arith.constant 16 : index
          %swap3A_753 = tpu.vector_load %arg13[%swap3A_752] {strides = array<i32>} : memref<32xi32, #tpu.memory_space<vmem>>, vector<16xi32>,
          tpu.vector_store %arg13[%swap3A_752], %get3A_751 {strides = array<i32>} : memref<32xi32, #tpu.memory_space<vmem>>, vector<16xi32>,
          %dma_wait3A_754 = arith.constant 0 : i32
          %dma_wait3A_755 = tpu.memref_slice %arg10[%dma_wait3A_754] : memref<2064xi32, #tpu.memory_space<vmem>> -> memref<32xi32, #tpu.memory_space<vmem>>
          %dma_wait3A_756 = arith.constant 0 : i32
          %dma_wait3A_757 = arith.constant 0 : i32
          %dma_wait3A_758 = tpu.memref_slice %arg2[%dma_wait3A_756, %dma_wait3A_757] : memref<10000x528xf32, #tpu.memory_space<hbm>> -> memref<10000x528xf32, #tpu.memory_space<hbm>>
          tpu.wait_indirect_dma semaphore(%arg18 : memref<!tpu.dma_semaphore, #tpu.memory_space<semaphore_mem>>) src(%dma_wait3A_758 : memref<10000x528xf32, #tpu.memory_space<hbm>>) dst(%arg15 : memref<32x528xf32, #tpu.memory_space<vmem>>)
          "tpu.region"() ({
            %run_scoped3A = tpu.sem_alloc : memref<!tpu.dma_semaphore, #tpu.memory_space<semaphore_mem>>
            %dma_start3A_759 = arith.constant 0 : i32
            %dma_start3A_760 = arith.constant 0 : i32
            %dma_start3A_761 = tpu.memref_slice %arg16[%dma_start3A_759, %dma_start3A_760] : memref<2568x528xf32, #tpu.memory_space<vmem_shared>> -> memref<2568x528xf32, #tpu.memory_space<vmem_shared>>
            tpu.enqueue_indirect_dma source(%arg15 : memref<32x528xf32, #tpu.memory_space<vmem>>) target(%dma_start3A_761 : memref<2568x528xf32, #tpu.memory_space<vmem_shared>>) offsets(%arg13 : memref<32xi32, #tpu.memory_space<vmem>>) semaphore(%run_scoped3A : memref<!tpu.dma_semaphore, #tpu.memory_space<semaphore_mem>>) {add = true}
            %dma_wait3A_762 = arith.constant 0 : i32
            %dma_wait3A_763 = arith.constant 0 : i32
            %dma_wait3A_764 = tpu.memref_slice %arg16[%dma_wait3A_762, %dma_wait3A_763] : memref<2568x528xf32, #tpu.memory_space<vmem_shared>> -> memref<2568x528xf32, #tpu.memory_space<vmem_shared>>
            tpu.wait_indirect_dma semaphore(%run_scoped3A : memref<!tpu.dma_semaphore, #tpu.memory_space<semaphore_mem>>) src(%arg15 : memref<32x528xf32, #tpu.memory_space<vmem>>) dst(%dma_wait3A_764 : memref<2568x528xf32, #tpu.memory_space<vmem_shared>>)
            tpu.yield
          }) : () -> ()
        } else {
        }
        %while3A_729 = arith.constant 0 : i32
        scf.yield %while3A_729 : i32
      }
      %while3A_229 = arith.constant 1 : i32
      %while3A_230 = scf.for %while3A_692 = %while3A_226 to %while3A_222 step %while3A_229 iter_args(%while3A_693 = %while3A_228) -> (i32)  : i32 {
        %mul3A_694 = arith.constant 2 : i32
        %mul3A_695 = arith.muli %mul3A_694, %while3A_692 : i32
        %add3A_696 = arith.constant 1 : i32
        %add3A_697 = arith.addi %mul3A_695, %add3A_696 : i32
        %lt3A_698 = arith.cmpi slt, %add3A_697, %select_n3A_187 : i32
        %convert_element_type3A_699 = arith.extui %lt3A_698 : i1 to i32
        %cond3A_700 = arith.constant 0 : i32
        %cond3A_701 = arith.cmpi ne, %convert_element_type3A_699, %cond3A_700 : i32
        scf.if %cond3A_701 {
          %add3A_730 = arith.constant 1 : i32
          %add3A_731 = arith.addi %mul3A_695, %add3A_730 : i32
          %mul3A_732 = arith.constant 32 : i32
          %mul3A_733 = arith.muli %add3A_731, %mul3A_732 : i32
          %dma_start3A_734 = tpu.memref_slice %arg10[%mul3A_733] : memref<2064xi32, #tpu.memory_space<vmem>> -> memref<32xi32, #tpu.memory_space<vmem>>
          %dma_start3A_735 = arith.constant 0 : i32
          %dma_start3A_736 = arith.constant 0 : i32
          %dma_start3A_737 = tpu.memref_slice %arg2[%dma_start3A_735, %dma_start3A_736] : memref<10000x528xf32, #tpu.memory_space<hbm>> -> memref<10000x528xf32, #tpu.memory_space<hbm>>
          tpu.enqueue_indirect_dma source(%dma_start3A_737 : memref<10000x528xf32, #tpu.memory_space<hbm>>) target(%arg15 : memref<32x528xf32, #tpu.memory_space<vmem>>) offsets(%dma_start3A_734 : memref<32xi32, #tpu.memory_space<vmem>>) semaphore(%arg18 : memref<!tpu.dma_semaphore, #tpu.memory_space<semaphore_mem>>)
        } else {
        }
        %mul3A_702 = arith.constant 32 : i32
        %mul3A_703 = arith.muli %mul3A_695, %mul3A_702 : i32
        %add3A_704 = arith.constant 0 : i32
        %add3A_705 = arith.addi %mul3A_703, %add3A_704 : i32
        %get3A_706 = arith.index_cast %add3A_705 : i32 to index
        %get3A_707 = tpu.vector_load %arg11[%get3A_706] {strides = array<i32>} : memref<2064xi32, #tpu.memory_space<vmem>>, vector<16xi32>,
        %swap3A_708 = arith.constant 0 : index
        %swap3A_709 = tpu.vector_load %arg12[%swap3A_708] {strides = array<i32>} : memref<32xi32, #tpu.memory_space<vmem>>, vector<16xi32>,
        tpu.vector_store %arg12[%swap3A_708], %get3A_707 {strides = array<i32>} : memref<32xi32, #tpu.memory_space<vmem>>, vector<16xi32>,
        %mul3A_710 = arith.constant 32 : i32
        %mul3A_711 = arith.muli %mul3A_695, %mul3A_710 : i32
        %add3A_712 = arith.constant 16 : i32
        %add3A_713 = arith.addi %mul3A_711, %add3A_712 : i32
        %get3A_714 = arith.index_cast %add3A_713 : i32 to index
        %get3A_715 = tpu.vector_load %arg11[%get3A_714] {strides = array<i32>} : memref<2064xi32, #tpu.memory_space<vmem>>, vector<16xi32>,
        %swap3A_716 = arith.constant 16 : index
        %swap3A_717 = tpu.vector_load %arg12[%swap3A_716] {strides = array<i32>} : memref<32xi32, #tpu.memory_space<vmem>>, vector<16xi32>,
        tpu.vector_store %arg12[%swap3A_716], %get3A_715 {strides = array<i32>} : memref<32xi32, #tpu.memory_space<vmem>>, vector<16xi32>,
        %dma_wait3A_718 = arith.constant 0 : i32
        %dma_wait3A_719 = tpu.memref_slice %arg10[%dma_wait3A_718] : memref<2064xi32, #tpu.memory_space<vmem>> -> memref<32xi32, #tpu.memory_space<vmem>>
        %dma_wait3A_720 = arith.constant 0 : i32
        %dma_wait3A_721 = arith.constant 0 : i32
        %dma_wait3A_722 = tpu.memref_slice %arg2[%dma_wait3A_720, %dma_wait3A_721] : memref<10000x528xf32, #tpu.memory_space<hbm>> -> memref<10000x528xf32, #tpu.memory_space<hbm>>
        tpu.wait_indirect_dma semaphore(%arg17 : memref<!tpu.dma_semaphore, #tpu.memory_space<semaphore_mem>>) src(%dma_wait3A_722 : memref<10000x528xf32, #tpu.memory_space<hbm>>) dst(%arg14 : memref<32x528xf32, #tpu.memory_space<vmem>>)
        "tpu.region"() ({
          %run_scoped3A = tpu.sem_alloc : memref<!tpu.dma_semaphore, #tpu.memory_space<semaphore_mem>>
          %dma_start3A_730 = arith.constant 0 : i32
          %dma_start3A_731 = arith.constant 0 : i32
          %dma_start3A_732 = tpu.memref_slice %arg16[%dma_start3A_730, %dma_start3A_731] : memref<2568x528xf32, #tpu.memory_space<vmem_shared>> -> memref<2568x528xf32, #tpu.memory_space<vmem_shared>>
          tpu.enqueue_indirect_dma source(%arg14 : memref<32x528xf32, #tpu.memory_space<vmem>>) target(%dma_start3A_732 : memref<2568x528xf32, #tpu.memory_space<vmem_shared>>) offsets(%arg12 : memref<32xi32, #tpu.memory_space<vmem>>) semaphore(%run_scoped3A : memref<!tpu.dma_semaphore, #tpu.memory_space<semaphore_mem>>) {add = true}
          %dma_wait3A_733 = arith.constant 0 : i32
          %dma_wait3A_734 = arith.constant 0 : i32
          %dma_wait3A_735 = tpu.memref_slice %arg16[%dma_wait3A_733, %dma_wait3A_734] : memref<2568x528xf32, #tpu.memory_space<vmem_shared>> -> memref<2568x528xf32, #tpu.memory_space<vmem_shared>>
          tpu.wait_indirect_dma semaphore(%run_scoped3A : memref<!tpu.dma_semaphore, #tpu.memory_space<semaphore_mem>>) src(%arg14 : memref<32x528xf32, #tpu.memory_space<vmem>>) dst(%dma_wait3A_735 : memref<2568x528xf32, #tpu.memory_space<vmem_shared>>)
          tpu.yield
        }) : () -> ()
        %add3A_723 = arith.constant 1 : i32
        %add3A_724 = arith.addi %mul3A_695, %add3A_723 : i32
        %lt3A_725 = arith.cmpi slt, %add3A_724, %select_n3A_187 : i32
        %convert_element_type3A_726 = arith.extui %lt3A_725 : i1 to i32
        %cond3A_727 = arith.constant 0 : i32
        %cond3A_728 = arith.cmpi ne, %convert_element_type3A_726, %cond3A_727 : i32
        scf.if %cond3A_728 {
          %add3A_730 = arith.constant 2 : i32
          %add3A_731 = arith.addi %mul3A_695, %add3A_730 : i32
          %lt3A_732 = arith.cmpi slt, %add3A_731, %select_n3A_187 : i32
          %convert_element_type3A_733 = arith.extui %lt3A_732 : i1 to i32
          %cond3A_734 = arith.constant 0 : i32
          %cond3A_735 = arith.cmpi ne, %convert_element_type3A_733, %cond3A_734 : i32
          scf.if %cond3A_735 {
            %add3A_759 = arith.constant 2 : i32
            %add3A_760 = arith.addi %mul3A_695, %add3A_759 : i32
            %mul3A_761 = arith.constant 32 : i32
            %mul3A_762 = arith.muli %add3A_760, %mul3A_761 : i32
            %dma_start3A_763 = tpu.memref_slice %arg10[%mul3A_762] : memref<2064xi32, #tpu.memory_space<vmem>> -> memref<32xi32, #tpu.memory_space<vmem>>
            %dma_start3A_764 = arith.constant 0 : i32
            %dma_start3A_765 = arith.constant 0 : i32
            %dma_start3A_766 = tpu.memref_slice %arg2[%dma_start3A_764, %dma_start3A_765] : memref<10000x528xf32, #tpu.memory_space<hbm>> -> memref<10000x528xf32, #tpu.memory_space<hbm>>
            tpu.enqueue_indirect_dma source(%dma_start3A_766 : memref<10000x528xf32, #tpu.memory_space<hbm>>) target(%arg14 : memref<32x528xf32, #tpu.memory_space<vmem>>) offsets(%dma_start3A_763 : memref<32xi32, #tpu.memory_space<vmem>>) semaphore(%arg17 : memref<!tpu.dma_semaphore, #tpu.memory_space<semaphore_mem>>)
          } else {
          }
          %add3A_736 = arith.constant 1 : i32
          %add3A_737 = arith.addi %mul3A_695, %add3A_736 : i32
          %mul3A_738 = arith.constant 32 : i32
          %mul3A_739 = arith.muli %add3A_737, %mul3A_738 : i32
          %add3A_740 = arith.constant 0 : i32
          %add3A_741 = arith.addi %mul3A_739, %add3A_740 : i32
          %get3A_742 = arith.index_cast %add3A_741 : i32 to index
          %get3A_743 = tpu.vector_load %arg11[%get3A_742] {strides = array<i32>} : memref<2064xi32, #tpu.memory_space<vmem>>, vector<16xi32>,
          %swap3A_744 = arith.constant 0 : index
          %swap3A_745 = tpu.vector_load %arg13[%swap3A_744] {strides = array<i32>} : memref<32xi32, #tpu.memory_space<vmem>>, vector<16xi32>,
          tpu.vector_store %arg13[%swap3A_744], %get3A_743 {strides = array<i32>} : memref<32xi32, #tpu.memory_space<vmem>>, vector<16xi32>,
          %mul3A_746 = arith.constant 32 : i32
          %mul3A_747 = arith.muli %add3A_737, %mul3A_746 : i32
          %add3A_748 = arith.constant 16 : i32
          %add3A_749 = arith.addi %mul3A_747, %add3A_748 : i32
          %get3A_750 = arith.index_cast %add3A_749 : i32 to index
          %get3A_751 = tpu.vector_load %arg11[%get3A_750] {strides = array<i32>} : memref<2064xi32, #tpu.memory_space<vmem>>, vector<16xi32>,
          %swap3A_752 = arith.constant 16 : index
          %swap3A_753 = tpu.vector_load %arg13[%swap3A_752] {strides = array<i32>} : memref<32xi32, #tpu.memory_space<vmem>>, vector<16xi32>,
          tpu.vector_store %arg13[%swap3A_752], %get3A_751 {strides = array<i32>} : memref<32xi32, #tpu.memory_space<vmem>>, vector<16xi32>,
          %dma_wait3A_754 = arith.constant 0 : i32
          %dma_wait3A_755 = tpu.memref_slice %arg10[%dma_wait3A_754] : memref<2064xi32, #tpu.memory_space<vmem>> -> memref<32xi32, #tpu.memory_space<vmem>>
          %dma_wait3A_756 = arith.constant 0 : i32
          %dma_wait3A_757 = arith.constant 0 : i32
          %dma_wait3A_758 = tpu.memref_slice %arg2[%dma_wait3A_756, %dma_wait3A_757] : memref<10000x528xf32, #tpu.memory_space<hbm>> -> memref<10000x528xf32, #tpu.memory_space<hbm>>
          tpu.wait_indirect_dma semaphore(%arg18 : memref<!tpu.dma_semaphore, #tpu.memory_space<semaphore_mem>>) src(%dma_wait3A_758 : memref<10000x528xf32, #tpu.memory_space<hbm>>) dst(%arg15 : memref<32x528xf32, #tpu.memory_space<vmem>>)
          "tpu.region"() ({
            %run_scoped3A = tpu.sem_alloc : memref<!tpu.dma_semaphore, #tpu.memory_space<semaphore_mem>>
            %dma_start3A_759 = arith.constant 0 : i32
            %dma_start3A_760 = arith.constant 0 : i32
            %dma_start3A_761 = tpu.memref_slice %arg16[%dma_start3A_759, %dma_start3A_760] : memref<2568x528xf32, #tpu.memory_space<vmem_shared>> -> memref<2568x528xf32, #tpu.memory_space<vmem_shared>>
            tpu.enqueue_indirect_dma source(%arg15 : memref<32x528xf32, #tpu.memory_space<vmem>>) target(%dma_start3A_761 : memref<2568x528xf32, #tpu.memory_space<vmem_shared>>) offsets(%arg13 : memref<32xi32, #tpu.memory_space<vmem>>) semaphore(%run_scoped3A : memref<!tpu.dma_semaphore, #tpu.memory_space<semaphore_mem>>) {add = true}
            %dma_wait3A_762 = arith.constant 0 : i32
            %dma_wait3A_763 = arith.constant 0 : i32
            %dma_wait3A_764 = tpu.memref_slice %arg16[%dma_wait3A_762, %dma_wait3A_763] : memref<2568x528xf32, #tpu.memory_space<vmem_shared>> -> memref<2568x528xf32, #tpu.memory_space<vmem_shared>>
            tpu.wait_indirect_dma semaphore(%run_scoped3A : memref<!tpu.dma_semaphore, #tpu.memory_space<semaphore_mem>>) src(%arg15 : memref<32x528xf32, #tpu.memory_space<vmem>>) dst(%dma_wait3A_764 : memref<2568x528xf32, #tpu.memory_space<vmem_shared>>)
            tpu.yield
          }) : () -> ()
        } else {
        }
        %while3A_729 = arith.constant 0 : i32
        scf.yield %while3A_729 : i32
      }
      %mul3A_231 = arith.constant 32 : i32
      %mul3A_232 = arith.muli %select_n3A_187, %mul3A_231 : i32
      %add3A_233 = arith.constant 0 : i32
      %add3A_234 = arith.addi %mul3A_232, %add3A_233 : i32
      %get3A_235 = arith.index_cast %add3A_234 : i32 to index
      %get3A_236 = tpu.vector_load %arg10[%get3A_235] {strides = array<i32>} : memref<2064xi32, #tpu.memory_space<vmem>>, vector<16xi32>,
      %add3A_237 = arith.constant 0 : i32
      %add3A_238 = arith.addi %mul3A_232, %add3A_237 : i32
      %get3A_239 = arith.index_cast %add3A_238 : i32 to index
      %get3A_240 = tpu.vector_load %arg11[%get3A_239] {strides = array<i32>} : memref<2064xi32, #tpu.memory_space<vmem>>, vector<16xi32>,
      %swap3A_241 = arith.constant 0 : index
      %swap3A_242 = tpu.vector_load %arg10[%swap3A_241] {strides = array<i32>} : memref<2064xi32, #tpu.memory_space<vmem>>, vector<16xi32>,
      tpu.vector_store %arg10[%swap3A_241], %get3A_236 {strides = array<i32>} : memref<2064xi32, #tpu.memory_space<vmem>>, vector<16xi32>,
      %swap3A_243 = arith.constant 0 : index
      %swap3A_244 = tpu.vector_load %arg11[%swap3A_243] {strides = array<i32>} : memref<2064xi32, #tpu.memory_space<vmem>>, vector<16xi32>,
      tpu.vector_store %arg11[%swap3A_243], %get3A_240 {strides = array<i32>} : memref<2064xi32, #tpu.memory_space<vmem>>, vector<16xi32>,
      %add3A_245 = arith.constant 16 : i32
      %add3A_246 = arith.addi %mul3A_232, %add3A_245 : i32
      %get3A_247 = arith.index_cast %add3A_246 : i32 to index
      %get3A_248 = tpu.vector_load %arg10[%get3A_247] {strides = array<i32>} : memref<2064xi32, #tpu.memory_space<vmem>>, vector<16xi32>,
      %add3A_249 = arith.constant 16 : i32
      %add3A_250 = arith.addi %mul3A_232, %add3A_249 : i32
      %get3A_251 = arith.index_cast %add3A_250 : i32 to index
      %get3A_252 = tpu.vector_load %arg11[%get3A_251] {strides = array<i32>} : memref<2064xi32, #tpu.memory_space<vmem>>, vector<16xi32>,
      %swap3A_253 = arith.constant 16 : index
      %swap3A_254 = tpu.vector_load %arg10[%swap3A_253] {strides = array<i32>} : memref<2064xi32, #tpu.memory_space<vmem>>, vector<16xi32>,
      tpu.vector_store %arg10[%swap3A_253], %get3A_248 {strides = array<i32>} : memref<2064xi32, #tpu.memory_space<vmem>>, vector<16xi32>,
      %swap3A_255 = arith.constant 16 : index
      %swap3A_256 = tpu.vector_load %arg11[%swap3A_255] {strides = array<i32>} : memref<2064xi32, #tpu.memory_space<vmem>>, vector<16xi32>,
      tpu.vector_store %arg11[%swap3A_255], %get3A_252 {strides = array<i32>} : memref<2064xi32, #tpu.memory_space<vmem>>, vector<16xi32>,
      %sub3A_257 = arith.subi %scan3A_162, %mul3A_232 : i32
      %add3A_258 = arith.constant 6000 : i32
      %add3A_259 = arith.addi %mul3A_0, %add3A_258 : i32
      %dma_start3A_260 = tpu.memref_slice %arg3[%add3A_259] : memref<160000xi32, #tpu.memory_space<hbm>> -> memref<2000xi32, #tpu.memory_space<hbm>>
      %dma_start3A_261 = tpu.memref_slice %arg3[%add3A_259] : memref<160000xi32, #tpu.memory_space<hbm>> -> memref<2000xi32, #tpu.memory_space<hbm>>
      tpu.enqueue_dma source(%dma_start3A_261 : memref<2000xi32, #tpu.memory_space<hbm>>) target(%arg8 : memref<2000xi32, #tpu.memory_space<vmem>>) target_semaphore(%arg20 : memref<!tpu.dma_semaphore, #tpu.memory_space<semaphore_mem>>)
      %add3A_262 = arith.constant 6000 : i32
      %add3A_263 = arith.addi %mul3A_0, %add3A_262 : i32
      %dma_start3A_264 = tpu.memref_slice %arg4[%add3A_263] : memref<160000xi32, #tpu.memory_space<hbm>> -> memref<2000xi32, #tpu.memory_space<hbm>>
      %dma_start3A_265 = tpu.memref_slice %arg4[%add3A_263] : memref<160000xi32, #tpu.memory_space<hbm>> -> memref<2000xi32, #tpu.memory_space<hbm>>
      tpu.enqueue_dma source(%dma_start3A_265 : memref<2000xi32, #tpu.memory_space<hbm>>) target(%arg9 : memref<2000xi32, #tpu.memory_space<vmem>>) target_semaphore(%arg20 : memref<!tpu.dma_semaphore, #tpu.memory_space<semaphore_mem>>)
      %dma_wait3A_266 = tpu.memref_slice %arg3[%mul3A_0] : memref<160000xi32, #tpu.memory_space<hbm>> -> memref<2000xi32, #tpu.memory_space<hbm>>
      %dma_wait3A_267 = tpu.memref_slice %arg3[%mul3A_0] : memref<160000xi32, #tpu.memory_space<hbm>> -> memref<2000xi32, #tpu.memory_space<hbm>>
      tpu.wait_dma2 semaphore(%arg19 : memref<!tpu.dma_semaphore, #tpu.memory_space<semaphore_mem>>) src(%dma_wait3A_267 : memref<2000xi32, #tpu.memory_space<hbm>>) dst(%arg6 : memref<2000xi32, #tpu.memory_space<vmem>>)
      %dma_wait3A_268 = tpu.memref_slice %arg4[%mul3A_0] : memref<160000xi32, #tpu.memory_space<hbm>> -> memref<2000xi32, #tpu.memory_space<hbm>>
      %dma_wait3A_269 = tpu.memref_slice %arg4[%mul3A_0] : memref<160000xi32, #tpu.memory_space<hbm>> -> memref<2000xi32, #tpu.memory_space<hbm>>
      tpu.wait_dma2 semaphore(%arg19 : memref<!tpu.dma_semaphore, #tpu.memory_space<semaphore_mem>>) src(%dma_wait3A_269 : memref<2000xi32, #tpu.memory_space<hbm>>) dst(%arg7 : memref<2000xi32, #tpu.memory_space<vmem>>)
      %scan3A_270 = arith.constant 0 : i32
      %scan3A_271 = arith.constant 125 : i32
      %scan3A_272 = arith.addi %scan3A_270, %scan3A_271 : i32
      %scan3A_273 = arith.constant 1 : i32
      %scan3A_274 = scf.for %scan3A_692 = %scan3A_270 to %scan3A_272 step %scan3A_273 iter_args(%scan3A_693 = %sub3A_257) -> (i32)  : i32 {
        %mul3A_694 = arith.constant 16 : i32
        %mul3A_695 = arith.muli %scan3A_692, %mul3A_694 : i32
        %get3A_696 = arith.index_cast %mul3A_695 : i32 to index
        %get3A_697 = tpu.vector_load %arg6[%get3A_696] {strides = array<i32>} : memref<2000xi32, #tpu.memory_space<vmem>>, vector<16xi32>,
        %mul3A_698 = arith.constant 16 : i32
        %mul3A_699 = arith.muli %scan3A_692, %mul3A_698 : i32
        %get3A_700 = arith.index_cast %mul3A_699 : i32 to index
        %get3A_701 = tpu.vector_load %arg7[%get3A_700] {strides = array<i32>} : memref<2000xi32, #tpu.memory_space<vmem>>, vector<16xi32>,
        %sub3A_702 = vector.broadcast %mul3A_13 : i32 to vector<16xi32>
        %sub3A_703 = arith.subi %get3A_701, %sub3A_702 : vector<16xi32>
        %ge3A = arith.constant 0 : i32
        %ge3A_704 = vector.broadcast %ge3A : i32 to vector<16xi32>
        %ge3A_705 = arith.cmpi sge, %sub3A_703, %ge3A_704 : vector<16xi32>
        %lt3A_706 = arith.constant 2560 : i32
        %lt3A_707 = vector.broadcast %lt3A_706 : i32 to vector<16xi32>
        %lt3A_708 = arith.cmpi slt, %sub3A_703, %lt3A_707 : vector<16xi32>
        %and3A_709 = arith.andi %ge3A_705, %lt3A_708 : vector<16xi1>
        %swap3A_710 = arith.index_cast %scan3A_693 : i32 to index
        %swap3A_711 = tpu.vector_load %arg10[%swap3A_710] masked %and3A_709 {strides = array<i32>} : memref<2064xi32, #tpu.memory_space<vmem>>, vector<16xi32>, vector<16xi1>
        tpu.vector_store %arg10[%swap3A_710], %get3A_697 masked %and3A_709 {strides = array<i32>} : memref<2064xi32, #tpu.memory_space<vmem>>, vector<16xi32>, vector<16xi1>
        %swap3A_712 = arith.index_cast %scan3A_693 : i32 to index
        %swap3A_713 = tpu.vector_load %arg11[%swap3A_712] masked %and3A_709 {strides = array<i32>} : memref<2064xi32, #tpu.memory_space<vmem>>, vector<16xi32>, vector<16xi1>
        tpu.vector_store %arg11[%swap3A_712], %sub3A_703 masked %and3A_709 {strides = array<i32>} : memref<2064xi32, #tpu.memory_space<vmem>>, vector<16xi32>, vector<16xi1>
        %all_reduce_population_count3A = tpu.all_reduce %and3A_709 {dim = 0 : i64, kind = #tpu.reduction_kind<sum>} : vector<16xi1> -> vector<16xi32>
        %slice3A = vector.extract_strided_slice %all_reduce_population_count3A {offsets = [0], sizes = [1], strides = [1]} : vector<16xi32> to vector<1xi32>
        %squeeze3A = vector.extract %slice3A[0] : i32 from vector<1xi32>
        %add3A_714 = arith.addi %scan3A_693, %squeeze3A : i32
        scf.yield %add3A_714 : i32
      }
      %scan3A_275 = arith.constant 125 : i32
      %jit3A_276 = arith.constant 32 : i32
      %div3A_277 = arith.divsi %scan3A_274, %jit3A_276 : i32
      %sign3A_278 = arith.constant 0 : i32
      %sign3A_279 = arith.cmpi sgt, %scan3A_274, %sign3A_278 : i32
      %sign3A_280 = arith.extui %sign3A_279 : i1 to i32
      %sign3A_281 = arith.constant 0 : i32
      %sign3A_282 = arith.cmpi slt, %scan3A_274, %sign3A_281 : i32
      %sign3A_283 = arith.extui %sign3A_282 : i1 to i32
      %sign3A_284 = arith.subi %sign3A_280, %sign3A_283 : i32
      %sign3A_285 = arith.constant 0 : i32
      %sign3A_286 = arith.cmpi sgt, %jit3A_276, %sign3A_285 : i32
      %sign3A_287 = arith.extui %sign3A_286 : i1 to i32
      %sign3A_288 = arith.constant 0 : i32
      %sign3A_289 = arith.cmpi slt, %jit3A_276, %sign3A_288 : i32
      %sign3A_290 = arith.extui %sign3A_289 : i1 to i32
      %sign3A_291 = arith.subi %sign3A_287, %sign3A_290 : i32
      %ne3A_292 = arith.cmpi ne, %sign3A_284, %sign3A_291 : i32
      %rem3A_293 = arith.remsi %scan3A_274, %jit3A_276 : i32
      %ne3A_294 = arith.constant 0 : i32
      %ne3A_295 = arith.cmpi ne, %rem3A_293, %ne3A_294 : i32
      %and3A_296 = arith.andi %ne3A_292, %ne3A_295 : i1
      %sub3A_297 = arith.constant 1 : i32
      %sub3A_298 = arith.subi %div3A_277, %sub3A_297 : i32
      %select_n3A_299 = arith.select %and3A_296, %sub3A_298, %div3A_277 : i32
      %gt3A_300 = arith.constant 0 : i32
      %gt3A_301 = arith.cmpi sgt, %select_n3A_299, %gt3A_300 : i32
      %convert_element_type3A_302 = arith.extui %gt3A_301 : i1 to i32
      %cond3A_303 = arith.constant 0 : i32
      %cond3A_304 = arith.cmpi ne, %convert_element_type3A_302, %cond3A_303 : i32
      scf.if %cond3A_304 {
        %dma_start3A_692 = arith.constant 0 : i32
        %dma_start3A_693 = tpu.memref_slice %arg10[%dma_start3A_692] : memref<2064xi32, #tpu.memory_space<vmem>> -> memref<32xi32, #tpu.memory_space<vmem>>
        %dma_start3A_694 = arith.constant 0 : i32
        %dma_start3A_695 = arith.constant 0 : i32
        %dma_start3A_696 = tpu.memref_slice %arg2[%dma_start3A_694, %dma_start3A_695] : memref<10000x528xf32, #tpu.memory_space<hbm>> -> memref<10000x528xf32, #tpu.memory_space<hbm>>
        tpu.enqueue_indirect_dma source(%dma_start3A_696 : memref<10000x528xf32, #tpu.memory_space<hbm>>) target(%arg14 : memref<32x528xf32, #tpu.memory_space<vmem>>) offsets(%dma_start3A_693 : memref<32xi32, #tpu.memory_space<vmem>>) semaphore(%arg17 : memref<!tpu.dma_semaphore, #tpu.memory_space<semaphore_mem>>)
      } else {
      }
      %add3A_305 = arith.constant 1 : i32
      %add3A_306 = arith.addi %select_n3A_299, %add3A_305 : i32
      %jit3A_307 = arith.constant 2 : i32
      %div3A_308 = arith.divsi %add3A_306, %jit3A_307 : i32
      %sign3A_309 = arith.constant 0 : i32
      %sign3A_310 = arith.cmpi sgt, %add3A_306, %sign3A_309 : i32
      %sign3A_311 = arith.extui %sign3A_310 : i1 to i32
      %sign3A_312 = arith.constant 0 : i32
      %sign3A_313 = arith.cmpi slt, %add3A_306, %sign3A_312 : i32
      %sign3A_314 = arith.extui %sign3A_313 : i1 to i32
      %sign3A_315 = arith.subi %sign3A_311, %sign3A_314 : i32
      %sign3A_316 = arith.constant 0 : i32
      %sign3A_317 = arith.cmpi sgt, %jit3A_307, %sign3A_316 : i32
      %sign3A_318 = arith.extui %sign3A_317 : i1 to i32
      %sign3A_319 = arith.constant 0 : i32
      %sign3A_320 = arith.cmpi slt, %jit3A_307, %sign3A_319 : i32
      %sign3A_321 = arith.extui %sign3A_320 : i1 to i32
      %sign3A_322 = arith.subi %sign3A_318, %sign3A_321 : i32
      %ne3A_323 = arith.cmpi ne, %sign3A_315, %sign3A_322 : i32
      %rem3A_324 = arith.remsi %add3A_306, %jit3A_307 : i32
      %ne3A_325 = arith.constant 0 : i32
      %ne3A_326 = arith.cmpi ne, %rem3A_324, %ne3A_325 : i32
      %and3A_327 = arith.andi %ne3A_323, %ne3A_326 : i1
      %sub3A_328 = arith.constant 1 : i32
      %sub3A_329 = arith.subi %div3A_308, %sub3A_328 : i32
      %select_n3A_330 = arith.select %and3A_327, %sub3A_329, %div3A_308 : i32
      %while3A_331 = arith.constant 0 : i32
      %while3A_332 = arith.constant 0 : i32
      %while3A_333 = arith.subi %select_n3A_330, %while3A_331 : i32
      %while3A_334 = arith.addi %while3A_331, %while3A_333 : i32
      %while3A_335 = arith.constant 1 : i32
      %while3A_336 = arith.divsi %while3A_333, %while3A_335 : i32
      %while3A_337 = arith.muli %while3A_336, %while3A_335 : i32
      %while3A_338 = arith.addi %while3A_331, %while3A_337 : i32
      %while3A_339 = arith.constant 1 : i32
      %while3A_340 = scf.for %while3A_692 = %while3A_331 to %while3A_338 step %while3A_339 iter_args(%while3A_693 = %while3A_332) -> (i32)  : i32 {
        %mul3A_694 = arith.constant 2 : i32
        %mul3A_695 = arith.muli %mul3A_694, %while3A_692 : i32
        %add3A_696 = arith.constant 1 : i32
        %add3A_697 = arith.addi %mul3A_695, %add3A_696 : i32
        %lt3A_698 = arith.cmpi slt, %add3A_697, %select_n3A_299 : i32
        %convert_element_type3A_699 = arith.extui %lt3A_698 : i1 to i32
        %cond3A_700 = arith.constant 0 : i32
        %cond3A_701 = arith.cmpi ne, %convert_element_type3A_699, %cond3A_700 : i32
        scf.if %cond3A_701 {
          %add3A_730 = arith.constant 1 : i32
          %add3A_731 = arith.addi %mul3A_695, %add3A_730 : i32
          %mul3A_732 = arith.constant 32 : i32
          %mul3A_733 = arith.muli %add3A_731, %mul3A_732 : i32
          %dma_start3A_734 = tpu.memref_slice %arg10[%mul3A_733] : memref<2064xi32, #tpu.memory_space<vmem>> -> memref<32xi32, #tpu.memory_space<vmem>>
          %dma_start3A_735 = arith.constant 0 : i32
          %dma_start3A_736 = arith.constant 0 : i32
          %dma_start3A_737 = tpu.memref_slice %arg2[%dma_start3A_735, %dma_start3A_736] : memref<10000x528xf32, #tpu.memory_space<hbm>> -> memref<10000x528xf32, #tpu.memory_space<hbm>>
          tpu.enqueue_indirect_dma source(%dma_start3A_737 : memref<10000x528xf32, #tpu.memory_space<hbm>>) target(%arg15 : memref<32x528xf32, #tpu.memory_space<vmem>>) offsets(%dma_start3A_734 : memref<32xi32, #tpu.memory_space<vmem>>) semaphore(%arg18 : memref<!tpu.dma_semaphore, #tpu.memory_space<semaphore_mem>>)
        } else {
        }
        %mul3A_702 = arith.constant 32 : i32
        %mul3A_703 = arith.muli %mul3A_695, %mul3A_702 : i32
        %add3A_704 = arith.constant 0 : i32
        %add3A_705 = arith.addi %mul3A_703, %add3A_704 : i32
        %get3A_706 = arith.index_cast %add3A_705 : i32 to index
        %get3A_707 = tpu.vector_load %arg11[%get3A_706] {strides = array<i32>} : memref<2064xi32, #tpu.memory_space<vmem>>, vector<16xi32>,
        %swap3A_708 = arith.constant 0 : index
        %swap3A_709 = tpu.vector_load %arg12[%swap3A_708] {strides = array<i32>} : memref<32xi32, #tpu.memory_space<vmem>>, vector<16xi32>,
        tpu.vector_store %arg12[%swap3A_708], %get3A_707 {strides = array<i32>} : memref<32xi32, #tpu.memory_space<vmem>>, vector<16xi32>,
        %mul3A_710 = arith.constant 32 : i32
        %mul3A_711 = arith.muli %mul3A_695, %mul3A_710 : i32
        %add3A_712 = arith.constant 16 : i32
        %add3A_713 = arith.addi %mul3A_711, %add3A_712 : i32
        %get3A_714 = arith.index_cast %add3A_713 : i32 to index
        %get3A_715 = tpu.vector_load %arg11[%get3A_714] {strides = array<i32>} : memref<2064xi32, #tpu.memory_space<vmem>>, vector<16xi32>,
        %swap3A_716 = arith.constant 16 : index
        %swap3A_717 = tpu.vector_load %arg12[%swap3A_716] {strides = array<i32>} : memref<32xi32, #tpu.memory_space<vmem>>, vector<16xi32>,
        tpu.vector_store %arg12[%swap3A_716], %get3A_715 {strides = array<i32>} : memref<32xi32, #tpu.memory_space<vmem>>, vector<16xi32>,
        %dma_wait3A_718 = arith.constant 0 : i32
        %dma_wait3A_719 = tpu.memref_slice %arg10[%dma_wait3A_718] : memref<2064xi32, #tpu.memory_space<vmem>> -> memref<32xi32, #tpu.memory_space<vmem>>
        %dma_wait3A_720 = arith.constant 0 : i32
        %dma_wait3A_721 = arith.constant 0 : i32
        %dma_wait3A_722 = tpu.memref_slice %arg2[%dma_wait3A_720, %dma_wait3A_721] : memref<10000x528xf32, #tpu.memory_space<hbm>> -> memref<10000x528xf32, #tpu.memory_space<hbm>>
        tpu.wait_indirect_dma semaphore(%arg17 : memref<!tpu.dma_semaphore, #tpu.memory_space<semaphore_mem>>) src(%dma_wait3A_722 : memref<10000x528xf32, #tpu.memory_space<hbm>>) dst(%arg14 : memref<32x528xf32, #tpu.memory_space<vmem>>)
        "tpu.region"() ({
          %run_scoped3A = tpu.sem_alloc : memref<!tpu.dma_semaphore, #tpu.memory_space<semaphore_mem>>
          %dma_start3A_730 = arith.constant 0 : i32
          %dma_start3A_731 = arith.constant 0 : i32
          %dma_start3A_732 = tpu.memref_slice %arg16[%dma_start3A_730, %dma_start3A_731] : memref<2568x528xf32, #tpu.memory_space<vmem_shared>> -> memref<2568x528xf32, #tpu.memory_space<vmem_shared>>
          tpu.enqueue_indirect_dma source(%arg14 : memref<32x528xf32, #tpu.memory_space<vmem>>) target(%dma_start3A_732 : memref<2568x528xf32, #tpu.memory_space<vmem_shared>>) offsets(%arg12 : memref<32xi32, #tpu.memory_space<vmem>>) semaphore(%run_scoped3A : memref<!tpu.dma_semaphore, #tpu.memory_space<semaphore_mem>>) {add = true}
          %dma_wait3A_733 = arith.constant 0 : i32
          %dma_wait3A_734 = arith.constant 0 : i32
          %dma_wait3A_735 = tpu.memref_slice %arg16[%dma_wait3A_733, %dma_wait3A_734] : memref<2568x528xf32, #tpu.memory_space<vmem_shared>> -> memref<2568x528xf32, #tpu.memory_space<vmem_shared>>
          tpu.wait_indirect_dma semaphore(%run_scoped3A : memref<!tpu.dma_semaphore, #tpu.memory_space<semaphore_mem>>) src(%arg14 : memref<32x528xf32, #tpu.memory_space<vmem>>) dst(%dma_wait3A_735 : memref<2568x528xf32, #tpu.memory_space<vmem_shared>>)
          tpu.yield
        }) : () -> ()
        %add3A_723 = arith.constant 1 : i32
        %add3A_724 = arith.addi %mul3A_695, %add3A_723 : i32
        %lt3A_725 = arith.cmpi slt, %add3A_724, %select_n3A_299 : i32
        %convert_element_type3A_726 = arith.extui %lt3A_725 : i1 to i32
        %cond3A_727 = arith.constant 0 : i32
        %cond3A_728 = arith.cmpi ne, %convert_element_type3A_726, %cond3A_727 : i32
        scf.if %cond3A_728 {
          %add3A_730 = arith.constant 2 : i32
          %add3A_731 = arith.addi %mul3A_695, %add3A_730 : i32
          %lt3A_732 = arith.cmpi slt, %add3A_731, %select_n3A_299 : i32
          %convert_element_type3A_733 = arith.extui %lt3A_732 : i1 to i32
          %cond3A_734 = arith.constant 0 : i32
          %cond3A_735 = arith.cmpi ne, %convert_element_type3A_733, %cond3A_734 : i32
          scf.if %cond3A_735 {
            %add3A_759 = arith.constant 2 : i32
            %add3A_760 = arith.addi %mul3A_695, %add3A_759 : i32
            %mul3A_761 = arith.constant 32 : i32
            %mul3A_762 = arith.muli %add3A_760, %mul3A_761 : i32
            %dma_start3A_763 = tpu.memref_slice %arg10[%mul3A_762] : memref<2064xi32, #tpu.memory_space<vmem>> -> memref<32xi32, #tpu.memory_space<vmem>>
            %dma_start3A_764 = arith.constant 0 : i32
            %dma_start3A_765 = arith.constant 0 : i32
            %dma_start3A_766 = tpu.memref_slice %arg2[%dma_start3A_764, %dma_start3A_765] : memref<10000x528xf32, #tpu.memory_space<hbm>> -> memref<10000x528xf32, #tpu.memory_space<hbm>>
            tpu.enqueue_indirect_dma source(%dma_start3A_766 : memref<10000x528xf32, #tpu.memory_space<hbm>>) target(%arg14 : memref<32x528xf32, #tpu.memory_space<vmem>>) offsets(%dma_start3A_763 : memref<32xi32, #tpu.memory_space<vmem>>) semaphore(%arg17 : memref<!tpu.dma_semaphore, #tpu.memory_space<semaphore_mem>>)
          } else {
          }
          %add3A_736 = arith.constant 1 : i32
          %add3A_737 = arith.addi %mul3A_695, %add3A_736 : i32
          %mul3A_738 = arith.constant 32 : i32
          %mul3A_739 = arith.muli %add3A_737, %mul3A_738 : i32
          %add3A_740 = arith.constant 0 : i32
          %add3A_741 = arith.addi %mul3A_739, %add3A_740 : i32
          %get3A_742 = arith.index_cast %add3A_741 : i32 to index
          %get3A_743 = tpu.vector_load %arg11[%get3A_742] {strides = array<i32>} : memref<2064xi32, #tpu.memory_space<vmem>>, vector<16xi32>,
          %swap3A_744 = arith.constant 0 : index
          %swap3A_745 = tpu.vector_load %arg13[%swap3A_744] {strides = array<i32>} : memref<32xi32, #tpu.memory_space<vmem>>, vector<16xi32>,
          tpu.vector_store %arg13[%swap3A_744], %get3A_743 {strides = array<i32>} : memref<32xi32, #tpu.memory_space<vmem>>, vector<16xi32>,
          %mul3A_746 = arith.constant 32 : i32
          %mul3A_747 = arith.muli %add3A_737, %mul3A_746 : i32
          %add3A_748 = arith.constant 16 : i32
          %add3A_749 = arith.addi %mul3A_747, %add3A_748 : i32
          %get3A_750 = arith.index_cast %add3A_749 : i32 to index
          %get3A_751 = tpu.vector_load %arg11[%get3A_750] {strides = array<i32>} : memref<2064xi32, #tpu.memory_space<vmem>>, vector<16xi32>,
          %swap3A_752 = arith.constant 16 : index
          %swap3A_753 = tpu.vector_load %arg13[%swap3A_752] {strides = array<i32>} : memref<32xi32, #tpu.memory_space<vmem>>, vector<16xi32>,
          tpu.vector_store %arg13[%swap3A_752], %get3A_751 {strides = array<i32>} : memref<32xi32, #tpu.memory_space<vmem>>, vector<16xi32>,
          %dma_wait3A_754 = arith.constant 0 : i32
          %dma_wait3A_755 = tpu.memref_slice %arg10[%dma_wait3A_754] : memref<2064xi32, #tpu.memory_space<vmem>> -> memref<32xi32, #tpu.memory_space<vmem>>
          %dma_wait3A_756 = arith.constant 0 : i32
          %dma_wait3A_757 = arith.constant 0 : i32
          %dma_wait3A_758 = tpu.memref_slice %arg2[%dma_wait3A_756, %dma_wait3A_757] : memref<10000x528xf32, #tpu.memory_space<hbm>> -> memref<10000x528xf32, #tpu.memory_space<hbm>>
          tpu.wait_indirect_dma semaphore(%arg18 : memref<!tpu.dma_semaphore, #tpu.memory_space<semaphore_mem>>) src(%dma_wait3A_758 : memref<10000x528xf32, #tpu.memory_space<hbm>>) dst(%arg15 : memref<32x528xf32, #tpu.memory_space<vmem>>)
          "tpu.region"() ({
            %run_scoped3A = tpu.sem_alloc : memref<!tpu.dma_semaphore, #tpu.memory_space<semaphore_mem>>
            %dma_start3A_759 = arith.constant 0 : i32
            %dma_start3A_760 = arith.constant 0 : i32
            %dma_start3A_761 = tpu.memref_slice %arg16[%dma_start3A_759, %dma_start3A_760] : memref<2568x528xf32, #tpu.memory_space<vmem_shared>> -> memref<2568x528xf32, #tpu.memory_space<vmem_shared>>
            tpu.enqueue_indirect_dma source(%arg15 : memref<32x528xf32, #tpu.memory_space<vmem>>) target(%dma_start3A_761 : memref<2568x528xf32, #tpu.memory_space<vmem_shared>>) offsets(%arg13 : memref<32xi32, #tpu.memory_space<vmem>>) semaphore(%run_scoped3A : memref<!tpu.dma_semaphore, #tpu.memory_space<semaphore_mem>>) {add = true}
            %dma_wait3A_762 = arith.constant 0 : i32
            %dma_wait3A_763 = arith.constant 0 : i32
            %dma_wait3A_764 = tpu.memref_slice %arg16[%dma_wait3A_762, %dma_wait3A_763] : memref<2568x528xf32, #tpu.memory_space<vmem_shared>> -> memref<2568x528xf32, #tpu.memory_space<vmem_shared>>
            tpu.wait_indirect_dma semaphore(%run_scoped3A : memref<!tpu.dma_semaphore, #tpu.memory_space<semaphore_mem>>) src(%arg15 : memref<32x528xf32, #tpu.memory_space<vmem>>) dst(%dma_wait3A_764 : memref<2568x528xf32, #tpu.memory_space<vmem_shared>>)
            tpu.yield
          }) : () -> ()
        } else {
        }
        %while3A_729 = arith.constant 0 : i32
        scf.yield %while3A_729 : i32
      }
      %while3A_341 = arith.constant 1 : i32
      %while3A_342 = scf.for %while3A_692 = %while3A_338 to %while3A_334 step %while3A_341 iter_args(%while3A_693 = %while3A_340) -> (i32)  : i32 {
        %mul3A_694 = arith.constant 2 : i32
        %mul3A_695 = arith.muli %mul3A_694, %while3A_692 : i32
        %add3A_696 = arith.constant 1 : i32
        %add3A_697 = arith.addi %mul3A_695, %add3A_696 : i32
        %lt3A_698 = arith.cmpi slt, %add3A_697, %select_n3A_299 : i32
        %convert_element_type3A_699 = arith.extui %lt3A_698 : i1 to i32
        %cond3A_700 = arith.constant 0 : i32
        %cond3A_701 = arith.cmpi ne, %convert_element_type3A_699, %cond3A_700 : i32
        scf.if %cond3A_701 {
          %add3A_730 = arith.constant 1 : i32
          %add3A_731 = arith.addi %mul3A_695, %add3A_730 : i32
          %mul3A_732 = arith.constant 32 : i32
          %mul3A_733 = arith.muli %add3A_731, %mul3A_732 : i32
          %dma_start3A_734 = tpu.memref_slice %arg10[%mul3A_733] : memref<2064xi32, #tpu.memory_space<vmem>> -> memref<32xi32, #tpu.memory_space<vmem>>
          %dma_start3A_735 = arith.constant 0 : i32
          %dma_start3A_736 = arith.constant 0 : i32
          %dma_start3A_737 = tpu.memref_slice %arg2[%dma_start3A_735, %dma_start3A_736] : memref<10000x528xf32, #tpu.memory_space<hbm>> -> memref<10000x528xf32, #tpu.memory_space<hbm>>
          tpu.enqueue_indirect_dma source(%dma_start3A_737 : memref<10000x528xf32, #tpu.memory_space<hbm>>) target(%arg15 : memref<32x528xf32, #tpu.memory_space<vmem>>) offsets(%dma_start3A_734 : memref<32xi32, #tpu.memory_space<vmem>>) semaphore(%arg18 : memref<!tpu.dma_semaphore, #tpu.memory_space<semaphore_mem>>)
        } else {
        }
        %mul3A_702 = arith.constant 32 : i32
        %mul3A_703 = arith.muli %mul3A_695, %mul3A_702 : i32
        %add3A_704 = arith.constant 0 : i32
        %add3A_705 = arith.addi %mul3A_703, %add3A_704 : i32
        %get3A_706 = arith.index_cast %add3A_705 : i32 to index
        %get3A_707 = tpu.vector_load %arg11[%get3A_706] {strides = array<i32>} : memref<2064xi32, #tpu.memory_space<vmem>>, vector<16xi32>,
        %swap3A_708 = arith.constant 0 : index
        %swap3A_709 = tpu.vector_load %arg12[%swap3A_708] {strides = array<i32>} : memref<32xi32, #tpu.memory_space<vmem>>, vector<16xi32>,
        tpu.vector_store %arg12[%swap3A_708], %get3A_707 {strides = array<i32>} : memref<32xi32, #tpu.memory_space<vmem>>, vector<16xi32>,
        %mul3A_710 = arith.constant 32 : i32
        %mul3A_711 = arith.muli %mul3A_695, %mul3A_710 : i32
        %add3A_712 = arith.constant 16 : i32
        %add3A_713 = arith.addi %mul3A_711, %add3A_712 : i32
        %get3A_714 = arith.index_cast %add3A_713 : i32 to index
        %get3A_715 = tpu.vector_load %arg11[%get3A_714] {strides = array<i32>} : memref<2064xi32, #tpu.memory_space<vmem>>, vector<16xi32>,
        %swap3A_716 = arith.constant 16 : index
        %swap3A_717 = tpu.vector_load %arg12[%swap3A_716] {strides = array<i32>} : memref<32xi32, #tpu.memory_space<vmem>>, vector<16xi32>,
        tpu.vector_store %arg12[%swap3A_716], %get3A_715 {strides = array<i32>} : memref<32xi32, #tpu.memory_space<vmem>>, vector<16xi32>,
        %dma_wait3A_718 = arith.constant 0 : i32
        %dma_wait3A_719 = tpu.memref_slice %arg10[%dma_wait3A_718] : memref<2064xi32, #tpu.memory_space<vmem>> -> memref<32xi32, #tpu.memory_space<vmem>>
        %dma_wait3A_720 = arith.constant 0 : i32
        %dma_wait3A_721 = arith.constant 0 : i32
        %dma_wait3A_722 = tpu.memref_slice %arg2[%dma_wait3A_720, %dma_wait3A_721] : memref<10000x528xf32, #tpu.memory_space<hbm>> -> memref<10000x528xf32, #tpu.memory_space<hbm>>
        tpu.wait_indirect_dma semaphore(%arg17 : memref<!tpu.dma_semaphore, #tpu.memory_space<semaphore_mem>>) src(%dma_wait3A_722 : memref<10000x528xf32, #tpu.memory_space<hbm>>) dst(%arg14 : memref<32x528xf32, #tpu.memory_space<vmem>>)
        "tpu.region"() ({
          %run_scoped3A = tpu.sem_alloc : memref<!tpu.dma_semaphore, #tpu.memory_space<semaphore_mem>>
          %dma_start3A_730 = arith.constant 0 : i32
          %dma_start3A_731 = arith.constant 0 : i32
          %dma_start3A_732 = tpu.memref_slice %arg16[%dma_start3A_730, %dma_start3A_731] : memref<2568x528xf32, #tpu.memory_space<vmem_shared>> -> memref<2568x528xf32, #tpu.memory_space<vmem_shared>>
          tpu.enqueue_indirect_dma source(%arg14 : memref<32x528xf32, #tpu.memory_space<vmem>>) target(%dma_start3A_732 : memref<2568x528xf32, #tpu.memory_space<vmem_shared>>) offsets(%arg12 : memref<32xi32, #tpu.memory_space<vmem>>) semaphore(%run_scoped3A : memref<!tpu.dma_semaphore, #tpu.memory_space<semaphore_mem>>) {add = true}
          %dma_wait3A_733 = arith.constant 0 : i32
          %dma_wait3A_734 = arith.constant 0 : i32
          %dma_wait3A_735 = tpu.memref_slice %arg16[%dma_wait3A_733, %dma_wait3A_734] : memref<2568x528xf32, #tpu.memory_space<vmem_shared>> -> memref<2568x528xf32, #tpu.memory_space<vmem_shared>>
          tpu.wait_indirect_dma semaphore(%run_scoped3A : memref<!tpu.dma_semaphore, #tpu.memory_space<semaphore_mem>>) src(%arg14 : memref<32x528xf32, #tpu.memory_space<vmem>>) dst(%dma_wait3A_735 : memref<2568x528xf32, #tpu.memory_space<vmem_shared>>)
          tpu.yield
        }) : () -> ()
        %add3A_723 = arith.constant 1 : i32
        %add3A_724 = arith.addi %mul3A_695, %add3A_723 : i32
        %lt3A_725 = arith.cmpi slt, %add3A_724, %select_n3A_299 : i32
        %convert_element_type3A_726 = arith.extui %lt3A_725 : i1 to i32
        %cond3A_727 = arith.constant 0 : i32
        %cond3A_728 = arith.cmpi ne, %convert_element_type3A_726, %cond3A_727 : i32
        scf.if %cond3A_728 {
          %add3A_730 = arith.constant 2 : i32
          %add3A_731 = arith.addi %mul3A_695, %add3A_730 : i32
          %lt3A_732 = arith.cmpi slt, %add3A_731, %select_n3A_299 : i32
          %convert_element_type3A_733 = arith.extui %lt3A_732 : i1 to i32
          %cond3A_734 = arith.constant 0 : i32
          %cond3A_735 = arith.cmpi ne, %convert_element_type3A_733, %cond3A_734 : i32
          scf.if %cond3A_735 {
            %add3A_759 = arith.constant 2 : i32
            %add3A_760 = arith.addi %mul3A_695, %add3A_759 : i32
            %mul3A_761 = arith.constant 32 : i32
            %mul3A_762 = arith.muli %add3A_760, %mul3A_761 : i32
            %dma_start3A_763 = tpu.memref_slice %arg10[%mul3A_762] : memref<2064xi32, #tpu.memory_space<vmem>> -> memref<32xi32, #tpu.memory_space<vmem>>
            %dma_start3A_764 = arith.constant 0 : i32
            %dma_start3A_765 = arith.constant 0 : i32
            %dma_start3A_766 = tpu.memref_slice %arg2[%dma_start3A_764, %dma_start3A_765] : memref<10000x528xf32, #tpu.memory_space<hbm>> -> memref<10000x528xf32, #tpu.memory_space<hbm>>
            tpu.enqueue_indirect_dma source(%dma_start3A_766 : memref<10000x528xf32, #tpu.memory_space<hbm>>) target(%arg14 : memref<32x528xf32, #tpu.memory_space<vmem>>) offsets(%dma_start3A_763 : memref<32xi32, #tpu.memory_space<vmem>>) semaphore(%arg17 : memref<!tpu.dma_semaphore, #tpu.memory_space<semaphore_mem>>)
          } else {
          }
          %add3A_736 = arith.constant 1 : i32
          %add3A_737 = arith.addi %mul3A_695, %add3A_736 : i32
          %mul3A_738 = arith.constant 32 : i32
          %mul3A_739 = arith.muli %add3A_737, %mul3A_738 : i32
          %add3A_740 = arith.constant 0 : i32
          %add3A_741 = arith.addi %mul3A_739, %add3A_740 : i32
          %get3A_742 = arith.index_cast %add3A_741 : i32 to index
          %get3A_743 = tpu.vector_load %arg11[%get3A_742] {strides = array<i32>} : memref<2064xi32, #tpu.memory_space<vmem>>, vector<16xi32>,
          %swap3A_744 = arith.constant 0 : index
          %swap3A_745 = tpu.vector_load %arg13[%swap3A_744] {strides = array<i32>} : memref<32xi32, #tpu.memory_space<vmem>>, vector<16xi32>,
          tpu.vector_store %arg13[%swap3A_744], %get3A_743 {strides = array<i32>} : memref<32xi32, #tpu.memory_space<vmem>>, vector<16xi32>,
          %mul3A_746 = arith.constant 32 : i32
          %mul3A_747 = arith.muli %add3A_737, %mul3A_746 : i32
          %add3A_748 = arith.constant 16 : i32
          %add3A_749 = arith.addi %mul3A_747, %add3A_748 : i32
          %get3A_750 = arith.index_cast %add3A_749 : i32 to index
          %get3A_751 = tpu.vector_load %arg11[%get3A_750] {strides = array<i32>} : memref<2064xi32, #tpu.memory_space<vmem>>, vector<16xi32>,
          %swap3A_752 = arith.constant 16 : index
          %swap3A_753 = tpu.vector_load %arg13[%swap3A_752] {strides = array<i32>} : memref<32xi32, #tpu.memory_space<vmem>>, vector<16xi32>,
          tpu.vector_store %arg13[%swap3A_752], %get3A_751 {strides = array<i32>} : memref<32xi32, #tpu.memory_space<vmem>>, vector<16xi32>,
          %dma_wait3A_754 = arith.constant 0 : i32
          %dma_wait3A_755 = tpu.memref_slice %arg10[%dma_wait3A_754] : memref<2064xi32, #tpu.memory_space<vmem>> -> memref<32xi32, #tpu.memory_space<vmem>>
          %dma_wait3A_756 = arith.constant 0 : i32
          %dma_wait3A_757 = arith.constant 0 : i32
          %dma_wait3A_758 = tpu.memref_slice %arg2[%dma_wait3A_756, %dma_wait3A_757] : memref<10000x528xf32, #tpu.memory_space<hbm>> -> memref<10000x528xf32, #tpu.memory_space<hbm>>
          tpu.wait_indirect_dma semaphore(%arg18 : memref<!tpu.dma_semaphore, #tpu.memory_space<semaphore_mem>>) src(%dma_wait3A_758 : memref<10000x528xf32, #tpu.memory_space<hbm>>) dst(%arg15 : memref<32x528xf32, #tpu.memory_space<vmem>>)
          "tpu.region"() ({
            %run_scoped3A = tpu.sem_alloc : memref<!tpu.dma_semaphore, #tpu.memory_space<semaphore_mem>>
            %dma_start3A_759 = arith.constant 0 : i32
            %dma_start3A_760 = arith.constant 0 : i32
            %dma_start3A_761 = tpu.memref_slice %arg16[%dma_start3A_759, %dma_start3A_760] : memref<2568x528xf32, #tpu.memory_space<vmem_shared>> -> memref<2568x528xf32, #tpu.memory_space<vmem_shared>>
            tpu.enqueue_indirect_dma source(%arg15 : memref<32x528xf32, #tpu.memory_space<vmem>>) target(%dma_start3A_761 : memref<2568x528xf32, #tpu.memory_space<vmem_shared>>) offsets(%arg13 : memref<32xi32, #tpu.memory_space<vmem>>) semaphore(%run_scoped3A : memref<!tpu.dma_semaphore, #tpu.memory_space<semaphore_mem>>) {add = true}
            %dma_wait3A_762 = arith.constant 0 : i32
            %dma_wait3A_763 = arith.constant 0 : i32
            %dma_wait3A_764 = tpu.memref_slice %arg16[%dma_wait3A_762, %dma_wait3A_763] : memref<2568x528xf32, #tpu.memory_space<vmem_shared>> -> memref<2568x528xf32, #tpu.memory_space<vmem_shared>>
            tpu.wait_indirect_dma semaphore(%run_scoped3A : memref<!tpu.dma_semaphore, #tpu.memory_space<semaphore_mem>>) src(%arg15 : memref<32x528xf32, #tpu.memory_space<vmem>>) dst(%dma_wait3A_764 : memref<2568x528xf32, #tpu.memory_space<vmem_shared>>)
            tpu.yield
          }) : () -> ()
        } else {
        }
        %while3A_729 = arith.constant 0 : i32
        scf.yield %while3A_729 : i32
      }
      %mul3A_343 = arith.constant 32 : i32
      %mul3A_344 = arith.muli %select_n3A_299, %mul3A_343 : i32
      %add3A_345 = arith.constant 0 : i32
      %add3A_346 = arith.addi %mul3A_344, %add3A_345 : i32
      %get3A_347 = arith.index_cast %add3A_346 : i32 to index
      %get3A_348 = tpu.vector_load %arg10[%get3A_347] {strides = array<i32>} : memref<2064xi32, #tpu.memory_space<vmem>>, vector<16xi32>,
      %add3A_349 = arith.constant 0 : i32
      %add3A_350 = arith.addi %mul3A_344, %add3A_349 : i32
      %get3A_351 = arith.index_cast %add3A_350 : i32 to index
      %get3A_352 = tpu.vector_load %arg11[%get3A_351] {strides = array<i32>} : memref<2064xi32, #tpu.memory_space<vmem>>, vector<16xi32>,
      %swap3A_353 = arith.constant 0 : index
      %swap3A_354 = tpu.vector_load %arg10[%swap3A_353] {strides = array<i32>} : memref<2064xi32, #tpu.memory_space<vmem>>, vector<16xi32>,
      tpu.vector_store %arg10[%swap3A_353], %get3A_348 {strides = array<i32>} : memref<2064xi32, #tpu.memory_space<vmem>>, vector<16xi32>,
      %swap3A_355 = arith.constant 0 : index
      %swap3A_356 = tpu.vector_load %arg11[%swap3A_355] {strides = array<i32>} : memref<2064xi32, #tpu.memory_space<vmem>>, vector<16xi32>,
      tpu.vector_store %arg11[%swap3A_355], %get3A_352 {strides = array<i32>} : memref<2064xi32, #tpu.memory_space<vmem>>, vector<16xi32>,
      %add3A_357 = arith.constant 16 : i32
      %add3A_358 = arith.addi %mul3A_344, %add3A_357 : i32
      %get3A_359 = arith.index_cast %add3A_358 : i32 to index
      %get3A_360 = tpu.vector_load %arg10[%get3A_359] {strides = array<i32>} : memref<2064xi32, #tpu.memory_space<vmem>>, vector<16xi32>,
      %add3A_361 = arith.constant 16 : i32
      %add3A_362 = arith.addi %mul3A_344, %add3A_361 : i32
      %get3A_363 = arith.index_cast %add3A_362 : i32 to index
      %get3A_364 = tpu.vector_load %arg11[%get3A_363] {strides = array<i32>} : memref<2064xi32, #tpu.memory_space<vmem>>, vector<16xi32>,
      %swap3A_365 = arith.constant 16 : index
      %swap3A_366 = tpu.vector_load %arg10[%swap3A_365] {strides = array<i32>} : memref<2064xi32, #tpu.memory_space<vmem>>, vector<16xi32>,
      tpu.vector_store %arg10[%swap3A_365], %get3A_360 {strides = array<i32>} : memref<2064xi32, #tpu.memory_space<vmem>>, vector<16xi32>,
      %swap3A_367 = arith.constant 16 : index
      %swap3A_368 = tpu.vector_load %arg11[%swap3A_367] {strides = array<i32>} : memref<2064xi32, #tpu.memory_space<vmem>>, vector<16xi32>,
      tpu.vector_store %arg11[%swap3A_367], %get3A_364 {strides = array<i32>} : memref<2064xi32, #tpu.memory_space<vmem>>, vector<16xi32>,
      %sub3A_369 = arith.subi %scan3A_274, %mul3A_344 : i32
      %add3A_370 = arith.constant 8000 : i32
      %add3A_371 = arith.addi %mul3A_0, %add3A_370 : i32
      %dma_start3A_372 = tpu.memref_slice %arg3[%add3A_371] : memref<160000xi32, #tpu.memory_space<hbm>> -> memref<2000xi32, #tpu.memory_space<hbm>>
      %dma_start3A_373 = tpu.memref_slice %arg3[%add3A_371] : memref<160000xi32, #tpu.memory_space<hbm>> -> memref<2000xi32, #tpu.memory_space<hbm>>
      tpu.enqueue_dma source(%dma_start3A_373 : memref<2000xi32, #tpu.memory_space<hbm>>) target(%arg6 : memref<2000xi32, #tpu.memory_space<vmem>>) target_semaphore(%arg19 : memref<!tpu.dma_semaphore, #tpu.memory_space<semaphore_mem>>)
      %add3A_374 = arith.constant 8000 : i32
      %add3A_375 = arith.addi %mul3A_0, %add3A_374 : i32
      %dma_start3A_376 = tpu.memref_slice %arg4[%add3A_375] : memref<160000xi32, #tpu.memory_space<hbm>> -> memref<2000xi32, #tpu.memory_space<hbm>>
      %dma_start3A_377 = tpu.memref_slice %arg4[%add3A_375] : memref<160000xi32, #tpu.memory_space<hbm>> -> memref<2000xi32, #tpu.memory_space<hbm>>
      tpu.enqueue_dma source(%dma_start3A_377 : memref<2000xi32, #tpu.memory_space<hbm>>) target(%arg7 : memref<2000xi32, #tpu.memory_space<vmem>>) target_semaphore(%arg19 : memref<!tpu.dma_semaphore, #tpu.memory_space<semaphore_mem>>)
      %dma_wait3A_378 = tpu.memref_slice %arg3[%mul3A_0] : memref<160000xi32, #tpu.memory_space<hbm>> -> memref<2000xi32, #tpu.memory_space<hbm>>
      %dma_wait3A_379 = tpu.memref_slice %arg3[%mul3A_0] : memref<160000xi32, #tpu.memory_space<hbm>> -> memref<2000xi32, #tpu.memory_space<hbm>>
      tpu.wait_dma2 semaphore(%arg20 : memref<!tpu.dma_semaphore, #tpu.memory_space<semaphore_mem>>) src(%dma_wait3A_379 : memref<2000xi32, #tpu.memory_space<hbm>>) dst(%arg8 : memref<2000xi32, #tpu.memory_space<vmem>>)
      %dma_wait3A_380 = tpu.memref_slice %arg4[%mul3A_0] : memref<160000xi32, #tpu.memory_space<hbm>> -> memref<2000xi32, #tpu.memory_space<hbm>>
      %dma_wait3A_381 = tpu.memref_slice %arg4[%mul3A_0] : memref<160000xi32, #tpu.memory_space<hbm>> -> memref<2000xi32, #tpu.memory_space<hbm>>
      tpu.wait_dma2 semaphore(%arg20 : memref<!tpu.dma_semaphore, #tpu.memory_space<semaphore_mem>>) src(%dma_wait3A_381 : memref<2000xi32, #tpu.memory_space<hbm>>) dst(%arg9 : memref<2000xi32, #tpu.memory_space<vmem>>)
      %scan3A_382 = arith.constant 0 : i32
      %scan3A_383 = arith.constant 125 : i32
      %scan3A_384 = arith.addi %scan3A_382, %scan3A_383 : i32
      %scan3A_385 = arith.constant 1 : i32
      %scan3A_386 = scf.for %scan3A_692 = %scan3A_382 to %scan3A_384 step %scan3A_385 iter_args(%scan3A_693 = %sub3A_369) -> (i32)  : i32 {
        %mul3A_694 = arith.constant 16 : i32
        %mul3A_695 = arith.muli %scan3A_692, %mul3A_694 : i32
        %get3A_696 = arith.index_cast %mul3A_695 : i32 to index
        %get3A_697 = tpu.vector_load %arg8[%get3A_696] {strides = array<i32>} : memref<2000xi32, #tpu.memory_space<vmem>>, vector<16xi32>,
        %mul3A_698 = arith.constant 16 : i32
        %mul3A_699 = arith.muli %scan3A_692, %mul3A_698 : i32
        %get3A_700 = arith.index_cast %mul3A_699 : i32 to index
        %get3A_701 = tpu.vector_load %arg9[%get3A_700] {strides = array<i32>} : memref<2000xi32, #tpu.memory_space<vmem>>, vector<16xi32>,
        %sub3A_702 = vector.broadcast %mul3A_13 : i32 to vector<16xi32>
        %sub3A_703 = arith.subi %get3A_701, %sub3A_702 : vector<16xi32>
        %ge3A = arith.constant 0 : i32
        %ge3A_704 = vector.broadcast %ge3A : i32 to vector<16xi32>
        %ge3A_705 = arith.cmpi sge, %sub3A_703, %ge3A_704 : vector<16xi32>
        %lt3A_706 = arith.constant 2560 : i32
        %lt3A_707 = vector.broadcast %lt3A_706 : i32 to vector<16xi32>
        %lt3A_708 = arith.cmpi slt, %sub3A_703, %lt3A_707 : vector<16xi32>
        %and3A_709 = arith.andi %ge3A_705, %lt3A_708 : vector<16xi1>
        %swap3A_710 = arith.index_cast %scan3A_693 : i32 to index
        %swap3A_711 = tpu.vector_load %arg10[%swap3A_710] masked %and3A_709 {strides = array<i32>} : memref<2064xi32, #tpu.memory_space<vmem>>, vector<16xi32>, vector<16xi1>
        tpu.vector_store %arg10[%swap3A_710], %get3A_697 masked %and3A_709 {strides = array<i32>} : memref<2064xi32, #tpu.memory_space<vmem>>, vector<16xi32>, vector<16xi1>
        %swap3A_712 = arith.index_cast %scan3A_693 : i32 to index
        %swap3A_713 = tpu.vector_load %arg11[%swap3A_712] masked %and3A_709 {strides = array<i32>} : memref<2064xi32, #tpu.memory_space<vmem>>, vector<16xi32>, vector<16xi1>
        tpu.vector_store %arg11[%swap3A_712], %sub3A_703 masked %and3A_709 {strides = array<i32>} : memref<2064xi32, #tpu.memory_space<vmem>>, vector<16xi32>, vector<16xi1>
        %all_reduce_population_count3A = tpu.all_reduce %and3A_709 {dim = 0 : i64, kind = #tpu.reduction_kind<sum>} : vector<16xi1> -> vector<16xi32>
        %slice3A = vector.extract_strided_slice %all_reduce_population_count3A {offsets = [0], sizes = [1], strides = [1]} : vector<16xi32> to vector<1xi32>
        %squeeze3A = vector.extract %slice3A[0] : i32 from vector<1xi32>
        %add3A_714 = arith.addi %scan3A_693, %squeeze3A : i32
        scf.yield %add3A_714 : i32
      }
      %scan3A_387 = arith.constant 125 : i32
      %jit3A_388 = arith.constant 32 : i32
      %div3A_389 = arith.divsi %scan3A_386, %jit3A_388 : i32
      %sign3A_390 = arith.constant 0 : i32
      %sign3A_391 = arith.cmpi sgt, %scan3A_386, %sign3A_390 : i32
      %sign3A_392 = arith.extui %sign3A_391 : i1 to i32
      %sign3A_393 = arith.constant 0 : i32
      %sign3A_394 = arith.cmpi slt, %scan3A_386, %sign3A_393 : i32
      %sign3A_395 = arith.extui %sign3A_394 : i1 to i32
      %sign3A_396 = arith.subi %sign3A_392, %sign3A_395 : i32
      %sign3A_397 = arith.constant 0 : i32
      %sign3A_398 = arith.cmpi sgt, %jit3A_388, %sign3A_397 : i32
      %sign3A_399 = arith.extui %sign3A_398 : i1 to i32
      %sign3A_400 = arith.constant 0 : i32
      %sign3A_401 = arith.cmpi slt, %jit3A_388, %sign3A_400 : i32
      %sign3A_402 = arith.extui %sign3A_401 : i1 to i32
      %sign3A_403 = arith.subi %sign3A_399, %sign3A_402 : i32
      %ne3A_404 = arith.cmpi ne, %sign3A_396, %sign3A_403 : i32
      %rem3A_405 = arith.remsi %scan3A_386, %jit3A_388 : i32
      %ne3A_406 = arith.constant 0 : i32
      %ne3A_407 = arith.cmpi ne, %rem3A_405, %ne3A_406 : i32
      %and3A_408 = arith.andi %ne3A_404, %ne3A_407 : i1
      %sub3A_409 = arith.constant 1 : i32
      %sub3A_410 = arith.subi %div3A_389, %sub3A_409 : i32
      %select_n3A_411 = arith.select %and3A_408, %sub3A_410, %div3A_389 : i32
      %gt3A_412 = arith.constant 0 : i32
      %gt3A_413 = arith.cmpi sgt, %select_n3A_411, %gt3A_412 : i32
      %convert_element_type3A_414 = arith.extui %gt3A_413 : i1 to i32
      %cond3A_415 = arith.constant 0 : i32
      %cond3A_416 = arith.cmpi ne, %convert_element_type3A_414, %cond3A_415 : i32
      scf.if %cond3A_416 {
        %dma_start3A_692 = arith.constant 0 : i32
        %dma_start3A_693 = tpu.memref_slice %arg10[%dma_start3A_692] : memref<2064xi32, #tpu.memory_space<vmem>> -> memref<32xi32, #tpu.memory_space<vmem>>
        %dma_start3A_694 = arith.constant 0 : i32
        %dma_start3A_695 = arith.constant 0 : i32
        %dma_start3A_696 = tpu.memref_slice %arg2[%dma_start3A_694, %dma_start3A_695] : memref<10000x528xf32, #tpu.memory_space<hbm>> -> memref<10000x528xf32, #tpu.memory_space<hbm>>
        tpu.enqueue_indirect_dma source(%dma_start3A_696 : memref<10000x528xf32, #tpu.memory_space<hbm>>) target(%arg14 : memref<32x528xf32, #tpu.memory_space<vmem>>) offsets(%dma_start3A_693 : memref<32xi32, #tpu.memory_space<vmem>>) semaphore(%arg17 : memref<!tpu.dma_semaphore, #tpu.memory_space<semaphore_mem>>)
      } else {
      }
      %add3A_417 = arith.constant 1 : i32
      %add3A_418 = arith.addi %select_n3A_411, %add3A_417 : i32
      %jit3A_419 = arith.constant 2 : i32
      %div3A_420 = arith.divsi %add3A_418, %jit3A_419 : i32
      %sign3A_421 = arith.constant 0 : i32
      %sign3A_422 = arith.cmpi sgt, %add3A_418, %sign3A_421 : i32
      %sign3A_423 = arith.extui %sign3A_422 : i1 to i32
      %sign3A_424 = arith.constant 0 : i32
      %sign3A_425 = arith.cmpi slt, %add3A_418, %sign3A_424 : i32
      %sign3A_426 = arith.extui %sign3A_425 : i1 to i32
      %sign3A_427 = arith.subi %sign3A_423, %sign3A_426 : i32
      %sign3A_428 = arith.constant 0 : i32
      %sign3A_429 = arith.cmpi sgt, %jit3A_419, %sign3A_428 : i32
      %sign3A_430 = arith.extui %sign3A_429 : i1 to i32
      %sign3A_431 = arith.constant 0 : i32
      %sign3A_432 = arith.cmpi slt, %jit3A_419, %sign3A_431 : i32
      %sign3A_433 = arith.extui %sign3A_432 : i1 to i32
      %sign3A_434 = arith.subi %sign3A_430, %sign3A_433 : i32
      %ne3A_435 = arith.cmpi ne, %sign3A_427, %sign3A_434 : i32
      %rem3A_436 = arith.remsi %add3A_418, %jit3A_419 : i32
      %ne3A_437 = arith.constant 0 : i32
      %ne3A_438 = arith.cmpi ne, %rem3A_436, %ne3A_437 : i32
      %and3A_439 = arith.andi %ne3A_435, %ne3A_438 : i1
      %sub3A_440 = arith.constant 1 : i32
      %sub3A_441 = arith.subi %div3A_420, %sub3A_440 : i32
      %select_n3A_442 = arith.select %and3A_439, %sub3A_441, %div3A_420 : i32
      %while3A_443 = arith.constant 0 : i32
      %while3A_444 = arith.constant 0 : i32
      %while3A_445 = arith.subi %select_n3A_442, %while3A_443 : i32
      %while3A_446 = arith.addi %while3A_443, %while3A_445 : i32
      %while3A_447 = arith.constant 1 : i32
      %while3A_448 = arith.divsi %while3A_445, %while3A_447 : i32
      %while3A_449 = arith.muli %while3A_448, %while3A_447 : i32
      %while3A_450 = arith.addi %while3A_443, %while3A_449 : i32
      %while3A_451 = arith.constant 1 : i32
      %while3A_452 = scf.for %while3A_692 = %while3A_443 to %while3A_450 step %while3A_451 iter_args(%while3A_693 = %while3A_444) -> (i32)  : i32 {
        %mul3A_694 = arith.constant 2 : i32
        %mul3A_695 = arith.muli %mul3A_694, %while3A_692 : i32
        %add3A_696 = arith.constant 1 : i32
        %add3A_697 = arith.addi %mul3A_695, %add3A_696 : i32
        %lt3A_698 = arith.cmpi slt, %add3A_697, %select_n3A_411 : i32
        %convert_element_type3A_699 = arith.extui %lt3A_698 : i1 to i32
        %cond3A_700 = arith.constant 0 : i32
        %cond3A_701 = arith.cmpi ne, %convert_element_type3A_699, %cond3A_700 : i32
        scf.if %cond3A_701 {
          %add3A_730 = arith.constant 1 : i32
          %add3A_731 = arith.addi %mul3A_695, %add3A_730 : i32
          %mul3A_732 = arith.constant 32 : i32
          %mul3A_733 = arith.muli %add3A_731, %mul3A_732 : i32
          %dma_start3A_734 = tpu.memref_slice %arg10[%mul3A_733] : memref<2064xi32, #tpu.memory_space<vmem>> -> memref<32xi32, #tpu.memory_space<vmem>>
          %dma_start3A_735 = arith.constant 0 : i32
          %dma_start3A_736 = arith.constant 0 : i32
          %dma_start3A_737 = tpu.memref_slice %arg2[%dma_start3A_735, %dma_start3A_736] : memref<10000x528xf32, #tpu.memory_space<hbm>> -> memref<10000x528xf32, #tpu.memory_space<hbm>>
          tpu.enqueue_indirect_dma source(%dma_start3A_737 : memref<10000x528xf32, #tpu.memory_space<hbm>>) target(%arg15 : memref<32x528xf32, #tpu.memory_space<vmem>>) offsets(%dma_start3A_734 : memref<32xi32, #tpu.memory_space<vmem>>) semaphore(%arg18 : memref<!tpu.dma_semaphore, #tpu.memory_space<semaphore_mem>>)
        } else {
        }
        %mul3A_702 = arith.constant 32 : i32
        %mul3A_703 = arith.muli %mul3A_695, %mul3A_702 : i32
        %add3A_704 = arith.constant 0 : i32
        %add3A_705 = arith.addi %mul3A_703, %add3A_704 : i32
        %get3A_706 = arith.index_cast %add3A_705 : i32 to index
        %get3A_707 = tpu.vector_load %arg11[%get3A_706] {strides = array<i32>} : memref<2064xi32, #tpu.memory_space<vmem>>, vector<16xi32>,
        %swap3A_708 = arith.constant 0 : index
        %swap3A_709 = tpu.vector_load %arg12[%swap3A_708] {strides = array<i32>} : memref<32xi32, #tpu.memory_space<vmem>>, vector<16xi32>,
        tpu.vector_store %arg12[%swap3A_708], %get3A_707 {strides = array<i32>} : memref<32xi32, #tpu.memory_space<vmem>>, vector<16xi32>,
        %mul3A_710 = arith.constant 32 : i32
        %mul3A_711 = arith.muli %mul3A_695, %mul3A_710 : i32
        %add3A_712 = arith.constant 16 : i32
        %add3A_713 = arith.addi %mul3A_711, %add3A_712 : i32
        %get3A_714 = arith.index_cast %add3A_713 : i32 to index
        %get3A_715 = tpu.vector_load %arg11[%get3A_714] {strides = array<i32>} : memref<2064xi32, #tpu.memory_space<vmem>>, vector<16xi32>,
        %swap3A_716 = arith.constant 16 : index
        %swap3A_717 = tpu.vector_load %arg12[%swap3A_716] {strides = array<i32>} : memref<32xi32, #tpu.memory_space<vmem>>, vector<16xi32>,
        tpu.vector_store %arg12[%swap3A_716], %get3A_715 {strides = array<i32>} : memref<32xi32, #tpu.memory_space<vmem>>, vector<16xi32>,
        %dma_wait3A_718 = arith.constant 0 : i32
        %dma_wait3A_719 = tpu.memref_slice %arg10[%dma_wait3A_718] : memref<2064xi32, #tpu.memory_space<vmem>> -> memref<32xi32, #tpu.memory_space<vmem>>
        %dma_wait3A_720 = arith.constant 0 : i32
        %dma_wait3A_721 = arith.constant 0 : i32
        %dma_wait3A_722 = tpu.memref_slice %arg2[%dma_wait3A_720, %dma_wait3A_721] : memref<10000x528xf32, #tpu.memory_space<hbm>> -> memref<10000x528xf32, #tpu.memory_space<hbm>>
        tpu.wait_indirect_dma semaphore(%arg17 : memref<!tpu.dma_semaphore, #tpu.memory_space<semaphore_mem>>) src(%dma_wait3A_722 : memref<10000x528xf32, #tpu.memory_space<hbm>>) dst(%arg14 : memref<32x528xf32, #tpu.memory_space<vmem>>)
        "tpu.region"() ({
          %run_scoped3A = tpu.sem_alloc : memref<!tpu.dma_semaphore, #tpu.memory_space<semaphore_mem>>
          %dma_start3A_730 = arith.constant 0 : i32
          %dma_start3A_731 = arith.constant 0 : i32
          %dma_start3A_732 = tpu.memref_slice %arg16[%dma_start3A_730, %dma_start3A_731] : memref<2568x528xf32, #tpu.memory_space<vmem_shared>> -> memref<2568x528xf32, #tpu.memory_space<vmem_shared>>
          tpu.enqueue_indirect_dma source(%arg14 : memref<32x528xf32, #tpu.memory_space<vmem>>) target(%dma_start3A_732 : memref<2568x528xf32, #tpu.memory_space<vmem_shared>>) offsets(%arg12 : memref<32xi32, #tpu.memory_space<vmem>>) semaphore(%run_scoped3A : memref<!tpu.dma_semaphore, #tpu.memory_space<semaphore_mem>>) {add = true}
          %dma_wait3A_733 = arith.constant 0 : i32
          %dma_wait3A_734 = arith.constant 0 : i32
          %dma_wait3A_735 = tpu.memref_slice %arg16[%dma_wait3A_733, %dma_wait3A_734] : memref<2568x528xf32, #tpu.memory_space<vmem_shared>> -> memref<2568x528xf32, #tpu.memory_space<vmem_shared>>
          tpu.wait_indirect_dma semaphore(%run_scoped3A : memref<!tpu.dma_semaphore, #tpu.memory_space<semaphore_mem>>) src(%arg14 : memref<32x528xf32, #tpu.memory_space<vmem>>) dst(%dma_wait3A_735 : memref<2568x528xf32, #tpu.memory_space<vmem_shared>>)
          tpu.yield
        }) : () -> ()
        %add3A_723 = arith.constant 1 : i32
        %add3A_724 = arith.addi %mul3A_695, %add3A_723 : i32
        %lt3A_725 = arith.cmpi slt, %add3A_724, %select_n3A_411 : i32
        %convert_element_type3A_726 = arith.extui %lt3A_725 : i1 to i32
        %cond3A_727 = arith.constant 0 : i32
        %cond3A_728 = arith.cmpi ne, %convert_element_type3A_726, %cond3A_727 : i32
        scf.if %cond3A_728 {
          %add3A_730 = arith.constant 2 : i32
          %add3A_731 = arith.addi %mul3A_695, %add3A_730 : i32
          %lt3A_732 = arith.cmpi slt, %add3A_731, %select_n3A_411 : i32
          %convert_element_type3A_733 = arith.extui %lt3A_732 : i1 to i32
          %cond3A_734 = arith.constant 0 : i32
          %cond3A_735 = arith.cmpi ne, %convert_element_type3A_733, %cond3A_734 : i32
          scf.if %cond3A_735 {
            %add3A_759 = arith.constant 2 : i32
            %add3A_760 = arith.addi %mul3A_695, %add3A_759 : i32
            %mul3A_761 = arith.constant 32 : i32
            %mul3A_762 = arith.muli %add3A_760, %mul3A_761 : i32
            %dma_start3A_763 = tpu.memref_slice %arg10[%mul3A_762] : memref<2064xi32, #tpu.memory_space<vmem>> -> memref<32xi32, #tpu.memory_space<vmem>>
            %dma_start3A_764 = arith.constant 0 : i32
            %dma_start3A_765 = arith.constant 0 : i32
            %dma_start3A_766 = tpu.memref_slice %arg2[%dma_start3A_764, %dma_start3A_765] : memref<10000x528xf32, #tpu.memory_space<hbm>> -> memref<10000x528xf32, #tpu.memory_space<hbm>>
            tpu.enqueue_indirect_dma source(%dma_start3A_766 : memref<10000x528xf32, #tpu.memory_space<hbm>>) target(%arg14 : memref<32x528xf32, #tpu.memory_space<vmem>>) offsets(%dma_start3A_763 : memref<32xi32, #tpu.memory_space<vmem>>) semaphore(%arg17 : memref<!tpu.dma_semaphore, #tpu.memory_space<semaphore_mem>>)
          } else {
          }
          %add3A_736 = arith.constant 1 : i32
          %add3A_737 = arith.addi %mul3A_695, %add3A_736 : i32
          %mul3A_738 = arith.constant 32 : i32
          %mul3A_739 = arith.muli %add3A_737, %mul3A_738 : i32
          %add3A_740 = arith.constant 0 : i32
          %add3A_741 = arith.addi %mul3A_739, %add3A_740 : i32
          %get3A_742 = arith.index_cast %add3A_741 : i32 to index
          %get3A_743 = tpu.vector_load %arg11[%get3A_742] {strides = array<i32>} : memref<2064xi32, #tpu.memory_space<vmem>>, vector<16xi32>,
          %swap3A_744 = arith.constant 0 : index
          %swap3A_745 = tpu.vector_load %arg13[%swap3A_744] {strides = array<i32>} : memref<32xi32, #tpu.memory_space<vmem>>, vector<16xi32>,
          tpu.vector_store %arg13[%swap3A_744], %get3A_743 {strides = array<i32>} : memref<32xi32, #tpu.memory_space<vmem>>, vector<16xi32>,
          %mul3A_746 = arith.constant 32 : i32
          %mul3A_747 = arith.muli %add3A_737, %mul3A_746 : i32
          %add3A_748 = arith.constant 16 : i32
          %add3A_749 = arith.addi %mul3A_747, %add3A_748 : i32
          %get3A_750 = arith.index_cast %add3A_749 : i32 to index
          %get3A_751 = tpu.vector_load %arg11[%get3A_750] {strides = array<i32>} : memref<2064xi32, #tpu.memory_space<vmem>>, vector<16xi32>,
          %swap3A_752 = arith.constant 16 : index
          %swap3A_753 = tpu.vector_load %arg13[%swap3A_752] {strides = array<i32>} : memref<32xi32, #tpu.memory_space<vmem>>, vector<16xi32>,
          tpu.vector_store %arg13[%swap3A_752], %get3A_751 {strides = array<i32>} : memref<32xi32, #tpu.memory_space<vmem>>, vector<16xi32>,
          %dma_wait3A_754 = arith.constant 0 : i32
          %dma_wait3A_755 = tpu.memref_slice %arg10[%dma_wait3A_754] : memref<2064xi32, #tpu.memory_space<vmem>> -> memref<32xi32, #tpu.memory_space<vmem>>
          %dma_wait3A_756 = arith.constant 0 : i32
          %dma_wait3A_757 = arith.constant 0 : i32
          %dma_wait3A_758 = tpu.memref_slice %arg2[%dma_wait3A_756, %dma_wait3A_757] : memref<10000x528xf32, #tpu.memory_space<hbm>> -> memref<10000x528xf32, #tpu.memory_space<hbm>>
          tpu.wait_indirect_dma semaphore(%arg18 : memref<!tpu.dma_semaphore, #tpu.memory_space<semaphore_mem>>) src(%dma_wait3A_758 : memref<10000x528xf32, #tpu.memory_space<hbm>>) dst(%arg15 : memref<32x528xf32, #tpu.memory_space<vmem>>)
          "tpu.region"() ({
            %run_scoped3A = tpu.sem_alloc : memref<!tpu.dma_semaphore, #tpu.memory_space<semaphore_mem>>
            %dma_start3A_759 = arith.constant 0 : i32
            %dma_start3A_760 = arith.constant 0 : i32
            %dma_start3A_761 = tpu.memref_slice %arg16[%dma_start3A_759, %dma_start3A_760] : memref<2568x528xf32, #tpu.memory_space<vmem_shared>> -> memref<2568x528xf32, #tpu.memory_space<vmem_shared>>
            tpu.enqueue_indirect_dma source(%arg15 : memref<32x528xf32, #tpu.memory_space<vmem>>) target(%dma_start3A_761 : memref<2568x528xf32, #tpu.memory_space<vmem_shared>>) offsets(%arg13 : memref<32xi32, #tpu.memory_space<vmem>>) semaphore(%run_scoped3A : memref<!tpu.dma_semaphore, #tpu.memory_space<semaphore_mem>>) {add = true}
            %dma_wait3A_762 = arith.constant 0 : i32
            %dma_wait3A_763 = arith.constant 0 : i32
            %dma_wait3A_764 = tpu.memref_slice %arg16[%dma_wait3A_762, %dma_wait3A_763] : memref<2568x528xf32, #tpu.memory_space<vmem_shared>> -> memref<2568x528xf32, #tpu.memory_space<vmem_shared>>
            tpu.wait_indirect_dma semaphore(%run_scoped3A : memref<!tpu.dma_semaphore, #tpu.memory_space<semaphore_mem>>) src(%arg15 : memref<32x528xf32, #tpu.memory_space<vmem>>) dst(%dma_wait3A_764 : memref<2568x528xf32, #tpu.memory_space<vmem_shared>>)
            tpu.yield
          }) : () -> ()
        } else {
        }
        %while3A_729 = arith.constant 0 : i32
        scf.yield %while3A_729 : i32
      }
      %while3A_453 = arith.constant 1 : i32
      %while3A_454 = scf.for %while3A_692 = %while3A_450 to %while3A_446 step %while3A_453 iter_args(%while3A_693 = %while3A_452) -> (i32)  : i32 {
        %mul3A_694 = arith.constant 2 : i32
        %mul3A_695 = arith.muli %mul3A_694, %while3A_692 : i32
        %add3A_696 = arith.constant 1 : i32
        %add3A_697 = arith.addi %mul3A_695, %add3A_696 : i32
        %lt3A_698 = arith.cmpi slt, %add3A_697, %select_n3A_411 : i32
        %convert_element_type3A_699 = arith.extui %lt3A_698 : i1 to i32
        %cond3A_700 = arith.constant 0 : i32
        %cond3A_701 = arith.cmpi ne, %convert_element_type3A_699, %cond3A_700 : i32
        scf.if %cond3A_701 {
          %add3A_730 = arith.constant 1 : i32
          %add3A_731 = arith.addi %mul3A_695, %add3A_730 : i32
          %mul3A_732 = arith.constant 32 : i32
          %mul3A_733 = arith.muli %add3A_731, %mul3A_732 : i32
          %dma_start3A_734 = tpu.memref_slice %arg10[%mul3A_733] : memref<2064xi32, #tpu.memory_space<vmem>> -> memref<32xi32, #tpu.memory_space<vmem>>
          %dma_start3A_735 = arith.constant 0 : i32
          %dma_start3A_736 = arith.constant 0 : i32
          %dma_start3A_737 = tpu.memref_slice %arg2[%dma_start3A_735, %dma_start3A_736] : memref<10000x528xf32, #tpu.memory_space<hbm>> -> memref<10000x528xf32, #tpu.memory_space<hbm>>
          tpu.enqueue_indirect_dma source(%dma_start3A_737 : memref<10000x528xf32, #tpu.memory_space<hbm>>) target(%arg15 : memref<32x528xf32, #tpu.memory_space<vmem>>) offsets(%dma_start3A_734 : memref<32xi32, #tpu.memory_space<vmem>>) semaphore(%arg18 : memref<!tpu.dma_semaphore, #tpu.memory_space<semaphore_mem>>)
        } else {
        }
        %mul3A_702 = arith.constant 32 : i32
        %mul3A_703 = arith.muli %mul3A_695, %mul3A_702 : i32
        %add3A_704 = arith.constant 0 : i32
        %add3A_705 = arith.addi %mul3A_703, %add3A_704 : i32
        %get3A_706 = arith.index_cast %add3A_705 : i32 to index
        %get3A_707 = tpu.vector_load %arg11[%get3A_706] {strides = array<i32>} : memref<2064xi32, #tpu.memory_space<vmem>>, vector<16xi32>,
        %swap3A_708 = arith.constant 0 : index
        %swap3A_709 = tpu.vector_load %arg12[%swap3A_708] {strides = array<i32>} : memref<32xi32, #tpu.memory_space<vmem>>, vector<16xi32>,
        tpu.vector_store %arg12[%swap3A_708], %get3A_707 {strides = array<i32>} : memref<32xi32, #tpu.memory_space<vmem>>, vector<16xi32>,
        %mul3A_710 = arith.constant 32 : i32
        %mul3A_711 = arith.muli %mul3A_695, %mul3A_710 : i32
        %add3A_712 = arith.constant 16 : i32
        %add3A_713 = arith.addi %mul3A_711, %add3A_712 : i32
        %get3A_714 = arith.index_cast %add3A_713 : i32 to index
        %get3A_715 = tpu.vector_load %arg11[%get3A_714] {strides = array<i32>} : memref<2064xi32, #tpu.memory_space<vmem>>, vector<16xi32>,
        %swap3A_716 = arith.constant 16 : index
        %swap3A_717 = tpu.vector_load %arg12[%swap3A_716] {strides = array<i32>} : memref<32xi32, #tpu.memory_space<vmem>>, vector<16xi32>,
        tpu.vector_store %arg12[%swap3A_716], %get3A_715 {strides = array<i32>} : memref<32xi32, #tpu.memory_space<vmem>>, vector<16xi32>,
        %dma_wait3A_718 = arith.constant 0 : i32
        %dma_wait3A_719 = tpu.memref_slice %arg10[%dma_wait3A_718] : memref<2064xi32, #tpu.memory_space<vmem>> -> memref<32xi32, #tpu.memory_space<vmem>>
        %dma_wait3A_720 = arith.constant 0 : i32
        %dma_wait3A_721 = arith.constant 0 : i32
        %dma_wait3A_722 = tpu.memref_slice %arg2[%dma_wait3A_720, %dma_wait3A_721] : memref<10000x528xf32, #tpu.memory_space<hbm>> -> memref<10000x528xf32, #tpu.memory_space<hbm>>
        tpu.wait_indirect_dma semaphore(%arg17 : memref<!tpu.dma_semaphore, #tpu.memory_space<semaphore_mem>>) src(%dma_wait3A_722 : memref<10000x528xf32, #tpu.memory_space<hbm>>) dst(%arg14 : memref<32x528xf32, #tpu.memory_space<vmem>>)
        "tpu.region"() ({
          %run_scoped3A = tpu.sem_alloc : memref<!tpu.dma_semaphore, #tpu.memory_space<semaphore_mem>>
          %dma_start3A_730 = arith.constant 0 : i32
          %dma_start3A_731 = arith.constant 0 : i32
          %dma_start3A_732 = tpu.memref_slice %arg16[%dma_start3A_730, %dma_start3A_731] : memref<2568x528xf32, #tpu.memory_space<vmem_shared>> -> memref<2568x528xf32, #tpu.memory_space<vmem_shared>>
          tpu.enqueue_indirect_dma source(%arg14 : memref<32x528xf32, #tpu.memory_space<vmem>>) target(%dma_start3A_732 : memref<2568x528xf32, #tpu.memory_space<vmem_shared>>) offsets(%arg12 : memref<32xi32, #tpu.memory_space<vmem>>) semaphore(%run_scoped3A : memref<!tpu.dma_semaphore, #tpu.memory_space<semaphore_mem>>) {add = true}
          %dma_wait3A_733 = arith.constant 0 : i32
          %dma_wait3A_734 = arith.constant 0 : i32
          %dma_wait3A_735 = tpu.memref_slice %arg16[%dma_wait3A_733, %dma_wait3A_734] : memref<2568x528xf32, #tpu.memory_space<vmem_shared>> -> memref<2568x528xf32, #tpu.memory_space<vmem_shared>>
          tpu.wait_indirect_dma semaphore(%run_scoped3A : memref<!tpu.dma_semaphore, #tpu.memory_space<semaphore_mem>>) src(%arg14 : memref<32x528xf32, #tpu.memory_space<vmem>>) dst(%dma_wait3A_735 : memref<2568x528xf32, #tpu.memory_space<vmem_shared>>)
          tpu.yield
        }) : () -> ()
        %add3A_723 = arith.constant 1 : i32
        %add3A_724 = arith.addi %mul3A_695, %add3A_723 : i32
        %lt3A_725 = arith.cmpi slt, %add3A_724, %select_n3A_411 : i32
        %convert_element_type3A_726 = arith.extui %lt3A_725 : i1 to i32
        %cond3A_727 = arith.constant 0 : i32
        %cond3A_728 = arith.cmpi ne, %convert_element_type3A_726, %cond3A_727 : i32
        scf.if %cond3A_728 {
          %add3A_730 = arith.constant 2 : i32
          %add3A_731 = arith.addi %mul3A_695, %add3A_730 : i32
          %lt3A_732 = arith.cmpi slt, %add3A_731, %select_n3A_411 : i32
          %convert_element_type3A_733 = arith.extui %lt3A_732 : i1 to i32
          %cond3A_734 = arith.constant 0 : i32
          %cond3A_735 = arith.cmpi ne, %convert_element_type3A_733, %cond3A_734 : i32
          scf.if %cond3A_735 {
            %add3A_759 = arith.constant 2 : i32
            %add3A_760 = arith.addi %mul3A_695, %add3A_759 : i32
            %mul3A_761 = arith.constant 32 : i32
            %mul3A_762 = arith.muli %add3A_760, %mul3A_761 : i32
            %dma_start3A_763 = tpu.memref_slice %arg10[%mul3A_762] : memref<2064xi32, #tpu.memory_space<vmem>> -> memref<32xi32, #tpu.memory_space<vmem>>
            %dma_start3A_764 = arith.constant 0 : i32
            %dma_start3A_765 = arith.constant 0 : i32
            %dma_start3A_766 = tpu.memref_slice %arg2[%dma_start3A_764, %dma_start3A_765] : memref<10000x528xf32, #tpu.memory_space<hbm>> -> memref<10000x528xf32, #tpu.memory_space<hbm>>
            tpu.enqueue_indirect_dma source(%dma_start3A_766 : memref<10000x528xf32, #tpu.memory_space<hbm>>) target(%arg14 : memref<32x528xf32, #tpu.memory_space<vmem>>) offsets(%dma_start3A_763 : memref<32xi32, #tpu.memory_space<vmem>>) semaphore(%arg17 : memref<!tpu.dma_semaphore, #tpu.memory_space<semaphore_mem>>)
          } else {
          }
          %add3A_736 = arith.constant 1 : i32
          %add3A_737 = arith.addi %mul3A_695, %add3A_736 : i32
          %mul3A_738 = arith.constant 32 : i32
          %mul3A_739 = arith.muli %add3A_737, %mul3A_738 : i32
          %add3A_740 = arith.constant 0 : i32
          %add3A_741 = arith.addi %mul3A_739, %add3A_740 : i32
          %get3A_742 = arith.index_cast %add3A_741 : i32 to index
          %get3A_743 = tpu.vector_load %arg11[%get3A_742] {strides = array<i32>} : memref<2064xi32, #tpu.memory_space<vmem>>, vector<16xi32>,
          %swap3A_744 = arith.constant 0 : index
          %swap3A_745 = tpu.vector_load %arg13[%swap3A_744] {strides = array<i32>} : memref<32xi32, #tpu.memory_space<vmem>>, vector<16xi32>,
          tpu.vector_store %arg13[%swap3A_744], %get3A_743 {strides = array<i32>} : memref<32xi32, #tpu.memory_space<vmem>>, vector<16xi32>,
          %mul3A_746 = arith.constant 32 : i32
          %mul3A_747 = arith.muli %add3A_737, %mul3A_746 : i32
          %add3A_748 = arith.constant 16 : i32
          %add3A_749 = arith.addi %mul3A_747, %add3A_748 : i32
          %get3A_750 = arith.index_cast %add3A_749 : i32 to index
          %get3A_751 = tpu.vector_load %arg11[%get3A_750] {strides = array<i32>} : memref<2064xi32, #tpu.memory_space<vmem>>, vector<16xi32>,
          %swap3A_752 = arith.constant 16 : index
          %swap3A_753 = tpu.vector_load %arg13[%swap3A_752] {strides = array<i32>} : memref<32xi32, #tpu.memory_space<vmem>>, vector<16xi32>,
          tpu.vector_store %arg13[%swap3A_752], %get3A_751 {strides = array<i32>} : memref<32xi32, #tpu.memory_space<vmem>>, vector<16xi32>,
          %dma_wait3A_754 = arith.constant 0 : i32
          %dma_wait3A_755 = tpu.memref_slice %arg10[%dma_wait3A_754] : memref<2064xi32, #tpu.memory_space<vmem>> -> memref<32xi32, #tpu.memory_space<vmem>>
          %dma_wait3A_756 = arith.constant 0 : i32
          %dma_wait3A_757 = arith.constant 0 : i32
          %dma_wait3A_758 = tpu.memref_slice %arg2[%dma_wait3A_756, %dma_wait3A_757] : memref<10000x528xf32, #tpu.memory_space<hbm>> -> memref<10000x528xf32, #tpu.memory_space<hbm>>
          tpu.wait_indirect_dma semaphore(%arg18 : memref<!tpu.dma_semaphore, #tpu.memory_space<semaphore_mem>>) src(%dma_wait3A_758 : memref<10000x528xf32, #tpu.memory_space<hbm>>) dst(%arg15 : memref<32x528xf32, #tpu.memory_space<vmem>>)
          "tpu.region"() ({
            %run_scoped3A = tpu.sem_alloc : memref<!tpu.dma_semaphore, #tpu.memory_space<semaphore_mem>>
            %dma_start3A_759 = arith.constant 0 : i32
            %dma_start3A_760 = arith.constant 0 : i32
            %dma_start3A_761 = tpu.memref_slice %arg16[%dma_start3A_759, %dma_start3A_760] : memref<2568x528xf32, #tpu.memory_space<vmem_shared>> -> memref<2568x528xf32, #tpu.memory_space<vmem_shared>>
            tpu.enqueue_indirect_dma source(%arg15 : memref<32x528xf32, #tpu.memory_space<vmem>>) target(%dma_start3A_761 : memref<2568x528xf32, #tpu.memory_space<vmem_shared>>) offsets(%arg13 : memref<32xi32, #tpu.memory_space<vmem>>) semaphore(%run_scoped3A : memref<!tpu.dma_semaphore, #tpu.memory_space<semaphore_mem>>) {add = true}
            %dma_wait3A_762 = arith.constant 0 : i32
            %dma_wait3A_763 = arith.constant 0 : i32
            %dma_wait3A_764 = tpu.memref_slice %arg16[%dma_wait3A_762, %dma_wait3A_763] : memref<2568x528xf32, #tpu.memory_space<vmem_shared>> -> memref<2568x528xf32, #tpu.memory_space<vmem_shared>>
            tpu.wait_indirect_dma semaphore(%run_scoped3A : memref<!tpu.dma_semaphore, #tpu.memory_space<semaphore_mem>>) src(%arg15 : memref<32x528xf32, #tpu.memory_space<vmem>>) dst(%dma_wait3A_764 : memref<2568x528xf32, #tpu.memory_space<vmem_shared>>)
            tpu.yield
          }) : () -> ()
        } else {
        }
        %while3A_729 = arith.constant 0 : i32
        scf.yield %while3A_729 : i32
      }
      %mul3A_455 = arith.constant 32 : i32
      %mul3A_456 = arith.muli %select_n3A_411, %mul3A_455 : i32
      %add3A_457 = arith.constant 0 : i32
      %add3A_458 = arith.addi %mul3A_456, %add3A_457 : i32
      %get3A_459 = arith.index_cast %add3A_458 : i32 to index
      %get3A_460 = tpu.vector_load %arg10[%get3A_459] {strides = array<i32>} : memref<2064xi32, #tpu.memory_space<vmem>>, vector<16xi32>,
      %add3A_461 = arith.constant 0 : i32
      %add3A_462 = arith.addi %mul3A_456, %add3A_461 : i32
      %get3A_463 = arith.index_cast %add3A_462 : i32 to index
      %get3A_464 = tpu.vector_load %arg11[%get3A_463] {strides = array<i32>} : memref<2064xi32, #tpu.memory_space<vmem>>, vector<16xi32>,
      %swap3A_465 = arith.constant 0 : index
      %swap3A_466 = tpu.vector_load %arg10[%swap3A_465] {strides = array<i32>} : memref<2064xi32, #tpu.memory_space<vmem>>, vector<16xi32>,
      tpu.vector_store %arg10[%swap3A_465], %get3A_460 {strides = array<i32>} : memref<2064xi32, #tpu.memory_space<vmem>>, vector<16xi32>,
      %swap3A_467 = arith.constant 0 : index
      %swap3A_468 = tpu.vector_load %arg11[%swap3A_467] {strides = array<i32>} : memref<2064xi32, #tpu.memory_space<vmem>>, vector<16xi32>,
      tpu.vector_store %arg11[%swap3A_467], %get3A_464 {strides = array<i32>} : memref<2064xi32, #tpu.memory_space<vmem>>, vector<16xi32>,
      %add3A_469 = arith.constant 16 : i32
      %add3A_470 = arith.addi %mul3A_456, %add3A_469 : i32
      %get3A_471 = arith.index_cast %add3A_470 : i32 to index
      %get3A_472 = tpu.vector_load %arg10[%get3A_471] {strides = array<i32>} : memref<2064xi32, #tpu.memory_space<vmem>>, vector<16xi32>,
      %add3A_473 = arith.constant 16 : i32
      %add3A_474 = arith.addi %mul3A_456, %add3A_473 : i32
      %get3A_475 = arith.index_cast %add3A_474 : i32 to index
      %get3A_476 = tpu.vector_load %arg11[%get3A_475] {strides = array<i32>} : memref<2064xi32, #tpu.memory_space<vmem>>, vector<16xi32>,
      %swap3A_477 = arith.constant 16 : index
      %swap3A_478 = tpu.vector_load %arg10[%swap3A_477] {strides = array<i32>} : memref<2064xi32, #tpu.memory_space<vmem>>, vector<16xi32>,
      tpu.vector_store %arg10[%swap3A_477], %get3A_472 {strides = array<i32>} : memref<2064xi32, #tpu.memory_space<vmem>>, vector<16xi32>,
      %swap3A_479 = arith.constant 16 : index
      %swap3A_480 = tpu.vector_load %arg11[%swap3A_479] {strides = array<i32>} : memref<2064xi32, #tpu.memory_space<vmem>>, vector<16xi32>,
      tpu.vector_store %arg11[%swap3A_479], %get3A_476 {strides = array<i32>} : memref<2064xi32, #tpu.memory_space<vmem>>, vector<16xi32>,
      %sub3A_481 = arith.subi %scan3A_386, %mul3A_456 : i32
      %dma_wait3A_482 = tpu.memref_slice %arg3[%mul3A_0] : memref<160000xi32, #tpu.memory_space<hbm>> -> memref<2000xi32, #tpu.memory_space<hbm>>
      %dma_wait3A_483 = tpu.memref_slice %arg3[%mul3A_0] : memref<160000xi32, #tpu.memory_space<hbm>> -> memref<2000xi32, #tpu.memory_space<hbm>>
      tpu.wait_dma2 semaphore(%arg19 : memref<!tpu.dma_semaphore, #tpu.memory_space<semaphore_mem>>) src(%dma_wait3A_483 : memref<2000xi32, #tpu.memory_space<hbm>>) dst(%arg6 : memref<2000xi32, #tpu.memory_space<vmem>>)
      %dma_wait3A_484 = tpu.memref_slice %arg4[%mul3A_0] : memref<160000xi32, #tpu.memory_space<hbm>> -> memref<2000xi32, #tpu.memory_space<hbm>>
      %dma_wait3A_485 = tpu.memref_slice %arg4[%mul3A_0] : memref<160000xi32, #tpu.memory_space<hbm>> -> memref<2000xi32, #tpu.memory_space<hbm>>
      tpu.wait_dma2 semaphore(%arg19 : memref<!tpu.dma_semaphore, #tpu.memory_space<semaphore_mem>>) src(%dma_wait3A_485 : memref<2000xi32, #tpu.memory_space<hbm>>) dst(%arg7 : memref<2000xi32, #tpu.memory_space<vmem>>)
      %scan3A_486 = arith.constant 0 : i32
      %scan3A_487 = arith.constant 125 : i32
      %scan3A_488 = arith.addi %scan3A_486, %scan3A_487 : i32
      %scan3A_489 = arith.constant 1 : i32
      %scan3A_490 = scf.for %scan3A_692 = %scan3A_486 to %scan3A_488 step %scan3A_489 iter_args(%scan3A_693 = %sub3A_481) -> (i32)  : i32 {
        %mul3A_694 = arith.constant 16 : i32
        %mul3A_695 = arith.muli %scan3A_692, %mul3A_694 : i32
        %get3A_696 = arith.index_cast %mul3A_695 : i32 to index
        %get3A_697 = tpu.vector_load %arg6[%get3A_696] {strides = array<i32>} : memref<2000xi32, #tpu.memory_space<vmem>>, vector<16xi32>,
        %mul3A_698 = arith.constant 16 : i32
        %mul3A_699 = arith.muli %scan3A_692, %mul3A_698 : i32
        %get3A_700 = arith.index_cast %mul3A_699 : i32 to index
        %get3A_701 = tpu.vector_load %arg7[%get3A_700] {strides = array<i32>} : memref<2000xi32, #tpu.memory_space<vmem>>, vector<16xi32>,
        %sub3A_702 = vector.broadcast %mul3A_13 : i32 to vector<16xi32>
        %sub3A_703 = arith.subi %get3A_701, %sub3A_702 : vector<16xi32>
        %ge3A = arith.constant 0 : i32
        %ge3A_704 = vector.broadcast %ge3A : i32 to vector<16xi32>
        %ge3A_705 = arith.cmpi sge, %sub3A_703, %ge3A_704 : vector<16xi32>
        %lt3A_706 = arith.constant 2560 : i32
        %lt3A_707 = vector.broadcast %lt3A_706 : i32 to vector<16xi32>
        %lt3A_708 = arith.cmpi slt, %sub3A_703, %lt3A_707 : vector<16xi32>
        %and3A_709 = arith.andi %ge3A_705, %lt3A_708 : vector<16xi1>
        %swap3A_710 = arith.index_cast %scan3A_693 : i32 to index
        %swap3A_711 = tpu.vector_load %arg10[%swap3A_710] masked %and3A_709 {strides = array<i32>} : memref<2064xi32, #tpu.memory_space<vmem>>, vector<16xi32>, vector<16xi1>
        tpu.vector_store %arg10[%swap3A_710], %get3A_697 masked %and3A_709 {strides = array<i32>} : memref<2064xi32, #tpu.memory_space<vmem>>, vector<16xi32>, vector<16xi1>
        %swap3A_712 = arith.index_cast %scan3A_693 : i32 to index
        %swap3A_713 = tpu.vector_load %arg11[%swap3A_712] masked %and3A_709 {strides = array<i32>} : memref<2064xi32, #tpu.memory_space<vmem>>, vector<16xi32>, vector<16xi1>
        tpu.vector_store %arg11[%swap3A_712], %sub3A_703 masked %and3A_709 {strides = array<i32>} : memref<2064xi32, #tpu.memory_space<vmem>>, vector<16xi32>, vector<16xi1>
        %all_reduce_population_count3A = tpu.all_reduce %and3A_709 {dim = 0 : i64, kind = #tpu.reduction_kind<sum>} : vector<16xi1> -> vector<16xi32>
        %slice3A = vector.extract_strided_slice %all_reduce_population_count3A {offsets = [0], sizes = [1], strides = [1]} : vector<16xi32> to vector<1xi32>
        %squeeze3A = vector.extract %slice3A[0] : i32 from vector<1xi32>
        %add3A_714 = arith.addi %scan3A_693, %squeeze3A : i32
        scf.yield %add3A_714 : i32
      }
      %scan3A_491 = arith.constant 125 : i32
      %jit3A_492 = arith.constant 32 : i32
      %div3A_493 = arith.divsi %scan3A_490, %jit3A_492 : i32
      %sign3A_494 = arith.constant 0 : i32
      %sign3A_495 = arith.cmpi sgt, %scan3A_490, %sign3A_494 : i32
      %sign3A_496 = arith.extui %sign3A_495 : i1 to i32
      %sign3A_497 = arith.constant 0 : i32
      %sign3A_498 = arith.cmpi slt, %scan3A_490, %sign3A_497 : i32
      %sign3A_499 = arith.extui %sign3A_498 : i1 to i32
      %sign3A_500 = arith.subi %sign3A_496, %sign3A_499 : i32
      %sign3A_501 = arith.constant 0 : i32
      %sign3A_502 = arith.cmpi sgt, %jit3A_492, %sign3A_501 : i32
      %sign3A_503 = arith.extui %sign3A_502 : i1 to i32
      %sign3A_504 = arith.constant 0 : i32
      %sign3A_505 = arith.cmpi slt, %jit3A_492, %sign3A_504 : i32
      %sign3A_506 = arith.extui %sign3A_505 : i1 to i32
      %sign3A_507 = arith.subi %sign3A_503, %sign3A_506 : i32
      %ne3A_508 = arith.cmpi ne, %sign3A_500, %sign3A_507 : i32
      %rem3A_509 = arith.remsi %scan3A_490, %jit3A_492 : i32
      %ne3A_510 = arith.constant 0 : i32
      %ne3A_511 = arith.cmpi ne, %rem3A_509, %ne3A_510 : i32
      %and3A_512 = arith.andi %ne3A_508, %ne3A_511 : i1
      %sub3A_513 = arith.constant 1 : i32
      %sub3A_514 = arith.subi %div3A_493, %sub3A_513 : i32
      %select_n3A_515 = arith.select %and3A_512, %sub3A_514, %div3A_493 : i32
      %gt3A_516 = arith.constant 0 : i32
      %gt3A_517 = arith.cmpi sgt, %select_n3A_515, %gt3A_516 : i32
      %convert_element_type3A_518 = arith.extui %gt3A_517 : i1 to i32
      %cond3A_519 = arith.constant 0 : i32
      %cond3A_520 = arith.cmpi ne, %convert_element_type3A_518, %cond3A_519 : i32
      scf.if %cond3A_520 {
        %dma_start3A_692 = arith.constant 0 : i32
        %dma_start3A_693 = tpu.memref_slice %arg10[%dma_start3A_692] : memref<2064xi32, #tpu.memory_space<vmem>> -> memref<32xi32, #tpu.memory_space<vmem>>
        %dma_start3A_694 = arith.constant 0 : i32
        %dma_start3A_695 = arith.constant 0 : i32
        %dma_start3A_696 = tpu.memref_slice %arg2[%dma_start3A_694, %dma_start3A_695] : memref<10000x528xf32, #tpu.memory_space<hbm>> -> memref<10000x528xf32, #tpu.memory_space<hbm>>
        tpu.enqueue_indirect_dma source(%dma_start3A_696 : memref<10000x528xf32, #tpu.memory_space<hbm>>) target(%arg14 : memref<32x528xf32, #tpu.memory_space<vmem>>) offsets(%dma_start3A_693 : memref<32xi32, #tpu.memory_space<vmem>>) semaphore(%arg17 : memref<!tpu.dma_semaphore, #tpu.memory_space<semaphore_mem>>)
      } else {
      }
      %add3A_521 = arith.constant 1 : i32
      %add3A_522 = arith.addi %select_n3A_515, %add3A_521 : i32
      %jit3A_523 = arith.constant 2 : i32
      %div3A_524 = arith.divsi %add3A_522, %jit3A_523 : i32
      %sign3A_525 = arith.constant 0 : i32
      %sign3A_526 = arith.cmpi sgt, %add3A_522, %sign3A_525 : i32
      %sign3A_527 = arith.extui %sign3A_526 : i1 to i32
      %sign3A_528 = arith.constant 0 : i32
      %sign3A_529 = arith.cmpi slt, %add3A_522, %sign3A_528 : i32
      %sign3A_530 = arith.extui %sign3A_529 : i1 to i32
      %sign3A_531 = arith.subi %sign3A_527, %sign3A_530 : i32
      %sign3A_532 = arith.constant 0 : i32
      %sign3A_533 = arith.cmpi sgt, %jit3A_523, %sign3A_532 : i32
      %sign3A_534 = arith.extui %sign3A_533 : i1 to i32
      %sign3A_535 = arith.constant 0 : i32
      %sign3A_536 = arith.cmpi slt, %jit3A_523, %sign3A_535 : i32
      %sign3A_537 = arith.extui %sign3A_536 : i1 to i32
      %sign3A_538 = arith.subi %sign3A_534, %sign3A_537 : i32
      %ne3A_539 = arith.cmpi ne, %sign3A_531, %sign3A_538 : i32
      %rem3A_540 = arith.remsi %add3A_522, %jit3A_523 : i32
      %ne3A_541 = arith.constant 0 : i32
      %ne3A_542 = arith.cmpi ne, %rem3A_540, %ne3A_541 : i32
      %and3A_543 = arith.andi %ne3A_539, %ne3A_542 : i1
      %sub3A_544 = arith.constant 1 : i32
      %sub3A_545 = arith.subi %div3A_524, %sub3A_544 : i32
      %select_n3A_546 = arith.select %and3A_543, %sub3A_545, %div3A_524 : i32
      %while3A_547 = arith.constant 0 : i32
      %while3A_548 = arith.constant 0 : i32
      %while3A_549 = arith.subi %select_n3A_546, %while3A_547 : i32
      %while3A_550 = arith.addi %while3A_547, %while3A_549 : i32
      %while3A_551 = arith.constant 1 : i32
      %while3A_552 = arith.divsi %while3A_549, %while3A_551 : i32
      %while3A_553 = arith.muli %while3A_552, %while3A_551 : i32
      %while3A_554 = arith.addi %while3A_547, %while3A_553 : i32
      %while3A_555 = arith.constant 1 : i32
      %while3A_556 = scf.for %while3A_692 = %while3A_547 to %while3A_554 step %while3A_555 iter_args(%while3A_693 = %while3A_548) -> (i32)  : i32 {
        %mul3A_694 = arith.constant 2 : i32
        %mul3A_695 = arith.muli %mul3A_694, %while3A_692 : i32
        %add3A_696 = arith.constant 1 : i32
        %add3A_697 = arith.addi %mul3A_695, %add3A_696 : i32
        %lt3A_698 = arith.cmpi slt, %add3A_697, %select_n3A_515 : i32
        %convert_element_type3A_699 = arith.extui %lt3A_698 : i1 to i32
        %cond3A_700 = arith.constant 0 : i32
        %cond3A_701 = arith.cmpi ne, %convert_element_type3A_699, %cond3A_700 : i32
        scf.if %cond3A_701 {
          %add3A_730 = arith.constant 1 : i32
          %add3A_731 = arith.addi %mul3A_695, %add3A_730 : i32
          %mul3A_732 = arith.constant 32 : i32
          %mul3A_733 = arith.muli %add3A_731, %mul3A_732 : i32
          %dma_start3A_734 = tpu.memref_slice %arg10[%mul3A_733] : memref<2064xi32, #tpu.memory_space<vmem>> -> memref<32xi32, #tpu.memory_space<vmem>>
          %dma_start3A_735 = arith.constant 0 : i32
          %dma_start3A_736 = arith.constant 0 : i32
          %dma_start3A_737 = tpu.memref_slice %arg2[%dma_start3A_735, %dma_start3A_736] : memref<10000x528xf32, #tpu.memory_space<hbm>> -> memref<10000x528xf32, #tpu.memory_space<hbm>>
          tpu.enqueue_indirect_dma source(%dma_start3A_737 : memref<10000x528xf32, #tpu.memory_space<hbm>>) target(%arg15 : memref<32x528xf32, #tpu.memory_space<vmem>>) offsets(%dma_start3A_734 : memref<32xi32, #tpu.memory_space<vmem>>) semaphore(%arg18 : memref<!tpu.dma_semaphore, #tpu.memory_space<semaphore_mem>>)
        } else {
        }
        %mul3A_702 = arith.constant 32 : i32
        %mul3A_703 = arith.muli %mul3A_695, %mul3A_702 : i32
        %add3A_704 = arith.constant 0 : i32
        %add3A_705 = arith.addi %mul3A_703, %add3A_704 : i32
        %get3A_706 = arith.index_cast %add3A_705 : i32 to index
        %get3A_707 = tpu.vector_load %arg11[%get3A_706] {strides = array<i32>} : memref<2064xi32, #tpu.memory_space<vmem>>, vector<16xi32>,
        %swap3A_708 = arith.constant 0 : index
        %swap3A_709 = tpu.vector_load %arg12[%swap3A_708] {strides = array<i32>} : memref<32xi32, #tpu.memory_space<vmem>>, vector<16xi32>,
        tpu.vector_store %arg12[%swap3A_708], %get3A_707 {strides = array<i32>} : memref<32xi32, #tpu.memory_space<vmem>>, vector<16xi32>,
        %mul3A_710 = arith.constant 32 : i32
        %mul3A_711 = arith.muli %mul3A_695, %mul3A_710 : i32
        %add3A_712 = arith.constant 16 : i32
        %add3A_713 = arith.addi %mul3A_711, %add3A_712 : i32
        %get3A_714 = arith.index_cast %add3A_713 : i32 to index
        %get3A_715 = tpu.vector_load %arg11[%get3A_714] {strides = array<i32>} : memref<2064xi32, #tpu.memory_space<vmem>>, vector<16xi32>,
        %swap3A_716 = arith.constant 16 : index
        %swap3A_717 = tpu.vector_load %arg12[%swap3A_716] {strides = array<i32>} : memref<32xi32, #tpu.memory_space<vmem>>, vector<16xi32>,
        tpu.vector_store %arg12[%swap3A_716], %get3A_715 {strides = array<i32>} : memref<32xi32, #tpu.memory_space<vmem>>, vector<16xi32>,
        %dma_wait3A_718 = arith.constant 0 : i32
        %dma_wait3A_719 = tpu.memref_slice %arg10[%dma_wait3A_718] : memref<2064xi32, #tpu.memory_space<vmem>> -> memref<32xi32, #tpu.memory_space<vmem>>
        %dma_wait3A_720 = arith.constant 0 : i32
        %dma_wait3A_721 = arith.constant 0 : i32
        %dma_wait3A_722 = tpu.memref_slice %arg2[%dma_wait3A_720, %dma_wait3A_721] : memref<10000x528xf32, #tpu.memory_space<hbm>> -> memref<10000x528xf32, #tpu.memory_space<hbm>>
        tpu.wait_indirect_dma semaphore(%arg17 : memref<!tpu.dma_semaphore, #tpu.memory_space<semaphore_mem>>) src(%dma_wait3A_722 : memref<10000x528xf32, #tpu.memory_space<hbm>>) dst(%arg14 : memref<32x528xf32, #tpu.memory_space<vmem>>)
        "tpu.region"() ({
          %run_scoped3A = tpu.sem_alloc : memref<!tpu.dma_semaphore, #tpu.memory_space<semaphore_mem>>
          %dma_start3A_730 = arith.constant 0 : i32
          %dma_start3A_731 = arith.constant 0 : i32
          %dma_start3A_732 = tpu.memref_slice %arg16[%dma_start3A_730, %dma_start3A_731] : memref<2568x528xf32, #tpu.memory_space<vmem_shared>> -> memref<2568x528xf32, #tpu.memory_space<vmem_shared>>
          tpu.enqueue_indirect_dma source(%arg14 : memref<32x528xf32, #tpu.memory_space<vmem>>) target(%dma_start3A_732 : memref<2568x528xf32, #tpu.memory_space<vmem_shared>>) offsets(%arg12 : memref<32xi32, #tpu.memory_space<vmem>>) semaphore(%run_scoped3A : memref<!tpu.dma_semaphore, #tpu.memory_space<semaphore_mem>>) {add = true}
          %dma_wait3A_733 = arith.constant 0 : i32
          %dma_wait3A_734 = arith.constant 0 : i32
          %dma_wait3A_735 = tpu.memref_slice %arg16[%dma_wait3A_733, %dma_wait3A_734] : memref<2568x528xf32, #tpu.memory_space<vmem_shared>> -> memref<2568x528xf32, #tpu.memory_space<vmem_shared>>
          tpu.wait_indirect_dma semaphore(%run_scoped3A : memref<!tpu.dma_semaphore, #tpu.memory_space<semaphore_mem>>) src(%arg14 : memref<32x528xf32, #tpu.memory_space<vmem>>) dst(%dma_wait3A_735 : memref<2568x528xf32, #tpu.memory_space<vmem_shared>>)
          tpu.yield
        }) : () -> ()
        %add3A_723 = arith.constant 1 : i32
        %add3A_724 = arith.addi %mul3A_695, %add3A_723 : i32
        %lt3A_725 = arith.cmpi slt, %add3A_724, %select_n3A_515 : i32
        %convert_element_type3A_726 = arith.extui %lt3A_725 : i1 to i32
        %cond3A_727 = arith.constant 0 : i32
        %cond3A_728 = arith.cmpi ne, %convert_element_type3A_726, %cond3A_727 : i32
        scf.if %cond3A_728 {
          %add3A_730 = arith.constant 2 : i32
          %add3A_731 = arith.addi %mul3A_695, %add3A_730 : i32
          %lt3A_732 = arith.cmpi slt, %add3A_731, %select_n3A_515 : i32
          %convert_element_type3A_733 = arith.extui %lt3A_732 : i1 to i32
          %cond3A_734 = arith.constant 0 : i32
          %cond3A_735 = arith.cmpi ne, %convert_element_type3A_733, %cond3A_734 : i32
          scf.if %cond3A_735 {
            %add3A_759 = arith.constant 2 : i32
            %add3A_760 = arith.addi %mul3A_695, %add3A_759 : i32
            %mul3A_761 = arith.constant 32 : i32
            %mul3A_762 = arith.muli %add3A_760, %mul3A_761 : i32
            %dma_start3A_763 = tpu.memref_slice %arg10[%mul3A_762] : memref<2064xi32, #tpu.memory_space<vmem>> -> memref<32xi32, #tpu.memory_space<vmem>>
            %dma_start3A_764 = arith.constant 0 : i32
            %dma_start3A_765 = arith.constant 0 : i32
            %dma_start3A_766 = tpu.memref_slice %arg2[%dma_start3A_764, %dma_start3A_765] : memref<10000x528xf32, #tpu.memory_space<hbm>> -> memref<10000x528xf32, #tpu.memory_space<hbm>>
            tpu.enqueue_indirect_dma source(%dma_start3A_766 : memref<10000x528xf32, #tpu.memory_space<hbm>>) target(%arg14 : memref<32x528xf32, #tpu.memory_space<vmem>>) offsets(%dma_start3A_763 : memref<32xi32, #tpu.memory_space<vmem>>) semaphore(%arg17 : memref<!tpu.dma_semaphore, #tpu.memory_space<semaphore_mem>>)
          } else {
          }
          %add3A_736 = arith.constant 1 : i32
          %add3A_737 = arith.addi %mul3A_695, %add3A_736 : i32
          %mul3A_738 = arith.constant 32 : i32
          %mul3A_739 = arith.muli %add3A_737, %mul3A_738 : i32
          %add3A_740 = arith.constant 0 : i32
          %add3A_741 = arith.addi %mul3A_739, %add3A_740 : i32
          %get3A_742 = arith.index_cast %add3A_741 : i32 to index
          %get3A_743 = tpu.vector_load %arg11[%get3A_742] {strides = array<i32>} : memref<2064xi32, #tpu.memory_space<vmem>>, vector<16xi32>,
          %swap3A_744 = arith.constant 0 : index
          %swap3A_745 = tpu.vector_load %arg13[%swap3A_744] {strides = array<i32>} : memref<32xi32, #tpu.memory_space<vmem>>, vector<16xi32>,
          tpu.vector_store %arg13[%swap3A_744], %get3A_743 {strides = array<i32>} : memref<32xi32, #tpu.memory_space<vmem>>, vector<16xi32>,
          %mul3A_746 = arith.constant 32 : i32
          %mul3A_747 = arith.muli %add3A_737, %mul3A_746 : i32
          %add3A_748 = arith.constant 16 : i32
          %add3A_749 = arith.addi %mul3A_747, %add3A_748 : i32
          %get3A_750 = arith.index_cast %add3A_749 : i32 to index
          %get3A_751 = tpu.vector_load %arg11[%get3A_750] {strides = array<i32>} : memref<2064xi32, #tpu.memory_space<vmem>>, vector<16xi32>,
          %swap3A_752 = arith.constant 16 : index
          %swap3A_753 = tpu.vector_load %arg13[%swap3A_752] {strides = array<i32>} : memref<32xi32, #tpu.memory_space<vmem>>, vector<16xi32>,
          tpu.vector_store %arg13[%swap3A_752], %get3A_751 {strides = array<i32>} : memref<32xi32, #tpu.memory_space<vmem>>, vector<16xi32>,
          %dma_wait3A_754 = arith.constant 0 : i32
          %dma_wait3A_755 = tpu.memref_slice %arg10[%dma_wait3A_754] : memref<2064xi32, #tpu.memory_space<vmem>> -> memref<32xi32, #tpu.memory_space<vmem>>
          %dma_wait3A_756 = arith.constant 0 : i32
          %dma_wait3A_757 = arith.constant 0 : i32
          %dma_wait3A_758 = tpu.memref_slice %arg2[%dma_wait3A_756, %dma_wait3A_757] : memref<10000x528xf32, #tpu.memory_space<hbm>> -> memref<10000x528xf32, #tpu.memory_space<hbm>>
          tpu.wait_indirect_dma semaphore(%arg18 : memref<!tpu.dma_semaphore, #tpu.memory_space<semaphore_mem>>) src(%dma_wait3A_758 : memref<10000x528xf32, #tpu.memory_space<hbm>>) dst(%arg15 : memref<32x528xf32, #tpu.memory_space<vmem>>)
          "tpu.region"() ({
            %run_scoped3A = tpu.sem_alloc : memref<!tpu.dma_semaphore, #tpu.memory_space<semaphore_mem>>
            %dma_start3A_759 = arith.constant 0 : i32
            %dma_start3A_760 = arith.constant 0 : i32
            %dma_start3A_761 = tpu.memref_slice %arg16[%dma_start3A_759, %dma_start3A_760] : memref<2568x528xf32, #tpu.memory_space<vmem_shared>> -> memref<2568x528xf32, #tpu.memory_space<vmem_shared>>
            tpu.enqueue_indirect_dma source(%arg15 : memref<32x528xf32, #tpu.memory_space<vmem>>) target(%dma_start3A_761 : memref<2568x528xf32, #tpu.memory_space<vmem_shared>>) offsets(%arg13 : memref<32xi32, #tpu.memory_space<vmem>>) semaphore(%run_scoped3A : memref<!tpu.dma_semaphore, #tpu.memory_space<semaphore_mem>>) {add = true}
            %dma_wait3A_762 = arith.constant 0 : i32
            %dma_wait3A_763 = arith.constant 0 : i32
            %dma_wait3A_764 = tpu.memref_slice %arg16[%dma_wait3A_762, %dma_wait3A_763] : memref<2568x528xf32, #tpu.memory_space<vmem_shared>> -> memref<2568x528xf32, #tpu.memory_space<vmem_shared>>
            tpu.wait_indirect_dma semaphore(%run_scoped3A : memref<!tpu.dma_semaphore, #tpu.memory_space<semaphore_mem>>) src(%arg15 : memref<32x528xf32, #tpu.memory_space<vmem>>) dst(%dma_wait3A_764 : memref<2568x528xf32, #tpu.memory_space<vmem_shared>>)
            tpu.yield
          }) : () -> ()
        } else {
        }
        %while3A_729 = arith.constant 0 : i32
        scf.yield %while3A_729 : i32
      }
      %while3A_557 = arith.constant 1 : i32
      %while3A_558 = scf.for %while3A_692 = %while3A_554 to %while3A_550 step %while3A_557 iter_args(%while3A_693 = %while3A_556) -> (i32)  : i32 {
        %mul3A_694 = arith.constant 2 : i32
        %mul3A_695 = arith.muli %mul3A_694, %while3A_692 : i32
        %add3A_696 = arith.constant 1 : i32
        %add3A_697 = arith.addi %mul3A_695, %add3A_696 : i32
        %lt3A_698 = arith.cmpi slt, %add3A_697, %select_n3A_515 : i32
        %convert_element_type3A_699 = arith.extui %lt3A_698 : i1 to i32
        %cond3A_700 = arith.constant 0 : i32
        %cond3A_701 = arith.cmpi ne, %convert_element_type3A_699, %cond3A_700 : i32
        scf.if %cond3A_701 {
          %add3A_730 = arith.constant 1 : i32
          %add3A_731 = arith.addi %mul3A_695, %add3A_730 : i32
          %mul3A_732 = arith.constant 32 : i32
          %mul3A_733 = arith.muli %add3A_731, %mul3A_732 : i32
          %dma_start3A_734 = tpu.memref_slice %arg10[%mul3A_733] : memref<2064xi32, #tpu.memory_space<vmem>> -> memref<32xi32, #tpu.memory_space<vmem>>
          %dma_start3A_735 = arith.constant 0 : i32
          %dma_start3A_736 = arith.constant 0 : i32
          %dma_start3A_737 = tpu.memref_slice %arg2[%dma_start3A_735, %dma_start3A_736] : memref<10000x528xf32, #tpu.memory_space<hbm>> -> memref<10000x528xf32, #tpu.memory_space<hbm>>
          tpu.enqueue_indirect_dma source(%dma_start3A_737 : memref<10000x528xf32, #tpu.memory_space<hbm>>) target(%arg15 : memref<32x528xf32, #tpu.memory_space<vmem>>) offsets(%dma_start3A_734 : memref<32xi32, #tpu.memory_space<vmem>>) semaphore(%arg18 : memref<!tpu.dma_semaphore, #tpu.memory_space<semaphore_mem>>)
        } else {
        }
        %mul3A_702 = arith.constant 32 : i32
        %mul3A_703 = arith.muli %mul3A_695, %mul3A_702 : i32
        %add3A_704 = arith.constant 0 : i32
        %add3A_705 = arith.addi %mul3A_703, %add3A_704 : i32
        %get3A_706 = arith.index_cast %add3A_705 : i32 to index
        %get3A_707 = tpu.vector_load %arg11[%get3A_706] {strides = array<i32>} : memref<2064xi32, #tpu.memory_space<vmem>>, vector<16xi32>,
        %swap3A_708 = arith.constant 0 : index
        %swap3A_709 = tpu.vector_load %arg12[%swap3A_708] {strides = array<i32>} : memref<32xi32, #tpu.memory_space<vmem>>, vector<16xi32>,
        tpu.vector_store %arg12[%swap3A_708], %get3A_707 {strides = array<i32>} : memref<32xi32, #tpu.memory_space<vmem>>, vector<16xi32>,
        %mul3A_710 = arith.constant 32 : i32
        %mul3A_711 = arith.muli %mul3A_695, %mul3A_710 : i32
        %add3A_712 = arith.constant 16 : i32
        %add3A_713 = arith.addi %mul3A_711, %add3A_712 : i32
        %get3A_714 = arith.index_cast %add3A_713 : i32 to index
        %get3A_715 = tpu.vector_load %arg11[%get3A_714] {strides = array<i32>} : memref<2064xi32, #tpu.memory_space<vmem>>, vector<16xi32>,
        %swap3A_716 = arith.constant 16 : index
        %swap3A_717 = tpu.vector_load %arg12[%swap3A_716] {strides = array<i32>} : memref<32xi32, #tpu.memory_space<vmem>>, vector<16xi32>,
        tpu.vector_store %arg12[%swap3A_716], %get3A_715 {strides = array<i32>} : memref<32xi32, #tpu.memory_space<vmem>>, vector<16xi32>,
        %dma_wait3A_718 = arith.constant 0 : i32
        %dma_wait3A_719 = tpu.memref_slice %arg10[%dma_wait3A_718] : memref<2064xi32, #tpu.memory_space<vmem>> -> memref<32xi32, #tpu.memory_space<vmem>>
        %dma_wait3A_720 = arith.constant 0 : i32
        %dma_wait3A_721 = arith.constant 0 : i32
        %dma_wait3A_722 = tpu.memref_slice %arg2[%dma_wait3A_720, %dma_wait3A_721] : memref<10000x528xf32, #tpu.memory_space<hbm>> -> memref<10000x528xf32, #tpu.memory_space<hbm>>
        tpu.wait_indirect_dma semaphore(%arg17 : memref<!tpu.dma_semaphore, #tpu.memory_space<semaphore_mem>>) src(%dma_wait3A_722 : memref<10000x528xf32, #tpu.memory_space<hbm>>) dst(%arg14 : memref<32x528xf32, #tpu.memory_space<vmem>>)
        "tpu.region"() ({
          %run_scoped3A = tpu.sem_alloc : memref<!tpu.dma_semaphore, #tpu.memory_space<semaphore_mem>>
          %dma_start3A_730 = arith.constant 0 : i32
          %dma_start3A_731 = arith.constant 0 : i32
          %dma_start3A_732 = tpu.memref_slice %arg16[%dma_start3A_730, %dma_start3A_731] : memref<2568x528xf32, #tpu.memory_space<vmem_shared>> -> memref<2568x528xf32, #tpu.memory_space<vmem_shared>>
          tpu.enqueue_indirect_dma source(%arg14 : memref<32x528xf32, #tpu.memory_space<vmem>>) target(%dma_start3A_732 : memref<2568x528xf32, #tpu.memory_space<vmem_shared>>) offsets(%arg12 : memref<32xi32, #tpu.memory_space<vmem>>) semaphore(%run_scoped3A : memref<!tpu.dma_semaphore, #tpu.memory_space<semaphore_mem>>) {add = true}
          %dma_wait3A_733 = arith.constant 0 : i32
          %dma_wait3A_734 = arith.constant 0 : i32
          %dma_wait3A_735 = tpu.memref_slice %arg16[%dma_wait3A_733, %dma_wait3A_734] : memref<2568x528xf32, #tpu.memory_space<vmem_shared>> -> memref<2568x528xf32, #tpu.memory_space<vmem_shared>>
          tpu.wait_indirect_dma semaphore(%run_scoped3A : memref<!tpu.dma_semaphore, #tpu.memory_space<semaphore_mem>>) src(%arg14 : memref<32x528xf32, #tpu.memory_space<vmem>>) dst(%dma_wait3A_735 : memref<2568x528xf32, #tpu.memory_space<vmem_shared>>)
          tpu.yield
        }) : () -> ()
        %add3A_723 = arith.constant 1 : i32
        %add3A_724 = arith.addi %mul3A_695, %add3A_723 : i32
        %lt3A_725 = arith.cmpi slt, %add3A_724, %select_n3A_515 : i32
        %convert_element_type3A_726 = arith.extui %lt3A_725 : i1 to i32
        %cond3A_727 = arith.constant 0 : i32
        %cond3A_728 = arith.cmpi ne, %convert_element_type3A_726, %cond3A_727 : i32
        scf.if %cond3A_728 {
          %add3A_730 = arith.constant 2 : i32
          %add3A_731 = arith.addi %mul3A_695, %add3A_730 : i32
          %lt3A_732 = arith.cmpi slt, %add3A_731, %select_n3A_515 : i32
          %convert_element_type3A_733 = arith.extui %lt3A_732 : i1 to i32
          %cond3A_734 = arith.constant 0 : i32
          %cond3A_735 = arith.cmpi ne, %convert_element_type3A_733, %cond3A_734 : i32
          scf.if %cond3A_735 {
            %add3A_759 = arith.constant 2 : i32
            %add3A_760 = arith.addi %mul3A_695, %add3A_759 : i32
            %mul3A_761 = arith.constant 32 : i32
            %mul3A_762 = arith.muli %add3A_760, %mul3A_761 : i32
            %dma_start3A_763 = tpu.memref_slice %arg10[%mul3A_762] : memref<2064xi32, #tpu.memory_space<vmem>> -> memref<32xi32, #tpu.memory_space<vmem>>
            %dma_start3A_764 = arith.constant 0 : i32
            %dma_start3A_765 = arith.constant 0 : i32
            %dma_start3A_766 = tpu.memref_slice %arg2[%dma_start3A_764, %dma_start3A_765] : memref<10000x528xf32, #tpu.memory_space<hbm>> -> memref<10000x528xf32, #tpu.memory_space<hbm>>
            tpu.enqueue_indirect_dma source(%dma_start3A_766 : memref<10000x528xf32, #tpu.memory_space<hbm>>) target(%arg14 : memref<32x528xf32, #tpu.memory_space<vmem>>) offsets(%dma_start3A_763 : memref<32xi32, #tpu.memory_space<vmem>>) semaphore(%arg17 : memref<!tpu.dma_semaphore, #tpu.memory_space<semaphore_mem>>)
          } else {
          }
          %add3A_736 = arith.constant 1 : i32
          %add3A_737 = arith.addi %mul3A_695, %add3A_736 : i32
          %mul3A_738 = arith.constant 32 : i32
          %mul3A_739 = arith.muli %add3A_737, %mul3A_738 : i32
          %add3A_740 = arith.constant 0 : i32
          %add3A_741 = arith.addi %mul3A_739, %add3A_740 : i32
          %get3A_742 = arith.index_cast %add3A_741 : i32 to index
          %get3A_743 = tpu.vector_load %arg11[%get3A_742] {strides = array<i32>} : memref<2064xi32, #tpu.memory_space<vmem>>, vector<16xi32>,
          %swap3A_744 = arith.constant 0 : index
          %swap3A_745 = tpu.vector_load %arg13[%swap3A_744] {strides = array<i32>} : memref<32xi32, #tpu.memory_space<vmem>>, vector<16xi32>,
          tpu.vector_store %arg13[%swap3A_744], %get3A_743 {strides = array<i32>} : memref<32xi32, #tpu.memory_space<vmem>>, vector<16xi32>,
          %mul3A_746 = arith.constant 32 : i32
          %mul3A_747 = arith.muli %add3A_737, %mul3A_746 : i32
          %add3A_748 = arith.constant 16 : i32
          %add3A_749 = arith.addi %mul3A_747, %add3A_748 : i32
          %get3A_750 = arith.index_cast %add3A_749 : i32 to index
          %get3A_751 = tpu.vector_load %arg11[%get3A_750] {strides = array<i32>} : memref<2064xi32, #tpu.memory_space<vmem>>, vector<16xi32>,
          %swap3A_752 = arith.constant 16 : index
          %swap3A_753 = tpu.vector_load %arg13[%swap3A_752] {strides = array<i32>} : memref<32xi32, #tpu.memory_space<vmem>>, vector<16xi32>,
          tpu.vector_store %arg13[%swap3A_752], %get3A_751 {strides = array<i32>} : memref<32xi32, #tpu.memory_space<vmem>>, vector<16xi32>,
          %dma_wait3A_754 = arith.constant 0 : i32
          %dma_wait3A_755 = tpu.memref_slice %arg10[%dma_wait3A_754] : memref<2064xi32, #tpu.memory_space<vmem>> -> memref<32xi32, #tpu.memory_space<vmem>>
          %dma_wait3A_756 = arith.constant 0 : i32
          %dma_wait3A_757 = arith.constant 0 : i32
          %dma_wait3A_758 = tpu.memref_slice %arg2[%dma_wait3A_756, %dma_wait3A_757] : memref<10000x528xf32, #tpu.memory_space<hbm>> -> memref<10000x528xf32, #tpu.memory_space<hbm>>
          tpu.wait_indirect_dma semaphore(%arg18 : memref<!tpu.dma_semaphore, #tpu.memory_space<semaphore_mem>>) src(%dma_wait3A_758 : memref<10000x528xf32, #tpu.memory_space<hbm>>) dst(%arg15 : memref<32x528xf32, #tpu.memory_space<vmem>>)
          "tpu.region"() ({
            %run_scoped3A = tpu.sem_alloc : memref<!tpu.dma_semaphore, #tpu.memory_space<semaphore_mem>>
            %dma_start3A_759 = arith.constant 0 : i32
            %dma_start3A_760 = arith.constant 0 : i32
            %dma_start3A_761 = tpu.memref_slice %arg16[%dma_start3A_759, %dma_start3A_760] : memref<2568x528xf32, #tpu.memory_space<vmem_shared>> -> memref<2568x528xf32, #tpu.memory_space<vmem_shared>>
            tpu.enqueue_indirect_dma source(%arg15 : memref<32x528xf32, #tpu.memory_space<vmem>>) target(%dma_start3A_761 : memref<2568x528xf32, #tpu.memory_space<vmem_shared>>) offsets(%arg13 : memref<32xi32, #tpu.memory_space<vmem>>) semaphore(%run_scoped3A : memref<!tpu.dma_semaphore, #tpu.memory_space<semaphore_mem>>) {add = true}
            %dma_wait3A_762 = arith.constant 0 : i32
            %dma_wait3A_763 = arith.constant 0 : i32
            %dma_wait3A_764 = tpu.memref_slice %arg16[%dma_wait3A_762, %dma_wait3A_763] : memref<2568x528xf32, #tpu.memory_space<vmem_shared>> -> memref<2568x528xf32, #tpu.memory_space<vmem_shared>>
            tpu.wait_indirect_dma semaphore(%run_scoped3A : memref<!tpu.dma_semaphore, #tpu.memory_space<semaphore_mem>>) src(%arg15 : memref<32x528xf32, #tpu.memory_space<vmem>>) dst(%dma_wait3A_764 : memref<2568x528xf32, #tpu.memory_space<vmem_shared>>)
            tpu.yield
          }) : () -> ()
        } else {
        }
        %while3A_729 = arith.constant 0 : i32
        scf.yield %while3A_729 : i32
      }
      %mul3A_559 = arith.constant 32 : i32
      %mul3A_560 = arith.muli %select_n3A_515, %mul3A_559 : i32
      %add3A_561 = arith.constant 0 : i32
      %add3A_562 = arith.addi %mul3A_560, %add3A_561 : i32
      %get3A_563 = arith.index_cast %add3A_562 : i32 to index
      %get3A_564 = tpu.vector_load %arg10[%get3A_563] {strides = array<i32>} : memref<2064xi32, #tpu.memory_space<vmem>>, vector<16xi32>,
      %add3A_565 = arith.constant 0 : i32
      %add3A_566 = arith.addi %mul3A_560, %add3A_565 : i32
      %get3A_567 = arith.index_cast %add3A_566 : i32 to index
      %get3A_568 = tpu.vector_load %arg11[%get3A_567] {strides = array<i32>} : memref<2064xi32, #tpu.memory_space<vmem>>, vector<16xi32>,
      %swap3A_569 = arith.constant 0 : index
      %swap3A_570 = tpu.vector_load %arg10[%swap3A_569] {strides = array<i32>} : memref<2064xi32, #tpu.memory_space<vmem>>, vector<16xi32>,
      tpu.vector_store %arg10[%swap3A_569], %get3A_564 {strides = array<i32>} : memref<2064xi32, #tpu.memory_space<vmem>>, vector<16xi32>,
      %swap3A_571 = arith.constant 0 : index
      %swap3A_572 = tpu.vector_load %arg11[%swap3A_571] {strides = array<i32>} : memref<2064xi32, #tpu.memory_space<vmem>>, vector<16xi32>,
      tpu.vector_store %arg11[%swap3A_571], %get3A_568 {strides = array<i32>} : memref<2064xi32, #tpu.memory_space<vmem>>, vector<16xi32>,
      %add3A_573 = arith.constant 16 : i32
      %add3A_574 = arith.addi %mul3A_560, %add3A_573 : i32
      %get3A_575 = arith.index_cast %add3A_574 : i32 to index
      %get3A_576 = tpu.vector_load %arg10[%get3A_575] {strides = array<i32>} : memref<2064xi32, #tpu.memory_space<vmem>>, vector<16xi32>,
      %add3A_577 = arith.constant 16 : i32
      %add3A_578 = arith.addi %mul3A_560, %add3A_577 : i32
      %get3A_579 = arith.index_cast %add3A_578 : i32 to index
      %get3A_580 = tpu.vector_load %arg11[%get3A_579] {strides = array<i32>} : memref<2064xi32, #tpu.memory_space<vmem>>, vector<16xi32>,
      %swap3A_581 = arith.constant 16 : index
      %swap3A_582 = tpu.vector_load %arg10[%swap3A_581] {strides = array<i32>} : memref<2064xi32, #tpu.memory_space<vmem>>, vector<16xi32>,
      tpu.vector_store %arg10[%swap3A_581], %get3A_576 {strides = array<i32>} : memref<2064xi32, #tpu.memory_space<vmem>>, vector<16xi32>,
      %swap3A_583 = arith.constant 16 : index
      %swap3A_584 = tpu.vector_load %arg11[%swap3A_583] {strides = array<i32>} : memref<2064xi32, #tpu.memory_space<vmem>>, vector<16xi32>,
      tpu.vector_store %arg11[%swap3A_583], %get3A_580 {strides = array<i32>} : memref<2064xi32, #tpu.memory_space<vmem>>, vector<16xi32>,
      %sub3A_585 = arith.subi %scan3A_490, %mul3A_560 : i32
      %add3A_586 = arith.constant 31 : i32
      %add3A_587 = arith.addi %sub3A_585, %add3A_586 : i32
      %jit3A_588 = arith.constant 32 : i32
      %div3A_589 = arith.divsi %add3A_587, %jit3A_588 : i32
      %sign3A_590 = arith.constant 0 : i32
      %sign3A_591 = arith.cmpi sgt, %add3A_587, %sign3A_590 : i32
      %sign3A_592 = arith.extui %sign3A_591 : i1 to i32
      %sign3A_593 = arith.constant 0 : i32
      %sign3A_594 = arith.cmpi slt, %add3A_587, %sign3A_593 : i32
      %sign3A_595 = arith.extui %sign3A_594 : i1 to i32
      %sign3A_596 = arith.subi %sign3A_592, %sign3A_595 : i32
      %sign3A_597 = arith.constant 0 : i32
      %sign3A_598 = arith.cmpi sgt, %jit3A_588, %sign3A_597 : i32
      %sign3A_599 = arith.extui %sign3A_598 : i1 to i32
      %sign3A_600 = arith.constant 0 : i32
      %sign3A_601 = arith.cmpi slt, %jit3A_588, %sign3A_600 : i32
      %sign3A_602 = arith.extui %sign3A_601 : i1 to i32
      %sign3A_603 = arith.subi %sign3A_599, %sign3A_602 : i32
      %ne3A_604 = arith.cmpi ne, %sign3A_596, %sign3A_603 : i32
      %rem3A_605 = arith.remsi %add3A_587, %jit3A_588 : i32
      %ne3A_606 = arith.constant 0 : i32
      %ne3A_607 = arith.cmpi ne, %rem3A_605, %ne3A_606 : i32
      %and3A_608 = arith.andi %ne3A_604, %ne3A_607 : i1
      %sub3A_609 = arith.constant 1 : i32
      %sub3A_610 = arith.subi %div3A_589, %sub3A_609 : i32
      %select_n3A_611 = arith.select %and3A_608, %sub3A_610, %div3A_589 : i32
      %mul3A_612 = arith.constant 32 : i32
      %mul3A_613 = arith.muli %select_n3A_611, %mul3A_612 : i32
      %add3A_614 = arith.constant 0 : i32
      %add3A_615 = arith.addi %sub3A_585, %add3A_614 : i32
      %add3A_616 = vector.broadcast %add3A_615 : i32 to vector<16xi32>
      %add3A_617 = arith.addi %add3A_616, %iota3A : vector<16xi32>
      %lt3A = vector.broadcast %mul3A_613 : i32 to vector<16xi32>
      %lt3A_618 = arith.cmpi slt, %add3A_617, %lt3A : vector<16xi32>
      %broadcast_in_dim3A_619 = arith.constant 0 : i32
      %broadcast_in_dim3A_620 = vector.broadcast %broadcast_in_dim3A_619 : i32 to vector<16xi32>
      tpu.vector_store_idx %arg10[%add3A_617], %broadcast_in_dim3A_620 masked %lt3A_618 : memref<2064xi32, #tpu.memory_space<vmem>>[vector<16xi32>], vector<16xi32>, vector<16xi1>
      %broadcast_in_dim3A_621 = arith.constant 2560 : i32
      %broadcast_in_dim3A_622 = vector.broadcast %broadcast_in_dim3A_621 : i32 to vector<16xi32>
      tpu.vector_store_idx %arg11[%add3A_617], %broadcast_in_dim3A_622 masked %lt3A_618 : memref<2064xi32, #tpu.memory_space<vmem>>[vector<16xi32>], vector<16xi32>, vector<16xi1>
      %add3A_623 = arith.constant 16 : i32
      %add3A_624 = arith.addi %sub3A_585, %add3A_623 : i32
      %add3A_625 = vector.broadcast %add3A_624 : i32 to vector<16xi32>
      %add3A_626 = arith.addi %add3A_625, %iota3A : vector<16xi32>
      %lt3A_627 = vector.broadcast %mul3A_613 : i32 to vector<16xi32>
      %lt3A_628 = arith.cmpi slt, %add3A_626, %lt3A_627 : vector<16xi32>
      %broadcast_in_dim3A_629 = arith.constant 0 : i32
      %broadcast_in_dim3A_630 = vector.broadcast %broadcast_in_dim3A_629 : i32 to vector<16xi32>
      tpu.vector_store_idx %arg10[%add3A_626], %broadcast_in_dim3A_630 masked %lt3A_628 : memref<2064xi32, #tpu.memory_space<vmem>>[vector<16xi32>], vector<16xi32>, vector<16xi1>
      %broadcast_in_dim3A_631 = arith.constant 2560 : i32
      %broadcast_in_dim3A_632 = vector.broadcast %broadcast_in_dim3A_631 : i32 to vector<16xi32>
      tpu.vector_store_idx %arg11[%add3A_626], %broadcast_in_dim3A_632 masked %lt3A_628 : memref<2064xi32, #tpu.memory_space<vmem>>[vector<16xi32>], vector<16xi32>, vector<16xi1>
      %add3A_633 = arith.constant 32 : i32
      %add3A_634 = arith.addi %sub3A_585, %add3A_633 : i32
      %add3A_635 = vector.broadcast %add3A_634 : i32 to vector<16xi32>
      %add3A_636 = arith.addi %add3A_635, %iota3A : vector<16xi32>
      %lt3A_637 = vector.broadcast %mul3A_613 : i32 to vector<16xi32>
      %lt3A_638 = arith.cmpi slt, %add3A_636, %lt3A_637 : vector<16xi32>
      %broadcast_in_dim3A_639 = arith.constant 0 : i32
      %broadcast_in_dim3A_640 = vector.broadcast %broadcast_in_dim3A_639 : i32 to vector<16xi32>
      tpu.vector_store_idx %arg10[%add3A_636], %broadcast_in_dim3A_640 masked %lt3A_638 : memref<2064xi32, #tpu.memory_space<vmem>>[vector<16xi32>], vector<16xi32>, vector<16xi1>
      %broadcast_in_dim3A_641 = arith.constant 2560 : i32
      %broadcast_in_dim3A_642 = vector.broadcast %broadcast_in_dim3A_641 : i32 to vector<16xi32>
      tpu.vector_store_idx %arg11[%add3A_636], %broadcast_in_dim3A_642 masked %lt3A_638 : memref<2064xi32, #tpu.memory_space<vmem>>[vector<16xi32>], vector<16xi32>, vector<16xi1>
      %gt3A_643 = arith.constant 0 : i32
      %gt3A_644 = arith.cmpi sgt, %select_n3A_611, %gt3A_643 : i32
      %convert_element_type3A_645 = arith.extui %gt3A_644 : i1 to i32
      %cond3A_646 = arith.constant 0 : i32
      %cond3A_647 = arith.cmpi ne, %convert_element_type3A_645, %cond3A_646 : i32
      scf.if %cond3A_647 {
        %dma_start3A_692 = arith.constant 0 : i32
        %dma_start3A_693 = tpu.memref_slice %arg10[%dma_start3A_692] : memref<2064xi32, #tpu.memory_space<vmem>> -> memref<32xi32, #tpu.memory_space<vmem>>
        %dma_start3A_694 = arith.constant 0 : i32
        %dma_start3A_695 = arith.constant 0 : i32
        %dma_start3A_696 = tpu.memref_slice %arg2[%dma_start3A_694, %dma_start3A_695] : memref<10000x528xf32, #tpu.memory_space<hbm>> -> memref<10000x528xf32, #tpu.memory_space<hbm>>
        tpu.enqueue_indirect_dma source(%dma_start3A_696 : memref<10000x528xf32, #tpu.memory_space<hbm>>) target(%arg14 : memref<32x528xf32, #tpu.memory_space<vmem>>) offsets(%dma_start3A_693 : memref<32xi32, #tpu.memory_space<vmem>>) semaphore(%arg17 : memref<!tpu.dma_semaphore, #tpu.memory_space<semaphore_mem>>)
      } else {
      }
      %add3A_648 = arith.constant 1 : i32
      %add3A_649 = arith.addi %select_n3A_611, %add3A_648 : i32
      %jit3A_650 = arith.constant 2 : i32
      %div3A_651 = arith.divsi %add3A_649, %jit3A_650 : i32
      %sign3A_652 = arith.constant 0 : i32
      %sign3A_653 = arith.cmpi sgt, %add3A_649, %sign3A_652 : i32
      %sign3A_654 = arith.extui %sign3A_653 : i1 to i32
      %sign3A_655 = arith.constant 0 : i32
      %sign3A_656 = arith.cmpi slt, %add3A_649, %sign3A_655 : i32
      %sign3A_657 = arith.extui %sign3A_656 : i1 to i32
      %sign3A_658 = arith.subi %sign3A_654, %sign3A_657 : i32
      %sign3A_659 = arith.constant 0 : i32
      %sign3A_660 = arith.cmpi sgt, %jit3A_650, %sign3A_659 : i32
      %sign3A_661 = arith.extui %sign3A_660 : i1 to i32
      %sign3A_662 = arith.constant 0 : i32
      %sign3A_663 = arith.cmpi slt, %jit3A_650, %sign3A_662 : i32
      %sign3A_664 = arith.extui %sign3A_663 : i1 to i32
      %sign3A_665 = arith.subi %sign3A_661, %sign3A_664 : i32
      %ne3A_666 = arith.cmpi ne, %sign3A_658, %sign3A_665 : i32
      %rem3A_667 = arith.remsi %add3A_649, %jit3A_650 : i32
      %ne3A_668 = arith.constant 0 : i32
      %ne3A_669 = arith.cmpi ne, %rem3A_667, %ne3A_668 : i32
      %and3A_670 = arith.andi %ne3A_666, %ne3A_669 : i1
      %sub3A_671 = arith.constant 1 : i32
      %sub3A_672 = arith.subi %div3A_651, %sub3A_671 : i32
      %select_n3A_673 = arith.select %and3A_670, %sub3A_672, %div3A_651 : i32
      %while3A_674 = arith.constant 0 : i32
      %while3A_675 = arith.constant 0 : i32
      %while3A_676 = arith.subi %select_n3A_673, %while3A_674 : i32
      %while3A_677 = arith.addi %while3A_674, %while3A_676 : i32
      %while3A_678 = arith.constant 1 : i32
      %while3A_679 = arith.divsi %while3A_676, %while3A_678 : i32
      %while3A_680 = arith.muli %while3A_679, %while3A_678 : i32
      %while3A_681 = arith.addi %while3A_674, %while3A_680 : i32
      %while3A_682 = arith.constant 1 : i32
      %while3A_683 = scf.for %while3A_692 = %while3A_674 to %while3A_681 step %while3A_682 iter_args(%while3A_693 = %while3A_675) -> (i32)  : i32 {
        %mul3A_694 = arith.constant 2 : i32
        %mul3A_695 = arith.muli %mul3A_694, %while3A_692 : i32
        %add3A_696 = arith.constant 1 : i32
        %add3A_697 = arith.addi %mul3A_695, %add3A_696 : i32
        %lt3A_698 = arith.cmpi slt, %add3A_697, %select_n3A_611 : i32
        %convert_element_type3A_699 = arith.extui %lt3A_698 : i1 to i32
        %cond3A_700 = arith.constant 0 : i32
        %cond3A_701 = arith.cmpi ne, %convert_element_type3A_699, %cond3A_700 : i32
        scf.if %cond3A_701 {
          %add3A_730 = arith.constant 1 : i32
          %add3A_731 = arith.addi %mul3A_695, %add3A_730 : i32
          %mul3A_732 = arith.constant 32 : i32
          %mul3A_733 = arith.muli %add3A_731, %mul3A_732 : i32
          %dma_start3A_734 = tpu.memref_slice %arg10[%mul3A_733] : memref<2064xi32, #tpu.memory_space<vmem>> -> memref<32xi32, #tpu.memory_space<vmem>>
          %dma_start3A_735 = arith.constant 0 : i32
          %dma_start3A_736 = arith.constant 0 : i32
          %dma_start3A_737 = tpu.memref_slice %arg2[%dma_start3A_735, %dma_start3A_736] : memref<10000x528xf32, #tpu.memory_space<hbm>> -> memref<10000x528xf32, #tpu.memory_space<hbm>>
          tpu.enqueue_indirect_dma source(%dma_start3A_737 : memref<10000x528xf32, #tpu.memory_space<hbm>>) target(%arg15 : memref<32x528xf32, #tpu.memory_space<vmem>>) offsets(%dma_start3A_734 : memref<32xi32, #tpu.memory_space<vmem>>) semaphore(%arg18 : memref<!tpu.dma_semaphore, #tpu.memory_space<semaphore_mem>>)
        } else {
        }
        %mul3A_702 = arith.constant 32 : i32
        %mul3A_703 = arith.muli %mul3A_695, %mul3A_702 : i32
        %add3A_704 = arith.constant 0 : i32
        %add3A_705 = arith.addi %mul3A_703, %add3A_704 : i32
        %get3A_706 = arith.index_cast %add3A_705 : i32 to index
        %get3A_707 = tpu.vector_load %arg11[%get3A_706] {strides = array<i32>} : memref<2064xi32, #tpu.memory_space<vmem>>, vector<16xi32>,
        %swap3A_708 = arith.constant 0 : index
        %swap3A_709 = tpu.vector_load %arg12[%swap3A_708] {strides = array<i32>} : memref<32xi32, #tpu.memory_space<vmem>>, vector<16xi32>,
        tpu.vector_store %arg12[%swap3A_708], %get3A_707 {strides = array<i32>} : memref<32xi32, #tpu.memory_space<vmem>>, vector<16xi32>,
        %mul3A_710 = arith.constant 32 : i32
        %mul3A_711 = arith.muli %mul3A_695, %mul3A_710 : i32
        %add3A_712 = arith.constant 16 : i32
        %add3A_713 = arith.addi %mul3A_711, %add3A_712 : i32
        %get3A_714 = arith.index_cast %add3A_713 : i32 to index
        %get3A_715 = tpu.vector_load %arg11[%get3A_714] {strides = array<i32>} : memref<2064xi32, #tpu.memory_space<vmem>>, vector<16xi32>,
        %swap3A_716 = arith.constant 16 : index
        %swap3A_717 = tpu.vector_load %arg12[%swap3A_716] {strides = array<i32>} : memref<32xi32, #tpu.memory_space<vmem>>, vector<16xi32>,
        tpu.vector_store %arg12[%swap3A_716], %get3A_715 {strides = array<i32>} : memref<32xi32, #tpu.memory_space<vmem>>, vector<16xi32>,
        %dma_wait3A_718 = arith.constant 0 : i32
        %dma_wait3A_719 = tpu.memref_slice %arg10[%dma_wait3A_718] : memref<2064xi32, #tpu.memory_space<vmem>> -> memref<32xi32, #tpu.memory_space<vmem>>
        %dma_wait3A_720 = arith.constant 0 : i32
        %dma_wait3A_721 = arith.constant 0 : i32
        %dma_wait3A_722 = tpu.memref_slice %arg2[%dma_wait3A_720, %dma_wait3A_721] : memref<10000x528xf32, #tpu.memory_space<hbm>> -> memref<10000x528xf32, #tpu.memory_space<hbm>>
        tpu.wait_indirect_dma semaphore(%arg17 : memref<!tpu.dma_semaphore, #tpu.memory_space<semaphore_mem>>) src(%dma_wait3A_722 : memref<10000x528xf32, #tpu.memory_space<hbm>>) dst(%arg14 : memref<32x528xf32, #tpu.memory_space<vmem>>)
        "tpu.region"() ({
          %run_scoped3A = tpu.sem_alloc : memref<!tpu.dma_semaphore, #tpu.memory_space<semaphore_mem>>
          %dma_start3A_730 = arith.constant 0 : i32
          %dma_start3A_731 = arith.constant 0 : i32
          %dma_start3A_732 = tpu.memref_slice %arg16[%dma_start3A_730, %dma_start3A_731] : memref<2568x528xf32, #tpu.memory_space<vmem_shared>> -> memref<2568x528xf32, #tpu.memory_space<vmem_shared>>
          tpu.enqueue_indirect_dma source(%arg14 : memref<32x528xf32, #tpu.memory_space<vmem>>) target(%dma_start3A_732 : memref<2568x528xf32, #tpu.memory_space<vmem_shared>>) offsets(%arg12 : memref<32xi32, #tpu.memory_space<vmem>>) semaphore(%run_scoped3A : memref<!tpu.dma_semaphore, #tpu.memory_space<semaphore_mem>>) {add = true}
          %dma_wait3A_733 = arith.constant 0 : i32
          %dma_wait3A_734 = arith.constant 0 : i32
          %dma_wait3A_735 = tpu.memref_slice %arg16[%dma_wait3A_733, %dma_wait3A_734] : memref<2568x528xf32, #tpu.memory_space<vmem_shared>> -> memref<2568x528xf32, #tpu.memory_space<vmem_shared>>
          tpu.wait_indirect_dma semaphore(%run_scoped3A : memref<!tpu.dma_semaphore, #tpu.memory_space<semaphore_mem>>) src(%arg14 : memref<32x528xf32, #tpu.memory_space<vmem>>) dst(%dma_wait3A_735 : memref<2568x528xf32, #tpu.memory_space<vmem_shared>>)
          tpu.yield
        }) : () -> ()
        %add3A_723 = arith.constant 1 : i32
        %add3A_724 = arith.addi %mul3A_695, %add3A_723 : i32
        %lt3A_725 = arith.cmpi slt, %add3A_724, %select_n3A_611 : i32
        %convert_element_type3A_726 = arith.extui %lt3A_725 : i1 to i32
        %cond3A_727 = arith.constant 0 : i32
        %cond3A_728 = arith.cmpi ne, %convert_element_type3A_726, %cond3A_727 : i32
        scf.if %cond3A_728 {
          %add3A_730 = arith.constant 2 : i32
          %add3A_731 = arith.addi %mul3A_695, %add3A_730 : i32
          %lt3A_732 = arith.cmpi slt, %add3A_731, %select_n3A_611 : i32
          %convert_element_type3A_733 = arith.extui %lt3A_732 : i1 to i32
          %cond3A_734 = arith.constant 0 : i32
          %cond3A_735 = arith.cmpi ne, %convert_element_type3A_733, %cond3A_734 : i32
          scf.if %cond3A_735 {
            %add3A_759 = arith.constant 2 : i32
            %add3A_760 = arith.addi %mul3A_695, %add3A_759 : i32
            %mul3A_761 = arith.constant 32 : i32
            %mul3A_762 = arith.muli %add3A_760, %mul3A_761 : i32
            %dma_start3A_763 = tpu.memref_slice %arg10[%mul3A_762] : memref<2064xi32, #tpu.memory_space<vmem>> -> memref<32xi32, #tpu.memory_space<vmem>>
            %dma_start3A_764 = arith.constant 0 : i32
            %dma_start3A_765 = arith.constant 0 : i32
            %dma_start3A_766 = tpu.memref_slice %arg2[%dma_start3A_764, %dma_start3A_765] : memref<10000x528xf32, #tpu.memory_space<hbm>> -> memref<10000x528xf32, #tpu.memory_space<hbm>>
            tpu.enqueue_indirect_dma source(%dma_start3A_766 : memref<10000x528xf32, #tpu.memory_space<hbm>>) target(%arg14 : memref<32x528xf32, #tpu.memory_space<vmem>>) offsets(%dma_start3A_763 : memref<32xi32, #tpu.memory_space<vmem>>) semaphore(%arg17 : memref<!tpu.dma_semaphore, #tpu.memory_space<semaphore_mem>>)
          } else {
          }
          %add3A_736 = arith.constant 1 : i32
          %add3A_737 = arith.addi %mul3A_695, %add3A_736 : i32
          %mul3A_738 = arith.constant 32 : i32
          %mul3A_739 = arith.muli %add3A_737, %mul3A_738 : i32
          %add3A_740 = arith.constant 0 : i32
          %add3A_741 = arith.addi %mul3A_739, %add3A_740 : i32
          %get3A_742 = arith.index_cast %add3A_741 : i32 to index
          %get3A_743 = tpu.vector_load %arg11[%get3A_742] {strides = array<i32>} : memref<2064xi32, #tpu.memory_space<vmem>>, vector<16xi32>,
          %swap3A_744 = arith.constant 0 : index
          %swap3A_745 = tpu.vector_load %arg13[%swap3A_744] {strides = array<i32>} : memref<32xi32, #tpu.memory_space<vmem>>, vector<16xi32>,
          tpu.vector_store %arg13[%swap3A_744], %get3A_743 {strides = array<i32>} : memref<32xi32, #tpu.memory_space<vmem>>, vector<16xi32>,
          %mul3A_746 = arith.constant 32 : i32
          %mul3A_747 = arith.muli %add3A_737, %mul3A_746 : i32
          %add3A_748 = arith.constant 16 : i32
          %add3A_749 = arith.addi %mul3A_747, %add3A_748 : i32
          %get3A_750 = arith.index_cast %add3A_749 : i32 to index
          %get3A_751 = tpu.vector_load %arg11[%get3A_750] {strides = array<i32>} : memref<2064xi32, #tpu.memory_space<vmem>>, vector<16xi32>,
          %swap3A_752 = arith.constant 16 : index
          %swap3A_753 = tpu.vector_load %arg13[%swap3A_752] {strides = array<i32>} : memref<32xi32, #tpu.memory_space<vmem>>, vector<16xi32>,
          tpu.vector_store %arg13[%swap3A_752], %get3A_751 {strides = array<i32>} : memref<32xi32, #tpu.memory_space<vmem>>, vector<16xi32>,
          %dma_wait3A_754 = arith.constant 0 : i32
          %dma_wait3A_755 = tpu.memref_slice %arg10[%dma_wait3A_754] : memref<2064xi32, #tpu.memory_space<vmem>> -> memref<32xi32, #tpu.memory_space<vmem>>
          %dma_wait3A_756 = arith.constant 0 : i32
          %dma_wait3A_757 = arith.constant 0 : i32
          %dma_wait3A_758 = tpu.memref_slice %arg2[%dma_wait3A_756, %dma_wait3A_757] : memref<10000x528xf32, #tpu.memory_space<hbm>> -> memref<10000x528xf32, #tpu.memory_space<hbm>>
          tpu.wait_indirect_dma semaphore(%arg18 : memref<!tpu.dma_semaphore, #tpu.memory_space<semaphore_mem>>) src(%dma_wait3A_758 : memref<10000x528xf32, #tpu.memory_space<hbm>>) dst(%arg15 : memref<32x528xf32, #tpu.memory_space<vmem>>)
          "tpu.region"() ({
            %run_scoped3A = tpu.sem_alloc : memref<!tpu.dma_semaphore, #tpu.memory_space<semaphore_mem>>
            %dma_start3A_759 = arith.constant 0 : i32
            %dma_start3A_760 = arith.constant 0 : i32
            %dma_start3A_761 = tpu.memref_slice %arg16[%dma_start3A_759, %dma_start3A_760] : memref<2568x528xf32, #tpu.memory_space<vmem_shared>> -> memref<2568x528xf32, #tpu.memory_space<vmem_shared>>
            tpu.enqueue_indirect_dma source(%arg15 : memref<32x528xf32, #tpu.memory_space<vmem>>) target(%dma_start3A_761 : memref<2568x528xf32, #tpu.memory_space<vmem_shared>>) offsets(%arg13 : memref<32xi32, #tpu.memory_space<vmem>>) semaphore(%run_scoped3A : memref<!tpu.dma_semaphore, #tpu.memory_space<semaphore_mem>>) {add = true}
            %dma_wait3A_762 = arith.constant 0 : i32
            %dma_wait3A_763 = arith.constant 0 : i32
            %dma_wait3A_764 = tpu.memref_slice %arg16[%dma_wait3A_762, %dma_wait3A_763] : memref<2568x528xf32, #tpu.memory_space<vmem_shared>> -> memref<2568x528xf32, #tpu.memory_space<vmem_shared>>
            tpu.wait_indirect_dma semaphore(%run_scoped3A : memref<!tpu.dma_semaphore, #tpu.memory_space<semaphore_mem>>) src(%arg15 : memref<32x528xf32, #tpu.memory_space<vmem>>) dst(%dma_wait3A_764 : memref<2568x528xf32, #tpu.memory_space<vmem_shared>>)
            tpu.yield
          }) : () -> ()
        } else {
        }
        %while3A_729 = arith.constant 0 : i32
        scf.yield %while3A_729 : i32
      }
      %while3A_684 = arith.constant 1 : i32
      %while3A_685 = scf.for %while3A_692 = %while3A_681 to %while3A_677 step %while3A_684 iter_args(%while3A_693 = %while3A_683) -> (i32)  : i32 {
        %mul3A_694 = arith.constant 2 : i32
        %mul3A_695 = arith.muli %mul3A_694, %while3A_692 : i32
        %add3A_696 = arith.constant 1 : i32
        %add3A_697 = arith.addi %mul3A_695, %add3A_696 : i32
        %lt3A_698 = arith.cmpi slt, %add3A_697, %select_n3A_611 : i32
        %convert_element_type3A_699 = arith.extui %lt3A_698 : i1 to i32
        %cond3A_700 = arith.constant 0 : i32
        %cond3A_701 = arith.cmpi ne, %convert_element_type3A_699, %cond3A_700 : i32
        scf.if %cond3A_701 {
          %add3A_730 = arith.constant 1 : i32
          %add3A_731 = arith.addi %mul3A_695, %add3A_730 : i32
          %mul3A_732 = arith.constant 32 : i32
          %mul3A_733 = arith.muli %add3A_731, %mul3A_732 : i32
          %dma_start3A_734 = tpu.memref_slice %arg10[%mul3A_733] : memref<2064xi32, #tpu.memory_space<vmem>> -> memref<32xi32, #tpu.memory_space<vmem>>
          %dma_start3A_735 = arith.constant 0 : i32
          %dma_start3A_736 = arith.constant 0 : i32
          %dma_start3A_737 = tpu.memref_slice %arg2[%dma_start3A_735, %dma_start3A_736] : memref<10000x528xf32, #tpu.memory_space<hbm>> -> memref<10000x528xf32, #tpu.memory_space<hbm>>
          tpu.enqueue_indirect_dma source(%dma_start3A_737 : memref<10000x528xf32, #tpu.memory_space<hbm>>) target(%arg15 : memref<32x528xf32, #tpu.memory_space<vmem>>) offsets(%dma_start3A_734 : memref<32xi32, #tpu.memory_space<vmem>>) semaphore(%arg18 : memref<!tpu.dma_semaphore, #tpu.memory_space<semaphore_mem>>)
        } else {
        }
        %mul3A_702 = arith.constant 32 : i32
        %mul3A_703 = arith.muli %mul3A_695, %mul3A_702 : i32
        %add3A_704 = arith.constant 0 : i32
        %add3A_705 = arith.addi %mul3A_703, %add3A_704 : i32
        %get3A_706 = arith.index_cast %add3A_705 : i32 to index
        %get3A_707 = tpu.vector_load %arg11[%get3A_706] {strides = array<i32>} : memref<2064xi32, #tpu.memory_space<vmem>>, vector<16xi32>,
        %swap3A_708 = arith.constant 0 : index
        %swap3A_709 = tpu.vector_load %arg12[%swap3A_708] {strides = array<i32>} : memref<32xi32, #tpu.memory_space<vmem>>, vector<16xi32>,
        tpu.vector_store %arg12[%swap3A_708], %get3A_707 {strides = array<i32>} : memref<32xi32, #tpu.memory_space<vmem>>, vector<16xi32>,
        %mul3A_710 = arith.constant 32 : i32
        %mul3A_711 = arith.muli %mul3A_695, %mul3A_710 : i32
        %add3A_712 = arith.constant 16 : i32
        %add3A_713 = arith.addi %mul3A_711, %add3A_712 : i32
        %get3A_714 = arith.index_cast %add3A_713 : i32 to index
        %get3A_715 = tpu.vector_load %arg11[%get3A_714] {strides = array<i32>} : memref<2064xi32, #tpu.memory_space<vmem>>, vector<16xi32>,
        %swap3A_716 = arith.constant 16 : index
        %swap3A_717 = tpu.vector_load %arg12[%swap3A_716] {strides = array<i32>} : memref<32xi32, #tpu.memory_space<vmem>>, vector<16xi32>,
        tpu.vector_store %arg12[%swap3A_716], %get3A_715 {strides = array<i32>} : memref<32xi32, #tpu.memory_space<vmem>>, vector<16xi32>,
        %dma_wait3A_718 = arith.constant 0 : i32
        %dma_wait3A_719 = tpu.memref_slice %arg10[%dma_wait3A_718] : memref<2064xi32, #tpu.memory_space<vmem>> -> memref<32xi32, #tpu.memory_space<vmem>>
        %dma_wait3A_720 = arith.constant 0 : i32
        %dma_wait3A_721 = arith.constant 0 : i32
        %dma_wait3A_722 = tpu.memref_slice %arg2[%dma_wait3A_720, %dma_wait3A_721] : memref<10000x528xf32, #tpu.memory_space<hbm>> -> memref<10000x528xf32, #tpu.memory_space<hbm>>
        tpu.wait_indirect_dma semaphore(%arg17 : memref<!tpu.dma_semaphore, #tpu.memory_space<semaphore_mem>>) src(%dma_wait3A_722 : memref<10000x528xf32, #tpu.memory_space<hbm>>) dst(%arg14 : memref<32x528xf32, #tpu.memory_space<vmem>>)
        "tpu.region"() ({
          %run_scoped3A = tpu.sem_alloc : memref<!tpu.dma_semaphore, #tpu.memory_space<semaphore_mem>>
          %dma_start3A_730 = arith.constant 0 : i32
          %dma_start3A_731 = arith.constant 0 : i32
          %dma_start3A_732 = tpu.memref_slice %arg16[%dma_start3A_730, %dma_start3A_731] : memref<2568x528xf32, #tpu.memory_space<vmem_shared>> -> memref<2568x528xf32, #tpu.memory_space<vmem_shared>>
          tpu.enqueue_indirect_dma source(%arg14 : memref<32x528xf32, #tpu.memory_space<vmem>>) target(%dma_start3A_732 : memref<2568x528xf32, #tpu.memory_space<vmem_shared>>) offsets(%arg12 : memref<32xi32, #tpu.memory_space<vmem>>) semaphore(%run_scoped3A : memref<!tpu.dma_semaphore, #tpu.memory_space<semaphore_mem>>) {add = true}
          %dma_wait3A_733 = arith.constant 0 : i32
          %dma_wait3A_734 = arith.constant 0 : i32
          %dma_wait3A_735 = tpu.memref_slice %arg16[%dma_wait3A_733, %dma_wait3A_734] : memref<2568x528xf32, #tpu.memory_space<vmem_shared>> -> memref<2568x528xf32, #tpu.memory_space<vmem_shared>>
          tpu.wait_indirect_dma semaphore(%run_scoped3A : memref<!tpu.dma_semaphore, #tpu.memory_space<semaphore_mem>>) src(%arg14 : memref<32x528xf32, #tpu.memory_space<vmem>>) dst(%dma_wait3A_735 : memref<2568x528xf32, #tpu.memory_space<vmem_shared>>)
          tpu.yield
        }) : () -> ()
        %add3A_723 = arith.constant 1 : i32
        %add3A_724 = arith.addi %mul3A_695, %add3A_723 : i32
        %lt3A_725 = arith.cmpi slt, %add3A_724, %select_n3A_611 : i32
        %convert_element_type3A_726 = arith.extui %lt3A_725 : i1 to i32
        %cond3A_727 = arith.constant 0 : i32
        %cond3A_728 = arith.cmpi ne, %convert_element_type3A_726, %cond3A_727 : i32
        scf.if %cond3A_728 {
          %add3A_730 = arith.constant 2 : i32
          %add3A_731 = arith.addi %mul3A_695, %add3A_730 : i32
          %lt3A_732 = arith.cmpi slt, %add3A_731, %select_n3A_611 : i32
          %convert_element_type3A_733 = arith.extui %lt3A_732 : i1 to i32
          %cond3A_734 = arith.constant 0 : i32
          %cond3A_735 = arith.cmpi ne, %convert_element_type3A_733, %cond3A_734 : i32
          scf.if %cond3A_735 {
            %add3A_759 = arith.constant 2 : i32
            %add3A_760 = arith.addi %mul3A_695, %add3A_759 : i32
            %mul3A_761 = arith.constant 32 : i32
            %mul3A_762 = arith.muli %add3A_760, %mul3A_761 : i32
            %dma_start3A_763 = tpu.memref_slice %arg10[%mul3A_762] : memref<2064xi32, #tpu.memory_space<vmem>> -> memref<32xi32, #tpu.memory_space<vmem>>
            %dma_start3A_764 = arith.constant 0 : i32
            %dma_start3A_765 = arith.constant 0 : i32
            %dma_start3A_766 = tpu.memref_slice %arg2[%dma_start3A_764, %dma_start3A_765] : memref<10000x528xf32, #tpu.memory_space<hbm>> -> memref<10000x528xf32, #tpu.memory_space<hbm>>
            tpu.enqueue_indirect_dma source(%dma_start3A_766 : memref<10000x528xf32, #tpu.memory_space<hbm>>) target(%arg14 : memref<32x528xf32, #tpu.memory_space<vmem>>) offsets(%dma_start3A_763 : memref<32xi32, #tpu.memory_space<vmem>>) semaphore(%arg17 : memref<!tpu.dma_semaphore, #tpu.memory_space<semaphore_mem>>)
          } else {
          }
          %add3A_736 = arith.constant 1 : i32
          %add3A_737 = arith.addi %mul3A_695, %add3A_736 : i32
          %mul3A_738 = arith.constant 32 : i32
          %mul3A_739 = arith.muli %add3A_737, %mul3A_738 : i32
          %add3A_740 = arith.constant 0 : i32
          %add3A_741 = arith.addi %mul3A_739, %add3A_740 : i32
          %get3A_742 = arith.index_cast %add3A_741 : i32 to index
          %get3A_743 = tpu.vector_load %arg11[%get3A_742] {strides = array<i32>} : memref<2064xi32, #tpu.memory_space<vmem>>, vector<16xi32>,
          %swap3A_744 = arith.constant 0 : index
          %swap3A_745 = tpu.vector_load %arg13[%swap3A_744] {strides = array<i32>} : memref<32xi32, #tpu.memory_space<vmem>>, vector<16xi32>,
          tpu.vector_store %arg13[%swap3A_744], %get3A_743 {strides = array<i32>} : memref<32xi32, #tpu.memory_space<vmem>>, vector<16xi32>,
          %mul3A_746 = arith.constant 32 : i32
          %mul3A_747 = arith.muli %add3A_737, %mul3A_746 : i32
          %add3A_748 = arith.constant 16 : i32
          %add3A_749 = arith.addi %mul3A_747, %add3A_748 : i32
          %get3A_750 = arith.index_cast %add3A_749 : i32 to index
          %get3A_751 = tpu.vector_load %arg11[%get3A_750] {strides = array<i32>} : memref<2064xi32, #tpu.memory_space<vmem>>, vector<16xi32>,
          %swap3A_752 = arith.constant 16 : index
          %swap3A_753 = tpu.vector_load %arg13[%swap3A_752] {strides = array<i32>} : memref<32xi32, #tpu.memory_space<vmem>>, vector<16xi32>,
          tpu.vector_store %arg13[%swap3A_752], %get3A_751 {strides = array<i32>} : memref<32xi32, #tpu.memory_space<vmem>>, vector<16xi32>,
          %dma_wait3A_754 = arith.constant 0 : i32
          %dma_wait3A_755 = tpu.memref_slice %arg10[%dma_wait3A_754] : memref<2064xi32, #tpu.memory_space<vmem>> -> memref<32xi32, #tpu.memory_space<vmem>>
          %dma_wait3A_756 = arith.constant 0 : i32
          %dma_wait3A_757 = arith.constant 0 : i32
          %dma_wait3A_758 = tpu.memref_slice %arg2[%dma_wait3A_756, %dma_wait3A_757] : memref<10000x528xf32, #tpu.memory_space<hbm>> -> memref<10000x528xf32, #tpu.memory_space<hbm>>
          tpu.wait_indirect_dma semaphore(%arg18 : memref<!tpu.dma_semaphore, #tpu.memory_space<semaphore_mem>>) src(%dma_wait3A_758 : memref<10000x528xf32, #tpu.memory_space<hbm>>) dst(%arg15 : memref<32x528xf32, #tpu.memory_space<vmem>>)
          "tpu.region"() ({
            %run_scoped3A = tpu.sem_alloc : memref<!tpu.dma_semaphore, #tpu.memory_space<semaphore_mem>>
            %dma_start3A_759 = arith.constant 0 : i32
            %dma_start3A_760 = arith.constant 0 : i32
            %dma_start3A_761 = tpu.memref_slice %arg16[%dma_start3A_759, %dma_start3A_760] : memref<2568x528xf32, #tpu.memory_space<vmem_shared>> -> memref<2568x528xf32, #tpu.memory_space<vmem_shared>>
            tpu.enqueue_indirect_dma source(%arg15 : memref<32x528xf32, #tpu.memory_space<vmem>>) target(%dma_start3A_761 : memref<2568x528xf32, #tpu.memory_space<vmem_shared>>) offsets(%arg13 : memref<32xi32, #tpu.memory_space<vmem>>) semaphore(%run_scoped3A : memref<!tpu.dma_semaphore, #tpu.memory_space<semaphore_mem>>) {add = true}
            %dma_wait3A_762 = arith.constant 0 : i32
            %dma_wait3A_763 = arith.constant 0 : i32
            %dma_wait3A_764 = tpu.memref_slice %arg16[%dma_wait3A_762, %dma_wait3A_763] : memref<2568x528xf32, #tpu.memory_space<vmem_shared>> -> memref<2568x528xf32, #tpu.memory_space<vmem_shared>>
            tpu.wait_indirect_dma semaphore(%run_scoped3A : memref<!tpu.dma_semaphore, #tpu.memory_space<semaphore_mem>>) src(%arg15 : memref<32x528xf32, #tpu.memory_space<vmem>>) dst(%dma_wait3A_764 : memref<2568x528xf32, #tpu.memory_space<vmem_shared>>)
            tpu.yield
          }) : () -> ()
        } else {
        }
        %while3A_729 = arith.constant 0 : i32
        scf.yield %while3A_729 : i32
      }
      %barrier3A_686 = arith.constant 0 : index
      tpu.barrier barrier_id(%barrier3A_686)
      %mul3A_687 = arith.constant 160 : i32
      %mul3A_688 = arith.muli %arg1, %mul3A_687 : i32
      %add3A_689 = arith.addi %mul3A_13, %mul3A_688 : i32
      "tpu.region"() ({
        %run_scoped3A = tpu.sem_alloc : memref<!tpu.dma_semaphore, #tpu.memory_space<semaphore_mem>>
        %dma_start3A_692 = arith.constant 0 : i32
        %dma_start3A_693 = tpu.memref_slice %arg5[%add3A_689, %dma_start3A_692] : memref<10240x528xf32, #tpu.memory_space<hbm>> -> memref<160x528xf32, #tpu.memory_space<hbm>>
        %dma_start3A_694 = arith.constant 0 : i32
        %dma_start3A_695 = tpu.memref_slice %arg16[%mul3A_688, %dma_start3A_694] : memref<2568x528xf32, #tpu.memory_space<vmem_shared>> -> memref<160x528xf32, #tpu.memory_space<vmem_shared>>
        tpu.enqueue_dma source(%dma_start3A_695 : memref<160x528xf32, #tpu.memory_space<vmem_shared>>) target(%dma_start3A_693 : memref<160x528xf32, #tpu.memory_space<hbm>>) target_semaphore(%run_scoped3A : memref<!tpu.dma_semaphore, #tpu.memory_space<semaphore_mem>>)
        %dma_wait3A_696 = arith.constant 0 : i32
        %dma_wait3A_697 = tpu.memref_slice %arg5[%add3A_689, %dma_wait3A_696] : memref<10240x528xf32, #tpu.memory_space<hbm>> -> memref<160x528xf32, #tpu.memory_space<hbm>>
        %dma_wait3A_698 = arith.constant 0 : i32
        %dma_wait3A_699 = tpu.memref_slice %arg16[%mul3A_688, %dma_wait3A_698] : memref<2568x528xf32, #tpu.memory_space<vmem_shared>> -> memref<160x528xf32, #tpu.memory_space<vmem_shared>>
        tpu.wait_dma2 semaphore(%run_scoped3A : memref<!tpu.dma_semaphore, #tpu.memory_space<semaphore_mem>>) src(%dma_wait3A_699 : memref<160x528xf32, #tpu.memory_space<vmem_shared>>) dst(%dma_wait3A_697 : memref<160x528xf32, #tpu.memory_space<hbm>>)
        tpu.yield
      }) : () -> ()
      %barrier3A_690 = arith.constant 0 : index
      tpu.barrier barrier_id(%barrier3A_690)
      %scan3A_691 = arith.constant 0 : i32
      scf.yield %scan3A_691 : i32
    }
    %scan3A_7 = arith.constant 2 : i32
    return
  }
}

module attributes {stable_mosaic.version = 14 : i64} {
  func.func @body(%arg0: i32, %arg1: memref<1x1xf32, #tpu.memory_space<smem>>, %arg2: memref<1000x528xf32, #tpu.memory_space<vmem>>, %arg3: memref<1000x528xf32, #tpu.memory_space<vmem>>, %arg4: memref<528x528xf32, #tpu.memory_space<vmem>>, %arg5: memref<1x528xf32, #tpu.memory_space<vmem>>, %arg6: memref<8x528xf32, #tpu.memory_space<vmem>>) attributes {dimension_semantics = [#tpu.dimension_semantics<arbitrary>], iteration_bounds = array<i64: 10>, scalar_prefetch = 0 : i64, scratch_operands = 0 : i64, tpu.core_type = #tpu.core_type<tc>, window_params = [{transform_indices = @transform_0, window_bounds = array<i64: 1, 1>}, {transform_indices = @transform_1, window_bounds = array<i64: 1000, 528>}, {transform_indices = @transform_2, window_bounds = array<i64: 1000, 528>}, {pipeline_mode = #tpu.pipeline_mode<synchronous>, transform_indices = @transform_3, window_bounds = array<i64: 528, 528>}, {pipeline_mode = #tpu.pipeline_mode<synchronous>, transform_indices = @transform_4, window_bounds = array<i64: 1, 528>}, {pipeline_mode = #tpu.pipeline_mode<synchronous>, transform_indices = @transform_5, window_bounds = array<i64: 8, 528>}]} {
    %get3A = arith.constant 0 : index
    %get3A_0 = arith.constant 0 : index
    %get3A_1 = memref.load %arg1[%get3A, %get3A_0] : memref<1x1xf32, #tpu.memory_space<smem>>
    %get3A_2 = arith.constant 0 : index
    %get3A_3 = arith.constant 0 : index
    %get3A_4 = vector.load %arg2[%get3A_2, %get3A_3] : memref<1000x528xf32, #tpu.memory_space<vmem>>, vector<1000x528xf32>
    %mul3A = vector.broadcast %get3A_1 : f32 to vector<1000x528xf32>
    %mul3A_5 = arith.mulf %mul3A, %get3A_4 : vector<1000x528xf32>
    %get3A_6 = arith.constant 0 : index
    %get3A_7 = arith.constant 0 : index
    %get3A_8 = vector.load %arg3[%get3A_6, %get3A_7] : memref<1000x528xf32, #tpu.memory_space<vmem>>, vector<1000x528xf32>
    %add3A = arith.addf %mul3A_5, %get3A_8 : vector<1000x528xf32>
    %get3A_9 = arith.constant 0 : index
    %get3A_10 = arith.constant 0 : index
    %get3A_11 = vector.load %arg4[%get3A_9, %get3A_10] : memref<528x528xf32, #tpu.memory_space<vmem>>, vector<528x528xf32>
    %dot_general3A = arith.constant dense<0.000000e+00> : vector<1000x528xf32>
    %dot_general3A_12 = tpu.matmul %add3A, %get3A_11, %dot_general3A {dimension_numbers = #tpu.dot_dimension_numbers<[1], [1], [0], [0], [0, 0, 1, 0], [], []>, transpose_lhs_hint = false} : vector<1000x528xf32>, vector<528x528xf32>, vector<1000x528xf32> -> vector<1000x528xf32>
    %get3A_13 = arith.constant 0 : index
    %get3A_14 = arith.constant 0 : index
    %get3A_15 = vector.load %arg5[%get3A_13, %get3A_14] : memref<1x528xf32, #tpu.memory_space<vmem>>, vector<1x528xf32>
    %add3A_16 = vector.broadcast %get3A_15 : vector<1x528xf32> to vector<1000x528xf32>
    %add3A_17 = arith.addf %dot_general3A_12, %add3A_16 : vector<1000x528xf32>
    %eq3A = arith.constant 0 : i32
    %eq3A_18 = arith.cmpi eq, %arg0, %eq3A : i32
    %convert_element_type3A = arith.extui %eq3A_18 : i1 to i32
    %cond3A = arith.constant 0 : i32
    %cond3A_19 = arith.cmpi ne, %convert_element_type3A, %cond3A : i32
    scf.if %cond3A_19 {
      %broadcast_in_dim3A_38 = arith.constant 0.000000e+00 : f32
      %broadcast_in_dim3A_39 = vector.broadcast %broadcast_in_dim3A_38 : f32 to vector<8x528xf32>
      %swap3A_40 = arith.constant 0 : index
      %swap3A_41 = arith.constant 0 : index
      %swap3A_42 = vector.load %arg6[%swap3A_40, %swap3A_41] : memref<8x528xf32, #tpu.memory_space<vmem>>, vector<8x528xf32>
      tpu.vector_store %arg6[%swap3A_40, %swap3A_41], %broadcast_in_dim3A_39 {strides = array<i32>} : memref<8x528xf32, #tpu.memory_space<vmem>>, vector<8x528xf32>,
    } else {
    }
    %get3A_20 = arith.constant 0 : index
    %get3A_21 = arith.constant 0 : index
    %get3A_22 = vector.load %arg6[%get3A_20, %get3A_21] : memref<8x528xf32, #tpu.memory_space<vmem>>, vector<1x528xf32>
    %reduce_sum3A = arith.constant dense<0.000000e+00> : vector<528xf32>
    %reduce_sum3A_23 = vector.multi_reduction <add>, %add3A_17, %reduce_sum3A [0] : vector<1000x528xf32> to vector<528xf32>
    %broadcast_in_dim3A = vector.shape_cast %reduce_sum3A_23 : vector<528xf32> to vector<1x528xf32>
    %add3A_24 = arith.addf %get3A_22, %broadcast_in_dim3A : vector<1x528xf32>
    %swap3A = arith.constant 0 : index
    %swap3A_25 = arith.constant 0 : index
    %swap3A_26 = vector.load %arg6[%swap3A, %swap3A_25] : memref<8x528xf32, #tpu.memory_space<vmem>>, vector<1x528xf32>
    tpu.vector_store %arg6[%swap3A, %swap3A_25], %add3A_24 {strides = array<i32>} : memref<8x528xf32, #tpu.memory_space<vmem>>, vector<1x528xf32>,
    %get3A_27 = arith.constant 1 : index
    %get3A_28 = arith.constant 0 : index
    %get3A_29 = vector.load %arg6[%get3A_27, %get3A_28] : memref<8x528xf32, #tpu.memory_space<vmem>>, vector<1x528xf32>
    %mul3A_30 = arith.mulf %add3A_17, %add3A_17 : vector<1000x528xf32>
    %reduce_sum3A_31 = arith.constant dense<0.000000e+00> : vector<528xf32>
    %reduce_sum3A_32 = vector.multi_reduction <add>, %mul3A_30, %reduce_sum3A_31 [0] : vector<1000x528xf32> to vector<528xf32>
    %broadcast_in_dim3A_33 = vector.shape_cast %reduce_sum3A_32 : vector<528xf32> to vector<1x528xf32>
    %add3A_34 = arith.addf %get3A_29, %broadcast_in_dim3A_33 : vector<1x528xf32>
    %swap3A_35 = arith.constant 1 : index
    %swap3A_36 = arith.constant 0 : index
    %swap3A_37 = vector.load %arg6[%swap3A_35, %swap3A_36] : memref<8x528xf32, #tpu.memory_space<vmem>>, vector<1x528xf32>
    tpu.vector_store %arg6[%swap3A_35, %swap3A_36], %add3A_34 {strides = array<i32>} : memref<8x528xf32, #tpu.memory_space<vmem>>, vector<1x528xf32>,
    return
  }
  func.func @transform_0(%arg0: i32) -> (i32, i32) {
    %c0_i32 = arith.constant 0 : i32
    %c0_i32_0 = arith.constant 0 : i32
    %c0_i32_1 = arith.constant 0 : i32
    return %c0_i32, %c0_i32_0 : i32, i32
  }
  func.func @transform_1(%arg0: i32) -> (i32, i32) {
    %c0_i32 = arith.constant 0 : i32
    %c0_i32_0 = arith.constant 0 : i32
    return %arg0, %c0_i32 : i32, i32
  }
  func.func @transform_2(%arg0: i32) -> (i32, i32) {
    %c0_i32 = arith.constant 0 : i32
    %c0_i32_0 = arith.constant 0 : i32
    return %arg0, %c0_i32 : i32, i32
  }
  func.func @transform_3(%arg0: i32) -> (i32, i32) {
    %c0_i32 = arith.constant 0 : i32
    %c0_i32_0 = arith.constant 0 : i32
    %c0_i32_1 = arith.constant 0 : i32
    return %c0_i32, %c0_i32_0 : i32, i32
  }
  func.func @transform_4(%arg0: i32) -> (i32, i32) {
    %c0_i32 = arith.constant 0 : i32
    %c0_i32_0 = arith.constant 0 : i32
    %c0_i32_1 = arith.constant 0 : i32
    return %c0_i32, %c0_i32_0 : i32, i32
  }
  func.func @transform_5(%arg0: i32) -> (i32, i32) {
    %c0_i32 = arith.constant 0 : i32
    %c0_i32_0 = arith.constant 0 : i32
    %c0_i32_1 = arith.constant 0 : i32
    return %c0_i32, %c0_i32_0 : i32, i32
  }
}

module attributes {stable_mosaic.version = 14 : i64} {
  func.func @body(%arg0: i32, %arg1: memref<1x1xf32, #tpu.memory_space<smem>>, %arg2: memref<1000x528xf32, #tpu.memory_space<vmem>>, %arg3: memref<1000x528xf32, #tpu.memory_space<vmem>>, %arg4: memref<528x528xf32, #tpu.memory_space<vmem>>, %arg5: memref<1x528xf32, #tpu.memory_space<vmem>>, %arg6: memref<8x528xf32, #tpu.memory_space<vmem>>, %arg7: memref<1x528xf32, #tpu.memory_space<vmem>>, %arg8: memref<1x528xf32, #tpu.memory_space<vmem>>, %arg9: memref<1000x528xf32, #tpu.memory_space<vmem>>) attributes {dimension_semantics = [#tpu.dimension_semantics<arbitrary>], iteration_bounds = array<i64: 10>, scalar_prefetch = 0 : i64, scratch_operands = 0 : i64, tpu.core_type = #tpu.core_type<tc>, window_params = [{transform_indices = @transform_0, window_bounds = array<i64: 1, 1>}, {transform_indices = @transform_1, window_bounds = array<i64: 1000, 528>}, {transform_indices = @transform_2, window_bounds = array<i64: 1000, 528>}, {pipeline_mode = #tpu.pipeline_mode<synchronous>, transform_indices = @transform_3, window_bounds = array<i64: 528, 528>}, {pipeline_mode = #tpu.pipeline_mode<synchronous>, transform_indices = @transform_4, window_bounds = array<i64: 1, 528>}, {pipeline_mode = #tpu.pipeline_mode<synchronous>, transform_indices = @transform_5, window_bounds = array<i64: 8, 528>}, {pipeline_mode = #tpu.pipeline_mode<synchronous>, transform_indices = @transform_6, window_bounds = array<i64: 1, 528>}, {pipeline_mode = #tpu.pipeline_mode<synchronous>, transform_indices = @transform_7, window_bounds = array<i64: 1, 528>}, {transform_indices = @transform_8, window_bounds = array<i64: 1000, 528>}]} {
    %get3A = arith.constant 0 : index
    %get3A_0 = arith.constant 0 : index
    %get3A_1 = memref.load %arg1[%get3A, %get3A_0] : memref<1x1xf32, #tpu.memory_space<smem>>
    %get3A_2 = arith.constant 0 : index
    %get3A_3 = arith.constant 0 : index
    %get3A_4 = vector.load %arg2[%get3A_2, %get3A_3] : memref<1000x528xf32, #tpu.memory_space<vmem>>, vector<1000x528xf32>
    %mul3A = vector.broadcast %get3A_1 : f32 to vector<1000x528xf32>
    %mul3A_5 = arith.mulf %mul3A, %get3A_4 : vector<1000x528xf32>
    %get3A_6 = arith.constant 0 : index
    %get3A_7 = arith.constant 0 : index
    %get3A_8 = vector.load %arg3[%get3A_6, %get3A_7] : memref<1000x528xf32, #tpu.memory_space<vmem>>, vector<1000x528xf32>
    %add3A = arith.addf %mul3A_5, %get3A_8 : vector<1000x528xf32>
    %get3A_9 = arith.constant 0 : index
    %get3A_10 = arith.constant 0 : index
    %get3A_11 = vector.load %arg4[%get3A_9, %get3A_10] : memref<528x528xf32, #tpu.memory_space<vmem>>, vector<528x528xf32>
    %dot_general3A = arith.constant dense<0.000000e+00> : vector<1000x528xf32>
    %dot_general3A_12 = tpu.matmul %add3A, %get3A_11, %dot_general3A {dimension_numbers = #tpu.dot_dimension_numbers<[1], [1], [0], [0], [0, 0, 1, 0], [], []>, transpose_lhs_hint = false} : vector<1000x528xf32>, vector<528x528xf32>, vector<1000x528xf32> -> vector<1000x528xf32>
    %get3A_13 = arith.constant 0 : index
    %get3A_14 = arith.constant 0 : index
    %get3A_15 = vector.load %arg5[%get3A_13, %get3A_14] : memref<1x528xf32, #tpu.memory_space<vmem>>, vector<1x528xf32>
    %add3A_16 = vector.broadcast %get3A_15 : vector<1x528xf32> to vector<1000x528xf32>
    %add3A_17 = arith.addf %dot_general3A_12, %add3A_16 : vector<1000x528xf32>
    %get3A_18 = arith.constant 0 : index
    %get3A_19 = arith.constant 0 : index
    %get3A_20 = vector.load %arg6[%get3A_18, %get3A_19] : memref<8x528xf32, #tpu.memory_space<vmem>>, vector<1x528xf32>
    %mul3A_21 = arith.constant 9.99999974E-5 : f32
    %mul3A_22 = vector.broadcast %mul3A_21 : f32 to vector<1x528xf32>
    %mul3A_23 = arith.mulf %get3A_20, %mul3A_22 : vector<1x528xf32>
    %get3A_24 = arith.constant 1 : index
    %get3A_25 = arith.constant 0 : index
    %get3A_26 = vector.load %arg6[%get3A_24, %get3A_25] : memref<8x528xf32, #tpu.memory_space<vmem>>, vector<1x528xf32>
    %mul3A_27 = arith.constant 9.99999974E-5 : f32
    %mul3A_28 = vector.broadcast %mul3A_27 : f32 to vector<1x528xf32>
    %mul3A_29 = arith.mulf %get3A_26, %mul3A_28 : vector<1x528xf32>
    %mul3A_30 = arith.mulf %mul3A_23, %mul3A_23 : vector<1x528xf32>
    %sub3A = arith.subf %mul3A_29, %mul3A_30 : vector<1x528xf32>
    %get3A_31 = arith.constant 0 : index
    %get3A_32 = arith.constant 0 : index
    %get3A_33 = vector.load %arg7[%get3A_31, %get3A_32] : memref<1x528xf32, #tpu.memory_space<vmem>>, vector<1x528xf32>
    %add3A_34 = arith.constant 9.99999974E-6 : f32
    %add3A_35 = vector.broadcast %add3A_34 : f32 to vector<1x528xf32>
    %add3A_36 = arith.addf %sub3A, %add3A_35 : vector<1x528xf32>
    %rsqrt3A = math.rsqrt %add3A_36 : vector<1x528xf32>
    %mul3A_37 = arith.mulf %get3A_33, %rsqrt3A : vector<1x528xf32>
    %get3A_38 = arith.constant 0 : index
    %get3A_39 = arith.constant 0 : index
    %get3A_40 = vector.load %arg8[%get3A_38, %get3A_39] : memref<1x528xf32, #tpu.memory_space<vmem>>, vector<1x528xf32>
    %mul3A_41 = arith.mulf %mul3A_23, %mul3A_37 : vector<1x528xf32>
    %sub3A_42 = arith.subf %get3A_40, %mul3A_41 : vector<1x528xf32>
    %mul3A_43 = vector.broadcast %mul3A_37 : vector<1x528xf32> to vector<1000x528xf32>
    %mul3A_44 = arith.mulf %add3A_17, %mul3A_43 : vector<1000x528xf32>
    %add3A_45 = vector.broadcast %sub3A_42 : vector<1x528xf32> to vector<1000x528xf32>
    %add3A_46 = arith.addf %mul3A_44, %add3A_45 : vector<1000x528xf32>
    %max3A = arith.constant 0.000000e+00 : f32
    %max3A_47 = vector.broadcast %max3A : f32 to vector<1000x528xf32>
    %max3A_48 = arith.maximumf %add3A_46, %max3A_47 : vector<1000x528xf32>
    %get3A_49 = arith.constant 0 : index
    %get3A_50 = arith.constant 0 : index
    %get3A_51 = vector.load %arg2[%get3A_49, %get3A_50] : memref<1000x528xf32, #tpu.memory_space<vmem>>, vector<1000x528xf32>
    %add3A_52 = arith.addf %max3A_48, %get3A_51 : vector<1000x528xf32>
    %swap3A = arith.constant 0 : index
    %swap3A_53 = arith.constant 0 : index
    %swap3A_54 = vector.load %arg9[%swap3A, %swap3A_53] : memref<1000x528xf32, #tpu.memory_space<vmem>>, vector<1000x528xf32>
    tpu.vector_store %arg9[%swap3A, %swap3A_53], %add3A_52 {strides = array<i32>} : memref<1000x528xf32, #tpu.memory_space<vmem>>, vector<1000x528xf32>,
    return
  }
  func.func @transform_0(%arg0: i32) -> (i32, i32) {
    %c0_i32 = arith.constant 0 : i32
    %c0_i32_0 = arith.constant 0 : i32
    %c0_i32_1 = arith.constant 0 : i32
    return %c0_i32, %c0_i32_0 : i32, i32
  }
  func.func @transform_1(%arg0: i32) -> (i32, i32) {
    %c0_i32 = arith.constant 0 : i32
    %c0_i32_0 = arith.constant 0 : i32
    return %arg0, %c0_i32 : i32, i32
  }
  func.func @transform_2(%arg0: i32) -> (i32, i32) {
    %c0_i32 = arith.constant 0 : i32
    %c0_i32_0 = arith.constant 0 : i32
    return %arg0, %c0_i32 : i32, i32
  }
  func.func @transform_3(%arg0: i32) -> (i32, i32) {
    %c0_i32 = arith.constant 0 : i32
    %c0_i32_0 = arith.constant 0 : i32
    %c0_i32_1 = arith.constant 0 : i32
    return %c0_i32, %c0_i32_0 : i32, i32
  }
  func.func @transform_4(%arg0: i32) -> (i32, i32) {
    %c0_i32 = arith.constant 0 : i32
    %c0_i32_0 = arith.constant 0 : i32
    %c0_i32_1 = arith.constant 0 : i32
    return %c0_i32, %c0_i32_0 : i32, i32
  }
  func.func @transform_5(%arg0: i32) -> (i32, i32) {
    %c0_i32 = arith.constant 0 : i32
    %c0_i32_0 = arith.constant 0 : i32
    %c0_i32_1 = arith.constant 0 : i32
    return %c0_i32, %c0_i32_0 : i32, i32
  }
  func.func @transform_6(%arg0: i32) -> (i32, i32) {
    %c0_i32 = arith.constant 0 : i32
    %c0_i32_0 = arith.constant 0 : i32
    %c0_i32_1 = arith.constant 0 : i32
    return %c0_i32, %c0_i32_0 : i32, i32
  }
  func.func @transform_7(%arg0: i32) -> (i32, i32) {
    %c0_i32 = arith.constant 0 : i32
    %c0_i32_0 = arith.constant 0 : i32
    %c0_i32_1 = arith.constant 0 : i32
    return %c0_i32, %c0_i32_0 : i32, i32
  }
  func.func @transform_8(%arg0: i32) -> (i32, i32) {
    %c0_i32 = arith.constant 0 : i32
    %c0_i32_0 = arith.constant 0 : i32
    return %arg0, %c0_i32 : i32, i32
  }
}

</mosaic_0001>

<sc_bundles>
// kernel: kernel.5.cloned.1.call-start
scs
__scs_entry_jumppad:
0x0: {  	(pc) =	sbr.rel $0x88, $3  }
0x1: {  	(tag) =	ssettag $0x0;
	lr =	simm.s32 $0x1  }
0x2: {  	[smem:$0x3F9A] =	sst lr;
	_ =	strace $0xD0000000  }
0x3: {  	_ = 	snop  }
0x4: {  	_ = 	snop  }
0x5: {  	_ = 	snop  }
0x6: {  	_ = 	snop  }
0x7: {  	_ = 	snop  }
__scs_overlays_trampoline_lowered:
0x8: {  	[smem:$0x3FA9] =	sst s0  }
0x9: {  	[smem:$0x3FAA] =	sst s1  }
0xa: {  	[smem:$0x3FAB] =	sst s2  }
0xb: {  	[smem:$0x3FAC] =	sst s3  }
0xc: {  	[smem:$0x3FAD] =	sst s4  }
0xd: {  	[smem:$0x3FAE] =	sst s5  }
0xe: {  	[smem:$0x3FAF] =	sst s6  }
0xf: {  	[smem:$0x3FB0] =	sst s7  }
0x10: {  	[smem:$0x3FB1] =	sst s8  }
0x11: {  	[smem:$0x3FB2] =	sst s9;
	s0 =	simm.s32 @!p0 $0x0  }
0x12: {  	s1 =	sld [smem:$0x3F98];
	s0 =	simm.s32 @p0 $0x1  }
0x13: {  	[smem:$0x3FB3] =	sst s0;
	s0 =	simm.s32 @!p1 $0x0  }
0x14: {  	s2 =	sld [smem:$0x3F97];
	s0 =	simm.s32 @p1 $0x1  }
0x15: {  	[smem:$0x3FB4] =	sst s0;
	s0 =	simm.s32 @!p2 $0x0  }
0x16: {  	s3 =	sld [smem:$0x3FDB];
	s0 =	simm.s32 @p2 $0x1  }
0x17: {  	s4 =	simm.s32 $0x1BF5;
	[smem:$0x3FB6] =	sst s0  }
0x18: {  	s0 =	sld [smem:$0x3F99];
	_ =	swait.ge [sflag:s4], $0x0  }
0x19: {  	s7 =	sld [smem:$0x3F9A]  }
0x1a: {  	s8 =	sadd.s32 $0xFFFFE003, lr  }
0x1b: {  	s9 =	sadd.s32 $0xFFFFFEF7, lr;
	s5 =	simm.s32 $0xFFFFFFFF;
	p2 =	slt.u32 s8, $0xFFFFF086  }
0x1c: {  	p1 =	slt.u32 s9, $0xF7A;
	s5 =	simm.s32 @!p2 $0x0  }
0x1d: {  	s5 =	simm.s32 @p1 $0x1;
	p0 =	seq.s32 s7, s2  }
0x1e: {  	s7 =	smul.u32 @!p0 $0xF7A, s2;
	p2 =	seq.s32 @!p0 s5, $0x0  }
0x1f: {  	s9 =	smul.u32 $0xF7A, s1;
	s8 =	simm.s32 @!p0 $0x1BF5;
	p2 =	por !p2, p0  }
0x20: {  	[sflag:s8] =	ssyncset.s32 @!p0 $0xFFFFF086;
	s6 =	sadd.s32 @!p0 s3, s7;
	s7 =	simm.s32 @!p0 $0x108  }
0x21: {  	s3 =	sadd.s32 s3, s9;
	s6 =	sadd.s32 @!p0 $0x88, s6;
	s7 =	simm.s32 @p2 $0x1082  }
0x22: {  	[simem:s7], [sflag:s8] =	dma.local @!p0 [hbm:s6], $0xF7A  }
0x23: {  	s9 =	sor.u32 $0xD0000000, s2;
	s6 =	simm.s32 $0x108;
	_ =	swait.ge @!p0 [sflag:s8], $0x0  }
0x24: {  	s3 =	sadd.s32 $0x88, s3;
	s6 =	simm.s32 @!p1 $0x1082;
	[sflag:s4] =	ssyncset.s32 $0xFFFFF086  }
0x25: {  	[simem:s6], [sflag:s4] =	dma.local [hbm:s3], $0xF7A  }
0x26: {  	[smem:$0x3F9A] =	sst s1;
	(tag) =	ssettag s2;
	_ =	strace s9  }
0x27: {  	s1 =	sld [smem:$0x3FAA]  }
0x28: {  	s2 =	sld [smem:$0x3FAB]  }
0x29: {  	s4 =	sld [smem:$0x3FAD]  }
0x2a: {  	p0 =	seq.s32 s5, $0x0;
	s5 =	sld [smem:$0x3FAE]  }
0x2b: {  	s6 =	sld [smem:$0x3FAF]  }
0x2c: {  	s7 =	sld [smem:$0x3FB0]  }
0x2d: {  	s3 =	simm.s32 $0x108;
	s8 =	sld [smem:$0x3FB1]  }
0x2e: {  	s3 =	simm.s32 @!p0 $0x1082;
	s9 =	sld [smem:$0x3FB2]  }
0x2f: {  	lr =	sadd.s32 s0, s3;
	s0 =	sld [smem:$0x3FA9]  }
0x30: {  	s3 =	sld [smem:$0x3FAC]  }
0x31: {  	[smem:$0x3FB5] =	sst s10  }
0x32: {  	s10 =	sld [smem:$0x3FB3];
	_ =	sdelay $0x3  }
0x33: {  	p0 =	seq.s32 s10, $0x1;
	s10 =	sld [smem:$0x3FB5];
	_ =	sdelay $0x3  }
0x34: {  	[smem:$0x3FB5] =	sst s10  }
0x35: {  	s10 =	sld [smem:$0x3FB4];
	_ =	sdelay $0x3  }
0x36: {  	p1 =	seq.s32 s10, $0x1;
	s10 =	sld [smem:$0x3FB5];
	_ =	sdelay $0x3  }
0x37: {  	[smem:$0x3FB5] =	sst s10  }
0x38: {  	s10 =	sld [smem:$0x3FB6]  }
0x39: {  	_ = 	snop;
	(pc) =	sbr.ind lr, $3  }
0x3a: {  	_ = 	snop  }
0x3b: {  	_ = 	snop  }
0x3c: {  	p2 =	seq.s32 s10, $0x1;
	s10 =	sld [smem:$0x3FB5]  }
0x3d: {  	_ =	shalt  }
0x3e: {  	_ =	shalt  }
0x3f: {  	_ =	shalt  }
0x40: {  	_ =	shalt  }
0x41: {  	_ =	shalt  }
0x42: {  	_ =	shalt  }
0x43: {  	_ =	shalt  }
0x44: {  	_ =	shalt  }
0x45: {  	_ =	shalt  }
0x46: {  	_ =	shalt  }
0x47: {  	_ =	shalt  }
0x48: {  	_ =	shalt  }
0x49: {  	_ =	shalt  }
0x4a: {  	_ =	shalt  }
0x4b: {  	_ =	shalt  }
0x4c: {  	_ =	shalt  }
0x4d: {  	_ =	shalt  }
0x4e: {  	_ =	shalt  }
0x4f: {  	_ =	shalt  }
0x50: {  	_ =	shalt  }
0x51: {  	_ =	shalt  }
0x52: {  	_ =	shalt  }
0x53: {  	_ =	shalt  }
0x54: {  	_ =	shalt  }
0x55: {  	_ =	shalt  }
0x56: {  	_ =	shalt  }
0x57: {  	_ =	shalt  }
0x58: {  	_ =	shalt  }
0x59: {  	_ =	shalt  }
0x5a: {  	_ =	shalt  }
0x5b: {  	_ =	shalt  }
0x5c: {  	_ =	shalt  }
0x5d: {  	_ =	shalt  }
0x5e: {  	_ =	shalt  }
0x5f: {  	_ =	shalt  }
0x60: {  	_ =	shalt  }
0x61: {  	_ =	shalt  }
0x62: {  	_ =	shalt  }
0x63: {  	_ =	shalt  }
0x64: {  	_ =	shalt  }
0x65: {  	_ =	shalt  }
0x66: {  	_ =	shalt  }
0x67: {  	_ =	shalt  }
0x68: {  	_ =	shalt  }
0x69: {  	_ =	shalt  }
0x6a: {  	_ =	shalt  }
0x6b: {  	_ =	shalt  }
0x6c: {  	_ =	shalt  }
0x6d: {  	_ =	shalt  }
0x6e: {  	_ =	shalt  }
0x6f: {  	_ =	shalt  }
0x70: {  	_ =	shalt  }
0x71: {  	_ =	shalt  }
0x72: {  	_ =	shalt  }
0x73: {  	_ =	shalt  }
0x74: {  	_ =	shalt  }
0x75: {  	_ =	shalt  }
0x76: {  	_ =	shalt  }
0x77: {  	_ =	shalt  }
0x78: {  	_ =	shalt  }
0x79: {  	_ =	shalt  }
0x7a: {  	_ =	shalt  }
0x7b: {  	_ =	shalt  }
0x7c: {  	_ =	shalt  }
0x7d: {  	_ =	shalt  }
0x7e: {  	_ =	shalt  }
0x7f: {  	_ =	shalt  }
0x80: {  	_ =	shalt  }
0x81: {  	_ =	shalt  }
0x82: {  	_ =	shalt  }
0x83: {  	_ =	shalt  }
0x84: {  	_ =	shalt  }
0x85: {  	_ =	shalt  }
0x86: {  	_ =	shalt  }
0x87: {  	_ =	shalt  }
.Lfunc_end0:
.L_simem_size_0:
called_computation_lowered:
.L_overlay_start_0:
0x88: {  	s2 =	sld [smem:$0x3FD9]  }
0x89: {  	s3 =	sld [smem:$0x3FFE];
	_ =	sdelay $0x1  }
0x8a: {  	s1 =	srdreg.scid  }
0x8b: {  	s0 =	sand.u32 $0x1, s1  }
0x8c: {  	s17 =	sshll.u32 s0, $0xA;
	s2 =	sadd.s32 s3, s2  }
0x8d: {  	s2 =	sadd.s32 s2, s17  }
0x8e: {  	[smem:$0x3FC1] =	sst s2  }
0x8f: {  	_ = 	snop  }
0x90: {  	s2 =	sld [smem:$0x3FD0];
	(tm) =	ssettm $0x1  }
0x91: {  	s18 =	sld [smem:$0x3FFB];
	_ =	sdelay $0x3  }
0x92: {  	_ =	strace s18  }
0x93: {  	s3 =	sld [smem:$0x3FFC];
	_ =	sdelay $0x3  }
0x94: {  	_ =	strace s3  }
0x95: {  	s3 =	sld [smem:$0x3FFD];
	_ =	sdelay $0x3  }
0x96: {  	_ =	strace s3  }
0x97: {  	_ =	strace $0x8FFFFFFF  }
0x98: {  	s19 =	sld [smem:$0x3FDB];
	_ =	sdelay $0x1  }
0x99: {  	s4 =	simm.s32 $_scs_section_size  }
0x9a: {  	s5 =	simm.s32 $_size__tile_overlayer_lowered;
	s6 =	simm.s32 $_tile_overlayer_lowered  }
0x9b: {  	s22 =	simm.s32 $0x1BFF;
	s21 =	sshll.u32 s6, $0x1;
	s3 =	sadd.s32 s4, s19  }
0x9c: {  	s7 =	simm.s32 $0x0;
	s20 =	sshll.u32 s5, $0x1;
	s5 =	sadd.s32 s21, s3  }
0x9d: {  	[timem:s7], [sflag:s22] =	dma.local [hbm:s5], s20  }
0x9e: {  	_ =	swait.ge [sflag:s22], s20  }
0x9f: {  	s4 =	ssub.s32 $0x0, s20;
	[sflag:s22] =	ssyncset.done $0x0  }
0xa0: {  	[sflag:s22] =	ssyncadd.s32 s4;
	_ =	sdelay $0x1  }
0xa1: {  	s23 =	simm.s32 $0x1B8B  }
0xa2: {  	_ =	swait.ge [sflag:s23], $0x1  }
0xa3: {  	[sflag:s23] =	ssyncset.done $0x0  }
0xa4: {  	s25 =	simm.s32 $0x1B8E;
	s24 =	sld [smem:$0x3FFE];
	[sflag:s23] =	ssyncadd.s32 $0xFFFFFFFF  }
0xa5: {  	s26 =	simm.s32 $execute0_lowered;
	[smem:$0x3FD2] =	sst s25  }
0xa6: {  	s5 =	sshll.u32 s26, $0x1;
	_ =	strace $0x80000046;
	[dreg:$0x1] =	wrdreg $0xFFFFFFFF  }
0xa7: {  	s28 =	simm.s32 $_size_execute0_lowered;
	s3 =	sadd.s32 s3, s5;
	[dreg:$0x0] =	wrdreg $0x0  }
0xa8: {  	s5 =	sshll.u32 s28, $0x1;
	[dreg:$0x2] =	wrdreg s3  }
0xa9: {  	[dreg:$0x3] =	wrdreg s5  }
0xaa: {  	[dreg:$0x4] =	wrdreg $0xC0  }
0xab: {  	_ =	task [dreg:s7], $0x5FFFF  }
0xac: {  	[dreg:$0x1] =	wrdreg $0xFFFFFFFF  }
0xad: {  	[dreg:$0x0] =	wrdreg $0x60  }
0xae: {  	[dreg:$0x2] =	wrdreg s2  }
0xaf: {  	[dreg:$0x3] =	wrdreg s24  }
0xb0: {  	[dreg:$0x4] =	wrdreg $0xB3A00  }
0xb1: {  	[dreg:$0x5] =	wrdreg $0x9  }
0xb2: {  	_ =	task.clear_ibuf [dreg:s7], $0x6FFFF;
	_ =	strace $0x90000046  }
0xb3: {  	s29 =	simm.s32 $0x9;
	_ =	strace $0x80000048  }
0xb4: {  	_ =	swait.ge [sflag:s29], $0x1  }
0xb5: {  	[sflag:s29] =	ssyncadd.s32 $0xFFFFFFFF  }
0xb6: {  	_ =	strace $0x90000048  }
0xb7: {  	_ =	sfence  }
0xb8: {  	s30 =	sld [smem:$0x0];
	_ =	sdelay $0x2  }
0xb9: {  	s31 =	sshll.u32 s1, $0xD;
	s1 =	sshrl.u32 s1, $0x2  }
0xba: {  	s3 =	sand.u32 $0x4000, s31;
	s1 =	sadd.s32 s1, s30  }
0xbb: {  	s0 =	sor.u32 s3, s0;
	s1 =	sshll.u32 s1, $0x11  }
0xbc: {  	s0 =	sor.u32 s1, s0  }
0xbd: {  	s0 =	sadd.s32 $0x8F2B, s0  }
0xbe: {  	[sflag:s0] =	ssyncadd.remote.s32 $0x1  }
0xbf: {  	_ =	sfence.sel $0xFFFF  }
0xc0: {  	[dreg:$0x0] =	wrdreg $0xFFFFFFFF;
	(pc) =	sbr.abs _section_cstart, $3  }
0xc1: {  	[dreg:$0x1] =	wrdreg $0xFFFFFFFF  }
0xc2: {  	_ =	task.clear_ibuf [dreg:s7], $0x2FFFF;
	_ =	strace $0x9FFFFFFF  }
0xc3: {  	(tm) =	ssettm $0x7FFFFFFF  }
tec
execute0_lowered:
.L_overlay_start_1:
0x0: {  	(tag) =	ssettag $0x1  }
0x1: {  	s1 =	rddreg [dreg:$0x0]  }
0x2: {  	s0 =	rddreg [dreg:$0x1]  }
0x3: {  	s2 =	rddreg [dreg:$0x2];
	s9 =	simm.s32 $0x0  }
0x4: {  	s3 =	srdreg.scid;
	s8 =	stileid.u32;
	s28 =	simm.s32 $0xFA0  }
0x5: {  	s29 =	simm.s32 $0x1770;
	s30 =	simm.s32 $0x3;
	s31 =	simm.s32 $0x1  }
0x6: {  	[smem:$0x7FF] =	sst s9;
	s3 =	sand.u32 $0x1, s3;
	s6 =	smul.u32 $0x52800, s8  }
0x7: {  	s4 =	sadd.s32 $0x5600, s0;
	s7 =	sadd.s32 $0x600, s0;
	s12 =	smul.u32 $0x2710, s8  }
0x8: {  	s0 =	sadd.s32 $0xCDC00, s0;
	s13 =	smul.u32 $0xA0, s8;
	_ =	strace $0x80000047  }
0x9: {  	s5 =	ssub.s32 $0x2, s3;
	[dreg:$0x5] =	wrdreg s0;
	s3 =	sshll.u32 s3, $0x1  }
0xa: {  	s11 =	sshrl.u32 s5, $0x1;
	s6 =	sshrl.u32 s6, $0x2;
	[dreg:$0x6] =	wrdreg s3  }
0xb: {  	[dreg:$0x7] =	wrdreg s13;
	s16 =	sshrl.u32 s12, $0x3;
	s0 =	ssub.s32 s5, s11  }
0xc: {  	s8 =	sadd.s32 s6, s2;
	s19 =	sadd.s32 s4, s16;
	s20 =	sadd.s32 s7, s16  }
0xd: {  	s21 =	sadd.s32 $0xFA, s16;
	s22 =	sadd.s32 $0x1F4, s16;
	[dreg:$0xc] =	wrdreg s19  }
0xe: {  	s25 =	sadd.s32 $0x2EE, s16;
	s14 =	sadd.s32 $0x4200, s8;
	[dreg:$0xd] =	wrdreg s20  }
0xf: {  	s3 =	sadd.s32 $0x3E8, s16;
	s15 =	sadd.s32 $0x8400, s8;
	[dreg:$0x8] =	wrdreg s14  }
0x10: {  	s6 =	simm.s32 $0x2750;
	s17 =	sadd.s32 $0xC600, s8;
	[dreg:$0x9] =	wrdreg s15  }
0x11: {  	s18 =	sadd.s32 $0x10800, s8;
	s10 =	sadd.s32 s4, s21;
	[dreg:$0xa] =	wrdreg s17  }
0x12: {  	s5 =	sadd.s32 s7, s21;
	s23 =	sadd.s32 s4, s22;
	[dreg:$0xb] =	wrdreg s18  }
0x13: {  	s24 =	sadd.s32 s7, s22;
	s26 =	sadd.s32 s4, s25;
	[dreg:$0xe] =	wrdreg s10  }
0x14: {  	s20 =	sadd.s32 s7, s25;
	s21 =	sadd.s32 s4, s3;
	[dreg:$0xf] =	wrdreg s5  }
.Ltmp0:
0x15: {  	s22 =	sadd.s32 s7, s3;
	[dreg:$0x10] =	wrdreg s23;
	(pc) =	sbr.rel .LBB2_1-.Ltmp0, $4  }
0x16: {  	s0 =	smax.u32 s0, $0x1;
	s25 =	simm.s32 $0x5;
	[dreg:$0x11] =	wrdreg s24  }
0x17: {  	s4 =	simm.s32 $0x6;
	s3 =	simm.s32 $0x4;
	[dreg:$0x12] =	wrdreg s26  }
0x18: {  	v0 =	vimm.f32 $0.0e+00;
	[dreg:$0x13] =	wrdreg s0;
	s24 =	simm.s32 $0x2FA0;
	s26 =	simm.s32 $0x7D0  }
0x19: {  	v1 =	vlaneseq.u32;
	v2 =	vimm.s32 $0x0;
	v3 =	vimm.s32 $0xA00;
	s0 =	simm.s32 $0x20;
	s23 =	simm.s32 $0x2F60;
	s5 =	simm.s32 $0x1F40  }
.LBB2_51:
0x1a: {  	s9 =	rddreg [dreg:$0x4]  }
0x1b: {  	s7 =	rddreg [dreg:$0x13];
	s9 =	sadd.s32 $0x1, s9  }
0x1c: {  	p0 =	sne.s32 s9, s7  }
.Ltmp1:
0x1d: {  	_ = 	snop;
	(pc) =	sbr.rel @!p0 .LBB2_52-.Ltmp1, $1  }
0x1e: {  	_ =	sdelay $0x3  }
.LBB2_1:
.Ltmp2:
0x1f: {  	(pc) =	sbr.rel .LBB2_2-.Ltmp2, $2  }
0x20: {  	_ =	sdelay $0x2  }
0x21: {  	[dreg:$0x4] =	wrdreg s9;
	p1 =	por $0x1, $0x1;
	s7 =	simm.s32 $0x0  }
.LBB2_46:
0x22: {  	_ = 	snop  }
.LBB2_49:
0x23: {  	p1 =	por p1, !p2  }
0x24: {  	s13 =	simm.s32 @!p4 $0x20;
	[sflag:s16] =	ssyncset.done @!p1 $0x0  }
0x25: {  	s14 =	simm.s32 @!p4 $0x71A0;
	[sflag:s16] =	ssyncadd.s32 @!p1 $0xFFFFBE00;
	p1 =	por p4, p4  }
0x26: {  	[tilespmem:s14], [sflag:$0x2] =	stream.indirect.gather @!p1 [hbm4b:s1+s13], $0x210, s11, s13, $0xb8;
	[tilespmem:$0x1FEA8] =	vst v63  }
0x27: {  	v4 =	vld [tilespmem:s10+$0xFFFFFFE0];
	_ =	sdelay $0x4  }
0x28: {  	[tilespmem:$0x2F60] =	vst v4  }
0x29: {  	v4 =	vld [tilespmem:s10+$0xFFFFFFF0];
	_ =	sdelay $0x4  }
0x2a: {  	[tilespmem:$0x2F70] =	vst v4  }
0x2b: {  	_ =	swait.ge [sflag:s31], $0x4200  }
0x2c: {  	[sflag:s31] =	ssyncset.done $0x0  }
0x2d: {  	p2 =	sge.s32 @!p1 s12, s9;
	[sflag:s31] =	ssyncadd.s32 $0xFFFFBE00  }
0x2e: {  	[spmem:s2] =	stream.indirect.scatter.add.f32 [tilespmem:s24], [sflag:$0x6], $0x210, s23, s0, $0xb8;
	[tilespmem:$0x1FEA8] =	vst v63  }
0x2f: {  	p2 =	por p2, p1;
	_ =	swait.ge [sflag:s4], $0x4200  }
0x30: {  	s9 =	sadd.s32 @!p2 $0x20, s11;
	[sflag:s4] =	ssyncset.done $0x0  }
0x31: {  	s11 =	simm.s32 @!p2 $0x20;
	s12 =	simm.s32 @!p2 $0x2FA0;
	[sflag:s4] =	ssyncadd.s32 $0xFFFFBE00  }
0x32: {  	[tilespmem:s12], [sflag:$0x1] =	stream.indirect.gather @!p2 [hbm4b:s1+s11], $0x210, s9, s11, $0xb8;
	[tilespmem:$0x1FEA8] =	vst v63  }
0x33: {  	v4 =	vld @!p1 [tilespmem:s10+$0x0];
	_ =	sdelay $0x4  }
0x34: {  	[tilespmem:$0x2F80] =	vst @!p1 v4  }
0x35: {  	v4 =	vld @!p1 [tilespmem:s10+$0x10];
	_ =	sdelay $0x4  }
0x36: {  	s9 =	simm.s32 @!p1 $0x2;
	[tilespmem:$0x2F90] =	vst @!p1 v4  }
0x37: {  	_ =	swait.ge @!p1 [sflag:s9], $0x4200  }
0x38: {  	[sflag:s9] =	ssyncset.done @!p1 $0x0  }
0x39: {  	s10 =	simm.s32 @!p1 $0x2F80;
	[sflag:s9] =	ssyncadd.s32 @!p1 $0xFFFFBE00;
	s9 =	simm.s32 @!p1 $0x5  }
0x3a: {  	[spmem:s2] =	stream.indirect.scatter.add.f32 @!p1 [tilespmem:s14], [sflag:$0x5], $0x210, s10, s13, $0xb8;
	[tilespmem:$0x1FEA8] =	vst v63  }
0x3b: {  	_ =	swait.ge @!p1 [sflag:s9], $0x4200  }
0x3c: {  	[sflag:s9] =	ssyncset.done @!p1 $0x0  }
0x3d: {  	[sflag:s9] =	ssyncadd.s32 @!p1 $0xFFFFBE00  }
.LBB2_50:
0x3e: {  	s9 =	rddreg [dreg:$0x7]  }
0x3f: {  	s7 =	sadd.s32 s9, s7  }
0x40: {  	[bflag:$0x0] =	sbarrier.arrive $0xFFFF;
	s18 =	stileid.u32;
	s7 =	smul.u32 $0x42, s7  }
0x41: {  	s9 =	sshll.u32 s18, $0x6;
	s10 =	rddreg [dreg:$0x5]  }
0x42: {  	s19 =	sshrl.u32 s8, $0x3;
	s9 =	sor.u32 $0x1C05, s9;
	s7 =	sadd.s32 s10, s7  }
0x43: {  	[hbm:s7], [sflag:s9] =	dma.local [spmem:s19], $0x2940  }
.Ltmp3:
0x44: {  	_ =	swait.ge [sflag:s25], $0x2940;
	(pc) =	sbr.rel @!p0 .LBB2_51-.Ltmp3, $4  }
0x45: {  	[sflag:s25] =	ssyncset.done $0x0  }
0x46: {  	[sflag:s25] =	ssyncadd.s32 $0xFFFFD6C0  }
0x47: {  	[bflag:$0x0] =	sbarrier.arrive $0xFFFF  }
0x48: {  	p1 =	por $0x0, $0x0;
	s7 =	simm.s32 $0x1  }
.LBB2_2:
0x49: {  	p0 =	por p1, p1;
	s9 =	simm.s32 $0x200;
	s10 =	simm.s32 $0x1040  }
.LBB2_3:
0x4a: {  	p1 =	sne.s32 s10, $0x107C0;
	[tilespmem:s9+$0x2FA0] =	vst v0  }
0x4b: {  	[tilespmem:s9+$0x2DA0] =	vst v0  }
0x4c: {  	[tilespmem:s9+$0x2DB0] =	vst v0  }
0x4d: {  	[tilespmem:s9+$0x2DC0] =	vst v0  }
0x4e: {  	[tilespmem:s9+$0x2DD0] =	vst v0  }
0x4f: {  	[tilespmem:s9+$0x2DE0] =	vst v0  }
0x50: {  	[tilespmem:s9+$0x2DF0] =	vst v0  }
0x51: {  	[tilespmem:s9+$0x2E00] =	vst v0  }
0x52: {  	[tilespmem:s9+$0x2E10] =	vst v0  }
0x53: {  	[tilespmem:s9+$0x2E20] =	vst v0  }
0x54: {  	[tilespmem:s9+$0x2E30] =	vst v0  }
0x55: {  	[tilespmem:s9+$0x2E40] =	vst v0  }
0x56: {  	[tilespmem:s9+$0x2E50] =	vst v0  }
0x57: {  	[tilespmem:s9+$0x2E60] =	vst v0  }
0x58: {  	[tilespmem:s9+$0x2E70] =	vst v0  }
0x59: {  	[tilespmem:s9+$0x2E80] =	vst v0  }
0x5a: {  	[tilespmem:s9+$0x2E90] =	vst v0  }
0x5b: {  	[tilespmem:s9+$0x2EA0] =	vst v0  }
0x5c: {  	[tilespmem:s9+$0x2EB0] =	vst v0  }
0x5d: {  	[tilespmem:s9+$0x2EC0] =	vst v0  }
0x5e: {  	[tilespmem:s9+$0x2ED0] =	vst v0  }
0x5f: {  	[tilespmem:s9+$0x2EE0] =	vst v0  }
0x60: {  	[tilespmem:s9+$0x2EF0] =	vst v0  }
0x61: {  	[tilespmem:s9+$0x2F00] =	vst v0  }
0x62: {  	[tilespmem:s9+$0x2F10] =	vst v0  }
0x63: {  	[tilespmem:s9+$0x2F20] =	vst v0  }
0x64: {  	[tilespmem:s9+$0x2F30] =	vst v0  }
0x65: {  	[tilespmem:s9+$0x2F40] =	vst v0  }
.Ltmp4:
0x66: {  	[tilespmem:s9+$0x2F50] =	vst v0;
	(pc) =	sbr.rel @p1 .LBB2_3-.Ltmp4, $4  }
0x67: {  	[tilespmem:s9+$0x2F60] =	vst v0  }
0x68: {  	[tilespmem:s9+$0x2F70] =	vst v0  }
0x69: {  	[tilespmem:s9+$0x2F80] =	vst v0  }
0x6a: {  	[tilespmem:s9+$0x2F90] =	vst v0;
	s9 =	sshra.s32 s10, $0x2;
	s10 =	sadd.s32 $0x840, s10  }
0x6b: {  	[tilespmem:s9+$0x2FA0] =	vst v0  }
0x6c: {  	[tilespmem:s9+$0x2DA0] =	vst v0  }
0x6d: {  	[tilespmem:s9+$0x2DB0] =	vst v0  }
0x6e: {  	[tilespmem:s9+$0x2DC0] =	vst v0  }
0x6f: {  	[tilespmem:s9+$0x2DD0] =	vst v0  }
0x70: {  	[tilespmem:s9+$0x2DE0] =	vst v0  }
0x71: {  	[tilespmem:s9+$0x2DF0] =	vst v0  }
0x72: {  	[tilespmem:s9+$0x2E00] =	vst v0  }
0x73: {  	[tilespmem:s9+$0x2E10] =	vst v0  }
0x74: {  	[tilespmem:s9+$0x2E20] =	vst v0  }
0x75: {  	[tilespmem:s9+$0x2E30] =	vst v0  }
0x76: {  	[tilespmem:s9+$0x2E40] =	vst v0  }
0x77: {  	[tilespmem:s9+$0x2E50] =	vst v0  }
0x78: {  	[tilespmem:s9+$0x2E60] =	vst v0  }
0x79: {  	[tilespmem:s9+$0x2E70] =	vst v0  }
0x7a: {  	[tilespmem:s9+$0x2E80] =	vst v0  }
0x7b: {  	[tilespmem:s9+$0x2E90] =	vst v0  }
0x7c: {  	[tilespmem:s9+$0x2EA0] =	vst v0  }
0x7d: {  	[tilespmem:s9+$0x2EB0] =	vst v0  }
0x7e: {  	[tilespmem:s9+$0x2EC0] =	vst v0  }
0x7f: {  	[tilespmem:s9+$0x2ED0] =	vst v0  }
0x80: {  	[tilespmem:s9+$0x2EE0] =	vst v0  }
0x81: {  	[tilespmem:s9+$0x2EF0] =	vst v0  }
0x82: {  	[tilespmem:s9+$0x2F00] =	vst v0  }
0x83: {  	[tilespmem:s9+$0x2F10] =	vst v0  }
0x84: {  	[tilespmem:s9+$0x2F20] =	vst v0  }
0x85: {  	[tilespmem:s9+$0x2F30] =	vst v0  }
0x86: {  	[tilespmem:s9+$0x2F40] =	vst v0  }
0x87: {  	[tilespmem:s9+$0x2F50] =	vst v0  }
0x88: {  	[tilespmem:s9+$0x2F60] =	vst v0  }
0x89: {  	[tilespmem:s9+$0x2F70] =	vst v0  }
0x8a: {  	[tilespmem:s9+$0x2F80] =	vst v0  }
0x8b: {  	[tilespmem:s9+$0x2F90] =	vst v0  }
0x8c: {  	[spmem:s8] =	stream.linear.scatter [tilespmem:s24], [sflag:$0x5], $0x4200, $0x38;
	[tilespmem:$0x1FEA8] =	vst v63  }
0x8d: {  	_ =	swait.ge [sflag:s25], $0x4200  }
0x8e: {  	[sflag:s25] =	ssyncset.done $0x0  }
0x8f: {  	s12 =	rddreg [dreg:$0x8];
	[sflag:s25] =	ssyncadd.s32 $0xFFFFBE00  }
0x90: {  	[spmem:s12] =	stream.linear.scatter [tilespmem:s24], [sflag:$0x5], $0x4200, $0x38;
	[tilespmem:$0x1FEA8] =	vst v63  }
0x91: {  	_ =	swait.ge [sflag:s25], $0x4200  }
0x92: {  	[sflag:s25] =	ssyncset.done $0x0  }
0x93: {  	s13 =	rddreg [dreg:$0x9];
	[sflag:s25] =	ssyncadd.s32 $0xFFFFBE00  }
0x94: {  	[spmem:s13] =	stream.linear.scatter [tilespmem:s24], [sflag:$0x5], $0x4200, $0x38;
	[tilespmem:$0x1FEA8] =	vst v63  }
0x95: {  	_ =	swait.ge [sflag:s25], $0x4200  }
0x96: {  	[sflag:s25] =	ssyncset.done $0x0  }
0x97: {  	s14 =	rddreg [dreg:$0xa];
	[sflag:s25] =	ssyncadd.s32 $0xFFFFBE00  }
0x98: {  	[spmem:s14] =	stream.linear.scatter [tilespmem:s24], [sflag:$0x5], $0x4200, $0x38;
	[tilespmem:$0x1FEA8] =	vst v63  }
0x99: {  	_ =	swait.ge [sflag:s25], $0x4200  }
0x9a: {  	[sflag:s25] =	ssyncset.done $0x0  }
0x9b: {  	s15 =	rddreg [dreg:$0xb];
	[sflag:s25] =	ssyncadd.s32 $0xFFFFBE00  }
0x9c: {  	[spmem:s15] =	stream.linear.scatter [tilespmem:s24], [sflag:$0x5], $0x4200, $0x38;
	[tilespmem:$0x1FEA8] =	vst v63  }
0x9d: {  	_ =	swait.ge [sflag:s25], $0x4200  }
0x9e: {  	[sflag:s25] =	ssyncset.done $0x0  }
0x9f: {  	[sflag:s25] =	ssyncadd.s32 $0xFFFFBE00  }
0xa0: {  	[bflag:$0x0] =	sbarrier.arrive $0xFFFF  }
0xa1: {  	s9 =	simm.s32 $0x0;
	s10 =	rddreg [dreg:$0xc]  }
0xa2: {  	[tilespmem:s9], [sflag:$0x3] =	stream.linear.gather [hbm4b:s10+s9], $0x7D0, $0x38;
	[tilespmem:$0x1FEA8] =	vst v63  }
0xa3: {  	s16 =	rddreg [dreg:$0xd]  }
0xa4: {  	[tilespmem:s26], [sflag:$0x3] =	stream.linear.gather [hbm4b:s16+s9], $0x7D0, $0x38;
	[tilespmem:$0x1FEA8] =	vst v63  }
0xa5: {  	s17 =	rddreg [dreg:$0xe]  }
0xa6: {  	[tilespmem:s28], [sflag:$0x4] =	stream.linear.gather [hbm4b:s17+s9], $0x7D0, $0x38;
	[tilespmem:$0x1FEA8] =	vst v63  }
0xa7: {  	s18 =	rddreg [dreg:$0xf]  }
0xa8: {  	[tilespmem:s29], [sflag:$0x4] =	stream.linear.gather [hbm4b:s18+s9], $0x7D0, $0x38;
	[tilespmem:$0x1FEA8] =	vst v63  }
0xa9: {  	_ =	swait.ge [sflag:s30], $0x7D0  }
0xaa: {  	[sflag:s30] =	ssyncset.done $0x0  }
0xab: {  	[sflag:s30] =	ssyncadd.s32 $0xFFFFF830  }
0xac: {  	_ =	swait.ge [sflag:s30], $0x7D0  }
0xad: {  	[sflag:s30] =	ssyncset.done $0x0  }
0xae: {  	s19 =	simm.s32 $0x0;
	[sflag:s30] =	ssyncadd.s32 $0xFFFFF830  }
0xaf: {  	s11 =	rddreg [dreg:$0x6];
	v5 =	vld [tilespmem:s19+$0x7D0]  }
0xb0: {  	s7 =	sor.u32 s11, s7  }
0xb1: {  	s7 =	smul.u32 $0xA00, s7;
	_ =	sdelay $0x1  }
0xb2: {  	v4 =	vmov s7  }
0xb3: {  	v5 =	vsub.s32 v5, v4  }
0xb4: {  	vm0 =	vlt.u32 v5, $0xA00  }
0xb5: {  	v7 =	vmpcnt.ones.xlane vm0;
	_ =	sdelay $0x1  }
0xb6: {  	v6 =	vld [tilespmem:s19+$0x0];
	(v2sf) =	vpush v7, $0x0;
	_ =	sdelay $0x4  }
0xb7: {  	[tilespmem:s9+$0x1F40] =	vst.msk vm0, v6  }
0xb8: {  	s10 =	simm.s32 $0x80;
	s11 =	simm.s32 $0x10;
	[tilespmem:s9+$0x2750] =	vst.msk vm0, v5  }
.LBB2_5:
0xb9: {  	p1 =	sne.s32 s10, $0x1F00;
	v5 =	vld [tilespmem:s11+$0x7D0];
	_ =	sdelay $0x4  }
0xba: {  	v6 =	vld [tilespmem:s11+$0x0];
	v5 =	vsub.s32 v5, v4  }
0xbb: {  	vm0 =	vlt.u32 v5, $0xA00  }
0xbc: {  	v7 =	vmpcnt.ones.xlane vm0  }
0xbd: {  	s11 =	spop (v2sf)  }
0xbe: {  	(v2sf) =	vpush v7, $0x0;
	s9 =	sadd.s32 s9, s11  }
0xbf: {  	[tilespmem:s9+$0x1F40] =	vst.msk vm0, v6  }
.Ltmp5:
0xc0: {  	[tilespmem:s9+$0x2750] =	vst.msk vm0, v5;
	(pc) =	sbr.rel @p1 .LBB2_5-.Ltmp5, $2  }
0xc1: {  	_ =	sdelay $0x2  }
0xc2: {  	s11 =	sshra.s32 s10, $0x2;
	s10 =	sadd.s32 $0x40, s10  }
0xc3: {  	v5 =	vld [tilespmem:s11+$0x7D0];
	_ =	sdelay $0x4  }
0xc4: {  	v5 =	vsub.s32 v5, v4  }
0xc5: {  	vm0 =	vlt.u32 v5, $0xA00  }
0xc6: {  	v6 =	vmpcnt.ones.xlane vm0;
	_ =	sdelay $0x1  }
0xc7: {  	(v2sf) =	vpush v6, $0x0;
	_ =	sdelay $0xd  }
0xc8: {  	s10 =	spop (v2sf)  }
0xc9: {  	s12 =	sadd.s32 s9, s10;
	s13 =	spop (v2sf)  }
0xca: {  	s9 =	sadd.s32 s12, s13  }
0xcb: {  	s14 =	sand.u32 $0x1F, s9  }
0xcc: {  	s15 =	sshra.s32 s9, $0x1F;
	p1 =	slt.s32 s9, $0x1;
	p2 =	sne.s32 s14, $0x0  }
0xcd: {  	v6 =	vld [tilespmem:s11+$0x0];
	s16 =	sshrl.u32 s15, $0x1B;
	p1 =	por !p1, !p2  }
0xce: {  	s11 =	simm.s32 $0x1;
	s10 =	sadd.s32 s16, s9;
	p1 =	por !p1, !p1  }
0xcf: {  	s10 =	sshra.s32 s10, $0x5;
	s11 =	simm.s32 @!p1 $0x0  }
0xd0: {  	s10 =	ssub.s32 s10, s11  }
0xd1: {  	p1 =	slt.s32 s10, $0x1  }
0xd2: {  	[tilespmem:s12+$0x1F40] =	vst.msk vm0, v6;
	s17 =	sadd.s32 $0x1, s10;
	s11 =	simm.s32 @!p1 $0x20  }
0xd3: {  	[tilespmem:s12+$0x2750] =	vst.msk vm0, v5;
	s12 =	simm.s32 @!p1 $0x1F40;
	s13 =	simm.s32 @!p1 $0x2FA0;
	s18 =	sand.u32 $0x1, s17  }
0xd4: {  	[tilespmem:s13], [sflag:$0x1] =	stream.indirect.gather @!p1 [hbm4b:s1+s11], $0x210, s12, s11, $0xb8;
	[tilespmem:$0x1FEA8] =	vst v63  }
0xd5: {  	p5 =	slt.s32 s10, $0x0;
	p6 =	seq.s32 s18, $0x1  }
0xd6: {  	s19 =	sshrl.u32 s17, $0x1F;
	p1 =	por !p5, !p6  }
0xd7: {  	s11 =	sadd.s32 s19, s17;
	s12 =	simm.s32 $0x1;
	p1 =	por !p1, !p1  }
0xd8: {  	s11 =	sshra.s32 s11, $0x1;
	s12 =	simm.s32 @!p1 $0x0  }
0xd9: {  	s11 =	ssub.s32 s11, s12  }
0xda: {  	p1 =	slt.s32 s11, $0x1  }
.Ltmp6:
0xdb: {  	_ = 	snop;
	(pc) =	sbr.rel @p1 .LBB2_12-.Ltmp6, $1  }
0xdc: {  	_ =	sdelay $0x3  }
0xdd: {  	s14 =	sadd.s32 $0xFFFFFFFF, s11  }
0xde: {  	p1 =	sne.s32 s14, $0x0  }
.Ltmp7:
0xdf: {  	_ = 	snop;
	(pc) =	sbr.rel @!p1 .LBB2_8-.Ltmp7, $3  }
0xe0: {  	_ =	sdelay $0x1  }
0xe1: {  	s13 =	simm.s32 $0x2;
	s11 =	simm.s32 $0x2770  }
0xe2: {  	s12 =	simm.s32 $0x1F60;
	p4 =	sle.s32 s10, $0x1;
	p2 =	por $0x0, $0x0  }
0xe3: {  	s13 =	simm.s32 @!p4 $0x20;
	s15 =	simm.s32 @!p4 $0x71A0;
	p1 =	por p4, p4  }
0xe4: {  	[tilespmem:s15], [sflag:$0x2] =	stream.indirect.gather @!p1 [hbm4b:s1+s13], $0x210, s12, s13, $0xb8;
	[tilespmem:$0x1FEA8] =	vst v63  }
0xe5: {  	v5 =	vld [tilespmem:s11+$0xFFFFFFE0];
	_ =	sdelay $0x4  }
0xe6: {  	[tilespmem:$0x2F60] =	vst v5  }
0xe7: {  	v5 =	vld [tilespmem:s11+$0xFFFFFFF0];
	_ =	sdelay $0x4  }
0xe8: {  	[tilespmem:$0x2F70] =	vst v5  }
0xe9: {  	_ =	swait.ge [sflag:s31], $0x4200  }
0xea: {  	[sflag:s31] =	ssyncset.done $0x0  }
0xeb: {  	p2 =	sle.s32 @!p1 s10, $0x2;
	[sflag:s31] =	ssyncadd.s32 $0xFFFFBE00  }
0xec: {  	[spmem:s2] =	stream.indirect.scatter.add.f32 [tilespmem:s24], [sflag:$0x6], $0x210, s23, s0, $0xb8;
	[tilespmem:$0x1FEA8] =	vst v63  }
0xed: {  	p2 =	por p2, p1;
	_ =	swait.ge [sflag:s4], $0x4200  }
0xee: {  	s12 =	simm.s32 @!p2 $0x1F80;
	[sflag:s4] =	ssyncset.done $0x0  }
0xef: {  	s16 =	simm.s32 @!p2 $0x20;
	s17 =	simm.s32 @!p2 $0x2FA0;
	[sflag:s4] =	ssyncadd.s32 $0xFFFFBE00  }
0xf0: {  	[tilespmem:s17], [sflag:$0x1] =	stream.indirect.gather @!p2 [hbm4b:s1+s16], $0x210, s12, s16, $0xb8;
	[tilespmem:$0x1FEA8] =	vst v63  }
0xf1: {  	v5 =	vld @!p1 [tilespmem:s11+$0x0];
	_ =	sdelay $0x4  }
0xf2: {  	[tilespmem:$0x2F80] =	vst @!p1 v5  }
0xf3: {  	v5 =	vld @!p1 [tilespmem:s11+$0x10];
	_ =	sdelay $0x3  }
0xf4: {  	s14 =	sadd.s32 $0xFFFFFFFF, s14  }
0xf5: {  	p3 =	sne.s32 s14, $0x0;
	s11 =	simm.s32 @!p1 $0x2;
	[tilespmem:$0x2F90] =	vst @!p1 v5  }
.Ltmp8:
0xf6: {  	p4 =	sle.s32 s10, $0x3;
	_ =	swait.ge @!p1 [sflag:s11], $0x4200;
	(pc) =	sbr.rel @!p3 .LBB2_11-.Ltmp8, $4  }
0xf7: {  	s12 =	simm.s32 $0x1FA0;
	s16 =	simm.s32 @!p1 $0x2F80;
	[sflag:s11] =	ssyncset.done @!p1 $0x0  }
0xf8: {  	s17 =	simm.s32 @!p1 $0x5;
	p2 =	por $0x1, $0x1;
	[sflag:s11] =	ssyncadd.s32 @!p1 $0xFFFFBE00  }
0xf9: {  	[spmem:s2] =	stream.indirect.scatter.add.f32 @!p1 [tilespmem:s15], [sflag:$0x5], $0x210, s16, s13, $0xb8;
	[tilespmem:$0x1FEA8] =	vst v63  }
0xfa: {  	s11 =	simm.s32 $0x27B0;
	s13 =	simm.s32 $0x4;
	_ =	swait.ge @!p1 [sflag:s17], $0x4200  }
.LBB2_10:
0xfb: {  	s15 =	simm.s32 @!p4 $0x20;
	s16 =	simm.s32 @!p4 $0x71A0;
	[sflag:s17] =	ssyncset.done @!p1 $0x0  }
0xfc: {  	s14 =	sadd.s32 $0xFFFFFFFF, s14;
	[sflag:s17] =	ssyncadd.s32 @!p1 $0xFFFFBE00;
	p1 =	por p4, p4  }
0xfd: {  	[tilespmem:s16], [sflag:$0x2] =	stream.indirect.gather @!p1 [hbm4b:s1+s15], $0x210, s12, s15, $0xb8;
	[tilespmem:$0x1FEA8] =	vst v63  }
0xfe: {  	p3 =	sne.s32 s14, $0x0;
	v5 =	vld [tilespmem:s11+$0xFFFFFFE0];
	_ =	sdelay $0x4  }
0xff: {  	[tilespmem:$0x2F60] =	vst v5  }
0x100: {  	v5 =	vld [tilespmem:s11+$0xFFFFFFF0];
	_ =	sdelay $0x4  }
0x101: {  	[tilespmem:$0x2F70] =	vst v5  }
0x102: {  	_ =	swait.ge [sflag:s31], $0x4200  }
0x103: {  	[sflag:s31] =	ssyncset.done $0x0  }
0x104: {  	p4 =	sge.s32 @!p1 s13, s10;
	[sflag:s31] =	ssyncadd.s32 $0xFFFFBE00  }
0x105: {  	[spmem:s2] =	stream.indirect.scatter.add.f32 [tilespmem:s24], [sflag:$0x6], $0x210, s23, s0, $0xb8;
	[tilespmem:$0x1FEA8] =	vst v63  }
0x106: {  	p4 =	por p4, p1;
	_ =	swait.ge [sflag:s4], $0x4200  }
0x107: {  	s17 =	sadd.s32 @!p4 $0x20, s12;
	s18 =	simm.s32 @!p4 $0x20;
	[sflag:s4] =	ssyncset.done $0x0  }
0x108: {  	s19 =	simm.s32 @!p4 $0x2FA0;
	[sflag:s4] =	ssyncadd.s32 $0xFFFFBE00  }
0x109: {  	[tilespmem:s19], [sflag:$0x1] =	stream.indirect.gather @!p4 [hbm4b:s1+s18], $0x210, s17, s18, $0xb8;
	[tilespmem:$0x1FEA8] =	vst v63  }
0x10a: {  	v5 =	vld @!p1 [tilespmem:s11+$0x0];
	_ =	sdelay $0x4  }
0x10b: {  	[tilespmem:$0x2F80] =	vst @!p1 v5  }
0x10c: {  	v5 =	vld @!p1 [tilespmem:s11+$0x10];
	_ =	sdelay $0x3  }
0x10d: {  	s17 =	simm.s32 @!p1 $0x2  }
0x10e: {  	[tilespmem:$0x2F90] =	vst @!p1 v5  }
.Ltmp9:
0x10f: {  	s12 =	sadd.s32 $0x40, s12;
	_ =	swait.ge @!p1 [sflag:s17], $0x4200;
	(pc) =	sbr.rel @p3 .LBB2_10-.Ltmp9, $4  }
0x110: {  	s13 =	sadd.s32 $0x2, s13;
	s18 =	simm.s32 @!p1 $0x2F80;
	[sflag:s17] =	ssyncset.done @!p1 $0x0  }
0x111: {  	s19 =	sadd.s32 $0xFFFFFFFF, s13;
	[sflag:s17] =	ssyncadd.s32 @!p1 $0xFFFFBE00;
	s17 =	simm.s32 @!p1 $0x5  }
0x112: {  	[spmem:s2] =	stream.indirect.scatter.add.f32 @!p1 [tilespmem:s16], [sflag:$0x5], $0x210, s18, s15, $0xb8;
	[tilespmem:$0x1FEA8] =	vst v63  }
0x113: {  	p4 =	sge.s32 s19, s10;
	s11 =	sadd.s32 $0x40, s11;
	_ =	swait.ge @!p1 [sflag:s17], $0x4200  }
.LBB2_11:
0x114: {  	p1 =	por p1, !p2  }
0x115: {  	s14 =	simm.s32 @!p4 $0x20;
	[sflag:s17] =	ssyncset.done @!p1 $0x0  }
0x116: {  	s15 =	simm.s32 @!p4 $0x71A0;
	[sflag:s17] =	ssyncadd.s32 @!p1 $0xFFFFBE00;
	p1 =	por p4, p4  }
0x117: {  	[tilespmem:s15], [sflag:$0x2] =	stream.indirect.gather @!p1 [hbm4b:s1+s14], $0x210, s12, s14, $0xb8;
	[tilespmem:$0x1FEA8] =	vst v63  }
0x118: {  	v5 =	vld [tilespmem:s11+$0xFFFFFFE0];
	_ =	sdelay $0x4  }
0x119: {  	[tilespmem:$0x2F60] =	vst v5  }
0x11a: {  	v5 =	vld [tilespmem:s11+$0xFFFFFFF0];
	_ =	sdelay $0x4  }
0x11b: {  	[tilespmem:$0x2F70] =	vst v5  }
0x11c: {  	_ =	swait.ge [sflag:s31], $0x4200  }
0x11d: {  	[sflag:s31] =	ssyncset.done $0x0  }
0x11e: {  	p2 =	sge.s32 @!p1 s13, s10;
	[sflag:s31] =	ssyncadd.s32 $0xFFFFBE00  }
0x11f: {  	[spmem:s2] =	stream.indirect.scatter.add.f32 [tilespmem:s24], [sflag:$0x6], $0x210, s23, s0, $0xb8;
	[tilespmem:$0x1FEA8] =	vst v63  }
0x120: {  	p2 =	por p2, p1;
	_ =	swait.ge [sflag:s4], $0x4200  }
0x121: {  	s12 =	sadd.s32 @!p2 $0x20, s12;
	[sflag:s4] =	ssyncset.done $0x0  }
0x122: {  	s13 =	simm.s32 @!p2 $0x20;
	s16 =	simm.s32 @!p2 $0x2FA0;
	[sflag:s4] =	ssyncadd.s32 $0xFFFFBE00  }
0x123: {  	[tilespmem:s16], [sflag:$0x1] =	stream.indirect.gather @!p2 [hbm4b:s1+s13], $0x210, s12, s13, $0xb8;
	[tilespmem:$0x1FEA8] =	vst v63  }
0x124: {  	v5 =	vld @!p1 [tilespmem:s11+$0x0];
	_ =	sdelay $0x4  }
0x125: {  	[tilespmem:$0x2F80] =	vst @!p1 v5  }
0x126: {  	v5 =	vld @!p1 [tilespmem:s11+$0x10];
	_ =	sdelay $0x4  }
0x127: {  	s11 =	simm.s32 @!p1 $0x2;
	[tilespmem:$0x2F90] =	vst @!p1 v5  }
0x128: {  	_ =	swait.ge @!p1 [sflag:s11], $0x4200  }
0x129: {  	[sflag:s11] =	ssyncset.done @!p1 $0x0  }
0x12a: {  	s12 =	simm.s32 @!p1 $0x2F80;
	[sflag:s11] =	ssyncadd.s32 @!p1 $0xFFFFBE00;
	s11 =	simm.s32 @!p1 $0x5  }
0x12b: {  	[spmem:s2] =	stream.indirect.scatter.add.f32 @!p1 [tilespmem:s15], [sflag:$0x5], $0x210, s12, s14, $0xb8;
	[tilespmem:$0x1FEA8] =	vst v63  }
0x12c: {  	_ =	swait.ge @!p1 [sflag:s11], $0x4200  }
0x12d: {  	[sflag:s11] =	ssyncset.done @!p1 $0x0  }
0x12e: {  	[sflag:s11] =	ssyncadd.s32 @!p1 $0xFFFFBE00  }
.LBB2_12:
0x12f: {  	s10 =	sshll.u32 s10, $0x5  }
0x130: {  	v5 =	vld [tilespmem:s10+$0x1F40]  }
0x131: {  	v6 =	vld [tilespmem:s10+$0x2750];
	_ =	sdelay $0x3  }
0x132: {  	[tilespmem:$0x1F40] =	vst v5  }
0x133: {  	[tilespmem:$0x2750] =	vst v6  }
0x134: {  	v5 =	vld [tilespmem:s10+$0x1F50]  }
0x135: {  	v6 =	vld [tilespmem:s10+$0x2760];
	_ =	sdelay $0x3  }
0x136: {  	[tilespmem:$0x1F50] =	vst v5  }
0x137: {  	s11 =	simm.s32 $0x0;
	s12 =	rddreg [dreg:$0x10];
	[tilespmem:$0x2760] =	vst v6  }
0x138: {  	[tilespmem:s11], [sflag:$0x3] =	stream.linear.gather [hbm4b:s12+s11], $0x7D0, $0x38;
	[tilespmem:$0x1FEA8] =	vst v63  }
0x139: {  	s18 =	rddreg [dreg:$0x11]  }
0x13a: {  	[tilespmem:s26], [sflag:$0x3] =	stream.linear.gather [hbm4b:s18+s11], $0x7D0, $0x38;
	[tilespmem:$0x1FEA8] =	vst v63  }
0x13b: {  	_ =	swait.ge [sflag:s3], $0x7D0  }
0x13c: {  	[sflag:s3] =	ssyncset.done $0x0  }
0x13d: {  	[sflag:s3] =	ssyncadd.s32 $0xFFFFF830  }
0x13e: {  	_ =	swait.ge [sflag:s3], $0x7D0  }
0x13f: {  	[sflag:s3] =	ssyncset.done $0x0  }
0x140: {  	s19 =	simm.s32 $0x0;
	[sflag:s3] =	ssyncadd.s32 $0xFFFFF830  }
0x141: {  	v5 =	vld [tilespmem:s19+$0x1770];
	_ =	sdelay $0x4  }
0x142: {  	v5 =	vsub.s32 v5, v4  }
0x143: {  	vm0 =	vlt.u32 v5, $0xA00  }
0x144: {  	v7 =	vmpcnt.ones.xlane vm0;
	_ =	sdelay $0x1  }
0x145: {  	v6 =	vld [tilespmem:s19+$0xFA0];
	(v2sf) =	vpush v7, $0x0;
	_ =	sdelay $0x3  }
0x146: {  	s9 =	ssub.s32 s9, s10  }
0x147: {  	[tilespmem:s9+$0x1F40] =	vst.msk vm0, v6  }
0x148: {  	s10 =	simm.s32 $0x80;
	s11 =	simm.s32 $0x10;
	[tilespmem:s9+$0x2750] =	vst.msk vm0, v5  }
.LBB2_13:
0x149: {  	p1 =	sne.s32 s10, $0x1F00;
	v5 =	vld [tilespmem:s11+$0x1770];
	_ =	sdelay $0x4  }
0x14a: {  	v6 =	vld [tilespmem:s11+$0xFA0];
	v5 =	vsub.s32 v5, v4  }
0x14b: {  	vm0 =	vlt.u32 v5, $0xA00  }
0x14c: {  	v7 =	vmpcnt.ones.xlane vm0  }
0x14d: {  	s11 =	spop (v2sf)  }
0x14e: {  	(v2sf) =	vpush v7, $0x0;
	s9 =	sadd.s32 s9, s11  }
0x14f: {  	[tilespmem:s9+$0x1F40] =	vst.msk vm0, v6  }
.Ltmp10:
0x150: {  	[tilespmem:s9+$0x2750] =	vst.msk vm0, v5;
	(pc) =	sbr.rel @p1 .LBB2_13-.Ltmp10, $2  }
0x151: {  	_ =	sdelay $0x2  }
0x152: {  	s11 =	sshra.s32 s10, $0x2;
	s10 =	sadd.s32 $0x40, s10  }
0x153: {  	v5 =	vld [tilespmem:s11+$0x1770];
	_ =	sdelay $0x4  }
0x154: {  	v5 =	vsub.s32 v5, v4  }
0x155: {  	vm0 =	vlt.u32 v5, $0xA00  }
0x156: {  	v6 =	vmpcnt.ones.xlane vm0;
	_ =	sdelay $0x1  }
0x157: {  	(v2sf) =	vpush v6, $0x0;
	_ =	sdelay $0xd  }
0x158: {  	s10 =	spop (v2sf)  }
0x159: {  	s12 =	sadd.s32 s9, s10;
	s13 =	spop (v2sf)  }
0x15a: {  	s9 =	sadd.s32 s12, s13  }
0x15b: {  	s14 =	sand.u32 $0x1F, s9  }
0x15c: {  	s15 =	sshra.s32 s9, $0x1F;
	p1 =	slt.s32 s9, $0x1;
	p2 =	sne.s32 s14, $0x0  }
0x15d: {  	v6 =	vld [tilespmem:s11+$0xFA0];
	s16 =	sshrl.u32 s15, $0x1B;
	p1 =	por !p1, !p2  }
0x15e: {  	s11 =	simm.s32 $0x1;
	s10 =	sadd.s32 s16, s9;
	p1 =	por !p1, !p1  }
0x15f: {  	s10 =	sshra.s32 s10, $0x5;
	s11 =	simm.s32 @!p1 $0x0  }
0x160: {  	s10 =	ssub.s32 s10, s11  }
0x161: {  	p1 =	slt.s32 s10, $0x1  }
0x162: {  	[tilespmem:s12+$0x1F40] =	vst.msk vm0, v6;
	s17 =	sadd.s32 $0x1, s10;
	s11 =	simm.s32 @!p1 $0x20  }
0x163: {  	[tilespmem:s12+$0x2750] =	vst.msk vm0, v5;
	s12 =	simm.s32 @!p1 $0x1F40;
	s13 =	simm.s32 @!p1 $0x2FA0;
	s18 =	sand.u32 $0x1, s17  }
0x164: {  	[tilespmem:s13], [sflag:$0x1] =	stream.indirect.gather @!p1 [hbm4b:s1+s11], $0x210, s12, s11, $0xb8;
	[tilespmem:$0x1FEA8] =	vst v63  }
0x165: {  	p5 =	slt.s32 s10, $0x0;
	p6 =	seq.s32 s18, $0x1  }
0x166: {  	s19 =	sshrl.u32 s17, $0x1F;
	p1 =	por !p5, !p6  }
0x167: {  	s11 =	sadd.s32 s19, s17;
	s12 =	simm.s32 $0x1;
	p1 =	por !p1, !p1  }
0x168: {  	s11 =	sshra.s32 s11, $0x1;
	s12 =	simm.s32 @!p1 $0x0  }
0x169: {  	s11 =	ssub.s32 s11, s12  }
0x16a: {  	p1 =	slt.s32 s11, $0x1  }
.Ltmp11:
0x16b: {  	_ = 	snop;
	(pc) =	sbr.rel @p1 .LBB2_20-.Ltmp11, $1  }
0x16c: {  	_ =	sdelay $0x3  }
0x16d: {  	s14 =	sadd.s32 $0xFFFFFFFF, s11  }
0x16e: {  	p1 =	sne.s32 s14, $0x0  }
.Ltmp12:
0x16f: {  	_ = 	snop;
	(pc) =	sbr.rel @!p1 .LBB2_16-.Ltmp12, $3  }
0x170: {  	_ =	sdelay $0x1  }
0x171: {  	s13 =	simm.s32 $0x2;
	s11 =	simm.s32 $0x2770  }
0x172: {  	s12 =	simm.s32 $0x1F60;
	p4 =	sle.s32 s10, $0x1;
	p2 =	por $0x0, $0x0  }
0x173: {  	s13 =	simm.s32 @!p4 $0x20;
	s15 =	simm.s32 @!p4 $0x71A0;
	p1 =	por p4, p4  }
0x174: {  	[tilespmem:s15], [sflag:$0x2] =	stream.indirect.gather @!p1 [hbm4b:s1+s13], $0x210, s12, s13, $0xb8;
	[tilespmem:$0x1FEA8] =	vst v63  }
0x175: {  	v5 =	vld [tilespmem:s11+$0xFFFFFFE0];
	_ =	sdelay $0x4  }
0x176: {  	[tilespmem:$0x2F60] =	vst v5  }
0x177: {  	v5 =	vld [tilespmem:s11+$0xFFFFFFF0];
	_ =	sdelay $0x4  }
0x178: {  	[tilespmem:$0x2F70] =	vst v5  }
0x179: {  	_ =	swait.ge [sflag:s31], $0x4200  }
0x17a: {  	[sflag:s31] =	ssyncset.done $0x0  }
0x17b: {  	p2 =	sle.s32 @!p1 s10, $0x2;
	[sflag:s31] =	ssyncadd.s32 $0xFFFFBE00  }
0x17c: {  	[spmem:s2] =	stream.indirect.scatter.add.f32 [tilespmem:s24], [sflag:$0x6], $0x210, s23, s0, $0xb8;
	[tilespmem:$0x1FEA8] =	vst v63  }
0x17d: {  	p2 =	por p2, p1;
	_ =	swait.ge [sflag:s4], $0x4200  }
0x17e: {  	s12 =	simm.s32 @!p2 $0x1F80;
	[sflag:s4] =	ssyncset.done $0x0  }
0x17f: {  	s16 =	simm.s32 @!p2 $0x20;
	s17 =	simm.s32 @!p2 $0x2FA0;
	[sflag:s4] =	ssyncadd.s32 $0xFFFFBE00  }
0x180: {  	[tilespmem:s17], [sflag:$0x1] =	stream.indirect.gather @!p2 [hbm4b:s1+s16], $0x210, s12, s16, $0xb8;
	[tilespmem:$0x1FEA8] =	vst v63  }
0x181: {  	v5 =	vld @!p1 [tilespmem:s11+$0x0];
	_ =	sdelay $0x4  }
0x182: {  	[tilespmem:$0x2F80] =	vst @!p1 v5  }
0x183: {  	v5 =	vld @!p1 [tilespmem:s11+$0x10];
	_ =	sdelay $0x3  }
0x184: {  	s14 =	sadd.s32 $0xFFFFFFFF, s14  }
0x185: {  	p3 =	sne.s32 s14, $0x0;
	s11 =	simm.s32 @!p1 $0x2;
	[tilespmem:$0x2F90] =	vst @!p1 v5  }
.Ltmp13:
0x186: {  	p4 =	sle.s32 s10, $0x3;
	_ =	swait.ge @!p1 [sflag:s11], $0x4200;
	(pc) =	sbr.rel @!p3 .LBB2_19-.Ltmp13, $4  }
0x187: {  	s12 =	simm.s32 $0x1FA0;
	s16 =	simm.s32 @!p1 $0x2F80;
	[sflag:s11] =	ssyncset.done @!p1 $0x0  }
0x188: {  	s17 =	simm.s32 @!p1 $0x5;
	p2 =	por $0x1, $0x1;
	[sflag:s11] =	ssyncadd.s32 @!p1 $0xFFFFBE00  }
0x189: {  	[spmem:s2] =	stream.indirect.scatter.add.f32 @!p1 [tilespmem:s15], [sflag:$0x5], $0x210, s16, s13, $0xb8;
	[tilespmem:$0x1FEA8] =	vst v63  }
0x18a: {  	s11 =	simm.s32 $0x27B0;
	s13 =	simm.s32 $0x4;
	_ =	swait.ge @!p1 [sflag:s17], $0x4200  }
.LBB2_18:
0x18b: {  	s15 =	simm.s32 @!p4 $0x20;
	s16 =	simm.s32 @!p4 $0x71A0;
	[sflag:s17] =	ssyncset.done @!p1 $0x0  }
0x18c: {  	s14 =	sadd.s32 $0xFFFFFFFF, s14;
	[sflag:s17] =	ssyncadd.s32 @!p1 $0xFFFFBE00;
	p1 =	por p4, p4  }
0x18d: {  	[tilespmem:s16], [sflag:$0x2] =	stream.indirect.gather @!p1 [hbm4b:s1+s15], $0x210, s12, s15, $0xb8;
	[tilespmem:$0x1FEA8] =	vst v63  }
0x18e: {  	p3 =	sne.s32 s14, $0x0;
	v5 =	vld [tilespmem:s11+$0xFFFFFFE0];
	_ =	sdelay $0x4  }
0x18f: {  	[tilespmem:$0x2F60] =	vst v5  }
0x190: {  	v5 =	vld [tilespmem:s11+$0xFFFFFFF0];
	_ =	sdelay $0x4  }
0x191: {  	[tilespmem:$0x2F70] =	vst v5  }
0x192: {  	_ =	swait.ge [sflag:s31], $0x4200  }
0x193: {  	[sflag:s31] =	ssyncset.done $0x0  }
0x194: {  	p4 =	sge.s32 @!p1 s13, s10;
	[sflag:s31] =	ssyncadd.s32 $0xFFFFBE00  }
0x195: {  	[spmem:s2] =	stream.indirect.scatter.add.f32 [tilespmem:s24], [sflag:$0x6], $0x210, s23, s0, $0xb8;
	[tilespmem:$0x1FEA8] =	vst v63  }
0x196: {  	p4 =	por p4, p1;
	_ =	swait.ge [sflag:s4], $0x4200  }
0x197: {  	s17 =	sadd.s32 @!p4 $0x20, s12;
	s18 =	simm.s32 @!p4 $0x20;
	[sflag:s4] =	ssyncset.done $0x0  }
0x198: {  	s19 =	simm.s32 @!p4 $0x2FA0;
	[sflag:s4] =	ssyncadd.s32 $0xFFFFBE00  }
0x199: {  	[tilespmem:s19], [sflag:$0x1] =	stream.indirect.gather @!p4 [hbm4b:s1+s18], $0x210, s17, s18, $0xb8;
	[tilespmem:$0x1FEA8] =	vst v63  }
0x19a: {  	v5 =	vld @!p1 [tilespmem:s11+$0x0];
	_ =	sdelay $0x4  }
0x19b: {  	[tilespmem:$0x2F80] =	vst @!p1 v5  }
0x19c: {  	v5 =	vld @!p1 [tilespmem:s11+$0x10];
	_ =	sdelay $0x3  }
0x19d: {  	s17 =	simm.s32 @!p1 $0x2  }
0x19e: {  	[tilespmem:$0x2F90] =	vst @!p1 v5  }
.Ltmp14:
0x19f: {  	s12 =	sadd.s32 $0x40, s12;
	_ =	swait.ge @!p1 [sflag:s17], $0x4200;
	(pc) =	sbr.rel @p3 .LBB2_18-.Ltmp14, $4  }
0x1a0: {  	s13 =	sadd.s32 $0x2, s13;
	s18 =	simm.s32 @!p1 $0x2F80;
	[sflag:s17] =	ssyncset.done @!p1 $0x0  }
0x1a1: {  	s19 =	sadd.s32 $0xFFFFFFFF, s13;
	[sflag:s17] =	ssyncadd.s32 @!p1 $0xFFFFBE00;
	s17 =	simm.s32 @!p1 $0x5  }
0x1a2: {  	[spmem:s2] =	stream.indirect.scatter.add.f32 @!p1 [tilespmem:s16], [sflag:$0x5], $0x210, s18, s15, $0xb8;
	[tilespmem:$0x1FEA8] =	vst v63  }
0x1a3: {  	p4 =	sge.s32 s19, s10;
	s11 =	sadd.s32 $0x40, s11;
	_ =	swait.ge @!p1 [sflag:s17], $0x4200  }
.LBB2_19:
0x1a4: {  	p1 =	por p1, !p2  }
0x1a5: {  	s14 =	simm.s32 @!p4 $0x20;
	[sflag:s17] =	ssyncset.done @!p1 $0x0  }
0x1a6: {  	s15 =	simm.s32 @!p4 $0x71A0;
	[sflag:s17] =	ssyncadd.s32 @!p1 $0xFFFFBE00;
	p1 =	por p4, p4  }
0x1a7: {  	[tilespmem:s15], [sflag:$0x2] =	stream.indirect.gather @!p1 [hbm4b:s1+s14], $0x210, s12, s14, $0xb8;
	[tilespmem:$0x1FEA8] =	vst v63  }
0x1a8: {  	v5 =	vld [tilespmem:s11+$0xFFFFFFE0];
	_ =	sdelay $0x4  }
0x1a9: {  	[tilespmem:$0x2F60] =	vst v5  }
0x1aa: {  	v5 =	vld [tilespmem:s11+$0xFFFFFFF0];
	_ =	sdelay $0x4  }
0x1ab: {  	[tilespmem:$0x2F70] =	vst v5  }
0x1ac: {  	_ =	swait.ge [sflag:s31], $0x4200  }
0x1ad: {  	[sflag:s31] =	ssyncset.done $0x0  }
0x1ae: {  	p2 =	sge.s32 @!p1 s13, s10;
	[sflag:s31] =	ssyncadd.s32 $0xFFFFBE00  }
0x1af: {  	[spmem:s2] =	stream.indirect.scatter.add.f32 [tilespmem:s24], [sflag:$0x6], $0x210, s23, s0, $0xb8;
	[tilespmem:$0x1FEA8] =	vst v63  }
0x1b0: {  	p2 =	por p2, p1;
	_ =	swait.ge [sflag:s4], $0x4200  }
0x1b1: {  	s12 =	sadd.s32 @!p2 $0x20, s12;
	[sflag:s4] =	ssyncset.done $0x0  }
0x1b2: {  	s13 =	simm.s32 @!p2 $0x20;
	s16 =	simm.s32 @!p2 $0x2FA0;
	[sflag:s4] =	ssyncadd.s32 $0xFFFFBE00  }
0x1b3: {  	[tilespmem:s16], [sflag:$0x1] =	stream.indirect.gather @!p2 [hbm4b:s1+s13], $0x210, s12, s13, $0xb8;
	[tilespmem:$0x1FEA8] =	vst v63  }
0x1b4: {  	v5 =	vld @!p1 [tilespmem:s11+$0x0];
	_ =	sdelay $0x4  }
0x1b5: {  	[tilespmem:$0x2F80] =	vst @!p1 v5  }
0x1b6: {  	v5 =	vld @!p1 [tilespmem:s11+$0x10];
	_ =	sdelay $0x4  }
0x1b7: {  	s11 =	simm.s32 @!p1 $0x2;
	[tilespmem:$0x2F90] =	vst @!p1 v5  }
0x1b8: {  	_ =	swait.ge @!p1 [sflag:s11], $0x4200  }
0x1b9: {  	[sflag:s11] =	ssyncset.done @!p1 $0x0  }
0x1ba: {  	s12 =	simm.s32 @!p1 $0x2F80;
	[sflag:s11] =	ssyncadd.s32 @!p1 $0xFFFFBE00;
	s11 =	simm.s32 @!p1 $0x5  }
0x1bb: {  	[spmem:s2] =	stream.indirect.scatter.add.f32 @!p1 [tilespmem:s15], [sflag:$0x5], $0x210, s12, s14, $0xb8;
	[tilespmem:$0x1FEA8] =	vst v63  }
0x1bc: {  	_ =	swait.ge @!p1 [sflag:s11], $0x4200  }
0x1bd: {  	[sflag:s11] =	ssyncset.done @!p1 $0x0  }
0x1be: {  	[sflag:s11] =	ssyncadd.s32 @!p1 $0xFFFFBE00  }
.LBB2_20:
0x1bf: {  	s10 =	sshll.u32 s10, $0x5  }
0x1c0: {  	v5 =	vld [tilespmem:s10+$0x1F40]  }
0x1c1: {  	v6 =	vld [tilespmem:s10+$0x2750];
	_ =	sdelay $0x3  }
0x1c2: {  	[tilespmem:$0x1F40] =	vst v5  }
0x1c3: {  	[tilespmem:$0x2750] =	vst v6  }
0x1c4: {  	v5 =	vld [tilespmem:s10+$0x1F50]  }
0x1c5: {  	v6 =	vld [tilespmem:s10+$0x2760];
	_ =	sdelay $0x3  }
0x1c6: {  	[tilespmem:$0x1F50] =	vst v5  }
0x1c7: {  	s11 =	simm.s32 $0x0;
	s12 =	rddreg [dreg:$0x12];
	[tilespmem:$0x2760] =	vst v6  }
0x1c8: {  	[tilespmem:s28], [sflag:$0x4] =	stream.linear.gather [hbm4b:s12+s11], $0x7D0, $0x38;
	[tilespmem:$0x1FEA8] =	vst v63  }
0x1c9: {  	_ = 	snop  }
0x1ca: {  	[tilespmem:s29], [sflag:$0x4] =	stream.linear.gather [hbm4b:s20+s11], $0x7D0, $0x38;
	[tilespmem:$0x1FEA8] =	vst v63  }
0x1cb: {  	_ =	swait.ge [sflag:s30], $0x7D0  }
0x1cc: {  	[sflag:s30] =	ssyncset.done $0x0  }
0x1cd: {  	[sflag:s30] =	ssyncadd.s32 $0xFFFFF830  }
0x1ce: {  	_ =	swait.ge [sflag:s30], $0x7D0  }
0x1cf: {  	[sflag:s30] =	ssyncset.done $0x0  }
0x1d0: {  	s19 =	simm.s32 $0x0;
	[sflag:s30] =	ssyncadd.s32 $0xFFFFF830  }
0x1d1: {  	v5 =	vld [tilespmem:s19+$0x7D0];
	_ =	sdelay $0x4  }
0x1d2: {  	v5 =	vsub.s32 v5, v4  }
0x1d3: {  	vm0 =	vlt.u32 v5, $0xA00  }
0x1d4: {  	v7 =	vmpcnt.ones.xlane vm0;
	_ =	sdelay $0x1  }
0x1d5: {  	v6 =	vld [tilespmem:s19+$0x0];
	(v2sf) =	vpush v7, $0x0;
	_ =	sdelay $0x3  }
0x1d6: {  	s9 =	ssub.s32 s9, s10  }
0x1d7: {  	[tilespmem:s9+$0x1F40] =	vst.msk vm0, v6  }
0x1d8: {  	s10 =	simm.s32 $0x80;
	s11 =	simm.s32 $0x10;
	[tilespmem:s9+$0x2750] =	vst.msk vm0, v5  }
.LBB2_21:
0x1d9: {  	p1 =	sne.s32 s10, $0x1F00;
	v5 =	vld [tilespmem:s11+$0x7D0];
	_ =	sdelay $0x4  }
0x1da: {  	v6 =	vld [tilespmem:s11+$0x0];
	v5 =	vsub.s32 v5, v4  }
0x1db: {  	vm0 =	vlt.u32 v5, $0xA00  }
0x1dc: {  	v7 =	vmpcnt.ones.xlane vm0  }
0x1dd: {  	s11 =	spop (v2sf)  }
0x1de: {  	(v2sf) =	vpush v7, $0x0;
	s9 =	sadd.s32 s9, s11  }
0x1df: {  	[tilespmem:s9+$0x1F40] =	vst.msk vm0, v6  }
.Ltmp15:
0x1e0: {  	[tilespmem:s9+$0x2750] =	vst.msk vm0, v5;
	(pc) =	sbr.rel @p1 .LBB2_21-.Ltmp15, $2  }
0x1e1: {  	_ =	sdelay $0x2  }
0x1e2: {  	s11 =	sshra.s32 s10, $0x2;
	s10 =	sadd.s32 $0x40, s10  }
0x1e3: {  	v5 =	vld [tilespmem:s11+$0x7D0];
	_ =	sdelay $0x4  }
0x1e4: {  	v5 =	vsub.s32 v5, v4  }
0x1e5: {  	vm0 =	vlt.u32 v5, $0xA00  }
0x1e6: {  	v6 =	vmpcnt.ones.xlane vm0;
	_ =	sdelay $0x1  }
0x1e7: {  	(v2sf) =	vpush v6, $0x0;
	_ =	sdelay $0xd  }
0x1e8: {  	s10 =	spop (v2sf)  }
0x1e9: {  	s12 =	sadd.s32 s9, s10;
	s13 =	spop (v2sf)  }
0x1ea: {  	s9 =	sadd.s32 s12, s13  }
0x1eb: {  	s14 =	sand.u32 $0x1F, s9  }
0x1ec: {  	s15 =	sshra.s32 s9, $0x1F;
	p1 =	slt.s32 s9, $0x1;
	p2 =	sne.s32 s14, $0x0  }
0x1ed: {  	v6 =	vld [tilespmem:s11+$0x0];
	s16 =	sshrl.u32 s15, $0x1B;
	p1 =	por !p1, !p2  }
0x1ee: {  	s11 =	simm.s32 $0x1;
	s10 =	sadd.s32 s16, s9;
	p1 =	por !p1, !p1  }
0x1ef: {  	s10 =	sshra.s32 s10, $0x5;
	s11 =	simm.s32 @!p1 $0x0  }
0x1f0: {  	s10 =	ssub.s32 s10, s11  }
0x1f1: {  	p1 =	slt.s32 s10, $0x1  }
0x1f2: {  	[tilespmem:s12+$0x1F40] =	vst.msk vm0, v6;
	s17 =	sadd.s32 $0x1, s10;
	s11 =	simm.s32 @!p1 $0x20  }
0x1f3: {  	[tilespmem:s12+$0x2750] =	vst.msk vm0, v5;
	s12 =	simm.s32 @!p1 $0x1F40;
	s13 =	simm.s32 @!p1 $0x2FA0;
	s18 =	sand.u32 $0x1, s17  }
0x1f4: {  	[tilespmem:s13], [sflag:$0x1] =	stream.indirect.gather @!p1 [hbm4b:s1+s11], $0x210, s12, s11, $0xb8;
	[tilespmem:$0x1FEA8] =	vst v63  }
0x1f5: {  	p5 =	slt.s32 s10, $0x0;
	p6 =	seq.s32 s18, $0x1  }
0x1f6: {  	s19 =	sshrl.u32 s17, $0x1F;
	p1 =	por !p5, !p6  }
0x1f7: {  	s11 =	sadd.s32 s19, s17;
	s12 =	simm.s32 $0x1;
	p1 =	por !p1, !p1  }
0x1f8: {  	s11 =	sshra.s32 s11, $0x1;
	s12 =	simm.s32 @!p1 $0x0  }
0x1f9: {  	s11 =	ssub.s32 s11, s12  }
0x1fa: {  	p1 =	slt.s32 s11, $0x1  }
.Ltmp16:
0x1fb: {  	_ = 	snop;
	(pc) =	sbr.rel @p1 .LBB2_28-.Ltmp16, $1  }
0x1fc: {  	_ =	sdelay $0x3  }
0x1fd: {  	s14 =	sadd.s32 $0xFFFFFFFF, s11  }
0x1fe: {  	p1 =	sne.s32 s14, $0x0  }
.Ltmp17:
0x1ff: {  	_ = 	snop;
	(pc) =	sbr.rel @!p1 .LBB2_24-.Ltmp17, $3  }
0x200: {  	_ =	sdelay $0x1  }
0x201: {  	s13 =	simm.s32 $0x2;
	s11 =	simm.s32 $0x2770  }
0x202: {  	s12 =	simm.s32 $0x1F60;
	p4 =	sle.s32 s10, $0x1;
	p2 =	por $0x0, $0x0  }
0x203: {  	s13 =	simm.s32 @!p4 $0x20;
	s15 =	simm.s32 @!p4 $0x71A0;
	p1 =	por p4, p4  }
0x204: {  	[tilespmem:s15], [sflag:$0x2] =	stream.indirect.gather @!p1 [hbm4b:s1+s13], $0x210, s12, s13, $0xb8;
	[tilespmem:$0x1FEA8] =	vst v63  }
0x205: {  	v5 =	vld [tilespmem:s11+$0xFFFFFFE0];
	_ =	sdelay $0x4  }
0x206: {  	[tilespmem:$0x2F60] =	vst v5  }
0x207: {  	v5 =	vld [tilespmem:s11+$0xFFFFFFF0];
	_ =	sdelay $0x4  }
0x208: {  	[tilespmem:$0x2F70] =	vst v5  }
0x209: {  	_ =	swait.ge [sflag:s31], $0x4200  }
0x20a: {  	[sflag:s31] =	ssyncset.done $0x0  }
0x20b: {  	p2 =	sle.s32 @!p1 s10, $0x2;
	[sflag:s31] =	ssyncadd.s32 $0xFFFFBE00  }
0x20c: {  	[spmem:s2] =	stream.indirect.scatter.add.f32 [tilespmem:s24], [sflag:$0x6], $0x210, s23, s0, $0xb8;
	[tilespmem:$0x1FEA8] =	vst v63  }
0x20d: {  	p2 =	por p2, p1;
	_ =	swait.ge [sflag:s4], $0x4200  }
0x20e: {  	s12 =	simm.s32 @!p2 $0x1F80;
	[sflag:s4] =	ssyncset.done $0x0  }
0x20f: {  	s16 =	simm.s32 @!p2 $0x20;
	s17 =	simm.s32 @!p2 $0x2FA0;
	[sflag:s4] =	ssyncadd.s32 $0xFFFFBE00  }
0x210: {  	[tilespmem:s17], [sflag:$0x1] =	stream.indirect.gather @!p2 [hbm4b:s1+s16], $0x210, s12, s16, $0xb8;
	[tilespmem:$0x1FEA8] =	vst v63  }
0x211: {  	v5 =	vld @!p1 [tilespmem:s11+$0x0];
	_ =	sdelay $0x4  }
0x212: {  	[tilespmem:$0x2F80] =	vst @!p1 v5  }
0x213: {  	v5 =	vld @!p1 [tilespmem:s11+$0x10];
	_ =	sdelay $0x3  }
0x214: {  	s14 =	sadd.s32 $0xFFFFFFFF, s14  }
0x215: {  	p3 =	sne.s32 s14, $0x0;
	s11 =	simm.s32 @!p1 $0x2;
	[tilespmem:$0x2F90] =	vst @!p1 v5  }
.Ltmp18:
0x216: {  	p4 =	sle.s32 s10, $0x3;
	_ =	swait.ge @!p1 [sflag:s11], $0x4200;
	(pc) =	sbr.rel @!p3 .LBB2_27-.Ltmp18, $4  }
0x217: {  	s12 =	simm.s32 $0x1FA0;
	s16 =	simm.s32 @!p1 $0x2F80;
	[sflag:s11] =	ssyncset.done @!p1 $0x0  }
0x218: {  	s17 =	simm.s32 @!p1 $0x5;
	p2 =	por $0x1, $0x1;
	[sflag:s11] =	ssyncadd.s32 @!p1 $0xFFFFBE00  }
0x219: {  	[spmem:s2] =	stream.indirect.scatter.add.f32 @!p1 [tilespmem:s15], [sflag:$0x5], $0x210, s16, s13, $0xb8;
	[tilespmem:$0x1FEA8] =	vst v63  }
0x21a: {  	s11 =	simm.s32 $0x27B0;
	s13 =	simm.s32 $0x4;
	_ =	swait.ge @!p1 [sflag:s17], $0x4200  }
.LBB2_26:
0x21b: {  	s15 =	simm.s32 @!p4 $0x20;
	s16 =	simm.s32 @!p4 $0x71A0;
	[sflag:s17] =	ssyncset.done @!p1 $0x0  }
0x21c: {  	s14 =	sadd.s32 $0xFFFFFFFF, s14;
	[sflag:s17] =	ssyncadd.s32 @!p1 $0xFFFFBE00;
	p1 =	por p4, p4  }
0x21d: {  	[tilespmem:s16], [sflag:$0x2] =	stream.indirect.gather @!p1 [hbm4b:s1+s15], $0x210, s12, s15, $0xb8;
	[tilespmem:$0x1FEA8] =	vst v63  }
0x21e: {  	p3 =	sne.s32 s14, $0x0;
	v5 =	vld [tilespmem:s11+$0xFFFFFFE0];
	_ =	sdelay $0x4  }
0x21f: {  	[tilespmem:$0x2F60] =	vst v5  }
0x220: {  	v5 =	vld [tilespmem:s11+$0xFFFFFFF0];
	_ =	sdelay $0x4  }
0x221: {  	[tilespmem:$0x2F70] =	vst v5  }
0x222: {  	_ =	swait.ge [sflag:s31], $0x4200  }
0x223: {  	[sflag:s31] =	ssyncset.done $0x0  }
0x224: {  	p4 =	sge.s32 @!p1 s13, s10;
	[sflag:s31] =	ssyncadd.s32 $0xFFFFBE00  }
0x225: {  	[spmem:s2] =	stream.indirect.scatter.add.f32 [tilespmem:s24], [sflag:$0x6], $0x210, s23, s0, $0xb8;
	[tilespmem:$0x1FEA8] =	vst v63  }
0x226: {  	p4 =	por p4, p1;
	_ =	swait.ge [sflag:s4], $0x4200  }
0x227: {  	s17 =	sadd.s32 @!p4 $0x20, s12;
	s18 =	simm.s32 @!p4 $0x20;
	[sflag:s4] =	ssyncset.done $0x0  }
0x228: {  	s19 =	simm.s32 @!p4 $0x2FA0;
	[sflag:s4] =	ssyncadd.s32 $0xFFFFBE00  }
0x229: {  	[tilespmem:s19], [sflag:$0x1] =	stream.indirect.gather @!p4 [hbm4b:s1+s18], $0x210, s17, s18, $0xb8;
	[tilespmem:$0x1FEA8] =	vst v63  }
0x22a: {  	v5 =	vld @!p1 [tilespmem:s11+$0x0];
	_ =	sdelay $0x4  }
0x22b: {  	[tilespmem:$0x2F80] =	vst @!p1 v5  }
0x22c: {  	v5 =	vld @!p1 [tilespmem:s11+$0x10];
	_ =	sdelay $0x3  }
0x22d: {  	s17 =	simm.s32 @!p1 $0x2  }
0x22e: {  	[tilespmem:$0x2F90] =	vst @!p1 v5  }
.Ltmp19:
0x22f: {  	s12 =	sadd.s32 $0x40, s12;
	_ =	swait.ge @!p1 [sflag:s17], $0x4200;
	(pc) =	sbr.rel @p3 .LBB2_26-.Ltmp19, $4  }
0x230: {  	s13 =	sadd.s32 $0x2, s13;
	s18 =	simm.s32 @!p1 $0x2F80;
	[sflag:s17] =	ssyncset.done @!p1 $0x0  }
0x231: {  	s19 =	sadd.s32 $0xFFFFFFFF, s13;
	[sflag:s17] =	ssyncadd.s32 @!p1 $0xFFFFBE00;
	s17 =	simm.s32 @!p1 $0x5  }
0x232: {  	[spmem:s2] =	stream.indirect.scatter.add.f32 @!p1 [tilespmem:s16], [sflag:$0x5], $0x210, s18, s15, $0xb8;
	[tilespmem:$0x1FEA8] =	vst v63  }
0x233: {  	p4 =	sge.s32 s19, s10;
	s11 =	sadd.s32 $0x40, s11;
	_ =	swait.ge @!p1 [sflag:s17], $0x4200  }
.LBB2_27:
0x234: {  	p1 =	por p1, !p2  }
0x235: {  	s14 =	simm.s32 @!p4 $0x20;
	[sflag:s17] =	ssyncset.done @!p1 $0x0  }
0x236: {  	s15 =	simm.s32 @!p4 $0x71A0;
	[sflag:s17] =	ssyncadd.s32 @!p1 $0xFFFFBE00;
	p1 =	por p4, p4  }
0x237: {  	[tilespmem:s15], [sflag:$0x2] =	stream.indirect.gather @!p1 [hbm4b:s1+s14], $0x210, s12, s14, $0xb8;
	[tilespmem:$0x1FEA8] =	vst v63  }
0x238: {  	v5 =	vld [tilespmem:s11+$0xFFFFFFE0];
	_ =	sdelay $0x4  }
0x239: {  	[tilespmem:$0x2F60] =	vst v5  }
0x23a: {  	v5 =	vld [tilespmem:s11+$0xFFFFFFF0];
	_ =	sdelay $0x4  }
0x23b: {  	[tilespmem:$0x2F70] =	vst v5  }
0x23c: {  	_ =	swait.ge [sflag:s31], $0x4200  }
0x23d: {  	[sflag:s31] =	ssyncset.done $0x0  }
0x23e: {  	p2 =	sge.s32 @!p1 s13, s10;
	[sflag:s31] =	ssyncadd.s32 $0xFFFFBE00  }
0x23f: {  	[spmem:s2] =	stream.indirect.scatter.add.f32 [tilespmem:s24], [sflag:$0x6], $0x210, s23, s0, $0xb8;
	[tilespmem:$0x1FEA8] =	vst v63  }
0x240: {  	p2 =	por p2, p1;
	_ =	swait.ge [sflag:s4], $0x4200  }
0x241: {  	s12 =	sadd.s32 @!p2 $0x20, s12;
	[sflag:s4] =	ssyncset.done $0x0  }
0x242: {  	s13 =	simm.s32 @!p2 $0x20;
	s16 =	simm.s32 @!p2 $0x2FA0;
	[sflag:s4] =	ssyncadd.s32 $0xFFFFBE00  }
0x243: {  	[tilespmem:s16], [sflag:$0x1] =	stream.indirect.gather @!p2 [hbm4b:s1+s13], $0x210, s12, s13, $0xb8;
	[tilespmem:$0x1FEA8] =	vst v63  }
0x244: {  	v5 =	vld @!p1 [tilespmem:s11+$0x0];
	_ =	sdelay $0x4  }
0x245: {  	[tilespmem:$0x2F80] =	vst @!p1 v5  }
0x246: {  	v5 =	vld @!p1 [tilespmem:s11+$0x10];
	_ =	sdelay $0x4  }
0x247: {  	s11 =	simm.s32 @!p1 $0x2;
	[tilespmem:$0x2F90] =	vst @!p1 v5  }
0x248: {  	_ =	swait.ge @!p1 [sflag:s11], $0x4200  }
0x249: {  	[sflag:s11] =	ssyncset.done @!p1 $0x0  }
0x24a: {  	s12 =	simm.s32 @!p1 $0x2F80;
	[sflag:s11] =	ssyncadd.s32 @!p1 $0xFFFFBE00;
	s11 =	simm.s32 @!p1 $0x5  }
0x24b: {  	[spmem:s2] =	stream.indirect.scatter.add.f32 @!p1 [tilespmem:s15], [sflag:$0x5], $0x210, s12, s14, $0xb8;
	[tilespmem:$0x1FEA8] =	vst v63  }
0x24c: {  	_ =	swait.ge @!p1 [sflag:s11], $0x4200  }
0x24d: {  	[sflag:s11] =	ssyncset.done @!p1 $0x0  }
0x24e: {  	[sflag:s11] =	ssyncadd.s32 @!p1 $0xFFFFBE00  }
.LBB2_28:
0x24f: {  	s10 =	sshll.u32 s10, $0x5  }
0x250: {  	v5 =	vld [tilespmem:s10+$0x1F40]  }
0x251: {  	v6 =	vld [tilespmem:s10+$0x2750];
	_ =	sdelay $0x3  }
0x252: {  	[tilespmem:$0x1F40] =	vst v5  }
0x253: {  	[tilespmem:$0x2750] =	vst v6  }
0x254: {  	v5 =	vld [tilespmem:s10+$0x1F50]  }
0x255: {  	v6 =	vld [tilespmem:s10+$0x2760];
	_ =	sdelay $0x3  }
0x256: {  	[tilespmem:$0x1F50] =	vst v5  }
0x257: {  	s11 =	simm.s32 $0x0;
	[tilespmem:$0x2760] =	vst v6  }
0x258: {  	[tilespmem:s11], [sflag:$0x3] =	stream.linear.gather [hbm4b:s21+s11], $0x7D0, $0x38;
	[tilespmem:$0x1FEA8] =	vst v63  }
0x259: {  	_ = 	snop  }
0x25a: {  	[tilespmem:s26], [sflag:$0x3] =	stream.linear.gather [hbm4b:s22+s11], $0x7D0, $0x38;
	[tilespmem:$0x1FEA8] =	vst v63  }
0x25b: {  	_ =	swait.ge [sflag:s3], $0x7D0  }
0x25c: {  	[sflag:s3] =	ssyncset.done $0x0  }
0x25d: {  	[sflag:s3] =	ssyncadd.s32 $0xFFFFF830  }
0x25e: {  	_ =	swait.ge [sflag:s3], $0x7D0  }
0x25f: {  	[sflag:s3] =	ssyncset.done $0x0  }
0x260: {  	s19 =	simm.s32 $0x0;
	[sflag:s3] =	ssyncadd.s32 $0xFFFFF830  }
0x261: {  	v5 =	vld [tilespmem:s19+$0x1770];
	_ =	sdelay $0x4  }
0x262: {  	v5 =	vsub.s32 v5, v4  }
0x263: {  	vm0 =	vlt.u32 v5, $0xA00  }
0x264: {  	v7 =	vmpcnt.ones.xlane vm0;
	_ =	sdelay $0x1  }
0x265: {  	v6 =	vld [tilespmem:s19+$0xFA0];
	(v2sf) =	vpush v7, $0x0;
	_ =	sdelay $0x3  }
0x266: {  	s9 =	ssub.s32 s9, s10  }
0x267: {  	[tilespmem:s9+$0x1F40] =	vst.msk vm0, v6  }
0x268: {  	s10 =	simm.s32 $0x80;
	s11 =	simm.s32 $0x10;
	[tilespmem:s9+$0x2750] =	vst.msk vm0, v5  }
.LBB2_29:
0x269: {  	p1 =	sne.s32 s10, $0x1F00;
	v5 =	vld [tilespmem:s11+$0x1770];
	_ =	sdelay $0x4  }
0x26a: {  	v6 =	vld [tilespmem:s11+$0xFA0];
	v5 =	vsub.s32 v5, v4  }
0x26b: {  	vm0 =	vlt.u32 v5, $0xA00  }
0x26c: {  	v7 =	vmpcnt.ones.xlane vm0  }
0x26d: {  	s11 =	spop (v2sf)  }
0x26e: {  	(v2sf) =	vpush v7, $0x0;
	s9 =	sadd.s32 s9, s11  }
0x26f: {  	[tilespmem:s9+$0x1F40] =	vst.msk vm0, v6  }
.Ltmp20:
0x270: {  	[tilespmem:s9+$0x2750] =	vst.msk vm0, v5;
	(pc) =	sbr.rel @p1 .LBB2_29-.Ltmp20, $2  }
0x271: {  	_ =	sdelay $0x2  }
0x272: {  	s11 =	sshra.s32 s10, $0x2;
	s10 =	sadd.s32 $0x40, s10  }
0x273: {  	v5 =	vld [tilespmem:s11+$0x1770];
	_ =	sdelay $0x4  }
0x274: {  	v5 =	vsub.s32 v5, v4  }
0x275: {  	vm0 =	vlt.u32 v5, $0xA00  }
0x276: {  	v6 =	vmpcnt.ones.xlane vm0;
	_ =	sdelay $0x1  }
0x277: {  	(v2sf) =	vpush v6, $0x0;
	_ =	sdelay $0xd  }
0x278: {  	s10 =	spop (v2sf)  }
0x279: {  	s12 =	sadd.s32 s9, s10;
	s13 =	spop (v2sf)  }
0x27a: {  	s9 =	sadd.s32 s12, s13  }
0x27b: {  	s14 =	sand.u32 $0x1F, s9  }
0x27c: {  	s15 =	sshra.s32 s9, $0x1F;
	p1 =	slt.s32 s9, $0x1;
	p2 =	sne.s32 s14, $0x0  }
0x27d: {  	v6 =	vld [tilespmem:s11+$0xFA0];
	s16 =	sshrl.u32 s15, $0x1B;
	p1 =	por !p1, !p2  }
0x27e: {  	s11 =	simm.s32 $0x1;
	s10 =	sadd.s32 s16, s9;
	p1 =	por !p1, !p1  }
0x27f: {  	s10 =	sshra.s32 s10, $0x5;
	s11 =	simm.s32 @!p1 $0x0  }
0x280: {  	s10 =	ssub.s32 s10, s11  }
0x281: {  	p1 =	slt.s32 s10, $0x1  }
0x282: {  	[tilespmem:s12+$0x1F40] =	vst.msk vm0, v6;
	s17 =	sadd.s32 $0x1, s10;
	s11 =	simm.s32 @!p1 $0x20  }
0x283: {  	[tilespmem:s12+$0x2750] =	vst.msk vm0, v5;
	s12 =	simm.s32 @!p1 $0x1F40;
	s13 =	simm.s32 @!p1 $0x2FA0;
	s18 =	sand.u32 $0x1, s17  }
0x284: {  	[tilespmem:s13], [sflag:$0x1] =	stream.indirect.gather @!p1 [hbm4b:s1+s11], $0x210, s12, s11, $0xb8;
	[tilespmem:$0x1FEA8] =	vst v63  }
0x285: {  	p5 =	slt.s32 s10, $0x0;
	p6 =	seq.s32 s18, $0x1  }
0x286: {  	s19 =	sshrl.u32 s17, $0x1F;
	p1 =	por !p5, !p6  }
0x287: {  	s11 =	sadd.s32 s19, s17;
	s12 =	simm.s32 $0x1;
	p1 =	por !p1, !p1  }
0x288: {  	s11 =	sshra.s32 s11, $0x1;
	s12 =	simm.s32 @!p1 $0x0  }
0x289: {  	s11 =	ssub.s32 s11, s12  }
0x28a: {  	p1 =	slt.s32 s11, $0x1  }
.Ltmp21:
0x28b: {  	_ = 	snop;
	(pc) =	sbr.rel @p1 .LBB2_36-.Ltmp21, $1  }
0x28c: {  	_ =	sdelay $0x3  }
0x28d: {  	s14 =	sadd.s32 $0xFFFFFFFF, s11  }
0x28e: {  	p1 =	sne.s32 s14, $0x0  }
.Ltmp22:
0x28f: {  	_ = 	snop;
	(pc) =	sbr.rel @!p1 .LBB2_32-.Ltmp22, $3  }
0x290: {  	_ =	sdelay $0x1  }
0x291: {  	s13 =	simm.s32 $0x2;
	s11 =	simm.s32 $0x2770  }
0x292: {  	s12 =	simm.s32 $0x1F60;
	p4 =	sle.s32 s10, $0x1;
	p2 =	por $0x0, $0x0  }
0x293: {  	s13 =	simm.s32 @!p4 $0x20;
	s15 =	simm.s32 @!p4 $0x71A0;
	p1 =	por p4, p4  }
0x294: {  	[tilespmem:s15], [sflag:$0x2] =	stream.indirect.gather @!p1 [hbm4b:s1+s13], $0x210, s12, s13, $0xb8;
	[tilespmem:$0x1FEA8] =	vst v63  }
0x295: {  	v5 =	vld [tilespmem:s11+$0xFFFFFFE0];
	_ =	sdelay $0x4  }
0x296: {  	[tilespmem:$0x2F60] =	vst v5  }
0x297: {  	v5 =	vld [tilespmem:s11+$0xFFFFFFF0];
	_ =	sdelay $0x4  }
0x298: {  	[tilespmem:$0x2F70] =	vst v5  }
0x299: {  	_ =	swait.ge [sflag:s31], $0x4200  }
0x29a: {  	[sflag:s31] =	ssyncset.done $0x0  }
0x29b: {  	p2 =	sle.s32 @!p1 s10, $0x2;
	[sflag:s31] =	ssyncadd.s32 $0xFFFFBE00  }
0x29c: {  	[spmem:s2] =	stream.indirect.scatter.add.f32 [tilespmem:s24], [sflag:$0x6], $0x210, s23, s0, $0xb8;
	[tilespmem:$0x1FEA8] =	vst v63  }
0x29d: {  	p2 =	por p2, p1;
	_ =	swait.ge [sflag:s4], $0x4200  }
0x29e: {  	s12 =	simm.s32 @!p2 $0x1F80;
	[sflag:s4] =	ssyncset.done $0x0  }
0x29f: {  	s16 =	simm.s32 @!p2 $0x20;
	s17 =	simm.s32 @!p2 $0x2FA0;
	[sflag:s4] =	ssyncadd.s32 $0xFFFFBE00  }
0x2a0: {  	[tilespmem:s17], [sflag:$0x1] =	stream.indirect.gather @!p2 [hbm4b:s1+s16], $0x210, s12, s16, $0xb8;
	[tilespmem:$0x1FEA8] =	vst v63  }
0x2a1: {  	v5 =	vld @!p1 [tilespmem:s11+$0x0];
	_ =	sdelay $0x4  }
0x2a2: {  	[tilespmem:$0x2F80] =	vst @!p1 v5  }
0x2a3: {  	v5 =	vld @!p1 [tilespmem:s11+$0x10];
	_ =	sdelay $0x3  }
0x2a4: {  	s14 =	sadd.s32 $0xFFFFFFFF, s14  }
0x2a5: {  	p3 =	sne.s32 s14, $0x0;
	s11 =	simm.s32 @!p1 $0x2;
	[tilespmem:$0x2F90] =	vst @!p1 v5  }
.Ltmp23:
0x2a6: {  	p4 =	sle.s32 s10, $0x3;
	_ =	swait.ge @!p1 [sflag:s11], $0x4200;
	(pc) =	sbr.rel @!p3 .LBB2_35-.Ltmp23, $4  }
0x2a7: {  	s12 =	simm.s32 $0x1FA0;
	s16 =	simm.s32 @!p1 $0x2F80;
	[sflag:s11] =	ssyncset.done @!p1 $0x0  }
0x2a8: {  	s17 =	simm.s32 @!p1 $0x5;
	p2 =	por $0x1, $0x1;
	[sflag:s11] =	ssyncadd.s32 @!p1 $0xFFFFBE00  }
0x2a9: {  	[spmem:s2] =	stream.indirect.scatter.add.f32 @!p1 [tilespmem:s15], [sflag:$0x5], $0x210, s16, s13, $0xb8;
	[tilespmem:$0x1FEA8] =	vst v63  }
0x2aa: {  	s11 =	simm.s32 $0x27B0;
	s13 =	simm.s32 $0x4;
	_ =	swait.ge @!p1 [sflag:s17], $0x4200  }
.LBB2_34:
0x2ab: {  	s15 =	simm.s32 @!p4 $0x20;
	s16 =	simm.s32 @!p4 $0x71A0;
	[sflag:s17] =	ssyncset.done @!p1 $0x0  }
0x2ac: {  	s14 =	sadd.s32 $0xFFFFFFFF, s14;
	[sflag:s17] =	ssyncadd.s32 @!p1 $0xFFFFBE00;
	p1 =	por p4, p4  }
0x2ad: {  	[tilespmem:s16], [sflag:$0x2] =	stream.indirect.gather @!p1 [hbm4b:s1+s15], $0x210, s12, s15, $0xb8;
	[tilespmem:$0x1FEA8] =	vst v63  }
0x2ae: {  	p3 =	sne.s32 s14, $0x0;
	v5 =	vld [tilespmem:s11+$0xFFFFFFE0];
	_ =	sdelay $0x4  }
0x2af: {  	[tilespmem:$0x2F60] =	vst v5  }
0x2b0: {  	v5 =	vld [tilespmem:s11+$0xFFFFFFF0];
	_ =	sdelay $0x4  }
0x2b1: {  	[tilespmem:$0x2F70] =	vst v5  }
0x2b2: {  	_ =	swait.ge [sflag:s31], $0x4200  }
0x2b3: {  	[sflag:s31] =	ssyncset.done $0x0  }
0x2b4: {  	p4 =	sge.s32 @!p1 s13, s10;
	[sflag:s31] =	ssyncadd.s32 $0xFFFFBE00  }
0x2b5: {  	[spmem:s2] =	stream.indirect.scatter.add.f32 [tilespmem:s24], [sflag:$0x6], $0x210, s23, s0, $0xb8;
	[tilespmem:$0x1FEA8] =	vst v63  }
0x2b6: {  	p4 =	por p4, p1;
	_ =	swait.ge [sflag:s4], $0x4200  }
0x2b7: {  	s17 =	sadd.s32 @!p4 $0x20, s12;
	s18 =	simm.s32 @!p4 $0x20;
	[sflag:s4] =	ssyncset.done $0x0  }
0x2b8: {  	s19 =	simm.s32 @!p4 $0x2FA0;
	[sflag:s4] =	ssyncadd.s32 $0xFFFFBE00  }
0x2b9: {  	[tilespmem:s19], [sflag:$0x1] =	stream.indirect.gather @!p4 [hbm4b:s1+s18], $0x210, s17, s18, $0xb8;
	[tilespmem:$0x1FEA8] =	vst v63  }
0x2ba: {  	v5 =	vld @!p1 [tilespmem:s11+$0x0];
	_ =	sdelay $0x4  }
0x2bb: {  	[tilespmem:$0x2F80] =	vst @!p1 v5  }
0x2bc: {  	v5 =	vld @!p1 [tilespmem:s11+$0x10];
	_ =	sdelay $0x3  }
0x2bd: {  	s17 =	simm.s32 @!p1 $0x2  }
0x2be: {  	[tilespmem:$0x2F90] =	vst @!p1 v5  }
.Ltmp24:
0x2bf: {  	s12 =	sadd.s32 $0x40, s12;
	_ =	swait.ge @!p1 [sflag:s17], $0x4200;
	(pc) =	sbr.rel @p3 .LBB2_34-.Ltmp24, $4  }
0x2c0: {  	s13 =	sadd.s32 $0x2, s13;
	s18 =	simm.s32 @!p1 $0x2F80;
	[sflag:s17] =	ssyncset.done @!p1 $0x0  }
0x2c1: {  	s19 =	sadd.s32 $0xFFFFFFFF, s13;
	[sflag:s17] =	ssyncadd.s32 @!p1 $0xFFFFBE00;
	s17 =	simm.s32 @!p1 $0x5  }
0x2c2: {  	[spmem:s2] =	stream.indirect.scatter.add.f32 @!p1 [tilespmem:s16], [sflag:$0x5], $0x210, s18, s15, $0xb8;
	[tilespmem:$0x1FEA8] =	vst v63  }
0x2c3: {  	p4 =	sge.s32 s19, s10;
	s11 =	sadd.s32 $0x40, s11;
	_ =	swait.ge @!p1 [sflag:s17], $0x4200  }
.LBB2_35:
0x2c4: {  	p1 =	por p1, !p2  }
0x2c5: {  	s14 =	simm.s32 @!p4 $0x20;
	[sflag:s17] =	ssyncset.done @!p1 $0x0  }
0x2c6: {  	s15 =	simm.s32 @!p4 $0x71A0;
	[sflag:s17] =	ssyncadd.s32 @!p1 $0xFFFFBE00;
	p1 =	por p4, p4  }
0x2c7: {  	[tilespmem:s15], [sflag:$0x2] =	stream.indirect.gather @!p1 [hbm4b:s1+s14], $0x210, s12, s14, $0xb8;
	[tilespmem:$0x1FEA8] =	vst v63  }
0x2c8: {  	v5 =	vld [tilespmem:s11+$0xFFFFFFE0];
	_ =	sdelay $0x4  }
0x2c9: {  	[tilespmem:$0x2F60] =	vst v5  }
0x2ca: {  	v5 =	vld [tilespmem:s11+$0xFFFFFFF0];
	_ =	sdelay $0x4  }
0x2cb: {  	[tilespmem:$0x2F70] =	vst v5  }
0x2cc: {  	_ =	swait.ge [sflag:s31], $0x4200  }
0x2cd: {  	[sflag:s31] =	ssyncset.done $0x0  }
0x2ce: {  	p2 =	sge.s32 @!p1 s13, s10;
	[sflag:s31] =	ssyncadd.s32 $0xFFFFBE00  }
0x2cf: {  	[spmem:s2] =	stream.indirect.scatter.add.f32 [tilespmem:s24], [sflag:$0x6], $0x210, s23, s0, $0xb8;
	[tilespmem:$0x1FEA8] =	vst v63  }
0x2d0: {  	p2 =	por p2, p1;
	_ =	swait.ge [sflag:s4], $0x4200  }
0x2d1: {  	s12 =	sadd.s32 @!p2 $0x20, s12;
	[sflag:s4] =	ssyncset.done $0x0  }
0x2d2: {  	s13 =	simm.s32 @!p2 $0x20;
	s16 =	simm.s32 @!p2 $0x2FA0;
	[sflag:s4] =	ssyncadd.s32 $0xFFFFBE00  }
0x2d3: {  	[tilespmem:s16], [sflag:$0x1] =	stream.indirect.gather @!p2 [hbm4b:s1+s13], $0x210, s12, s13, $0xb8;
	[tilespmem:$0x1FEA8] =	vst v63  }
0x2d4: {  	v5 =	vld @!p1 [tilespmem:s11+$0x0];
	_ =	sdelay $0x4  }
0x2d5: {  	[tilespmem:$0x2F80] =	vst @!p1 v5  }
0x2d6: {  	v5 =	vld @!p1 [tilespmem:s11+$0x10];
	_ =	sdelay $0x4  }
0x2d7: {  	s11 =	simm.s32 @!p1 $0x2;
	[tilespmem:$0x2F90] =	vst @!p1 v5  }
0x2d8: {  	_ =	swait.ge @!p1 [sflag:s11], $0x4200  }
0x2d9: {  	[sflag:s11] =	ssyncset.done @!p1 $0x0  }
0x2da: {  	s12 =	simm.s32 @!p1 $0x2F80;
	[sflag:s11] =	ssyncadd.s32 @!p1 $0xFFFFBE00;
	s11 =	simm.s32 @!p1 $0x5  }
0x2db: {  	[spmem:s2] =	stream.indirect.scatter.add.f32 @!p1 [tilespmem:s15], [sflag:$0x5], $0x210, s12, s14, $0xb8;
	[tilespmem:$0x1FEA8] =	vst v63  }
0x2dc: {  	_ =	swait.ge @!p1 [sflag:s11], $0x4200  }
0x2dd: {  	[sflag:s11] =	ssyncset.done @!p1 $0x0  }
0x2de: {  	[sflag:s11] =	ssyncadd.s32 @!p1 $0xFFFFBE00  }
.LBB2_36:
0x2df: {  	s10 =	sshll.u32 s10, $0x5  }
0x2e0: {  	v5 =	vld [tilespmem:s10+$0x1F40]  }
0x2e1: {  	v6 =	vld [tilespmem:s10+$0x2750];
	_ =	sdelay $0x3  }
0x2e2: {  	[tilespmem:$0x1F40] =	vst v5  }
0x2e3: {  	[tilespmem:$0x2750] =	vst v6  }
0x2e4: {  	v5 =	vld [tilespmem:s10+$0x1F50]  }
0x2e5: {  	v6 =	vld [tilespmem:s10+$0x2760];
	_ =	sdelay $0x3  }
0x2e6: {  	[tilespmem:$0x1F50] =	vst v5  }
0x2e7: {  	[tilespmem:$0x2760] =	vst v6  }
0x2e8: {  	_ =	swait.ge [sflag:s30], $0x7D0  }
0x2e9: {  	[sflag:s30] =	ssyncset.done $0x0  }
0x2ea: {  	[sflag:s30] =	ssyncadd.s32 $0xFFFFF830  }
0x2eb: {  	_ =	swait.ge [sflag:s30], $0x7D0  }
0x2ec: {  	[sflag:s30] =	ssyncset.done $0x0  }
0x2ed: {  	s11 =	simm.s32 $0x0;
	[sflag:s30] =	ssyncadd.s32 $0xFFFFF830  }
0x2ee: {  	v5 =	vld [tilespmem:s11+$0x7D0];
	_ =	sdelay $0x4  }
0x2ef: {  	v5 =	vsub.s32 v5, v4  }
0x2f0: {  	vm0 =	vlt.u32 v5, $0xA00  }
0x2f1: {  	v7 =	vmpcnt.ones.xlane vm0;
	_ =	sdelay $0x1  }
0x2f2: {  	v6 =	vld [tilespmem:s11+$0x0];
	(v2sf) =	vpush v7, $0x0;
	_ =	sdelay $0x3  }
0x2f3: {  	s9 =	ssub.s32 s9, s10  }
0x2f4: {  	[tilespmem:s9+$0x1F40] =	vst.msk vm0, v6  }
0x2f5: {  	s10 =	simm.s32 $0x80;
	s11 =	simm.s32 $0x10;
	[tilespmem:s9+$0x2750] =	vst.msk vm0, v5  }
.LBB2_37:
0x2f6: {  	p1 =	sne.s32 s10, $0x1F00;
	v5 =	vld [tilespmem:s11+$0x7D0];
	_ =	sdelay $0x4  }
0x2f7: {  	v6 =	vld [tilespmem:s11+$0x0];
	v5 =	vsub.s32 v5, v4  }
0x2f8: {  	vm0 =	vlt.u32 v5, $0xA00  }
0x2f9: {  	v7 =	vmpcnt.ones.xlane vm0  }
0x2fa: {  	s11 =	spop (v2sf)  }
0x2fb: {  	(v2sf) =	vpush v7, $0x0;
	s9 =	sadd.s32 s9, s11  }
0x2fc: {  	[tilespmem:s9+$0x1F40] =	vst.msk vm0, v6  }
.Ltmp25:
0x2fd: {  	[tilespmem:s9+$0x2750] =	vst.msk vm0, v5;
	(pc) =	sbr.rel @p1 .LBB2_37-.Ltmp25, $2  }
0x2fe: {  	_ =	sdelay $0x2  }
0x2ff: {  	s11 =	sshra.s32 s10, $0x2;
	s10 =	sadd.s32 $0x40, s10  }
0x300: {  	v5 =	vld [tilespmem:s11+$0x7D0];
	_ =	sdelay $0x4  }
0x301: {  	v4 =	vsub.s32 v5, v4  }
0x302: {  	vm0 =	vlt.u32 v4, $0xA00  }
0x303: {  	v5 =	vmpcnt.ones.xlane vm0;
	_ =	sdelay $0x1  }
0x304: {  	(v2sf) =	vpush v5, $0x0;
	_ =	sdelay $0xd  }
0x305: {  	s10 =	spop (v2sf)  }
0x306: {  	s12 =	sadd.s32 s9, s10;
	s13 =	spop (v2sf)  }
0x307: {  	s9 =	sadd.s32 s12, s13  }
0x308: {  	s14 =	sand.u32 $0x1F, s9  }
0x309: {  	s15 =	sshra.s32 s9, $0x1F;
	p1 =	slt.s32 s9, $0x1;
	p2 =	sne.s32 s14, $0x0  }
0x30a: {  	v5 =	vld [tilespmem:s11+$0x0];
	s16 =	sshrl.u32 s15, $0x1B;
	p1 =	por !p1, !p2  }
0x30b: {  	s11 =	simm.s32 $0x1;
	s10 =	sadd.s32 s16, s9;
	p1 =	por !p1, !p1  }
0x30c: {  	s10 =	sshra.s32 s10, $0x5;
	s11 =	simm.s32 @!p1 $0x0  }
0x30d: {  	s10 =	ssub.s32 s10, s11  }
0x30e: {  	p1 =	slt.s32 s10, $0x1  }
0x30f: {  	[tilespmem:s12+$0x1F40] =	vst.msk vm0, v5;
	s17 =	sadd.s32 $0x1, s10;
	s11 =	simm.s32 @!p1 $0x20  }
0x310: {  	[tilespmem:s12+$0x2750] =	vst.msk vm0, v4;
	s12 =	simm.s32 @!p1 $0x1F40;
	s13 =	simm.s32 @!p1 $0x2FA0;
	s18 =	sand.u32 $0x1, s17  }
0x311: {  	[tilespmem:s13], [sflag:$0x1] =	stream.indirect.gather @!p1 [hbm4b:s1+s11], $0x210, s12, s11, $0xb8;
	[tilespmem:$0x1FEA8] =	vst v63  }
0x312: {  	p5 =	slt.s32 s10, $0x0;
	p6 =	seq.s32 s18, $0x1  }
0x313: {  	s19 =	sshrl.u32 s17, $0x1F;
	p1 =	por !p5, !p6  }
0x314: {  	s11 =	sadd.s32 s19, s17;
	s12 =	simm.s32 $0x1;
	p1 =	por !p1, !p1  }
0x315: {  	s11 =	sshra.s32 s11, $0x1;
	s12 =	simm.s32 @!p1 $0x0  }
0x316: {  	s11 =	ssub.s32 s11, s12  }
0x317: {  	p1 =	slt.s32 s11, $0x1  }
.Ltmp26:
0x318: {  	_ = 	snop;
	(pc) =	sbr.rel @p1 .LBB2_44-.Ltmp26, $1  }
0x319: {  	_ =	sdelay $0x3  }
0x31a: {  	s14 =	sadd.s32 $0xFFFFFFFF, s11  }
0x31b: {  	p1 =	sne.s32 s14, $0x0  }
.Ltmp27:
0x31c: {  	_ = 	snop;
	(pc) =	sbr.rel @!p1 .LBB2_40-.Ltmp27, $3  }
0x31d: {  	_ =	sdelay $0x1  }
0x31e: {  	s13 =	simm.s32 $0x2;
	s11 =	simm.s32 $0x2770  }
0x31f: {  	s12 =	simm.s32 $0x1F60;
	p4 =	sle.s32 s10, $0x1;
	p2 =	por $0x0, $0x0  }
0x320: {  	s13 =	simm.s32 @!p4 $0x20;
	s15 =	simm.s32 @!p4 $0x71A0;
	p1 =	por p4, p4  }
0x321: {  	[tilespmem:s15], [sflag:$0x2] =	stream.indirect.gather @!p1 [hbm4b:s1+s13], $0x210, s12, s13, $0xb8;
	[tilespmem:$0x1FEA8] =	vst v63  }
0x322: {  	v4 =	vld [tilespmem:s11+$0xFFFFFFE0];
	_ =	sdelay $0x4  }
0x323: {  	[tilespmem:$0x2F60] =	vst v4  }
0x324: {  	v4 =	vld [tilespmem:s11+$0xFFFFFFF0];
	_ =	sdelay $0x4  }
0x325: {  	[tilespmem:$0x2F70] =	vst v4  }
0x326: {  	_ =	swait.ge [sflag:s31], $0x4200  }
0x327: {  	[sflag:s31] =	ssyncset.done $0x0  }
0x328: {  	p2 =	sle.s32 @!p1 s10, $0x2;
	[sflag:s31] =	ssyncadd.s32 $0xFFFFBE00  }
0x329: {  	[spmem:s2] =	stream.indirect.scatter.add.f32 [tilespmem:s24], [sflag:$0x6], $0x210, s23, s0, $0xb8;
	[tilespmem:$0x1FEA8] =	vst v63  }
0x32a: {  	p2 =	por p2, p1;
	_ =	swait.ge [sflag:s4], $0x4200  }
0x32b: {  	s12 =	simm.s32 @!p2 $0x1F80;
	[sflag:s4] =	ssyncset.done $0x0  }
0x32c: {  	s16 =	simm.s32 @!p2 $0x20;
	s17 =	simm.s32 @!p2 $0x2FA0;
	[sflag:s4] =	ssyncadd.s32 $0xFFFFBE00  }
0x32d: {  	[tilespmem:s17], [sflag:$0x1] =	stream.indirect.gather @!p2 [hbm4b:s1+s16], $0x210, s12, s16, $0xb8;
	[tilespmem:$0x1FEA8] =	vst v63  }
0x32e: {  	v4 =	vld @!p1 [tilespmem:s11+$0x0];
	_ =	sdelay $0x4  }
0x32f: {  	[tilespmem:$0x2F80] =	vst @!p1 v4  }
0x330: {  	v4 =	vld @!p1 [tilespmem:s11+$0x10];
	_ =	sdelay $0x3  }
0x331: {  	s14 =	sadd.s32 $0xFFFFFFFF, s14  }
0x332: {  	p3 =	sne.s32 s14, $0x0;
	s11 =	simm.s32 @!p1 $0x2;
	[tilespmem:$0x2F90] =	vst @!p1 v4  }
.Ltmp28:
0x333: {  	p4 =	sle.s32 s10, $0x3;
	_ =	swait.ge @!p1 [sflag:s11], $0x4200;
	(pc) =	sbr.rel @!p3 .LBB2_43-.Ltmp28, $4  }
0x334: {  	s12 =	simm.s32 $0x1FA0;
	s16 =	simm.s32 @!p1 $0x2F80;
	[sflag:s11] =	ssyncset.done @!p1 $0x0  }
0x335: {  	s17 =	simm.s32 @!p1 $0x5;
	p2 =	por $0x1, $0x1;
	[sflag:s11] =	ssyncadd.s32 @!p1 $0xFFFFBE00  }
0x336: {  	[spmem:s2] =	stream.indirect.scatter.add.f32 @!p1 [tilespmem:s15], [sflag:$0x5], $0x210, s16, s13, $0xb8;
	[tilespmem:$0x1FEA8] =	vst v63  }
0x337: {  	s11 =	simm.s32 $0x27B0;
	s13 =	simm.s32 $0x4;
	_ =	swait.ge @!p1 [sflag:s17], $0x4200  }
.LBB2_42:
0x338: {  	s15 =	simm.s32 @!p4 $0x20;
	s16 =	simm.s32 @!p4 $0x71A0;
	[sflag:s17] =	ssyncset.done @!p1 $0x0  }
0x339: {  	s14 =	sadd.s32 $0xFFFFFFFF, s14;
	[sflag:s17] =	ssyncadd.s32 @!p1 $0xFFFFBE00;
	p1 =	por p4, p4  }
0x33a: {  	[tilespmem:s16], [sflag:$0x2] =	stream.indirect.gather @!p1 [hbm4b:s1+s15], $0x210, s12, s15, $0xb8;
	[tilespmem:$0x1FEA8] =	vst v63  }
0x33b: {  	p3 =	sne.s32 s14, $0x0;
	v4 =	vld [tilespmem:s11+$0xFFFFFFE0];
	_ =	sdelay $0x4  }
0x33c: {  	[tilespmem:$0x2F60] =	vst v4  }
0x33d: {  	v4 =	vld [tilespmem:s11+$0xFFFFFFF0];
	_ =	sdelay $0x4  }
0x33e: {  	[tilespmem:$0x2F70] =	vst v4  }
0x33f: {  	_ =	swait.ge [sflag:s31], $0x4200  }
0x340: {  	[sflag:s31] =	ssyncset.done $0x0  }
0x341: {  	p4 =	sge.s32 @!p1 s13, s10;
	[sflag:s31] =	ssyncadd.s32 $0xFFFFBE00  }
0x342: {  	[spmem:s2] =	stream.indirect.scatter.add.f32 [tilespmem:s24], [sflag:$0x6], $0x210, s23, s0, $0xb8;
	[tilespmem:$0x1FEA8] =	vst v63  }
0x343: {  	p4 =	por p4, p1;
	_ =	swait.ge [sflag:s4], $0x4200  }
0x344: {  	s17 =	sadd.s32 @!p4 $0x20, s12;
	s18 =	simm.s32 @!p4 $0x20;
	[sflag:s4] =	ssyncset.done $0x0  }
0x345: {  	s19 =	simm.s32 @!p4 $0x2FA0;
	[sflag:s4] =	ssyncadd.s32 $0xFFFFBE00  }
0x346: {  	[tilespmem:s19], [sflag:$0x1] =	stream.indirect.gather @!p4 [hbm4b:s1+s18], $0x210, s17, s18, $0xb8;
	[tilespmem:$0x1FEA8] =	vst v63  }
0x347: {  	v4 =	vld @!p1 [tilespmem:s11+$0x0];
	_ =	sdelay $0x4  }
0x348: {  	[tilespmem:$0x2F80] =	vst @!p1 v4  }
0x349: {  	v4 =	vld @!p1 [tilespmem:s11+$0x10];
	_ =	sdelay $0x3  }
0x34a: {  	s17 =	simm.s32 @!p1 $0x2  }
0x34b: {  	[tilespmem:$0x2F90] =	vst @!p1 v4  }
.Ltmp29:
0x34c: {  	s12 =	sadd.s32 $0x40, s12;
	_ =	swait.ge @!p1 [sflag:s17], $0x4200;
	(pc) =	sbr.rel @p3 .LBB2_42-.Ltmp29, $4  }
0x34d: {  	s13 =	sadd.s32 $0x2, s13;
	s18 =	simm.s32 @!p1 $0x2F80;
	[sflag:s17] =	ssyncset.done @!p1 $0x0  }
0x34e: {  	s19 =	sadd.s32 $0xFFFFFFFF, s13;
	[sflag:s17] =	ssyncadd.s32 @!p1 $0xFFFFBE00;
	s17 =	simm.s32 @!p1 $0x5  }
0x34f: {  	[spmem:s2] =	stream.indirect.scatter.add.f32 @!p1 [tilespmem:s16], [sflag:$0x5], $0x210, s18, s15, $0xb8;
	[tilespmem:$0x1FEA8] =	vst v63  }
0x350: {  	p4 =	sge.s32 s19, s10;
	s11 =	sadd.s32 $0x40, s11;
	_ =	swait.ge @!p1 [sflag:s17], $0x4200  }
.LBB2_43:
0x351: {  	p1 =	por p1, !p2  }
0x352: {  	s14 =	simm.s32 @!p4 $0x20;
	[sflag:s17] =	ssyncset.done @!p1 $0x0  }
0x353: {  	s15 =	simm.s32 @!p4 $0x71A0;
	[sflag:s17] =	ssyncadd.s32 @!p1 $0xFFFFBE00;
	p1 =	por p4, p4  }
0x354: {  	[tilespmem:s15], [sflag:$0x2] =	stream.indirect.gather @!p1 [hbm4b:s1+s14], $0x210, s12, s14, $0xb8;
	[tilespmem:$0x1FEA8] =	vst v63  }
0x355: {  	v4 =	vld [tilespmem:s11+$0xFFFFFFE0];
	_ =	sdelay $0x4  }
0x356: {  	[tilespmem:$0x2F60] =	vst v4  }
0x357: {  	v4 =	vld [tilespmem:s11+$0xFFFFFFF0];
	_ =	sdelay $0x4  }
0x358: {  	[tilespmem:$0x2F70] =	vst v4  }
0x359: {  	_ =	swait.ge [sflag:s31], $0x4200  }
0x35a: {  	[sflag:s31] =	ssyncset.done $0x0  }
0x35b: {  	p2 =	sge.s32 @!p1 s13, s10;
	[sflag:s31] =	ssyncadd.s32 $0xFFFFBE00  }
0x35c: {  	[spmem:s2] =	stream.indirect.scatter.add.f32 [tilespmem:s24], [sflag:$0x6], $0x210, s23, s0, $0xb8;
	[tilespmem:$0x1FEA8] =	vst v63  }
0x35d: {  	p2 =	por p2, p1;
	_ =	swait.ge [sflag:s4], $0x4200  }
0x35e: {  	s12 =	sadd.s32 @!p2 $0x20, s12;
	[sflag:s4] =	ssyncset.done $0x0  }
0x35f: {  	s13 =	simm.s32 @!p2 $0x20;
	s16 =	simm.s32 @!p2 $0x2FA0;
	[sflag:s4] =	ssyncadd.s32 $0xFFFFBE00  }
0x360: {  	[tilespmem:s16], [sflag:$0x1] =	stream.indirect.gather @!p2 [hbm4b:s1+s13], $0x210, s12, s13, $0xb8;
	[tilespmem:$0x1FEA8] =	vst v63  }
0x361: {  	v4 =	vld @!p1 [tilespmem:s11+$0x0];
	_ =	sdelay $0x4  }
0x362: {  	[tilespmem:$0x2F80] =	vst @!p1 v4  }
0x363: {  	v4 =	vld @!p1 [tilespmem:s11+$0x10];
	_ =	sdelay $0x4  }
0x364: {  	s11 =	simm.s32 @!p1 $0x2;
	[tilespmem:$0x2F90] =	vst @!p1 v4  }
0x365: {  	_ =	swait.ge @!p1 [sflag:s11], $0x4200  }
0x366: {  	[sflag:s11] =	ssyncset.done @!p1 $0x0  }
0x367: {  	s12 =	simm.s32 @!p1 $0x2F80;
	[sflag:s11] =	ssyncadd.s32 @!p1 $0xFFFFBE00;
	s11 =	simm.s32 @!p1 $0x5  }
0x368: {  	[spmem:s2] =	stream.indirect.scatter.add.f32 @!p1 [tilespmem:s15], [sflag:$0x5], $0x210, s12, s14, $0xb8;
	[tilespmem:$0x1FEA8] =	vst v63  }
0x369: {  	_ =	swait.ge @!p1 [sflag:s11], $0x4200  }
0x36a: {  	[sflag:s11] =	ssyncset.done @!p1 $0x0  }
0x36b: {  	[sflag:s11] =	ssyncadd.s32 @!p1 $0xFFFFBE00  }
.LBB2_44:
0x36c: {  	s10 =	sshll.u32 s10, $0x5  }
0x36d: {  	s11 =	ssub.s32 s9, s10  }
0x36e: {  	v4 =	vld [tilespmem:s10+$0x1F40];
	s9 =	sadd.s32 $0x1F, s11  }
0x36f: {  	v5 =	vld [tilespmem:s10+$0x2750];
	s12 =	sand.u32 $0x1F, s9  }
0x370: {  	s14 =	sshra.s32 s9, $0x1F;
	p2 =	slt.s32 s9, $0x1;
	p1 =	sne.s32 s12, $0x0  }
0x371: {  	s12 =	sshrl.u32 s14, $0x1B;
	p1 =	por !p2, !p1  }
0x372: {  	s9 =	sadd.s32 s12, s9;
	s12 =	simm.s32 $0x1;
	p1 =	por !p1, !p1  }
0x373: {  	[tilespmem:$0x1F40] =	vst v4;
	s9 =	sshra.s32 s9, $0x5;
	s12 =	simm.s32 @!p1 $0x0  }
0x374: {  	[tilespmem:$0x2750] =	vst v5;
	s9 =	ssub.s32 s9, s12  }
0x375: {  	v5 =	vadd.s32 s11, v1;
	v4 =	vld [tilespmem:s10+$0x1F50];
	s12 =	sshll.u32 s9, $0x5  }
0x376: {  	s15 =	sadd.s32 $0x10, s11;
	v6 =	vld [tilespmem:s10+$0x2760];
	vm0 =	vlt.s32 v5, s12  }
0x377: {  	v7 =	vadd.s32 s15, v1  }
0x378: {  	s16 =	sadd.s32 $0x20, s11;
	vm1 =	vlt.s32 v7, s12  }
0x379: {  	v8 =	vadd.s32 s16, v1  }
0x37a: {  	vm2 =	vlt.s32 v8, s12;
	[tilespmem:$0x1F50] =	vst v4  }
0x37b: {  	[tilespmem:$0x2760] =	vst v6  }
0x37c: {  	[tilespmem:v5+s5+$0x0] =	vst.idx.msk vm0, v2  }
0x37d: {  	[tilespmem:v5+s6+$0x0] =	vst.idx.msk vm0, v3  }
0x37e: {  	[tilespmem:v7+s5+$0x0] =	vst.idx.msk vm1, v2  }
0x37f: {  	p1 =	slt.s32 s9, $0x1;
	s17 =	sadd.s32 $0x1, s9;
	[tilespmem:v7+s6+$0x0] =	vst.idx.msk vm1, v3  }
0x380: {  	p5 =	slt.s32 s9, $0x0;
	s10 =	simm.s32 @!p1 $0x20;
	s18 =	sand.u32 $0x1, s17;
	[tilespmem:v8+s5+$0x0] =	vst.idx.msk vm2, v2  }
0x381: {  	s11 =	simm.s32 @!p1 $0x1F40;
	s12 =	simm.s32 @!p1 $0x2FA0;
	p6 =	seq.s32 s18, $0x1;
	[tilespmem:v8+s6+$0x0] =	vst.idx.msk vm2, v3  }
0x382: {  	[tilespmem:s12], [sflag:$0x1] =	stream.indirect.gather @!p1 [hbm4b:s1+s10], $0x210, s11, s10, $0xb8;
	[tilespmem:$0x1FEA8] =	vst v63  }
0x383: {  	s19 =	sshrl.u32 s17, $0x1F;
	p1 =	por !p5, !p6  }
0x384: {  	s10 =	sadd.s32 s19, s17;
	s11 =	simm.s32 $0x1;
	p1 =	por !p1, !p1  }
0x385: {  	s10 =	sshra.s32 s10, $0x1;
	s11 =	simm.s32 @!p1 $0x0  }
0x386: {  	s10 =	ssub.s32 s10, s11  }
0x387: {  	p1 =	slt.s32 s10, $0x1  }
.Ltmp30:
0x388: {  	_ = 	snop;
	(pc) =	sbr.rel @p1 .LBB2_50-.Ltmp30, $1  }
0x389: {  	_ =	sdelay $0x3  }
0x38a: {  	s13 =	sadd.s32 $0xFFFFFFFF, s10  }
0x38b: {  	p1 =	sne.s32 s13, $0x0  }
.Ltmp31:
0x38c: {  	_ = 	snop;
	(pc) =	sbr.rel @!p1 .LBB2_46-.Ltmp31, $3  }
0x38d: {  	_ =	sdelay $0x1  }
0x38e: {  	s12 =	simm.s32 $0x2;
	s10 =	simm.s32 $0x2770  }
0x38f: {  	s11 =	simm.s32 $0x1F60;
	p4 =	sle.s32 s9, $0x1;
	p2 =	por $0x0, $0x0  }
0x390: {  	s12 =	simm.s32 @!p4 $0x20;
	s14 =	simm.s32 @!p4 $0x71A0;
	p1 =	por p4, p4  }
0x391: {  	[tilespmem:s14], [sflag:$0x2] =	stream.indirect.gather @!p1 [hbm4b:s1+s12], $0x210, s11, s12, $0xb8;
	[tilespmem:$0x1FEA8] =	vst v63  }
0x392: {  	v4 =	vld [tilespmem:s10+$0xFFFFFFE0];
	_ =	sdelay $0x4  }
0x393: {  	[tilespmem:$0x2F60] =	vst v4  }
0x394: {  	v4 =	vld [tilespmem:s10+$0xFFFFFFF0];
	_ =	sdelay $0x4  }
0x395: {  	[tilespmem:$0x2F70] =	vst v4  }
0x396: {  	_ =	swait.ge [sflag:s31], $0x4200  }
0x397: {  	[sflag:s31] =	ssyncset.done $0x0  }
0x398: {  	p2 =	sle.s32 @!p1 s9, $0x2;
	[sflag:s31] =	ssyncadd.s32 $0xFFFFBE00  }
0x399: {  	[spmem:s2] =	stream.indirect.scatter.add.f32 [tilespmem:s24], [sflag:$0x6], $0x210, s23, s0, $0xb8;
	[tilespmem:$0x1FEA8] =	vst v63  }
0x39a: {  	p2 =	por p2, p1;
	_ =	swait.ge [sflag:s4], $0x4200  }
0x39b: {  	s11 =	simm.s32 @!p2 $0x1F80;
	[sflag:s4] =	ssyncset.done $0x0  }
0x39c: {  	s15 =	simm.s32 @!p2 $0x20;
	s16 =	simm.s32 @!p2 $0x2FA0;
	[sflag:s4] =	ssyncadd.s32 $0xFFFFBE00  }
0x39d: {  	[tilespmem:s16], [sflag:$0x1] =	stream.indirect.gather @!p2 [hbm4b:s1+s15], $0x210, s11, s15, $0xb8;
	[tilespmem:$0x1FEA8] =	vst v63  }
0x39e: {  	v4 =	vld @!p1 [tilespmem:s10+$0x0];
	_ =	sdelay $0x4  }
0x39f: {  	[tilespmem:$0x2F80] =	vst @!p1 v4  }
0x3a0: {  	v4 =	vld @!p1 [tilespmem:s10+$0x10];
	_ =	sdelay $0x3  }
0x3a1: {  	s13 =	sadd.s32 $0xFFFFFFFF, s13  }
0x3a2: {  	p3 =	sne.s32 s13, $0x0;
	s10 =	simm.s32 @!p1 $0x2;
	[tilespmem:$0x2F90] =	vst @!p1 v4  }
.Ltmp32:
0x3a3: {  	p4 =	sle.s32 s9, $0x3;
	_ =	swait.ge @!p1 [sflag:s10], $0x4200;
	(pc) =	sbr.rel @!p3 .LBB2_49-.Ltmp32, $4  }
0x3a4: {  	s11 =	simm.s32 $0x1FA0;
	s15 =	simm.s32 @!p1 $0x2F80;
	[sflag:s10] =	ssyncset.done @!p1 $0x0  }
0x3a5: {  	s16 =	simm.s32 @!p1 $0x5;
	p2 =	por $0x1, $0x1;
	[sflag:s10] =	ssyncadd.s32 @!p1 $0xFFFFBE00  }
0x3a6: {  	[spmem:s2] =	stream.indirect.scatter.add.f32 @!p1 [tilespmem:s14], [sflag:$0x5], $0x210, s15, s12, $0xb8;
	[tilespmem:$0x1FEA8] =	vst v63  }
0x3a7: {  	s10 =	simm.s32 $0x27B0;
	s12 =	simm.s32 $0x4;
	_ =	swait.ge @!p1 [sflag:s16], $0x4200  }
.LBB2_48:
0x3a8: {  	s14 =	simm.s32 @!p4 $0x20;
	s15 =	simm.s32 @!p4 $0x71A0;
	[sflag:s16] =	ssyncset.done @!p1 $0x0  }
0x3a9: {  	s13 =	sadd.s32 $0xFFFFFFFF, s13;
	[sflag:s16] =	ssyncadd.s32 @!p1 $0xFFFFBE00;
	p1 =	por p4, p4  }
0x3aa: {  	[tilespmem:s15], [sflag:$0x2] =	stream.indirect.gather @!p1 [hbm4b:s1+s14], $0x210, s11, s14, $0xb8;
	[tilespmem:$0x1FEA8] =	vst v63  }
0x3ab: {  	p3 =	sne.s32 s13, $0x0;
	v4 =	vld [tilespmem:s10+$0xFFFFFFE0];
	_ =	sdelay $0x4  }
0x3ac: {  	[tilespmem:$0x2F60] =	vst v4  }
0x3ad: {  	v4 =	vld [tilespmem:s10+$0xFFFFFFF0];
	_ =	sdelay $0x4  }
0x3ae: {  	[tilespmem:$0x2F70] =	vst v4  }
0x3af: {  	_ =	swait.ge [sflag:s31], $0x4200  }
0x3b0: {  	[sflag:s31] =	ssyncset.done $0x0  }
0x3b1: {  	p4 =	sge.s32 @!p1 s12, s9;
	[sflag:s31] =	ssyncadd.s32 $0xFFFFBE00  }
0x3b2: {  	[spmem:s2] =	stream.indirect.scatter.add.f32 [tilespmem:s24], [sflag:$0x6], $0x210, s23, s0, $0xb8;
	[tilespmem:$0x1FEA8] =	vst v63  }
0x3b3: {  	p4 =	por p4, p1;
	_ =	swait.ge [sflag:s4], $0x4200  }
0x3b4: {  	s16 =	sadd.s32 @!p4 $0x20, s11;
	s17 =	simm.s32 @!p4 $0x20;
	[sflag:s4] =	ssyncset.done $0x0  }
0x3b5: {  	s18 =	simm.s32 @!p4 $0x2FA0;
	[sflag:s4] =	ssyncadd.s32 $0xFFFFBE00  }
0x3b6: {  	[tilespmem:s18], [sflag:$0x1] =	stream.indirect.gather @!p4 [hbm4b:s1+s17], $0x210, s16, s17, $0xb8;
	[tilespmem:$0x1FEA8] =	vst v63  }
0x3b7: {  	v4 =	vld @!p1 [tilespmem:s10+$0x0];
	_ =	sdelay $0x4  }
0x3b8: {  	[tilespmem:$0x2F80] =	vst @!p1 v4  }
0x3b9: {  	v4 =	vld @!p1 [tilespmem:s10+$0x10];
	_ =	sdelay $0x3  }
0x3ba: {  	s16 =	simm.s32 @!p1 $0x2  }
0x3bb: {  	[tilespmem:$0x2F90] =	vst @!p1 v4  }
.Ltmp33:
0x3bc: {  	s11 =	sadd.s32 $0x40, s11;
	_ =	swait.ge @!p1 [sflag:s16], $0x4200;
	(pc) =	sbr.rel @p3 .LBB2_48-.Ltmp33, $4  }
0x3bd: {  	s12 =	sadd.s32 $0x2, s12;
	s17 =	simm.s32 @!p1 $0x2F80;
	[sflag:s16] =	ssyncset.done @!p1 $0x0  }
0x3be: {  	s18 =	sadd.s32 $0xFFFFFFFF, s12;
	[sflag:s16] =	ssyncadd.s32 @!p1 $0xFFFFBE00;
	s16 =	simm.s32 @!p1 $0x5  }
0x3bf: {  	[spmem:s2] =	stream.indirect.scatter.add.f32 @!p1 [tilespmem:s15], [sflag:$0x5], $0x210, s17, s14, $0xb8;
	[tilespmem:$0x1FEA8] =	vst v63  }
0x3c0: {  	p4 =	sge.s32 s18, s9;
	s10 =	sadd.s32 $0x40, s10;
	_ =	swait.ge @!p1 [sflag:s16], $0x4200  }
.Ltmp34:
0x3c1: {  	_ = 	snop;
	(pc) =	sbr.rel .LBB2_49-.Ltmp34, $1  }
0x3c2: {  	_ =	sdelay $0x3  }
.LBB2_8:
.Ltmp35:
0x3c3: {  	(pc) =	sbr.rel .LBB2_11-.Ltmp35, $2  }
0x3c4: {  	_ =	sdelay $0x2  }
0x3c5: {  	_ = 	snop  }
.LBB2_16:
.Ltmp36:
0x3c6: {  	(pc) =	sbr.rel .LBB2_19-.Ltmp36, $2  }
0x3c7: {  	_ =	sdelay $0x2  }
0x3c8: {  	_ = 	snop  }
.LBB2_24:
.Ltmp37:
0x3c9: {  	(pc) =	sbr.rel .LBB2_27-.Ltmp37, $2  }
0x3ca: {  	_ =	sdelay $0x2  }
0x3cb: {  	_ = 	snop  }
.LBB2_32:
.Ltmp38:
0x3cc: {  	(pc) =	sbr.rel .LBB2_35-.Ltmp38, $2  }
0x3cd: {  	_ =	sdelay $0x2  }
0x3ce: {  	_ = 	snop  }
.LBB2_40:
.Ltmp39:
0x3cf: {  	(pc) =	sbr.rel .LBB2_43-.Ltmp39, $2  }
0x3d0: {  	_ =	sdelay $0x2  }
0x3d1: {  	_ = 	snop  }
.LBB2_52:
0x3d2: {  	_ =	sfence.sel $0x180000  }
0x3d3: {  	[bflag:$0x0] =	sbarrier.arrive $0xFFFF  }
0x3d4: {  	_ =	strace $0x90000047  }
0x3d5: {  	s0 =	stileid.u32;
	[bflag:$0x2] =	sbarrier.arrive $0xFFFF  }
0x3d6: {  	p0 =	sne.s32 s0, $0x0;
	s0 =	rddreg [dreg:$0x3]  }
0x3d7: {  	s0 =	sadd.s32 @!p0 $0x100000, s0  }
0x3d8: {  	[sflag:s0] =	ssyncadd.tile.s32 @!p0 $0x1;
	_ =	shalt  }
.Lfunc_end2:
_tile_overlayer_lowered:
.L_overlay_start_2:
0x3d9: {  	(tag) =	ssettag $0x2  }
0x3da: {  	s0 =	rddreg [dreg:$0x0];
	s2 =	stileid.u32  }
0x3db: {  	s1 =	rddreg [dreg:$0x1];
	p0 =	sne.s32 s2, $0x0  }
0x3dc: {  	s3 =	rddreg [dreg:$0x2];
	[bflag:$0x3] =	sbarrier.arrive $0xFFFF;
	s2 =	simm.s32 @!p0 $0x1C05  }
0x3dd: {  	[timem:s3], [sflag:s2] =	dma.local @!p0 [hbm:s0], s1  }
0x3de: {  	s0 =	simm.s32 @!p0 $0x5  }
0x3df: {  	_ =	swait.ge @!p0 [sflag:s0], s1  }
0x3e0: {  	s1 =	ssub.s32 @!p0 $0x0, s1;
	[sflag:s0] =	ssyncset.done @!p0 $0x0  }
0x3e1: {  	[sflag:s0] =	ssyncadd.s32 @!p0 s1  }
0x3e2: {  	[bflag:$0x3] =	sbarrier.arrive $0xFFFF  }
0x3e3: {  	_ =	shalt  }

</sc_bundles>
